<compile_context>
chip_gen: v7x
topology: tpu7x:2x2x1
jax: 0.10.2.dev20260603
libtpu: 0.0.44.dev20260713+nightly
codegen_flags: <defaults>
</compile_context>

<pallas_src>
import functools

import jax
import jax.numpy as jnp
from jax import lax
from jax.experimental import pallas as pl
from jax.experimental.pallas import tpu as pltpu
from jax.experimental.pallas import tpu_sc as plsc

G = 257
CH = 4
FLAT = G * G * G * CH
NROW = FLAT // 8
LASTROW = NROW - 1
TAILP = NROW * 8
NC, NS = 2, 16
NW = NC * NS
OFFQ = (0, 1, G, G + 1)


@functools.lru_cache(maxsize=None)
def _build(B: int, K: int):
    PW = B // NW
    NCHUNK = PW // K
    NSUB = 32 * K // 128
    mesh = plsc.VectorSubcoreMesh(core_axis_name="c", subcore_axis_name="s")

    @functools.partial(
        pl.kernel,
        out_type=jax.ShapeDtypeStruct((B * CH,), jnp.float32),
        mesh=mesh,
        compiler_params=pltpu.CompilerParams(
            use_tc_tiling_on_sc=False, needs_layout_passes=False),
        scratch_types=[
            pltpu.VMEM((K,), jnp.float32),
            pltpu.VMEM((K,), jnp.float32),
            pltpu.VMEM((K,), jnp.float32),
            pltpu.VMEM((K,), jnp.float32),
            pltpu.VMEM((K,), jnp.float32),
            pltpu.VMEM((K,), jnp.float32),
            pltpu.VMEM((4 * K,), jnp.int32),
            pltpu.VMEM((32 * K,), jnp.int32),
            pltpu.VMEM((32 * K, 8), jnp.float32),
            pltpu.VMEM((16,), jnp.float32),
            pltpu.VMEM((K * CH,), jnp.float32),
            pltpu.SemaphoreType.DMA,
        ],
    )
    def tri_kernel(xs_hbm, ys_hbm, zs_hbm, tab_hbm, tail_hbm, out_hbm,
                   x_v, y_v, z_v, fx_v, fy_v, fz_v, a_v, idx_v,
                   feats_v, tail_v, outbuf_v, sem):
        wid = lax.axis_index("s") * NC + lax.axis_index("c")
        base = wid * PW
        lane = lax.iota(jnp.int32, 16)
        rep4 = lane // 4
        mod4 = lane % 4
        mod4K = mod4 * K

        pltpu.sync_copy(tail_hbm, tail_v)

        def chunk_body(ci, _):
            cbase = base + ci * K
            pltpu.sync_copy(xs_hbm.at[pl.ds(cbase, K)], x_v)
            pltpu.sync_copy(ys_hbm.at[pl.ds(cbase, K)], y_v)
            pltpu.sync_copy(zs_hbm.at[pl.ds(cbase, K)], z_v)

            def grp(g, _):
                s16 = pl.ds(g * 16, 16)
                x = x_v[s16]
                y = y_v[s16]
                z = z_v[s16]
                ix = x.astype(jnp.int32)
                iy = y.astype(jnp.int32)
                iz = z.astype(jnp.int32)
                fx_v[s16] = x - ix.astype(jnp.float32)
                fy_v[s16] = y - iy.astype(jnp.float32)
                fz_v[s16] = z - iz.astype(jnp.float32)
                q0 = ix * G + iy
                for k in range(4):
                    a = (q0 + OFFQ[k]) * (G * CH) + iz
                    a_v[pl.ds(k * K + g * 16, 16)] = a
                    for c in range(CH):
                        for zb in range(2):
                            r = ((a + (c + zb)) >> 3) + 32 * c
                            if k == 3 and c == CH - 1:
                                r = jnp.minimum(r, LASTROW)
                            slot = (k * 8 + zb * 4 + c) * K
                            idx_v[pl.ds(slot + g * 16, 16)] = r
                return 0

            for pb in range(K // 128):
                lax.fori_loop(pb * 8, pb * 8 + 8, grp, 0, unroll=2)
                for k in range(4):
                    for zb in range(2):
                        for c in range(CH):
                            slot = (k * 8 + zb * 4 + c) * K + pb * 128
                            pltpu.make_async_copy(
                                tab_hbm.at[idx_v.at[pl.ds(slot, 128)]],
                                feats_v.at[pl.ds(slot, 128)],
                                sem).start()

            def drain(s, _):
                pltpu.make_async_copy(
                    tab_hbm.at[idx_v.at[pl.ds(0, 128)]],
                    feats_v.at[pl.ds(0, 128)],
                    sem).wait()
                return 0

            lax.fori_loop(0, NSUB, drain, 0)

            def comb(g, _):
                pidx = lax.broadcast(g * 4, (16,)) + rep4
                fx = plsc.load_gather(fx_v, [pidx])
                fy = plsc.load_gather(fy_v, [pidx])
                fz = plsc.load_gather(fz_v, [pidx])
                gx = 1.0 - fx
                gy = 1.0 - fy
                gz = 1.0 - fz
                wxy = (gx * gy, gx * fy, fx * gy, fx * fy)
                wz = (gz, fz)
                acc = None
                for k in range(4):
                    a = plsc.load_gather(a_v, [pidx + k * K])
                    for zb in range(2):
                        t = a + (mod4 + zb)
                        col = t & 7
                        srow = pidx + ((k * 8 + zb * 4) * K) + mod4K
                        f = plsc.load_gather(feats_v, [srow, col])
                        if k == 3:
                            p = t + mod4 * 256
                            tv = plsc.load_gather(tail_v, [col + 4])
                            f = jnp.where(p >= TAILP, tv, f)
                        w = wxy[k] * wz[zb]
                        acc = w * f if acc is None else acc + w * f
                outbuf_v[pl.ds(g * 16, 16)] = acc
                return 0

            lax.fori_loop(0, K // 4, comb, 0, unroll=2)

            pltpu.sync_copy(outbuf_v, out_hbm.at[pl.ds(cbase * CH, K * CH)])
            return 0

        lax.fori_loop(0, NCHUNK, chunk_body, 0)

    return tri_kernel


def kernel(points, voxel):
    B = points.shape[0]
    pts_t = points.T
    flat = jnp.swapaxes(voxel, 2, 3).reshape(-1)
    tab = flat[:NROW * 8].reshape(NROW, 8)
    tail = jnp.pad(voxel[256, 256, 249:257, 3], (0, 8))
    out = _build(B, 256)(pts_t[0], pts_t[1], pts_t[2], tab, tail)
    return out.reshape(B, CH)

# --- scband reference (transcript-rebuilt; emitter-appended) ---
"""Pipeline reference for scband-feature-voxel-15693810499597 (READ-ONLY COPY).

The authoritative reference and input builder live on the scoring server;
editing this copy changes nothing except your own understanding.
"""

import jax, jax.numpy as jnp
import numpy as np

RES = (256, 256, 256)
CH = 4
B = 262144


def setup_inputs(seed: int = 0) -> dict:
    key = jax.random.key(seed)
    k1, k2 = jax.random.split(key)
    # points uniform in [0, RES) so truncation + corner offset stays in-bounds
    scale = jnp.array([RES[0], RES[1], RES[2]], dtype=jnp.float32)
    points = jax.random.uniform(k1, (B, 3), dtype=jnp.float32) * scale
    # learned voxel parameter, shape (res+1, res+1, res+1, channels)
    voxel = jax.random.normal(k2, (RES[0] + 1, RES[1] + 1, RES[2] + 1, CH), dtype=jnp.float32) * 0.1
    return {"points": points, "voxel": voxel}


def _interp(points, voxel):
    batch = points.shape[0]
    channels = voxel.shape[-1]
    grid = jnp.array([[0, 0, 0], [0, 0, 1], [0, 1, 0], [0, 1, 1],
                      [1, 0, 0], [1, 0, 1], [1, 1, 0], [1, 1, 1]], dtype=jnp.int32)
    # torch computes indices and interpolation weights under no_grad
    idx = jax.lax.stop_gradient(points).astype(jnp.int32)
    frac = jax.lax.stop_gradient(points - idx.astype(points.dtype))
    px, py, pz = frac[:, 0], frac[:, 1], frac[:, 2]
    wx = jnp.stack([1.0 - px, px], axis=1)[:, None, None, :]
    wx = jnp.broadcast_to(wx, (batch, channels, 1, 2))
    wy = jnp.stack([1.0 - py, py], axis=1)[:, None, None, :]
    wy = jnp.broadcast_to(wy, (batch, channels, 1, 2))
    wz = jnp.stack([1.0 - pz, pz], axis=1)[:, None, None, :]
    wz = jnp.broadcast_to(wz, (batch, channels, 1, 2))
    # 8 corner indices: [8, B, 3]
    corners = idx[None, :, :] + grid[:, None, :]
    # gather: [8, B, C]
    feats = voxel[corners[:, :, 0], corners[:, :, 1], corners[:, :, 2]]
    feats = jnp.transpose(feats, (1, 2, 0))  # [B, C, 8]
    feats = feats.reshape(batch, channels, 2, 4)
    feats = jnp.matmul(wx, feats)            # [B, C, 1, 4]
    feats = feats.reshape(batch, channels, 2, 2)
    feats = jnp.matmul(wy, feats)            # [B, C, 1, 2]
    feats = feats.reshape(batch, channels, 2, 1)
    feats = jnp.matmul(wz, feats)            # [B, C, 1, 1]
    return feats[..., 0, 0]                  # [B, C]


def reference(points, voxel):
    return _interp(points, voxel)

if __name__ == "__main__":
    import jax
    _d = setup_inputs()
    print(jax.jit(kernel)(*tuple(_d.values())))

</pallas_src>

<mosaic_0001>
#map = affine_map<(d0, d1) -> (0)>
#map1 = affine_map<(d0, d1) -> (0, 0)>
module attributes {stable_mosaic.version = 14 : i64} {
  func.func @tri_kernel(%arg0: i32, %arg1: i32, %arg2: memref<262144xf32, #tpu.memory_space<hbm>>, %arg3: memref<262144xf32, #tpu.memory_space<hbm>>, %arg4: memref<262144xf32, #tpu.memory_space<hbm>>, %arg5: memref<8487296x8xf32, #tpu.memory_space<hbm>>, %arg6: memref<16xf32, #tpu.memory_space<hbm>>, %arg7: memref<1048576xf32, #tpu.memory_space<hbm>>, %arg8: memref<256xf32, #tpu.memory_space<vmem>>, %arg9: memref<256xf32, #tpu.memory_space<vmem>>, %arg10: memref<256xf32, #tpu.memory_space<vmem>>, %arg11: memref<256xf32, #tpu.memory_space<vmem>>, %arg12: memref<256xf32, #tpu.memory_space<vmem>>, %arg13: memref<256xf32, #tpu.memory_space<vmem>>, %arg14: memref<1024xi32, #tpu.memory_space<vmem>>, %arg15: memref<8192xi32, #tpu.memory_space<vmem>>, %arg16: memref<8192x8xf32, #tpu.memory_space<vmem>>, %arg17: memref<16xf32, #tpu.memory_space<vmem>>, %arg18: memref<1024xf32, #tpu.memory_space<vmem>>, %arg19: memref<!tpu.dma_semaphore, #tpu.memory_space<semaphore_mem>>) attributes {dimension_semantics = [#tpu.dimension_semantics<core_parallel>, #tpu.dimension_semantics<subcore_parallel>], iteration_bounds = array<i64: 2, 16>, scalar_prefetch = 0 : i64, scratch_operands = 12 : i64, tpu.core_type = #tpu.core_type<sc_vector_subcore>, window_params = [{transform_indices = #map}, {transform_indices = #map}, {transform_indices = #map}, {transform_indices = #map1}, {transform_indices = #map}, {transform_indices = #map}]} {
    %mul3A = arith.constant 2 : i32
    %mul3A_0 = arith.muli %arg1, %mul3A : i32
    %add3A = arith.addi %mul3A_0, %arg0 : i32
    %mul3A_1 = arith.constant 8192 : i32
    %mul3A_2 = arith.muli %add3A, %mul3A_1 : i32
    %iota3A = tpu.iota {dimensions = array<i32: 0>} : vector<16xi32>
    %jit3A = arith.constant 4 : i32
    %div3A = vector.broadcast %jit3A : i32 to vector<16xi32>
    %div3A_3 = arith.divsi %iota3A, %div3A : vector<16xi32>
    %sign3A = arith.constant 0 : i32
    %sign3A_4 = vector.broadcast %sign3A : i32 to vector<16xi32>
    %sign3A_5 = arith.cmpi sgt, %iota3A, %sign3A_4 : vector<16xi32>
    %sign3A_6 = arith.extui %sign3A_5 : vector<16xi1> to vector<16xi32>
    %sign3A_7 = arith.constant 0 : i32
    %sign3A_8 = vector.broadcast %sign3A_7 : i32 to vector<16xi32>
    %sign3A_9 = arith.cmpi slt, %iota3A, %sign3A_8 : vector<16xi32>
    %sign3A_10 = arith.extui %sign3A_9 : vector<16xi1> to vector<16xi32>
    %sign3A_11 = arith.subi %sign3A_6, %sign3A_10 : vector<16xi32>
    %sign3A_12 = arith.constant 0 : i32
    %sign3A_13 = arith.cmpi sgt, %jit3A, %sign3A_12 : i32
    %sign3A_14 = arith.extui %sign3A_13 : i1 to i32
    %sign3A_15 = arith.constant 0 : i32
    %sign3A_16 = arith.cmpi slt, %jit3A, %sign3A_15 : i32
    %sign3A_17 = arith.extui %sign3A_16 : i1 to i32
    %sign3A_18 = arith.subi %sign3A_14, %sign3A_17 : i32
    %ne3A = vector.broadcast %sign3A_18 : i32 to vector<16xi32>
    %ne3A_19 = arith.cmpi ne, %sign3A_11, %ne3A : vector<16xi32>
    %rem3A = vector.broadcast %jit3A : i32 to vector<16xi32>
    %rem3A_20 = arith.remsi %iota3A, %rem3A : vector<16xi32>
    %ne3A_21 = arith.constant 0 : i32
    %ne3A_22 = vector.broadcast %ne3A_21 : i32 to vector<16xi32>
    %ne3A_23 = arith.cmpi ne, %rem3A_20, %ne3A_22 : vector<16xi32>
    %and3A = arith.andi %ne3A_19, %ne3A_23 : vector<16xi1>
    %sub3A = arith.constant 1 : i32
    %sub3A_24 = vector.broadcast %sub3A : i32 to vector<16xi32>
    %sub3A_25 = arith.subi %div3A_3, %sub3A_24 : vector<16xi32>
    %select_n3A = arith.select %and3A, %sub3A_25, %div3A_3 : vector<16xi1>, vector<16xi32>
    %jit3A_26 = arith.constant 4 : i32
    %eq3A = arith.constant 0 : i32
    %eq3A_27 = arith.cmpi eq, %jit3A_26, %eq3A : i32
    %jit3A_28 = arith.constant 1 : i32
    %select_n3A_29 = arith.select %eq3A_27, %jit3A_28, %jit3A_26 : i32
    %rem3A_30 = vector.broadcast %select_n3A_29 : i32 to vector<16xi32>
    %rem3A_31 = arith.remsi %iota3A, %rem3A_30 : vector<16xi32>
    %ne3A_32 = arith.constant 0 : i32
    %ne3A_33 = vector.broadcast %ne3A_32 : i32 to vector<16xi32>
    %ne3A_34 = arith.cmpi ne, %rem3A_31, %ne3A_33 : vector<16xi32>
    %lt3A = arith.constant 0 : i32
    %lt3A_35 = vector.broadcast %lt3A : i32 to vector<16xi32>
    %lt3A_36 = arith.cmpi slt, %rem3A_31, %lt3A_35 : vector<16xi32>
    %lt3A_37 = arith.constant 0 : i32
    %lt3A_38 = arith.cmpi slt, %select_n3A_29, %lt3A_37 : i32
    %ne3A_39 = vector.broadcast %lt3A_38 : i1 to vector<16xi1>
    %ne3A_40 = vector.broadcast %ne3A_39 : vector<16xi1> to vector<16xi1>
    %ne3A_41 = arith.xori %lt3A_36, %ne3A_40 : vector<16xi1>
    %and3A_42 = arith.andi %ne3A_41, %ne3A_34 : vector<16xi1>
    %add3A_43 = vector.broadcast %select_n3A_29 : i32 to vector<16xi32>
    %add3A_44 = arith.addi %rem3A_31, %add3A_43 : vector<16xi32>
    %select_n3A_45 = arith.select %and3A_42, %add3A_44, %rem3A_31 : vector<16xi1>, vector<16xi32>
    %mul3A_46 = arith.constant 256 : i32
    %mul3A_47 = vector.broadcast %mul3A_46 : i32 to vector<16xi32>
    %mul3A_48 = arith.muli %select_n3A_45, %mul3A_47 : vector<16xi32>
    "tpu.region"() ({
      %run_scoped3A = tpu.sem_alloc : memref<!tpu.dma_semaphore, #tpu.memory_space<semaphore_mem>>
      tpu.enqueue_dma source(%arg6 : memref<16xf32, #tpu.memory_space<hbm>>) target(%arg17 : memref<16xf32, #tpu.memory_space<vmem>>) target_semaphore(%run_scoped3A : memref<!tpu.dma_semaphore, #tpu.memory_space<semaphore_mem>>)
      tpu.wait_dma2 semaphore(%run_scoped3A : memref<!tpu.dma_semaphore, #tpu.memory_space<semaphore_mem>>) src(%arg6 : memref<16xf32, #tpu.memory_space<hbm>>) dst(%arg17 : memref<16xf32, #tpu.memory_space<vmem>>)
      tpu.yield
    }) : () -> ()
    %scan3A = arith.constant 0 : i32
    %scan3A_49 = arith.constant 0 : i32
    %scan3A_50 = arith.constant 32 : i32
    %scan3A_51 = arith.addi %scan3A_49, %scan3A_50 : i32
    %scan3A_52 = arith.constant 1 : i32
    %scan3A_53 = scf.for %scan3A_55 = %scan3A_49 to %scan3A_51 step %scan3A_52 iter_args(%scan3A_56 = %scan3A) -> (i32)  : i32 {
      %mul3A_57 = arith.constant 256 : i32
      %mul3A_58 = arith.muli %scan3A_55, %mul3A_57 : i32
      %add3A_59 = arith.addi %mul3A_2, %mul3A_58 : i32
      "tpu.region"() ({
        %run_scoped3A = tpu.sem_alloc : memref<!tpu.dma_semaphore, #tpu.memory_space<semaphore_mem>>
        %dma_start3A_602 = tpu.memref_slice %arg2[%add3A_59] : memref<262144xf32, #tpu.memory_space<hbm>> -> memref<256xf32, #tpu.memory_space<hbm>>
        %dma_start3A_603 = tpu.memref_slice %arg2[%add3A_59] : memref<262144xf32, #tpu.memory_space<hbm>> -> memref<256xf32, #tpu.memory_space<hbm>>
        tpu.enqueue_dma source(%dma_start3A_603 : memref<256xf32, #tpu.memory_space<hbm>>) target(%arg8 : memref<256xf32, #tpu.memory_space<vmem>>) target_semaphore(%run_scoped3A : memref<!tpu.dma_semaphore, #tpu.memory_space<semaphore_mem>>)
        %dma_wait3A = tpu.memref_slice %arg2[%add3A_59] : memref<262144xf32, #tpu.memory_space<hbm>> -> memref<256xf32, #tpu.memory_space<hbm>>
        %dma_wait3A_604 = tpu.memref_slice %arg2[%add3A_59] : memref<262144xf32, #tpu.memory_space<hbm>> -> memref<256xf32, #tpu.memory_space<hbm>>
        tpu.wait_dma2 semaphore(%run_scoped3A : memref<!tpu.dma_semaphore, #tpu.memory_space<semaphore_mem>>) src(%dma_wait3A_604 : memref<256xf32, #tpu.memory_space<hbm>>) dst(%arg8 : memref<256xf32, #tpu.memory_space<vmem>>)
        tpu.yield
      }) : () -> ()
      "tpu.region"() ({
        %run_scoped3A = tpu.sem_alloc : memref<!tpu.dma_semaphore, #tpu.memory_space<semaphore_mem>>
        %dma_start3A_602 = tpu.memref_slice %arg3[%add3A_59] : memref<262144xf32, #tpu.memory_space<hbm>> -> memref<256xf32, #tpu.memory_space<hbm>>
        %dma_start3A_603 = tpu.memref_slice %arg3[%add3A_59] : memref<262144xf32, #tpu.memory_space<hbm>> -> memref<256xf32, #tpu.memory_space<hbm>>
        tpu.enqueue_dma source(%dma_start3A_603 : memref<256xf32, #tpu.memory_space<hbm>>) target(%arg9 : memref<256xf32, #tpu.memory_space<vmem>>) target_semaphore(%run_scoped3A : memref<!tpu.dma_semaphore, #tpu.memory_space<semaphore_mem>>)
        %dma_wait3A = tpu.memref_slice %arg3[%add3A_59] : memref<262144xf32, #tpu.memory_space<hbm>> -> memref<256xf32, #tpu.memory_space<hbm>>
        %dma_wait3A_604 = tpu.memref_slice %arg3[%add3A_59] : memref<262144xf32, #tpu.memory_space<hbm>> -> memref<256xf32, #tpu.memory_space<hbm>>
        tpu.wait_dma2 semaphore(%run_scoped3A : memref<!tpu.dma_semaphore, #tpu.memory_space<semaphore_mem>>) src(%dma_wait3A_604 : memref<256xf32, #tpu.memory_space<hbm>>) dst(%arg9 : memref<256xf32, #tpu.memory_space<vmem>>)
        tpu.yield
      }) : () -> ()
      "tpu.region"() ({
        %run_scoped3A = tpu.sem_alloc : memref<!tpu.dma_semaphore, #tpu.memory_space<semaphore_mem>>
        %dma_start3A_602 = tpu.memref_slice %arg4[%add3A_59] : memref<262144xf32, #tpu.memory_space<hbm>> -> memref<256xf32, #tpu.memory_space<hbm>>
        %dma_start3A_603 = tpu.memref_slice %arg4[%add3A_59] : memref<262144xf32, #tpu.memory_space<hbm>> -> memref<256xf32, #tpu.memory_space<hbm>>
        tpu.enqueue_dma source(%dma_start3A_603 : memref<256xf32, #tpu.memory_space<hbm>>) target(%arg10 : memref<256xf32, #tpu.memory_space<vmem>>) target_semaphore(%run_scoped3A : memref<!tpu.dma_semaphore, #tpu.memory_space<semaphore_mem>>)
        %dma_wait3A = tpu.memref_slice %arg4[%add3A_59] : memref<262144xf32, #tpu.memory_space<hbm>> -> memref<256xf32, #tpu.memory_space<hbm>>
        %dma_wait3A_604 = tpu.memref_slice %arg4[%add3A_59] : memref<262144xf32, #tpu.memory_space<hbm>> -> memref<256xf32, #tpu.memory_space<hbm>>
        tpu.wait_dma2 semaphore(%run_scoped3A : memref<!tpu.dma_semaphore, #tpu.memory_space<semaphore_mem>>) src(%dma_wait3A_604 : memref<256xf32, #tpu.memory_space<hbm>>) dst(%arg10 : memref<256xf32, #tpu.memory_space<vmem>>)
        tpu.yield
      }) : () -> ()
      %scan3A_60 = arith.constant 0 : i32
      %scan3A_61 = arith.constant 0 : i32
      %scan3A_62 = arith.constant 8 : i32
      %scan3A_63 = arith.addi %scan3A_61, %scan3A_62 : i32
      %scan3A_64 = arith.constant 2 : i32
      %scan3A_65 = scf.for %scan3A_602 = %scan3A_61 to %scan3A_63 step %scan3A_64 iter_args(%scan3A_603 = %scan3A_60) -> (i32)  : i32 {
        %mul3A_604 = arith.constant 16 : i32
        %mul3A_605 = arith.muli %scan3A_602, %mul3A_604 : i32
        %get3A = arith.index_cast %mul3A_605 : i32 to index
        %get3A_606 = tpu.vector_load %arg8[%get3A] {strides = array<i32>} : memref<256xf32, #tpu.memory_space<vmem>>, vector<16xf32>,
        %get3A_607 = arith.index_cast %mul3A_605 : i32 to index
        %get3A_608 = tpu.vector_load %arg9[%get3A_607] {strides = array<i32>} : memref<256xf32, #tpu.memory_space<vmem>>, vector<16xf32>,
        %get3A_609 = arith.index_cast %mul3A_605 : i32 to index
        %get3A_610 = tpu.vector_load %arg10[%get3A_609] {strides = array<i32>} : memref<256xf32, #tpu.memory_space<vmem>>, vector<16xf32>,
        %convert_element_type3A = arith.fptosi %get3A_606 : vector<16xf32> to vector<16xi32>
        %convert_element_type3A_611 = arith.fptosi %get3A_608 : vector<16xf32> to vector<16xi32>
        %convert_element_type3A_612 = arith.fptosi %get3A_610 : vector<16xf32> to vector<16xi32>
        %convert_element_type3A_613 = arith.sitofp %convert_element_type3A : vector<16xi32> to vector<16xf32>
        %sub3A_614 = arith.subf %get3A_606, %convert_element_type3A_613 : vector<16xf32>
        %swap3A = arith.index_cast %mul3A_605 : i32 to index
        %swap3A_615 = tpu.vector_load %arg11[%swap3A] {strides = array<i32>} : memref<256xf32, #tpu.memory_space<vmem>>, vector<16xf32>,
        tpu.vector_store %arg11[%swap3A], %sub3A_614 {strides = array<i32>} : memref<256xf32, #tpu.memory_space<vmem>>, vector<16xf32>,
        %convert_element_type3A_616 = arith.sitofp %convert_element_type3A_611 : vector<16xi32> to vector<16xf32>
        %sub3A_617 = arith.subf %get3A_608, %convert_element_type3A_616 : vector<16xf32>
        %swap3A_618 = arith.index_cast %mul3A_605 : i32 to index
        %swap3A_619 = tpu.vector_load %arg12[%swap3A_618] {strides = array<i32>} : memref<256xf32, #tpu.memory_space<vmem>>, vector<16xf32>,
        tpu.vector_store %arg12[%swap3A_618], %sub3A_617 {strides = array<i32>} : memref<256xf32, #tpu.memory_space<vmem>>, vector<16xf32>,
        %convert_element_type3A_620 = arith.sitofp %convert_element_type3A_612 : vector<16xi32> to vector<16xf32>
        %sub3A_621 = arith.subf %get3A_610, %convert_element_type3A_620 : vector<16xf32>
        %swap3A_622 = arith.index_cast %mul3A_605 : i32 to index
        %swap3A_623 = tpu.vector_load %arg13[%swap3A_622] {strides = array<i32>} : memref<256xf32, #tpu.memory_space<vmem>>, vector<16xf32>,
        tpu.vector_store %arg13[%swap3A_622], %sub3A_621 {strides = array<i32>} : memref<256xf32, #tpu.memory_space<vmem>>, vector<16xf32>,
        %mul3A_624 = arith.constant 257 : i32
        %mul3A_625 = vector.broadcast %mul3A_624 : i32 to vector<16xi32>
        %mul3A_626 = arith.muli %convert_element_type3A, %mul3A_625 : vector<16xi32>
        %add3A_627 = arith.addi %mul3A_626, %convert_element_type3A_611 : vector<16xi32>
        %add3A_628 = arith.constant 0 : i32
        %add3A_629 = vector.broadcast %add3A_628 : i32 to vector<16xi32>
        %add3A_630 = arith.addi %add3A_627, %add3A_629 : vector<16xi32>
        %mul3A_631 = arith.constant 1028 : i32
        %mul3A_632 = vector.broadcast %mul3A_631 : i32 to vector<16xi32>
        %mul3A_633 = arith.muli %add3A_630, %mul3A_632 : vector<16xi32>
        %add3A_634 = arith.addi %mul3A_633, %convert_element_type3A_612 : vector<16xi32>
        %mul3A_635 = arith.constant 16 : i32
        %mul3A_636 = arith.muli %scan3A_602, %mul3A_635 : i32
        %add3A_637 = arith.constant 0 : i32
        %add3A_638 = arith.addi %add3A_637, %mul3A_636 : i32
        %swap3A_639 = arith.index_cast %add3A_638 : i32 to index
        %swap3A_640 = tpu.vector_load %arg14[%swap3A_639] {strides = array<i32>} : memref<1024xi32, #tpu.memory_space<vmem>>, vector<16xi32>,
        tpu.vector_store %arg14[%swap3A_639], %add3A_634 {strides = array<i32>} : memref<1024xi32, #tpu.memory_space<vmem>>, vector<16xi32>,
        %add3A_641 = arith.constant 0 : i32
        %add3A_642 = vector.broadcast %add3A_641 : i32 to vector<16xi32>
        %add3A_643 = arith.addi %add3A_634, %add3A_642 : vector<16xi32>
        %shift_right_arithmetic3A = arith.constant 3 : i32
        %shift_right_arithmetic3A_644 = vector.broadcast %shift_right_arithmetic3A : i32 to vector<16xi32>
        %shift_right_arithmetic3A_645 = arith.shrsi %add3A_643, %shift_right_arithmetic3A_644 : vector<16xi32>
        %add3A_646 = arith.constant 0 : i32
        %add3A_647 = vector.broadcast %add3A_646 : i32 to vector<16xi32>
        %add3A_648 = arith.addi %shift_right_arithmetic3A_645, %add3A_647 : vector<16xi32>
        %mul3A_649 = arith.constant 16 : i32
        %mul3A_650 = arith.muli %scan3A_602, %mul3A_649 : i32
        %add3A_651 = arith.constant 0 : i32
        %add3A_652 = arith.addi %add3A_651, %mul3A_650 : i32
        %swap3A_653 = arith.index_cast %add3A_652 : i32 to index
        %swap3A_654 = tpu.vector_load %arg15[%swap3A_653] {strides = array<i32>} : memref<8192xi32, #tpu.memory_space<vmem>>, vector<16xi32>,
        tpu.vector_store %arg15[%swap3A_653], %add3A_648 {strides = array<i32>} : memref<8192xi32, #tpu.memory_space<vmem>>, vector<16xi32>,
        %add3A_655 = arith.constant 1 : i32
        %add3A_656 = vector.broadcast %add3A_655 : i32 to vector<16xi32>
        %add3A_657 = arith.addi %add3A_634, %add3A_656 : vector<16xi32>
        %shift_right_arithmetic3A_658 = arith.constant 3 : i32
        %shift_right_arithmetic3A_659 = vector.broadcast %shift_right_arithmetic3A_658 : i32 to vector<16xi32>
        %shift_right_arithmetic3A_660 = arith.shrsi %add3A_657, %shift_right_arithmetic3A_659 : vector<16xi32>
        %add3A_661 = arith.constant 0 : i32
        %add3A_662 = vector.broadcast %add3A_661 : i32 to vector<16xi32>
        %add3A_663 = arith.addi %shift_right_arithmetic3A_660, %add3A_662 : vector<16xi32>
        %mul3A_664 = arith.constant 16 : i32
        %mul3A_665 = arith.muli %scan3A_602, %mul3A_664 : i32
        %add3A_666 = arith.constant 1024 : i32
        %add3A_667 = arith.addi %add3A_666, %mul3A_665 : i32
        %swap3A_668 = arith.index_cast %add3A_667 : i32 to index
        %swap3A_669 = tpu.vector_load %arg15[%swap3A_668] {strides = array<i32>} : memref<8192xi32, #tpu.memory_space<vmem>>, vector<16xi32>,
        tpu.vector_store %arg15[%swap3A_668], %add3A_663 {strides = array<i32>} : memref<8192xi32, #tpu.memory_space<vmem>>, vector<16xi32>,
        %add3A_670 = arith.constant 1 : i32
        %add3A_671 = vector.broadcast %add3A_670 : i32 to vector<16xi32>
        %add3A_672 = arith.addi %add3A_634, %add3A_671 : vector<16xi32>
        %shift_right_arithmetic3A_673 = arith.constant 3 : i32
        %shift_right_arithmetic3A_674 = vector.broadcast %shift_right_arithmetic3A_673 : i32 to vector<16xi32>
        %shift_right_arithmetic3A_675 = arith.shrsi %add3A_672, %shift_right_arithmetic3A_674 : vector<16xi32>
        %add3A_676 = arith.constant 32 : i32
        %add3A_677 = vector.broadcast %add3A_676 : i32 to vector<16xi32>
        %add3A_678 = arith.addi %shift_right_arithmetic3A_675, %add3A_677 : vector<16xi32>
        %mul3A_679 = arith.constant 16 : i32
        %mul3A_680 = arith.muli %scan3A_602, %mul3A_679 : i32
        %add3A_681 = arith.constant 256 : i32
        %add3A_682 = arith.addi %add3A_681, %mul3A_680 : i32
        %swap3A_683 = arith.index_cast %add3A_682 : i32 to index
        %swap3A_684 = tpu.vector_load %arg15[%swap3A_683] {strides = array<i32>} : memref<8192xi32, #tpu.memory_space<vmem>>, vector<16xi32>,
        tpu.vector_store %arg15[%swap3A_683], %add3A_678 {strides = array<i32>} : memref<8192xi32, #tpu.memory_space<vmem>>, vector<16xi32>,
        %add3A_685 = arith.constant 2 : i32
        %add3A_686 = vector.broadcast %add3A_685 : i32 to vector<16xi32>
        %add3A_687 = arith.addi %add3A_634, %add3A_686 : vector<16xi32>
        %shift_right_arithmetic3A_688 = arith.constant 3 : i32
        %shift_right_arithmetic3A_689 = vector.broadcast %shift_right_arithmetic3A_688 : i32 to vector<16xi32>
        %shift_right_arithmetic3A_690 = arith.shrsi %add3A_687, %shift_right_arithmetic3A_689 : vector<16xi32>
        %add3A_691 = arith.constant 32 : i32
        %add3A_692 = vector.broadcast %add3A_691 : i32 to vector<16xi32>
        %add3A_693 = arith.addi %shift_right_arithmetic3A_690, %add3A_692 : vector<16xi32>
        %mul3A_694 = arith.constant 16 : i32
        %mul3A_695 = arith.muli %scan3A_602, %mul3A_694 : i32
        %add3A_696 = arith.constant 1280 : i32
        %add3A_697 = arith.addi %add3A_696, %mul3A_695 : i32
        %swap3A_698 = arith.index_cast %add3A_697 : i32 to index
        %swap3A_699 = tpu.vector_load %arg15[%swap3A_698] {strides = array<i32>} : memref<8192xi32, #tpu.memory_space<vmem>>, vector<16xi32>,
        tpu.vector_store %arg15[%swap3A_698], %add3A_693 {strides = array<i32>} : memref<8192xi32, #tpu.memory_space<vmem>>, vector<16xi32>,
        %add3A_700 = arith.constant 2 : i32
        %add3A_701 = vector.broadcast %add3A_700 : i32 to vector<16xi32>
        %add3A_702 = arith.addi %add3A_634, %add3A_701 : vector<16xi32>
        %shift_right_arithmetic3A_703 = arith.constant 3 : i32
        %shift_right_arithmetic3A_704 = vector.broadcast %shift_right_arithmetic3A_703 : i32 to vector<16xi32>
        %shift_right_arithmetic3A_705 = arith.shrsi %add3A_702, %shift_right_arithmetic3A_704 : vector<16xi32>
        %add3A_706 = arith.constant 64 : i32
        %add3A_707 = vector.broadcast %add3A_706 : i32 to vector<16xi32>
        %add3A_708 = arith.addi %shift_right_arithmetic3A_705, %add3A_707 : vector<16xi32>
        %mul3A_709 = arith.constant 16 : i32
        %mul3A_710 = arith.muli %scan3A_602, %mul3A_709 : i32
        %add3A_711 = arith.constant 512 : i32
        %add3A_712 = arith.addi %add3A_711, %mul3A_710 : i32
        %swap3A_713 = arith.index_cast %add3A_712 : i32 to index
        %swap3A_714 = tpu.vector_load %arg15[%swap3A_713] {strides = array<i32>} : memref<8192xi32, #tpu.memory_space<vmem>>, vector<16xi32>,
        tpu.vector_store %arg15[%swap3A_713], %add3A_708 {strides = array<i32>} : memref<8192xi32, #tpu.memory_space<vmem>>, vector<16xi32>,
        %add3A_715 = arith.constant 3 : i32
        %add3A_716 = vector.broadcast %add3A_715 : i32 to vector<16xi32>
        %add3A_717 = arith.addi %add3A_634, %add3A_716 : vector<16xi32>
        %shift_right_arithmetic3A_718 = arith.constant 3 : i32
        %shift_right_arithmetic3A_719 = vector.broadcast %shift_right_arithmetic3A_718 : i32 to vector<16xi32>
        %shift_right_arithmetic3A_720 = arith.shrsi %add3A_717, %shift_right_arithmetic3A_719 : vector<16xi32>
        %add3A_721 = arith.constant 64 : i32
        %add3A_722 = vector.broadcast %add3A_721 : i32 to vector<16xi32>
        %add3A_723 = arith.addi %shift_right_arithmetic3A_720, %add3A_722 : vector<16xi32>
        %mul3A_724 = arith.constant 16 : i32
        %mul3A_725 = arith.muli %scan3A_602, %mul3A_724 : i32
        %add3A_726 = arith.constant 1536 : i32
        %add3A_727 = arith.addi %add3A_726, %mul3A_725 : i32
        %swap3A_728 = arith.index_cast %add3A_727 : i32 to index
        %swap3A_729 = tpu.vector_load %arg15[%swap3A_728] {strides = array<i32>} : memref<8192xi32, #tpu.memory_space<vmem>>, vector<16xi32>,
        tpu.vector_store %arg15[%swap3A_728], %add3A_723 {strides = array<i32>} : memref<8192xi32, #tpu.memory_space<vmem>>, vector<16xi32>,
        %add3A_730 = arith.constant 3 : i32
        %add3A_731 = vector.broadcast %add3A_730 : i32 to vector<16xi32>
        %add3A_732 = arith.addi %add3A_634, %add3A_731 : vector<16xi32>
        %shift_right_arithmetic3A_733 = arith.constant 3 : i32
        %shift_right_arithmetic3A_734 = vector.broadcast %shift_right_arithmetic3A_733 : i32 to vector<16xi32>
        %shift_right_arithmetic3A_735 = arith.shrsi %add3A_732, %shift_right_arithmetic3A_734 : vector<16xi32>
        %add3A_736 = arith.constant 96 : i32
        %add3A_737 = vector.broadcast %add3A_736 : i32 to vector<16xi32>
        %add3A_738 = arith.addi %shift_right_arithmetic3A_735, %add3A_737 : vector<16xi32>
        %mul3A_739 = arith.constant 16 : i32
        %mul3A_740 = arith.muli %scan3A_602, %mul3A_739 : i32
        %add3A_741 = arith.constant 768 : i32
        %add3A_742 = arith.addi %add3A_741, %mul3A_740 : i32
        %swap3A_743 = arith.index_cast %add3A_742 : i32 to index
        %swap3A_744 = tpu.vector_load %arg15[%swap3A_743] {strides = array<i32>} : memref<8192xi32, #tpu.memory_space<vmem>>, vector<16xi32>,
        tpu.vector_store %arg15[%swap3A_743], %add3A_738 {strides = array<i32>} : memref<8192xi32, #tpu.memory_space<vmem>>, vector<16xi32>,
        %add3A_745 = arith.constant 4 : i32
        %add3A_746 = vector.broadcast %add3A_745 : i32 to vector<16xi32>
        %add3A_747 = arith.addi %add3A_634, %add3A_746 : vector<16xi32>
        %shift_right_arithmetic3A_748 = arith.constant 3 : i32
        %shift_right_arithmetic3A_749 = vector.broadcast %shift_right_arithmetic3A_748 : i32 to vector<16xi32>
        %shift_right_arithmetic3A_750 = arith.shrsi %add3A_747, %shift_right_arithmetic3A_749 : vector<16xi32>
        %add3A_751 = arith.constant 96 : i32
        %add3A_752 = vector.broadcast %add3A_751 : i32 to vector<16xi32>
        %add3A_753 = arith.addi %shift_right_arithmetic3A_750, %add3A_752 : vector<16xi32>
        %mul3A_754 = arith.constant 16 : i32
        %mul3A_755 = arith.muli %scan3A_602, %mul3A_754 : i32
        %add3A_756 = arith.constant 1792 : i32
        %add3A_757 = arith.addi %add3A_756, %mul3A_755 : i32
        %swap3A_758 = arith.index_cast %add3A_757 : i32 to index
        %swap3A_759 = tpu.vector_load %arg15[%swap3A_758] {strides = array<i32>} : memref<8192xi32, #tpu.memory_space<vmem>>, vector<16xi32>,
        tpu.vector_store %arg15[%swap3A_758], %add3A_753 {strides = array<i32>} : memref<8192xi32, #tpu.memory_space<vmem>>, vector<16xi32>,
        %add3A_760 = arith.constant 1 : i32
        %add3A_761 = vector.broadcast %add3A_760 : i32 to vector<16xi32>
        %add3A_762 = arith.addi %add3A_627, %add3A_761 : vector<16xi32>
        %mul3A_763 = arith.constant 1028 : i32
        %mul3A_764 = vector.broadcast %mul3A_763 : i32 to vector<16xi32>
        %mul3A_765 = arith.muli %add3A_762, %mul3A_764 : vector<16xi32>
        %add3A_766 = arith.addi %mul3A_765, %convert_element_type3A_612 : vector<16xi32>
        %mul3A_767 = arith.constant 16 : i32
        %mul3A_768 = arith.muli %scan3A_602, %mul3A_767 : i32
        %add3A_769 = arith.constant 256 : i32
        %add3A_770 = arith.addi %add3A_769, %mul3A_768 : i32
        %swap3A_771 = arith.index_cast %add3A_770 : i32 to index
        %swap3A_772 = tpu.vector_load %arg14[%swap3A_771] {strides = array<i32>} : memref<1024xi32, #tpu.memory_space<vmem>>, vector<16xi32>,
        tpu.vector_store %arg14[%swap3A_771], %add3A_766 {strides = array<i32>} : memref<1024xi32, #tpu.memory_space<vmem>>, vector<16xi32>,
        %add3A_773 = arith.constant 0 : i32
        %add3A_774 = vector.broadcast %add3A_773 : i32 to vector<16xi32>
        %add3A_775 = arith.addi %add3A_766, %add3A_774 : vector<16xi32>
        %shift_right_arithmetic3A_776 = arith.constant 3 : i32
        %shift_right_arithmetic3A_777 = vector.broadcast %shift_right_arithmetic3A_776 : i32 to vector<16xi32>
        %shift_right_arithmetic3A_778 = arith.shrsi %add3A_775, %shift_right_arithmetic3A_777 : vector<16xi32>
        %add3A_779 = arith.constant 0 : i32
        %add3A_780 = vector.broadcast %add3A_779 : i32 to vector<16xi32>
        %add3A_781 = arith.addi %shift_right_arithmetic3A_778, %add3A_780 : vector<16xi32>
        %mul3A_782 = arith.constant 16 : i32
        %mul3A_783 = arith.muli %scan3A_602, %mul3A_782 : i32
        %add3A_784 = arith.constant 2048 : i32
        %add3A_785 = arith.addi %add3A_784, %mul3A_783 : i32
        %swap3A_786 = arith.index_cast %add3A_785 : i32 to index
        %swap3A_787 = tpu.vector_load %arg15[%swap3A_786] {strides = array<i32>} : memref<8192xi32, #tpu.memory_space<vmem>>, vector<16xi32>,
        tpu.vector_store %arg15[%swap3A_786], %add3A_781 {strides = array<i32>} : memref<8192xi32, #tpu.memory_space<vmem>>, vector<16xi32>,
        %add3A_788 = arith.constant 1 : i32
        %add3A_789 = vector.broadcast %add3A_788 : i32 to vector<16xi32>
        %add3A_790 = arith.addi %add3A_766, %add3A_789 : vector<16xi32>
        %shift_right_arithmetic3A_791 = arith.constant 3 : i32
        %shift_right_arithmetic3A_792 = vector.broadcast %shift_right_arithmetic3A_791 : i32 to vector<16xi32>
        %shift_right_arithmetic3A_793 = arith.shrsi %add3A_790, %shift_right_arithmetic3A_792 : vector<16xi32>
        %add3A_794 = arith.constant 0 : i32
        %add3A_795 = vector.broadcast %add3A_794 : i32 to vector<16xi32>
        %add3A_796 = arith.addi %shift_right_arithmetic3A_793, %add3A_795 : vector<16xi32>
        %mul3A_797 = arith.constant 16 : i32
        %mul3A_798 = arith.muli %scan3A_602, %mul3A_797 : i32
        %add3A_799 = arith.constant 3072 : i32
        %add3A_800 = arith.addi %add3A_799, %mul3A_798 : i32
        %swap3A_801 = arith.index_cast %add3A_800 : i32 to index
        %swap3A_802 = tpu.vector_load %arg15[%swap3A_801] {strides = array<i32>} : memref<8192xi32, #tpu.memory_space<vmem>>, vector<16xi32>,
        tpu.vector_store %arg15[%swap3A_801], %add3A_796 {strides = array<i32>} : memref<8192xi32, #tpu.memory_space<vmem>>, vector<16xi32>,
        %add3A_803 = arith.constant 1 : i32
        %add3A_804 = vector.broadcast %add3A_803 : i32 to vector<16xi32>
        %add3A_805 = arith.addi %add3A_766, %add3A_804 : vector<16xi32>
        %shift_right_arithmetic3A_806 = arith.constant 3 : i32
        %shift_right_arithmetic3A_807 = vector.broadcast %shift_right_arithmetic3A_806 : i32 to vector<16xi32>
        %shift_right_arithmetic3A_808 = arith.shrsi %add3A_805, %shift_right_arithmetic3A_807 : vector<16xi32>
        %add3A_809 = arith.constant 32 : i32
        %add3A_810 = vector.broadcast %add3A_809 : i32 to vector<16xi32>
        %add3A_811 = arith.addi %shift_right_arithmetic3A_808, %add3A_810 : vector<16xi32>
        %mul3A_812 = arith.constant 16 : i32
        %mul3A_813 = arith.muli %scan3A_602, %mul3A_812 : i32
        %add3A_814 = arith.constant 2304 : i32
        %add3A_815 = arith.addi %add3A_814, %mul3A_813 : i32
        %swap3A_816 = arith.index_cast %add3A_815 : i32 to index
        %swap3A_817 = tpu.vector_load %arg15[%swap3A_816] {strides = array<i32>} : memref<8192xi32, #tpu.memory_space<vmem>>, vector<16xi32>,
        tpu.vector_store %arg15[%swap3A_816], %add3A_811 {strides = array<i32>} : memref<8192xi32, #tpu.memory_space<vmem>>, vector<16xi32>,
        %add3A_818 = arith.constant 2 : i32
        %add3A_819 = vector.broadcast %add3A_818 : i32 to vector<16xi32>
        %add3A_820 = arith.addi %add3A_766, %add3A_819 : vector<16xi32>
        %shift_right_arithmetic3A_821 = arith.constant 3 : i32
        %shift_right_arithmetic3A_822 = vector.broadcast %shift_right_arithmetic3A_821 : i32 to vector<16xi32>
        %shift_right_arithmetic3A_823 = arith.shrsi %add3A_820, %shift_right_arithmetic3A_822 : vector<16xi32>
        %add3A_824 = arith.constant 32 : i32
        %add3A_825 = vector.broadcast %add3A_824 : i32 to vector<16xi32>
        %add3A_826 = arith.addi %shift_right_arithmetic3A_823, %add3A_825 : vector<16xi32>
        %mul3A_827 = arith.constant 16 : i32
        %mul3A_828 = arith.muli %scan3A_602, %mul3A_827 : i32
        %add3A_829 = arith.constant 3328 : i32
        %add3A_830 = arith.addi %add3A_829, %mul3A_828 : i32
        %swap3A_831 = arith.index_cast %add3A_830 : i32 to index
        %swap3A_832 = tpu.vector_load %arg15[%swap3A_831] {strides = array<i32>} : memref<8192xi32, #tpu.memory_space<vmem>>, vector<16xi32>,
        tpu.vector_store %arg15[%swap3A_831], %add3A_826 {strides = array<i32>} : memref<8192xi32, #tpu.memory_space<vmem>>, vector<16xi32>,
        %add3A_833 = arith.constant 2 : i32
        %add3A_834 = vector.broadcast %add3A_833 : i32 to vector<16xi32>
        %add3A_835 = arith.addi %add3A_766, %add3A_834 : vector<16xi32>
        %shift_right_arithmetic3A_836 = arith.constant 3 : i32
        %shift_right_arithmetic3A_837 = vector.broadcast %shift_right_arithmetic3A_836 : i32 to vector<16xi32>
        %shift_right_arithmetic3A_838 = arith.shrsi %add3A_835, %shift_right_arithmetic3A_837 : vector<16xi32>
        %add3A_839 = arith.constant 64 : i32
        %add3A_840 = vector.broadcast %add3A_839 : i32 to vector<16xi32>
        %add3A_841 = arith.addi %shift_right_arithmetic3A_838, %add3A_840 : vector<16xi32>
        %mul3A_842 = arith.constant 16 : i32
        %mul3A_843 = arith.muli %scan3A_602, %mul3A_842 : i32
        %add3A_844 = arith.constant 2560 : i32
        %add3A_845 = arith.addi %add3A_844, %mul3A_843 : i32
        %swap3A_846 = arith.index_cast %add3A_845 : i32 to index
        %swap3A_847 = tpu.vector_load %arg15[%swap3A_846] {strides = array<i32>} : memref<8192xi32, #tpu.memory_space<vmem>>, vector<16xi32>,
        tpu.vector_store %arg15[%swap3A_846], %add3A_841 {strides = array<i32>} : memref<8192xi32, #tpu.memory_space<vmem>>, vector<16xi32>,
        %add3A_848 = arith.constant 3 : i32
        %add3A_849 = vector.broadcast %add3A_848 : i32 to vector<16xi32>
        %add3A_850 = arith.addi %add3A_766, %add3A_849 : vector<16xi32>
        %shift_right_arithmetic3A_851 = arith.constant 3 : i32
        %shift_right_arithmetic3A_852 = vector.broadcast %shift_right_arithmetic3A_851 : i32 to vector<16xi32>
        %shift_right_arithmetic3A_853 = arith.shrsi %add3A_850, %shift_right_arithmetic3A_852 : vector<16xi32>
        %add3A_854 = arith.constant 64 : i32
        %add3A_855 = vector.broadcast %add3A_854 : i32 to vector<16xi32>
        %add3A_856 = arith.addi %shift_right_arithmetic3A_853, %add3A_855 : vector<16xi32>
        %mul3A_857 = arith.constant 16 : i32
        %mul3A_858 = arith.muli %scan3A_602, %mul3A_857 : i32
        %add3A_859 = arith.constant 3584 : i32
        %add3A_860 = arith.addi %add3A_859, %mul3A_858 : i32
        %swap3A_861 = arith.index_cast %add3A_860 : i32 to index
        %swap3A_862 = tpu.vector_load %arg15[%swap3A_861] {strides = array<i32>} : memref<8192xi32, #tpu.memory_space<vmem>>, vector<16xi32>,
        tpu.vector_store %arg15[%swap3A_861], %add3A_856 {strides = array<i32>} : memref<8192xi32, #tpu.memory_space<vmem>>, vector<16xi32>,
        %add3A_863 = arith.constant 3 : i32
        %add3A_864 = vector.broadcast %add3A_863 : i32 to vector<16xi32>
        %add3A_865 = arith.addi %add3A_766, %add3A_864 : vector<16xi32>
        %shift_right_arithmetic3A_866 = arith.constant 3 : i32
        %shift_right_arithmetic3A_867 = vector.broadcast %shift_right_arithmetic3A_866 : i32 to vector<16xi32>
        %shift_right_arithmetic3A_868 = arith.shrsi %add3A_865, %shift_right_arithmetic3A_867 : vector<16xi32>
        %add3A_869 = arith.constant 96 : i32
        %add3A_870 = vector.broadcast %add3A_869 : i32 to vector<16xi32>
        %add3A_871 = arith.addi %shift_right_arithmetic3A_868, %add3A_870 : vector<16xi32>
        %mul3A_872 = arith.constant 16 : i32
        %mul3A_873 = arith.muli %scan3A_602, %mul3A_872 : i32
        %add3A_874 = arith.constant 2816 : i32
        %add3A_875 = arith.addi %add3A_874, %mul3A_873 : i32
        %swap3A_876 = arith.index_cast %add3A_875 : i32 to index
        %swap3A_877 = tpu.vector_load %arg15[%swap3A_876] {strides = array<i32>} : memref<8192xi32, #tpu.memory_space<vmem>>, vector<16xi32>,
        tpu.vector_store %arg15[%swap3A_876], %add3A_871 {strides = array<i32>} : memref<8192xi32, #tpu.memory_space<vmem>>, vector<16xi32>,
        %add3A_878 = arith.constant 4 : i32
        %add3A_879 = vector.broadcast %add3A_878 : i32 to vector<16xi32>
        %add3A_880 = arith.addi %add3A_766, %add3A_879 : vector<16xi32>
        %shift_right_arithmetic3A_881 = arith.constant 3 : i32
        %shift_right_arithmetic3A_882 = vector.broadcast %shift_right_arithmetic3A_881 : i32 to vector<16xi32>
        %shift_right_arithmetic3A_883 = arith.shrsi %add3A_880, %shift_right_arithmetic3A_882 : vector<16xi32>
        %add3A_884 = arith.constant 96 : i32
        %add3A_885 = vector.broadcast %add3A_884 : i32 to vector<16xi32>
        %add3A_886 = arith.addi %shift_right_arithmetic3A_883, %add3A_885 : vector<16xi32>
        %mul3A_887 = arith.constant 16 : i32
        %mul3A_888 = arith.muli %scan3A_602, %mul3A_887 : i32
        %add3A_889 = arith.constant 3840 : i32
        %add3A_890 = arith.addi %add3A_889, %mul3A_888 : i32
        %swap3A_891 = arith.index_cast %add3A_890 : i32 to index
        %swap3A_892 = tpu.vector_load %arg15[%swap3A_891] {strides = array<i32>} : memref<8192xi32, #tpu.memory_space<vmem>>, vector<16xi32>,
        tpu.vector_store %arg15[%swap3A_891], %add3A_886 {strides = array<i32>} : memref<8192xi32, #tpu.memory_space<vmem>>, vector<16xi32>,
        %add3A_893 = arith.constant 257 : i32
        %add3A_894 = vector.broadcast %add3A_893 : i32 to vector<16xi32>
        %add3A_895 = arith.addi %add3A_627, %add3A_894 : vector<16xi32>
        %mul3A_896 = arith.constant 1028 : i32
        %mul3A_897 = vector.broadcast %mul3A_896 : i32 to vector<16xi32>
        %mul3A_898 = arith.muli %add3A_895, %mul3A_897 : vector<16xi32>
        %add3A_899 = arith.addi %mul3A_898, %convert_element_type3A_612 : vector<16xi32>
        %mul3A_900 = arith.constant 16 : i32
        %mul3A_901 = arith.muli %scan3A_602, %mul3A_900 : i32
        %add3A_902 = arith.constant 512 : i32
        %add3A_903 = arith.addi %add3A_902, %mul3A_901 : i32
        %swap3A_904 = arith.index_cast %add3A_903 : i32 to index
        %swap3A_905 = tpu.vector_load %arg14[%swap3A_904] {strides = array<i32>} : memref<1024xi32, #tpu.memory_space<vmem>>, vector<16xi32>,
        tpu.vector_store %arg14[%swap3A_904], %add3A_899 {strides = array<i32>} : memref<1024xi32, #tpu.memory_space<vmem>>, vector<16xi32>,
        %add3A_906 = arith.constant 0 : i32
        %add3A_907 = vector.broadcast %add3A_906 : i32 to vector<16xi32>
        %add3A_908 = arith.addi %add3A_899, %add3A_907 : vector<16xi32>
        %shift_right_arithmetic3A_909 = arith.constant 3 : i32
        %shift_right_arithmetic3A_910 = vector.broadcast %shift_right_arithmetic3A_909 : i32 to vector<16xi32>
        %shift_right_arithmetic3A_911 = arith.shrsi %add3A_908, %shift_right_arithmetic3A_910 : vector<16xi32>
        %add3A_912 = arith.constant 0 : i32
        %add3A_913 = vector.broadcast %add3A_912 : i32 to vector<16xi32>
        %add3A_914 = arith.addi %shift_right_arithmetic3A_911, %add3A_913 : vector<16xi32>
        %mul3A_915 = arith.constant 16 : i32
        %mul3A_916 = arith.muli %scan3A_602, %mul3A_915 : i32
        %add3A_917 = arith.constant 4096 : i32
        %add3A_918 = arith.addi %add3A_917, %mul3A_916 : i32
        %swap3A_919 = arith.index_cast %add3A_918 : i32 to index
        %swap3A_920 = tpu.vector_load %arg15[%swap3A_919] {strides = array<i32>} : memref<8192xi32, #tpu.memory_space<vmem>>, vector<16xi32>,
        tpu.vector_store %arg15[%swap3A_919], %add3A_914 {strides = array<i32>} : memref<8192xi32, #tpu.memory_space<vmem>>, vector<16xi32>,
        %add3A_921 = arith.constant 1 : i32
        %add3A_922 = vector.broadcast %add3A_921 : i32 to vector<16xi32>
        %add3A_923 = arith.addi %add3A_899, %add3A_922 : vector<16xi32>
        %shift_right_arithmetic3A_924 = arith.constant 3 : i32
        %shift_right_arithmetic3A_925 = vector.broadcast %shift_right_arithmetic3A_924 : i32 to vector<16xi32>
        %shift_right_arithmetic3A_926 = arith.shrsi %add3A_923, %shift_right_arithmetic3A_925 : vector<16xi32>
        %add3A_927 = arith.constant 0 : i32
        %add3A_928 = vector.broadcast %add3A_927 : i32 to vector<16xi32>
        %add3A_929 = arith.addi %shift_right_arithmetic3A_926, %add3A_928 : vector<16xi32>
        %mul3A_930 = arith.constant 16 : i32
        %mul3A_931 = arith.muli %scan3A_602, %mul3A_930 : i32
        %add3A_932 = arith.constant 5120 : i32
        %add3A_933 = arith.addi %add3A_932, %mul3A_931 : i32
        %swap3A_934 = arith.index_cast %add3A_933 : i32 to index
        %swap3A_935 = tpu.vector_load %arg15[%swap3A_934] {strides = array<i32>} : memref<8192xi32, #tpu.memory_space<vmem>>, vector<16xi32>,
        tpu.vector_store %arg15[%swap3A_934], %add3A_929 {strides = array<i32>} : memref<8192xi32, #tpu.memory_space<vmem>>, vector<16xi32>,
        %add3A_936 = arith.constant 1 : i32
        %add3A_937 = vector.broadcast %add3A_936 : i32 to vector<16xi32>
        %add3A_938 = arith.addi %add3A_899, %add3A_937 : vector<16xi32>
        %shift_right_arithmetic3A_939 = arith.constant 3 : i32
        %shift_right_arithmetic3A_940 = vector.broadcast %shift_right_arithmetic3A_939 : i32 to vector<16xi32>
        %shift_right_arithmetic3A_941 = arith.shrsi %add3A_938, %shift_right_arithmetic3A_940 : vector<16xi32>
        %add3A_942 = arith.constant 32 : i32
        %add3A_943 = vector.broadcast %add3A_942 : i32 to vector<16xi32>
        %add3A_944 = arith.addi %shift_right_arithmetic3A_941, %add3A_943 : vector<16xi32>
        %mul3A_945 = arith.constant 16 : i32
        %mul3A_946 = arith.muli %scan3A_602, %mul3A_945 : i32
        %add3A_947 = arith.constant 4352 : i32
        %add3A_948 = arith.addi %add3A_947, %mul3A_946 : i32
        %swap3A_949 = arith.index_cast %add3A_948 : i32 to index
        %swap3A_950 = tpu.vector_load %arg15[%swap3A_949] {strides = array<i32>} : memref<8192xi32, #tpu.memory_space<vmem>>, vector<16xi32>,
        tpu.vector_store %arg15[%swap3A_949], %add3A_944 {strides = array<i32>} : memref<8192xi32, #tpu.memory_space<vmem>>, vector<16xi32>,
        %add3A_951 = arith.constant 2 : i32
        %add3A_952 = vector.broadcast %add3A_951 : i32 to vector<16xi32>
        %add3A_953 = arith.addi %add3A_899, %add3A_952 : vector<16xi32>
        %shift_right_arithmetic3A_954 = arith.constant 3 : i32
        %shift_right_arithmetic3A_955 = vector.broadcast %shift_right_arithmetic3A_954 : i32 to vector<16xi32>
        %shift_right_arithmetic3A_956 = arith.shrsi %add3A_953, %shift_right_arithmetic3A_955 : vector<16xi32>
        %add3A_957 = arith.constant 32 : i32
        %add3A_958 = vector.broadcast %add3A_957 : i32 to vector<16xi32>
        %add3A_959 = arith.addi %shift_right_arithmetic3A_956, %add3A_958 : vector<16xi32>
        %mul3A_960 = arith.constant 16 : i32
        %mul3A_961 = arith.muli %scan3A_602, %mul3A_960 : i32
        %add3A_962 = arith.constant 5376 : i32
        %add3A_963 = arith.addi %add3A_962, %mul3A_961 : i32
        %swap3A_964 = arith.index_cast %add3A_963 : i32 to index
        %swap3A_965 = tpu.vector_load %arg15[%swap3A_964] {strides = array<i32>} : memref<8192xi32, #tpu.memory_space<vmem>>, vector<16xi32>,
        tpu.vector_store %arg15[%swap3A_964], %add3A_959 {strides = array<i32>} : memref<8192xi32, #tpu.memory_space<vmem>>, vector<16xi32>,
        %add3A_966 = arith.constant 2 : i32
        %add3A_967 = vector.broadcast %add3A_966 : i32 to vector<16xi32>
        %add3A_968 = arith.addi %add3A_899, %add3A_967 : vector<16xi32>
        %shift_right_arithmetic3A_969 = arith.constant 3 : i32
        %shift_right_arithmetic3A_970 = vector.broadcast %shift_right_arithmetic3A_969 : i32 to vector<16xi32>
        %shift_right_arithmetic3A_971 = arith.shrsi %add3A_968, %shift_right_arithmetic3A_970 : vector<16xi32>
        %add3A_972 = arith.constant 64 : i32
        %add3A_973 = vector.broadcast %add3A_972 : i32 to vector<16xi32>
        %add3A_974 = arith.addi %shift_right_arithmetic3A_971, %add3A_973 : vector<16xi32>
        %mul3A_975 = arith.constant 16 : i32
        %mul3A_976 = arith.muli %scan3A_602, %mul3A_975 : i32
        %add3A_977 = arith.constant 4608 : i32
        %add3A_978 = arith.addi %add3A_977, %mul3A_976 : i32
        %swap3A_979 = arith.index_cast %add3A_978 : i32 to index
        %swap3A_980 = tpu.vector_load %arg15[%swap3A_979] {strides = array<i32>} : memref<8192xi32, #tpu.memory_space<vmem>>, vector<16xi32>,
        tpu.vector_store %arg15[%swap3A_979], %add3A_974 {strides = array<i32>} : memref<8192xi32, #tpu.memory_space<vmem>>, vector<16xi32>,
        %add3A_981 = arith.constant 3 : i32
        %add3A_982 = vector.broadcast %add3A_981 : i32 to vector<16xi32>
        %add3A_983 = arith.addi %add3A_899, %add3A_982 : vector<16xi32>
        %shift_right_arithmetic3A_984 = arith.constant 3 : i32
        %shift_right_arithmetic3A_985 = vector.broadcast %shift_right_arithmetic3A_984 : i32 to vector<16xi32>
        %shift_right_arithmetic3A_986 = arith.shrsi %add3A_983, %shift_right_arithmetic3A_985 : vector<16xi32>
        %add3A_987 = arith.constant 64 : i32
        %add3A_988 = vector.broadcast %add3A_987 : i32 to vector<16xi32>
        %add3A_989 = arith.addi %shift_right_arithmetic3A_986, %add3A_988 : vector<16xi32>
        %mul3A_990 = arith.constant 16 : i32
        %mul3A_991 = arith.muli %scan3A_602, %mul3A_990 : i32
        %add3A_992 = arith.constant 5632 : i32
        %add3A_993 = arith.addi %add3A_992, %mul3A_991 : i32
        %swap3A_994 = arith.index_cast %add3A_993 : i32 to index
        %swap3A_995 = tpu.vector_load %arg15[%swap3A_994] {strides = array<i32>} : memref<8192xi32, #tpu.memory_space<vmem>>, vector<16xi32>,
        tpu.vector_store %arg15[%swap3A_994], %add3A_989 {strides = array<i32>} : memref<8192xi32, #tpu.memory_space<vmem>>, vector<16xi32>,
        %add3A_996 = arith.constant 3 : i32
        %add3A_997 = vector.broadcast %add3A_996 : i32 to vector<16xi32>
        %add3A_998 = arith.addi %add3A_899, %add3A_997 : vector<16xi32>
        %shift_right_arithmetic3A_999 = arith.constant 3 : i32
        %shift_right_arithmetic3A_1000 = vector.broadcast %shift_right_arithmetic3A_999 : i32 to vector<16xi32>
        %shift_right_arithmetic3A_1001 = arith.shrsi %add3A_998, %shift_right_arithmetic3A_1000 : vector<16xi32>
        %add3A_1002 = arith.constant 96 : i32
        %add3A_1003 = vector.broadcast %add3A_1002 : i32 to vector<16xi32>
        %add3A_1004 = arith.addi %shift_right_arithmetic3A_1001, %add3A_1003 : vector<16xi32>
        %mul3A_1005 = arith.constant 16 : i32
        %mul3A_1006 = arith.muli %scan3A_602, %mul3A_1005 : i32
        %add3A_1007 = arith.constant 4864 : i32
        %add3A_1008 = arith.addi %add3A_1007, %mul3A_1006 : i32
        %swap3A_1009 = arith.index_cast %add3A_1008 : i32 to index
        %swap3A_1010 = tpu.vector_load %arg15[%swap3A_1009] {strides = array<i32>} : memref<8192xi32, #tpu.memory_space<vmem>>, vector<16xi32>,
        tpu.vector_store %arg15[%swap3A_1009], %add3A_1004 {strides = array<i32>} : memref<8192xi32, #tpu.memory_space<vmem>>, vector<16xi32>,
        %add3A_1011 = arith.constant 4 : i32
        %add3A_1012 = vector.broadcast %add3A_1011 : i32 to vector<16xi32>
        %add3A_1013 = arith.addi %add3A_899, %add3A_1012 : vector<16xi32>
        %shift_right_arithmetic3A_1014 = arith.constant 3 : i32
        %shift_right_arithmetic3A_1015 = vector.broadcast %shift_right_arithmetic3A_1014 : i32 to vector<16xi32>
        %shift_right_arithmetic3A_1016 = arith.shrsi %add3A_1013, %shift_right_arithmetic3A_1015 : vector<16xi32>
        %add3A_1017 = arith.constant 96 : i32
        %add3A_1018 = vector.broadcast %add3A_1017 : i32 to vector<16xi32>
        %add3A_1019 = arith.addi %shift_right_arithmetic3A_1016, %add3A_1018 : vector<16xi32>
        %mul3A_1020 = arith.constant 16 : i32
        %mul3A_1021 = arith.muli %scan3A_602, %mul3A_1020 : i32
        %add3A_1022 = arith.constant 5888 : i32
        %add3A_1023 = arith.addi %add3A_1022, %mul3A_1021 : i32
        %swap3A_1024 = arith.index_cast %add3A_1023 : i32 to index
        %swap3A_1025 = tpu.vector_load %arg15[%swap3A_1024] {strides = array<i32>} : memref<8192xi32, #tpu.memory_space<vmem>>, vector<16xi32>,
        tpu.vector_store %arg15[%swap3A_1024], %add3A_1019 {strides = array<i32>} : memref<8192xi32, #tpu.memory_space<vmem>>, vector<16xi32>,
        %add3A_1026 = arith.constant 258 : i32
        %add3A_1027 = vector.broadcast %add3A_1026 : i32 to vector<16xi32>
        %add3A_1028 = arith.addi %add3A_627, %add3A_1027 : vector<16xi32>
        %mul3A_1029 = arith.constant 1028 : i32
        %mul3A_1030 = vector.broadcast %mul3A_1029 : i32 to vector<16xi32>
        %mul3A_1031 = arith.muli %add3A_1028, %mul3A_1030 : vector<16xi32>
        %add3A_1032 = arith.addi %mul3A_1031, %convert_element_type3A_612 : vector<16xi32>
        %mul3A_1033 = arith.constant 16 : i32
        %mul3A_1034 = arith.muli %scan3A_602, %mul3A_1033 : i32
        %add3A_1035 = arith.constant 768 : i32
        %add3A_1036 = arith.addi %add3A_1035, %mul3A_1034 : i32
        %swap3A_1037 = arith.index_cast %add3A_1036 : i32 to index
        %swap3A_1038 = tpu.vector_load %arg14[%swap3A_1037] {strides = array<i32>} : memref<1024xi32, #tpu.memory_space<vmem>>, vector<16xi32>,
        tpu.vector_store %arg14[%swap3A_1037], %add3A_1032 {strides = array<i32>} : memref<1024xi32, #tpu.memory_space<vmem>>, vector<16xi32>,
        %add3A_1039 = arith.constant 0 : i32
        %add3A_1040 = vector.broadcast %add3A_1039 : i32 to vector<16xi32>
        %add3A_1041 = arith.addi %add3A_1032, %add3A_1040 : vector<16xi32>
        %shift_right_arithmetic3A_1042 = arith.constant 3 : i32
        %shift_right_arithmetic3A_1043 = vector.broadcast %shift_right_arithmetic3A_1042 : i32 to vector<16xi32>
        %shift_right_arithmetic3A_1044 = arith.shrsi %add3A_1041, %shift_right_arithmetic3A_1043 : vector<16xi32>
        %add3A_1045 = arith.constant 0 : i32
        %add3A_1046 = vector.broadcast %add3A_1045 : i32 to vector<16xi32>
        %add3A_1047 = arith.addi %shift_right_arithmetic3A_1044, %add3A_1046 : vector<16xi32>
        %mul3A_1048 = arith.constant 16 : i32
        %mul3A_1049 = arith.muli %scan3A_602, %mul3A_1048 : i32
        %add3A_1050 = arith.constant 6144 : i32
        %add3A_1051 = arith.addi %add3A_1050, %mul3A_1049 : i32
        %swap3A_1052 = arith.index_cast %add3A_1051 : i32 to index
        %swap3A_1053 = tpu.vector_load %arg15[%swap3A_1052] {strides = array<i32>} : memref<8192xi32, #tpu.memory_space<vmem>>, vector<16xi32>,
        tpu.vector_store %arg15[%swap3A_1052], %add3A_1047 {strides = array<i32>} : memref<8192xi32, #tpu.memory_space<vmem>>, vector<16xi32>,
        %add3A_1054 = arith.constant 1 : i32
        %add3A_1055 = vector.broadcast %add3A_1054 : i32 to vector<16xi32>
        %add3A_1056 = arith.addi %add3A_1032, %add3A_1055 : vector<16xi32>
        %shift_right_arithmetic3A_1057 = arith.constant 3 : i32
        %shift_right_arithmetic3A_1058 = vector.broadcast %shift_right_arithmetic3A_1057 : i32 to vector<16xi32>
        %shift_right_arithmetic3A_1059 = arith.shrsi %add3A_1056, %shift_right_arithmetic3A_1058 : vector<16xi32>
        %add3A_1060 = arith.constant 0 : i32
        %add3A_1061 = vector.broadcast %add3A_1060 : i32 to vector<16xi32>
        %add3A_1062 = arith.addi %shift_right_arithmetic3A_1059, %add3A_1061 : vector<16xi32>
        %mul3A_1063 = arith.constant 16 : i32
        %mul3A_1064 = arith.muli %scan3A_602, %mul3A_1063 : i32
        %add3A_1065 = arith.constant 7168 : i32
        %add3A_1066 = arith.addi %add3A_1065, %mul3A_1064 : i32
        %swap3A_1067 = arith.index_cast %add3A_1066 : i32 to index
        %swap3A_1068 = tpu.vector_load %arg15[%swap3A_1067] {strides = array<i32>} : memref<8192xi32, #tpu.memory_space<vmem>>, vector<16xi32>,
        tpu.vector_store %arg15[%swap3A_1067], %add3A_1062 {strides = array<i32>} : memref<8192xi32, #tpu.memory_space<vmem>>, vector<16xi32>,
        %add3A_1069 = arith.constant 1 : i32
        %add3A_1070 = vector.broadcast %add3A_1069 : i32 to vector<16xi32>
        %add3A_1071 = arith.addi %add3A_1032, %add3A_1070 : vector<16xi32>
        %shift_right_arithmetic3A_1072 = arith.constant 3 : i32
        %shift_right_arithmetic3A_1073 = vector.broadcast %shift_right_arithmetic3A_1072 : i32 to vector<16xi32>
        %shift_right_arithmetic3A_1074 = arith.shrsi %add3A_1071, %shift_right_arithmetic3A_1073 : vector<16xi32>
        %add3A_1075 = arith.constant 32 : i32
        %add3A_1076 = vector.broadcast %add3A_1075 : i32 to vector<16xi32>
        %add3A_1077 = arith.addi %shift_right_arithmetic3A_1074, %add3A_1076 : vector<16xi32>
        %mul3A_1078 = arith.constant 16 : i32
        %mul3A_1079 = arith.muli %scan3A_602, %mul3A_1078 : i32
        %add3A_1080 = arith.constant 6400 : i32
        %add3A_1081 = arith.addi %add3A_1080, %mul3A_1079 : i32
        %swap3A_1082 = arith.index_cast %add3A_1081 : i32 to index
        %swap3A_1083 = tpu.vector_load %arg15[%swap3A_1082] {strides = array<i32>} : memref<8192xi32, #tpu.memory_space<vmem>>, vector<16xi32>,
        tpu.vector_store %arg15[%swap3A_1082], %add3A_1077 {strides = array<i32>} : memref<8192xi32, #tpu.memory_space<vmem>>, vector<16xi32>,
        %add3A_1084 = arith.constant 2 : i32
        %add3A_1085 = vector.broadcast %add3A_1084 : i32 to vector<16xi32>
        %add3A_1086 = arith.addi %add3A_1032, %add3A_1085 : vector<16xi32>
        %shift_right_arithmetic3A_1087 = arith.constant 3 : i32
        %shift_right_arithmetic3A_1088 = vector.broadcast %shift_right_arithmetic3A_1087 : i32 to vector<16xi32>
        %shift_right_arithmetic3A_1089 = arith.shrsi %add3A_1086, %shift_right_arithmetic3A_1088 : vector<16xi32>
        %add3A_1090 = arith.constant 32 : i32
        %add3A_1091 = vector.broadcast %add3A_1090 : i32 to vector<16xi32>
        %add3A_1092 = arith.addi %shift_right_arithmetic3A_1089, %add3A_1091 : vector<16xi32>
        %mul3A_1093 = arith.constant 16 : i32
        %mul3A_1094 = arith.muli %scan3A_602, %mul3A_1093 : i32
        %add3A_1095 = arith.constant 7424 : i32
        %add3A_1096 = arith.addi %add3A_1095, %mul3A_1094 : i32
        %swap3A_1097 = arith.index_cast %add3A_1096 : i32 to index
        %swap3A_1098 = tpu.vector_load %arg15[%swap3A_1097] {strides = array<i32>} : memref<8192xi32, #tpu.memory_space<vmem>>, vector<16xi32>,
        tpu.vector_store %arg15[%swap3A_1097], %add3A_1092 {strides = array<i32>} : memref<8192xi32, #tpu.memory_space<vmem>>, vector<16xi32>,
        %add3A_1099 = arith.constant 2 : i32
        %add3A_1100 = vector.broadcast %add3A_1099 : i32 to vector<16xi32>
        %add3A_1101 = arith.addi %add3A_1032, %add3A_1100 : vector<16xi32>
        %shift_right_arithmetic3A_1102 = arith.constant 3 : i32
        %shift_right_arithmetic3A_1103 = vector.broadcast %shift_right_arithmetic3A_1102 : i32 to vector<16xi32>
        %shift_right_arithmetic3A_1104 = arith.shrsi %add3A_1101, %shift_right_arithmetic3A_1103 : vector<16xi32>
        %add3A_1105 = arith.constant 64 : i32
        %add3A_1106 = vector.broadcast %add3A_1105 : i32 to vector<16xi32>
        %add3A_1107 = arith.addi %shift_right_arithmetic3A_1104, %add3A_1106 : vector<16xi32>
        %mul3A_1108 = arith.constant 16 : i32
        %mul3A_1109 = arith.muli %scan3A_602, %mul3A_1108 : i32
        %add3A_1110 = arith.constant 6656 : i32
        %add3A_1111 = arith.addi %add3A_1110, %mul3A_1109 : i32
        %swap3A_1112 = arith.index_cast %add3A_1111 : i32 to index
        %swap3A_1113 = tpu.vector_load %arg15[%swap3A_1112] {strides = array<i32>} : memref<8192xi32, #tpu.memory_space<vmem>>, vector<16xi32>,
        tpu.vector_store %arg15[%swap3A_1112], %add3A_1107 {strides = array<i32>} : memref<8192xi32, #tpu.memory_space<vmem>>, vector<16xi32>,
        %add3A_1114 = arith.constant 3 : i32
        %add3A_1115 = vector.broadcast %add3A_1114 : i32 to vector<16xi32>
        %add3A_1116 = arith.addi %add3A_1032, %add3A_1115 : vector<16xi32>
        %shift_right_arithmetic3A_1117 = arith.constant 3 : i32
        %shift_right_arithmetic3A_1118 = vector.broadcast %shift_right_arithmetic3A_1117 : i32 to vector<16xi32>
        %shift_right_arithmetic3A_1119 = arith.shrsi %add3A_1116, %shift_right_arithmetic3A_1118 : vector<16xi32>
        %add3A_1120 = arith.constant 64 : i32
        %add3A_1121 = vector.broadcast %add3A_1120 : i32 to vector<16xi32>
        %add3A_1122 = arith.addi %shift_right_arithmetic3A_1119, %add3A_1121 : vector<16xi32>
        %mul3A_1123 = arith.constant 16 : i32
        %mul3A_1124 = arith.muli %scan3A_602, %mul3A_1123 : i32
        %add3A_1125 = arith.constant 7680 : i32
        %add3A_1126 = arith.addi %add3A_1125, %mul3A_1124 : i32
        %swap3A_1127 = arith.index_cast %add3A_1126 : i32 to index
        %swap3A_1128 = tpu.vector_load %arg15[%swap3A_1127] {strides = array<i32>} : memref<8192xi32, #tpu.memory_space<vmem>>, vector<16xi32>,
        tpu.vector_store %arg15[%swap3A_1127], %add3A_1122 {strides = array<i32>} : memref<8192xi32, #tpu.memory_space<vmem>>, vector<16xi32>,
        %add3A_1129 = arith.constant 3 : i32
        %add3A_1130 = vector.broadcast %add3A_1129 : i32 to vector<16xi32>
        %add3A_1131 = arith.addi %add3A_1032, %add3A_1130 : vector<16xi32>
        %shift_right_arithmetic3A_1132 = arith.constant 3 : i32
        %shift_right_arithmetic3A_1133 = vector.broadcast %shift_right_arithmetic3A_1132 : i32 to vector<16xi32>
        %shift_right_arithmetic3A_1134 = arith.shrsi %add3A_1131, %shift_right_arithmetic3A_1133 : vector<16xi32>
        %add3A_1135 = arith.constant 96 : i32
        %add3A_1136 = vector.broadcast %add3A_1135 : i32 to vector<16xi32>
        %add3A_1137 = arith.addi %shift_right_arithmetic3A_1134, %add3A_1136 : vector<16xi32>
        %min3A = arith.constant 8487295 : i32
        %min3A_1138 = vector.broadcast %min3A : i32 to vector<16xi32>
        %min3A_1139 = arith.minsi %add3A_1137, %min3A_1138 : vector<16xi32>
        %mul3A_1140 = arith.constant 16 : i32
        %mul3A_1141 = arith.muli %scan3A_602, %mul3A_1140 : i32
        %add3A_1142 = arith.constant 6912 : i32
        %add3A_1143 = arith.addi %add3A_1142, %mul3A_1141 : i32
        %swap3A_1144 = arith.index_cast %add3A_1143 : i32 to index
        %swap3A_1145 = tpu.vector_load %arg15[%swap3A_1144] {strides = array<i32>} : memref<8192xi32, #tpu.memory_space<vmem>>, vector<16xi32>,
        tpu.vector_store %arg15[%swap3A_1144], %min3A_1139 {strides = array<i32>} : memref<8192xi32, #tpu.memory_space<vmem>>, vector<16xi32>,
        %add3A_1146 = arith.constant 4 : i32
        %add3A_1147 = vector.broadcast %add3A_1146 : i32 to vector<16xi32>
        %add3A_1148 = arith.addi %add3A_1032, %add3A_1147 : vector<16xi32>
        %shift_right_arithmetic3A_1149 = arith.constant 3 : i32
        %shift_right_arithmetic3A_1150 = vector.broadcast %shift_right_arithmetic3A_1149 : i32 to vector<16xi32>
        %shift_right_arithmetic3A_1151 = arith.shrsi %add3A_1148, %shift_right_arithmetic3A_1150 : vector<16xi32>
        %add3A_1152 = arith.constant 96 : i32
        %add3A_1153 = vector.broadcast %add3A_1152 : i32 to vector<16xi32>
        %add3A_1154 = arith.addi %shift_right_arithmetic3A_1151, %add3A_1153 : vector<16xi32>
        %min3A_1155 = arith.constant 8487295 : i32
        %min3A_1156 = vector.broadcast %min3A_1155 : i32 to vector<16xi32>
        %min3A_1157 = arith.minsi %add3A_1154, %min3A_1156 : vector<16xi32>
        %mul3A_1158 = arith.constant 16 : i32
        %mul3A_1159 = arith.muli %scan3A_602, %mul3A_1158 : i32
        %add3A_1160 = arith.constant 7936 : i32
        %add3A_1161 = arith.addi %add3A_1160, %mul3A_1159 : i32
        %swap3A_1162 = arith.index_cast %add3A_1161 : i32 to index
        %swap3A_1163 = tpu.vector_load %arg15[%swap3A_1162] {strides = array<i32>} : memref<8192xi32, #tpu.memory_space<vmem>>, vector<16xi32>,
        tpu.vector_store %arg15[%swap3A_1162], %min3A_1157 {strides = array<i32>} : memref<8192xi32, #tpu.memory_space<vmem>>, vector<16xi32>,
        %scan3A_1164 = arith.constant 0 : i32
        %scan3A_1165 = arith.constant 1 : i32
        %scan3A_1166 = arith.addi %scan3A_602, %scan3A_1165 : i32
        %mul3A_1167 = arith.constant 16 : i32
        %mul3A_1168 = arith.muli %scan3A_1166, %mul3A_1167 : i32
        %get3A_1169 = arith.index_cast %mul3A_1168 : i32 to index
        %get3A_1170 = tpu.vector_load %arg8[%get3A_1169] {strides = array<i32>} : memref<256xf32, #tpu.memory_space<vmem>>, vector<16xf32>,
        %get3A_1171 = arith.index_cast %mul3A_1168 : i32 to index
        %get3A_1172 = tpu.vector_load %arg9[%get3A_1171] {strides = array<i32>} : memref<256xf32, #tpu.memory_space<vmem>>, vector<16xf32>,
        %get3A_1173 = arith.index_cast %mul3A_1168 : i32 to index
        %get3A_1174 = tpu.vector_load %arg10[%get3A_1173] {strides = array<i32>} : memref<256xf32, #tpu.memory_space<vmem>>, vector<16xf32>,
        %convert_element_type3A_1175 = arith.fptosi %get3A_1170 : vector<16xf32> to vector<16xi32>
        %convert_element_type3A_1176 = arith.fptosi %get3A_1172 : vector<16xf32> to vector<16xi32>
        %convert_element_type3A_1177 = arith.fptosi %get3A_1174 : vector<16xf32> to vector<16xi32>
        %convert_element_type3A_1178 = arith.sitofp %convert_element_type3A_1175 : vector<16xi32> to vector<16xf32>
        %sub3A_1179 = arith.subf %get3A_1170, %convert_element_type3A_1178 : vector<16xf32>
        %swap3A_1180 = arith.index_cast %mul3A_1168 : i32 to index
        %swap3A_1181 = tpu.vector_load %arg11[%swap3A_1180] {strides = array<i32>} : memref<256xf32, #tpu.memory_space<vmem>>, vector<16xf32>,
        tpu.vector_store %arg11[%swap3A_1180], %sub3A_1179 {strides = array<i32>} : memref<256xf32, #tpu.memory_space<vmem>>, vector<16xf32>,
        %convert_element_type3A_1182 = arith.sitofp %convert_element_type3A_1176 : vector<16xi32> to vector<16xf32>
        %sub3A_1183 = arith.subf %get3A_1172, %convert_element_type3A_1182 : vector<16xf32>
        %swap3A_1184 = arith.index_cast %mul3A_1168 : i32 to index
        %swap3A_1185 = tpu.vector_load %arg12[%swap3A_1184] {strides = array<i32>} : memref<256xf32, #tpu.memory_space<vmem>>, vector<16xf32>,
        tpu.vector_store %arg12[%swap3A_1184], %sub3A_1183 {strides = array<i32>} : memref<256xf32, #tpu.memory_space<vmem>>, vector<16xf32>,
        %convert_element_type3A_1186 = arith.sitofp %convert_element_type3A_1177 : vector<16xi32> to vector<16xf32>
        %sub3A_1187 = arith.subf %get3A_1174, %convert_element_type3A_1186 : vector<16xf32>
        %swap3A_1188 = arith.index_cast %mul3A_1168 : i32 to index
        %swap3A_1189 = tpu.vector_load %arg13[%swap3A_1188] {strides = array<i32>} : memref<256xf32, #tpu.memory_space<vmem>>, vector<16xf32>,
        tpu.vector_store %arg13[%swap3A_1188], %sub3A_1187 {strides = array<i32>} : memref<256xf32, #tpu.memory_space<vmem>>, vector<16xf32>,
        %mul3A_1190 = arith.constant 257 : i32
        %mul3A_1191 = vector.broadcast %mul3A_1190 : i32 to vector<16xi32>
        %mul3A_1192 = arith.muli %convert_element_type3A_1175, %mul3A_1191 : vector<16xi32>
        %add3A_1193 = arith.addi %mul3A_1192, %convert_element_type3A_1176 : vector<16xi32>
        %add3A_1194 = arith.constant 0 : i32
        %add3A_1195 = vector.broadcast %add3A_1194 : i32 to vector<16xi32>
        %add3A_1196 = arith.addi %add3A_1193, %add3A_1195 : vector<16xi32>
        %mul3A_1197 = arith.constant 1028 : i32
        %mul3A_1198 = vector.broadcast %mul3A_1197 : i32 to vector<16xi32>
        %mul3A_1199 = arith.muli %add3A_1196, %mul3A_1198 : vector<16xi32>
        %add3A_1200 = arith.addi %mul3A_1199, %convert_element_type3A_1177 : vector<16xi32>
        %mul3A_1201 = arith.constant 16 : i32
        %mul3A_1202 = arith.muli %scan3A_1166, %mul3A_1201 : i32
        %add3A_1203 = arith.constant 0 : i32
        %add3A_1204 = arith.addi %add3A_1203, %mul3A_1202 : i32
        %swap3A_1205 = arith.index_cast %add3A_1204 : i32 to index
        %swap3A_1206 = tpu.vector_load %arg14[%swap3A_1205] {strides = array<i32>} : memref<1024xi32, #tpu.memory_space<vmem>>, vector<16xi32>,
        tpu.vector_store %arg14[%swap3A_1205], %add3A_1200 {strides = array<i32>} : memref<1024xi32, #tpu.memory_space<vmem>>, vector<16xi32>,
        %add3A_1207 = arith.constant 0 : i32
        %add3A_1208 = vector.broadcast %add3A_1207 : i32 to vector<16xi32>
        %add3A_1209 = arith.addi %add3A_1200, %add3A_1208 : vector<16xi32>
        %shift_right_arithmetic3A_1210 = arith.constant 3 : i32
        %shift_right_arithmetic3A_1211 = vector.broadcast %shift_right_arithmetic3A_1210 : i32 to vector<16xi32>
        %shift_right_arithmetic3A_1212 = arith.shrsi %add3A_1209, %shift_right_arithmetic3A_1211 : vector<16xi32>
        %add3A_1213 = arith.constant 0 : i32
        %add3A_1214 = vector.broadcast %add3A_1213 : i32 to vector<16xi32>
        %add3A_1215 = arith.addi %shift_right_arithmetic3A_1212, %add3A_1214 : vector<16xi32>
        %mul3A_1216 = arith.constant 16 : i32
        %mul3A_1217 = arith.muli %scan3A_1166, %mul3A_1216 : i32
        %add3A_1218 = arith.constant 0 : i32
        %add3A_1219 = arith.addi %add3A_1218, %mul3A_1217 : i32
        %swap3A_1220 = arith.index_cast %add3A_1219 : i32 to index
        %swap3A_1221 = tpu.vector_load %arg15[%swap3A_1220] {strides = array<i32>} : memref<8192xi32, #tpu.memory_space<vmem>>, vector<16xi32>,
        tpu.vector_store %arg15[%swap3A_1220], %add3A_1215 {strides = array<i32>} : memref<8192xi32, #tpu.memory_space<vmem>>, vector<16xi32>,
        %add3A_1222 = arith.constant 1 : i32
        %add3A_1223 = vector.broadcast %add3A_1222 : i32 to vector<16xi32>
        %add3A_1224 = arith.addi %add3A_1200, %add3A_1223 : vector<16xi32>
        %shift_right_arithmetic3A_1225 = arith.constant 3 : i32
        %shift_right_arithmetic3A_1226 = vector.broadcast %shift_right_arithmetic3A_1225 : i32 to vector<16xi32>
        %shift_right_arithmetic3A_1227 = arith.shrsi %add3A_1224, %shift_right_arithmetic3A_1226 : vector<16xi32>
        %add3A_1228 = arith.constant 0 : i32
        %add3A_1229 = vector.broadcast %add3A_1228 : i32 to vector<16xi32>
        %add3A_1230 = arith.addi %shift_right_arithmetic3A_1227, %add3A_1229 : vector<16xi32>
        %mul3A_1231 = arith.constant 16 : i32
        %mul3A_1232 = arith.muli %scan3A_1166, %mul3A_1231 : i32
        %add3A_1233 = arith.constant 1024 : i32
        %add3A_1234 = arith.addi %add3A_1233, %mul3A_1232 : i32
        %swap3A_1235 = arith.index_cast %add3A_1234 : i32 to index
        %swap3A_1236 = tpu.vector_load %arg15[%swap3A_1235] {strides = array<i32>} : memref<8192xi32, #tpu.memory_space<vmem>>, vector<16xi32>,
        tpu.vector_store %arg15[%swap3A_1235], %add3A_1230 {strides = array<i32>} : memref<8192xi32, #tpu.memory_space<vmem>>, vector<16xi32>,
        %add3A_1237 = arith.constant 1 : i32
        %add3A_1238 = vector.broadcast %add3A_1237 : i32 to vector<16xi32>
        %add3A_1239 = arith.addi %add3A_1200, %add3A_1238 : vector<16xi32>
        %shift_right_arithmetic3A_1240 = arith.constant 3 : i32
        %shift_right_arithmetic3A_1241 = vector.broadcast %shift_right_arithmetic3A_1240 : i32 to vector<16xi32>
        %shift_right_arithmetic3A_1242 = arith.shrsi %add3A_1239, %shift_right_arithmetic3A_1241 : vector<16xi32>
        %add3A_1243 = arith.constant 32 : i32
        %add3A_1244 = vector.broadcast %add3A_1243 : i32 to vector<16xi32>
        %add3A_1245 = arith.addi %shift_right_arithmetic3A_1242, %add3A_1244 : vector<16xi32>
        %mul3A_1246 = arith.constant 16 : i32
        %mul3A_1247 = arith.muli %scan3A_1166, %mul3A_1246 : i32
        %add3A_1248 = arith.constant 256 : i32
        %add3A_1249 = arith.addi %add3A_1248, %mul3A_1247 : i32
        %swap3A_1250 = arith.index_cast %add3A_1249 : i32 to index
        %swap3A_1251 = tpu.vector_load %arg15[%swap3A_1250] {strides = array<i32>} : memref<8192xi32, #tpu.memory_space<vmem>>, vector<16xi32>,
        tpu.vector_store %arg15[%swap3A_1250], %add3A_1245 {strides = array<i32>} : memref<8192xi32, #tpu.memory_space<vmem>>, vector<16xi32>,
        %add3A_1252 = arith.constant 2 : i32
        %add3A_1253 = vector.broadcast %add3A_1252 : i32 to vector<16xi32>
        %add3A_1254 = arith.addi %add3A_1200, %add3A_1253 : vector<16xi32>
        %shift_right_arithmetic3A_1255 = arith.constant 3 : i32
        %shift_right_arithmetic3A_1256 = vector.broadcast %shift_right_arithmetic3A_1255 : i32 to vector<16xi32>
        %shift_right_arithmetic3A_1257 = arith.shrsi %add3A_1254, %shift_right_arithmetic3A_1256 : vector<16xi32>
        %add3A_1258 = arith.constant 32 : i32
        %add3A_1259 = vector.broadcast %add3A_1258 : i32 to vector<16xi32>
        %add3A_1260 = arith.addi %shift_right_arithmetic3A_1257, %add3A_1259 : vector<16xi32>
        %mul3A_1261 = arith.constant 16 : i32
        %mul3A_1262 = arith.muli %scan3A_1166, %mul3A_1261 : i32
        %add3A_1263 = arith.constant 1280 : i32
        %add3A_1264 = arith.addi %add3A_1263, %mul3A_1262 : i32
        %swap3A_1265 = arith.index_cast %add3A_1264 : i32 to index
        %swap3A_1266 = tpu.vector_load %arg15[%swap3A_1265] {strides = array<i32>} : memref<8192xi32, #tpu.memory_space<vmem>>, vector<16xi32>,
        tpu.vector_store %arg15[%swap3A_1265], %add3A_1260 {strides = array<i32>} : memref<8192xi32, #tpu.memory_space<vmem>>, vector<16xi32>,
        %add3A_1267 = arith.constant 2 : i32
        %add3A_1268 = vector.broadcast %add3A_1267 : i32 to vector<16xi32>
        %add3A_1269 = arith.addi %add3A_1200, %add3A_1268 : vector<16xi32>
        %shift_right_arithmetic3A_1270 = arith.constant 3 : i32
        %shift_right_arithmetic3A_1271 = vector.broadcast %shift_right_arithmetic3A_1270 : i32 to vector<16xi32>
        %shift_right_arithmetic3A_1272 = arith.shrsi %add3A_1269, %shift_right_arithmetic3A_1271 : vector<16xi32>
        %add3A_1273 = arith.constant 64 : i32
        %add3A_1274 = vector.broadcast %add3A_1273 : i32 to vector<16xi32>
        %add3A_1275 = arith.addi %shift_right_arithmetic3A_1272, %add3A_1274 : vector<16xi32>
        %mul3A_1276 = arith.constant 16 : i32
        %mul3A_1277 = arith.muli %scan3A_1166, %mul3A_1276 : i32
        %add3A_1278 = arith.constant 512 : i32
        %add3A_1279 = arith.addi %add3A_1278, %mul3A_1277 : i32
        %swap3A_1280 = arith.index_cast %add3A_1279 : i32 to index
        %swap3A_1281 = tpu.vector_load %arg15[%swap3A_1280] {strides = array<i32>} : memref<8192xi32, #tpu.memory_space<vmem>>, vector<16xi32>,
        tpu.vector_store %arg15[%swap3A_1280], %add3A_1275 {strides = array<i32>} : memref<8192xi32, #tpu.memory_space<vmem>>, vector<16xi32>,
        %add3A_1282 = arith.constant 3 : i32
        %add3A_1283 = vector.broadcast %add3A_1282 : i32 to vector<16xi32>
        %add3A_1284 = arith.addi %add3A_1200, %add3A_1283 : vector<16xi32>
        %shift_right_arithmetic3A_1285 = arith.constant 3 : i32
        %shift_right_arithmetic3A_1286 = vector.broadcast %shift_right_arithmetic3A_1285 : i32 to vector<16xi32>
        %shift_right_arithmetic3A_1287 = arith.shrsi %add3A_1284, %shift_right_arithmetic3A_1286 : vector<16xi32>
        %add3A_1288 = arith.constant 64 : i32
        %add3A_1289 = vector.broadcast %add3A_1288 : i32 to vector<16xi32>
        %add3A_1290 = arith.addi %shift_right_arithmetic3A_1287, %add3A_1289 : vector<16xi32>
        %mul3A_1291 = arith.constant 16 : i32
        %mul3A_1292 = arith.muli %scan3A_1166, %mul3A_1291 : i32
        %add3A_1293 = arith.constant 1536 : i32
        %add3A_1294 = arith.addi %add3A_1293, %mul3A_1292 : i32
        %swap3A_1295 = arith.index_cast %add3A_1294 : i32 to index
        %swap3A_1296 = tpu.vector_load %arg15[%swap3A_1295] {strides = array<i32>} : memref<8192xi32, #tpu.memory_space<vmem>>, vector<16xi32>,
        tpu.vector_store %arg15[%swap3A_1295], %add3A_1290 {strides = array<i32>} : memref<8192xi32, #tpu.memory_space<vmem>>, vector<16xi32>,
        %add3A_1297 = arith.constant 3 : i32
        %add3A_1298 = vector.broadcast %add3A_1297 : i32 to vector<16xi32>
        %add3A_1299 = arith.addi %add3A_1200, %add3A_1298 : vector<16xi32>
        %shift_right_arithmetic3A_1300 = arith.constant 3 : i32
        %shift_right_arithmetic3A_1301 = vector.broadcast %shift_right_arithmetic3A_1300 : i32 to vector<16xi32>
        %shift_right_arithmetic3A_1302 = arith.shrsi %add3A_1299, %shift_right_arithmetic3A_1301 : vector<16xi32>
        %add3A_1303 = arith.constant 96 : i32
        %add3A_1304 = vector.broadcast %add3A_1303 : i32 to vector<16xi32>
        %add3A_1305 = arith.addi %shift_right_arithmetic3A_1302, %add3A_1304 : vector<16xi32>
        %mul3A_1306 = arith.constant 16 : i32
        %mul3A_1307 = arith.muli %scan3A_1166, %mul3A_1306 : i32
        %add3A_1308 = arith.constant 768 : i32
        %add3A_1309 = arith.addi %add3A_1308, %mul3A_1307 : i32
        %swap3A_1310 = arith.index_cast %add3A_1309 : i32 to index
        %swap3A_1311 = tpu.vector_load %arg15[%swap3A_1310] {strides = array<i32>} : memref<8192xi32, #tpu.memory_space<vmem>>, vector<16xi32>,
        tpu.vector_store %arg15[%swap3A_1310], %add3A_1305 {strides = array<i32>} : memref<8192xi32, #tpu.memory_space<vmem>>, vector<16xi32>,
        %add3A_1312 = arith.constant 4 : i32
        %add3A_1313 = vector.broadcast %add3A_1312 : i32 to vector<16xi32>
        %add3A_1314 = arith.addi %add3A_1200, %add3A_1313 : vector<16xi32>
        %shift_right_arithmetic3A_1315 = arith.constant 3 : i32
        %shift_right_arithmetic3A_1316 = vector.broadcast %shift_right_arithmetic3A_1315 : i32 to vector<16xi32>
        %shift_right_arithmetic3A_1317 = arith.shrsi %add3A_1314, %shift_right_arithmetic3A_1316 : vector<16xi32>
        %add3A_1318 = arith.constant 96 : i32
        %add3A_1319 = vector.broadcast %add3A_1318 : i32 to vector<16xi32>
        %add3A_1320 = arith.addi %shift_right_arithmetic3A_1317, %add3A_1319 : vector<16xi32>
        %mul3A_1321 = arith.constant 16 : i32
        %mul3A_1322 = arith.muli %scan3A_1166, %mul3A_1321 : i32
        %add3A_1323 = arith.constant 1792 : i32
        %add3A_1324 = arith.addi %add3A_1323, %mul3A_1322 : i32
        %swap3A_1325 = arith.index_cast %add3A_1324 : i32 to index
        %swap3A_1326 = tpu.vector_load %arg15[%swap3A_1325] {strides = array<i32>} : memref<8192xi32, #tpu.memory_space<vmem>>, vector<16xi32>,
        tpu.vector_store %arg15[%swap3A_1325], %add3A_1320 {strides = array<i32>} : memref<8192xi32, #tpu.memory_space<vmem>>, vector<16xi32>,
        %add3A_1327 = arith.constant 1 : i32
        %add3A_1328 = vector.broadcast %add3A_1327 : i32 to vector<16xi32>
        %add3A_1329 = arith.addi %add3A_1193, %add3A_1328 : vector<16xi32>
        %mul3A_1330 = arith.constant 1028 : i32
        %mul3A_1331 = vector.broadcast %mul3A_1330 : i32 to vector<16xi32>
        %mul3A_1332 = arith.muli %add3A_1329, %mul3A_1331 : vector<16xi32>
        %add3A_1333 = arith.addi %mul3A_1332, %convert_element_type3A_1177 : vector<16xi32>
        %mul3A_1334 = arith.constant 16 : i32
        %mul3A_1335 = arith.muli %scan3A_1166, %mul3A_1334 : i32
        %add3A_1336 = arith.constant 256 : i32
        %add3A_1337 = arith.addi %add3A_1336, %mul3A_1335 : i32
        %swap3A_1338 = arith.index_cast %add3A_1337 : i32 to index
        %swap3A_1339 = tpu.vector_load %arg14[%swap3A_1338] {strides = array<i32>} : memref<1024xi32, #tpu.memory_space<vmem>>, vector<16xi32>,
        tpu.vector_store %arg14[%swap3A_1338], %add3A_1333 {strides = array<i32>} : memref<1024xi32, #tpu.memory_space<vmem>>, vector<16xi32>,
        %add3A_1340 = arith.constant 0 : i32
        %add3A_1341 = vector.broadcast %add3A_1340 : i32 to vector<16xi32>
        %add3A_1342 = arith.addi %add3A_1333, %add3A_1341 : vector<16xi32>
        %shift_right_arithmetic3A_1343 = arith.constant 3 : i32
        %shift_right_arithmetic3A_1344 = vector.broadcast %shift_right_arithmetic3A_1343 : i32 to vector<16xi32>
        %shift_right_arithmetic3A_1345 = arith.shrsi %add3A_1342, %shift_right_arithmetic3A_1344 : vector<16xi32>
        %add3A_1346 = arith.constant 0 : i32
        %add3A_1347 = vector.broadcast %add3A_1346 : i32 to vector<16xi32>
        %add3A_1348 = arith.addi %shift_right_arithmetic3A_1345, %add3A_1347 : vector<16xi32>
        %mul3A_1349 = arith.constant 16 : i32
        %mul3A_1350 = arith.muli %scan3A_1166, %mul3A_1349 : i32
        %add3A_1351 = arith.constant 2048 : i32
        %add3A_1352 = arith.addi %add3A_1351, %mul3A_1350 : i32
        %swap3A_1353 = arith.index_cast %add3A_1352 : i32 to index
        %swap3A_1354 = tpu.vector_load %arg15[%swap3A_1353] {strides = array<i32>} : memref<8192xi32, #tpu.memory_space<vmem>>, vector<16xi32>,
        tpu.vector_store %arg15[%swap3A_1353], %add3A_1348 {strides = array<i32>} : memref<8192xi32, #tpu.memory_space<vmem>>, vector<16xi32>,
        %add3A_1355 = arith.constant 1 : i32
        %add3A_1356 = vector.broadcast %add3A_1355 : i32 to vector<16xi32>
        %add3A_1357 = arith.addi %add3A_1333, %add3A_1356 : vector<16xi32>
        %shift_right_arithmetic3A_1358 = arith.constant 3 : i32
        %shift_right_arithmetic3A_1359 = vector.broadcast %shift_right_arithmetic3A_1358 : i32 to vector<16xi32>
        %shift_right_arithmetic3A_1360 = arith.shrsi %add3A_1357, %shift_right_arithmetic3A_1359 : vector<16xi32>
        %add3A_1361 = arith.constant 0 : i32
        %add3A_1362 = vector.broadcast %add3A_1361 : i32 to vector<16xi32>
        %add3A_1363 = arith.addi %shift_right_arithmetic3A_1360, %add3A_1362 : vector<16xi32>
        %mul3A_1364 = arith.constant 16 : i32
        %mul3A_1365 = arith.muli %scan3A_1166, %mul3A_1364 : i32
        %add3A_1366 = arith.constant 3072 : i32
        %add3A_1367 = arith.addi %add3A_1366, %mul3A_1365 : i32
        %swap3A_1368 = arith.index_cast %add3A_1367 : i32 to index
        %swap3A_1369 = tpu.vector_load %arg15[%swap3A_1368] {strides = array<i32>} : memref<8192xi32, #tpu.memory_space<vmem>>, vector<16xi32>,
        tpu.vector_store %arg15[%swap3A_1368], %add3A_1363 {strides = array<i32>} : memref<8192xi32, #tpu.memory_space<vmem>>, vector<16xi32>,
        %add3A_1370 = arith.constant 1 : i32
        %add3A_1371 = vector.broadcast %add3A_1370 : i32 to vector<16xi32>
        %add3A_1372 = arith.addi %add3A_1333, %add3A_1371 : vector<16xi32>
        %shift_right_arithmetic3A_1373 = arith.constant 3 : i32
        %shift_right_arithmetic3A_1374 = vector.broadcast %shift_right_arithmetic3A_1373 : i32 to vector<16xi32>
        %shift_right_arithmetic3A_1375 = arith.shrsi %add3A_1372, %shift_right_arithmetic3A_1374 : vector<16xi32>
        %add3A_1376 = arith.constant 32 : i32
        %add3A_1377 = vector.broadcast %add3A_1376 : i32 to vector<16xi32>
        %add3A_1378 = arith.addi %shift_right_arithmetic3A_1375, %add3A_1377 : vector<16xi32>
        %mul3A_1379 = arith.constant 16 : i32
        %mul3A_1380 = arith.muli %scan3A_1166, %mul3A_1379 : i32
        %add3A_1381 = arith.constant 2304 : i32
        %add3A_1382 = arith.addi %add3A_1381, %mul3A_1380 : i32
        %swap3A_1383 = arith.index_cast %add3A_1382 : i32 to index
        %swap3A_1384 = tpu.vector_load %arg15[%swap3A_1383] {strides = array<i32>} : memref<8192xi32, #tpu.memory_space<vmem>>, vector<16xi32>,
        tpu.vector_store %arg15[%swap3A_1383], %add3A_1378 {strides = array<i32>} : memref<8192xi32, #tpu.memory_space<vmem>>, vector<16xi32>,
        %add3A_1385 = arith.constant 2 : i32
        %add3A_1386 = vector.broadcast %add3A_1385 : i32 to vector<16xi32>
        %add3A_1387 = arith.addi %add3A_1333, %add3A_1386 : vector<16xi32>
        %shift_right_arithmetic3A_1388 = arith.constant 3 : i32
        %shift_right_arithmetic3A_1389 = vector.broadcast %shift_right_arithmetic3A_1388 : i32 to vector<16xi32>
        %shift_right_arithmetic3A_1390 = arith.shrsi %add3A_1387, %shift_right_arithmetic3A_1389 : vector<16xi32>
        %add3A_1391 = arith.constant 32 : i32
        %add3A_1392 = vector.broadcast %add3A_1391 : i32 to vector<16xi32>
        %add3A_1393 = arith.addi %shift_right_arithmetic3A_1390, %add3A_1392 : vector<16xi32>
        %mul3A_1394 = arith.constant 16 : i32
        %mul3A_1395 = arith.muli %scan3A_1166, %mul3A_1394 : i32
        %add3A_1396 = arith.constant 3328 : i32
        %add3A_1397 = arith.addi %add3A_1396, %mul3A_1395 : i32
        %swap3A_1398 = arith.index_cast %add3A_1397 : i32 to index
        %swap3A_1399 = tpu.vector_load %arg15[%swap3A_1398] {strides = array<i32>} : memref<8192xi32, #tpu.memory_space<vmem>>, vector<16xi32>,
        tpu.vector_store %arg15[%swap3A_1398], %add3A_1393 {strides = array<i32>} : memref<8192xi32, #tpu.memory_space<vmem>>, vector<16xi32>,
        %add3A_1400 = arith.constant 2 : i32
        %add3A_1401 = vector.broadcast %add3A_1400 : i32 to vector<16xi32>
        %add3A_1402 = arith.addi %add3A_1333, %add3A_1401 : vector<16xi32>
        %shift_right_arithmetic3A_1403 = arith.constant 3 : i32
        %shift_right_arithmetic3A_1404 = vector.broadcast %shift_right_arithmetic3A_1403 : i32 to vector<16xi32>
        %shift_right_arithmetic3A_1405 = arith.shrsi %add3A_1402, %shift_right_arithmetic3A_1404 : vector<16xi32>
        %add3A_1406 = arith.constant 64 : i32
        %add3A_1407 = vector.broadcast %add3A_1406 : i32 to vector<16xi32>
        %add3A_1408 = arith.addi %shift_right_arithmetic3A_1405, %add3A_1407 : vector<16xi32>
        %mul3A_1409 = arith.constant 16 : i32
        %mul3A_1410 = arith.muli %scan3A_1166, %mul3A_1409 : i32
        %add3A_1411 = arith.constant 2560 : i32
        %add3A_1412 = arith.addi %add3A_1411, %mul3A_1410 : i32
        %swap3A_1413 = arith.index_cast %add3A_1412 : i32 to index
        %swap3A_1414 = tpu.vector_load %arg15[%swap3A_1413] {strides = array<i32>} : memref<8192xi32, #tpu.memory_space<vmem>>, vector<16xi32>,
        tpu.vector_store %arg15[%swap3A_1413], %add3A_1408 {strides = array<i32>} : memref<8192xi32, #tpu.memory_space<vmem>>, vector<16xi32>,
        %add3A_1415 = arith.constant 3 : i32
        %add3A_1416 = vector.broadcast %add3A_1415 : i32 to vector<16xi32>
        %add3A_1417 = arith.addi %add3A_1333, %add3A_1416 : vector<16xi32>
        %shift_right_arithmetic3A_1418 = arith.constant 3 : i32
        %shift_right_arithmetic3A_1419 = vector.broadcast %shift_right_arithmetic3A_1418 : i32 to vector<16xi32>
        %shift_right_arithmetic3A_1420 = arith.shrsi %add3A_1417, %shift_right_arithmetic3A_1419 : vector<16xi32>
        %add3A_1421 = arith.constant 64 : i32
        %add3A_1422 = vector.broadcast %add3A_1421 : i32 to vector<16xi32>
        %add3A_1423 = arith.addi %shift_right_arithmetic3A_1420, %add3A_1422 : vector<16xi32>
        %mul3A_1424 = arith.constant 16 : i32
        %mul3A_1425 = arith.muli %scan3A_1166, %mul3A_1424 : i32
        %add3A_1426 = arith.constant 3584 : i32
        %add3A_1427 = arith.addi %add3A_1426, %mul3A_1425 : i32
        %swap3A_1428 = arith.index_cast %add3A_1427 : i32 to index
        %swap3A_1429 = tpu.vector_load %arg15[%swap3A_1428] {strides = array<i32>} : memref<8192xi32, #tpu.memory_space<vmem>>, vector<16xi32>,
        tpu.vector_store %arg15[%swap3A_1428], %add3A_1423 {strides = array<i32>} : memref<8192xi32, #tpu.memory_space<vmem>>, vector<16xi32>,
        %add3A_1430 = arith.constant 3 : i32
        %add3A_1431 = vector.broadcast %add3A_1430 : i32 to vector<16xi32>
        %add3A_1432 = arith.addi %add3A_1333, %add3A_1431 : vector<16xi32>
        %shift_right_arithmetic3A_1433 = arith.constant 3 : i32
        %shift_right_arithmetic3A_1434 = vector.broadcast %shift_right_arithmetic3A_1433 : i32 to vector<16xi32>
        %shift_right_arithmetic3A_1435 = arith.shrsi %add3A_1432, %shift_right_arithmetic3A_1434 : vector<16xi32>
        %add3A_1436 = arith.constant 96 : i32
        %add3A_1437 = vector.broadcast %add3A_1436 : i32 to vector<16xi32>
        %add3A_1438 = arith.addi %shift_right_arithmetic3A_1435, %add3A_1437 : vector<16xi32>
        %mul3A_1439 = arith.constant 16 : i32
        %mul3A_1440 = arith.muli %scan3A_1166, %mul3A_1439 : i32
        %add3A_1441 = arith.constant 2816 : i32
        %add3A_1442 = arith.addi %add3A_1441, %mul3A_1440 : i32
        %swap3A_1443 = arith.index_cast %add3A_1442 : i32 to index
        %swap3A_1444 = tpu.vector_load %arg15[%swap3A_1443] {strides = array<i32>} : memref<8192xi32, #tpu.memory_space<vmem>>, vector<16xi32>,
        tpu.vector_store %arg15[%swap3A_1443], %add3A_1438 {strides = array<i32>} : memref<8192xi32, #tpu.memory_space<vmem>>, vector<16xi32>,
        %add3A_1445 = arith.constant 4 : i32
        %add3A_1446 = vector.broadcast %add3A_1445 : i32 to vector<16xi32>
        %add3A_1447 = arith.addi %add3A_1333, %add3A_1446 : vector<16xi32>
        %shift_right_arithmetic3A_1448 = arith.constant 3 : i32
        %shift_right_arithmetic3A_1449 = vector.broadcast %shift_right_arithmetic3A_1448 : i32 to vector<16xi32>
        %shift_right_arithmetic3A_1450 = arith.shrsi %add3A_1447, %shift_right_arithmetic3A_1449 : vector<16xi32>
        %add3A_1451 = arith.constant 96 : i32
        %add3A_1452 = vector.broadcast %add3A_1451 : i32 to vector<16xi32>
        %add3A_1453 = arith.addi %shift_right_arithmetic3A_1450, %add3A_1452 : vector<16xi32>
        %mul3A_1454 = arith.constant 16 : i32
        %mul3A_1455 = arith.muli %scan3A_1166, %mul3A_1454 : i32
        %add3A_1456 = arith.constant 3840 : i32
        %add3A_1457 = arith.addi %add3A_1456, %mul3A_1455 : i32
        %swap3A_1458 = arith.index_cast %add3A_1457 : i32 to index
        %swap3A_1459 = tpu.vector_load %arg15[%swap3A_1458] {strides = array<i32>} : memref<8192xi32, #tpu.memory_space<vmem>>, vector<16xi32>,
        tpu.vector_store %arg15[%swap3A_1458], %add3A_1453 {strides = array<i32>} : memref<8192xi32, #tpu.memory_space<vmem>>, vector<16xi32>,
        %add3A_1460 = arith.constant 257 : i32
        %add3A_1461 = vector.broadcast %add3A_1460 : i32 to vector<16xi32>
        %add3A_1462 = arith.addi %add3A_1193, %add3A_1461 : vector<16xi32>
        %mul3A_1463 = arith.constant 1028 : i32
        %mul3A_1464 = vector.broadcast %mul3A_1463 : i32 to vector<16xi32>
        %mul3A_1465 = arith.muli %add3A_1462, %mul3A_1464 : vector<16xi32>
        %add3A_1466 = arith.addi %mul3A_1465, %convert_element_type3A_1177 : vector<16xi32>
        %mul3A_1467 = arith.constant 16 : i32
        %mul3A_1468 = arith.muli %scan3A_1166, %mul3A_1467 : i32
        %add3A_1469 = arith.constant 512 : i32
        %add3A_1470 = arith.addi %add3A_1469, %mul3A_1468 : i32
        %swap3A_1471 = arith.index_cast %add3A_1470 : i32 to index
        %swap3A_1472 = tpu.vector_load %arg14[%swap3A_1471] {strides = array<i32>} : memref<1024xi32, #tpu.memory_space<vmem>>, vector<16xi32>,
        tpu.vector_store %arg14[%swap3A_1471], %add3A_1466 {strides = array<i32>} : memref<1024xi32, #tpu.memory_space<vmem>>, vector<16xi32>,
        %add3A_1473 = arith.constant 0 : i32
        %add3A_1474 = vector.broadcast %add3A_1473 : i32 to vector<16xi32>
        %add3A_1475 = arith.addi %add3A_1466, %add3A_1474 : vector<16xi32>
        %shift_right_arithmetic3A_1476 = arith.constant 3 : i32
        %shift_right_arithmetic3A_1477 = vector.broadcast %shift_right_arithmetic3A_1476 : i32 to vector<16xi32>
        %shift_right_arithmetic3A_1478 = arith.shrsi %add3A_1475, %shift_right_arithmetic3A_1477 : vector<16xi32>
        %add3A_1479 = arith.constant 0 : i32
        %add3A_1480 = vector.broadcast %add3A_1479 : i32 to vector<16xi32>
        %add3A_1481 = arith.addi %shift_right_arithmetic3A_1478, %add3A_1480 : vector<16xi32>
        %mul3A_1482 = arith.constant 16 : i32
        %mul3A_1483 = arith.muli %scan3A_1166, %mul3A_1482 : i32
        %add3A_1484 = arith.constant 4096 : i32
        %add3A_1485 = arith.addi %add3A_1484, %mul3A_1483 : i32
        %swap3A_1486 = arith.index_cast %add3A_1485 : i32 to index
        %swap3A_1487 = tpu.vector_load %arg15[%swap3A_1486] {strides = array<i32>} : memref<8192xi32, #tpu.memory_space<vmem>>, vector<16xi32>,
        tpu.vector_store %arg15[%swap3A_1486], %add3A_1481 {strides = array<i32>} : memref<8192xi32, #tpu.memory_space<vmem>>, vector<16xi32>,
        %add3A_1488 = arith.constant 1 : i32
        %add3A_1489 = vector.broadcast %add3A_1488 : i32 to vector<16xi32>
        %add3A_1490 = arith.addi %add3A_1466, %add3A_1489 : vector<16xi32>
        %shift_right_arithmetic3A_1491 = arith.constant 3 : i32
        %shift_right_arithmetic3A_1492 = vector.broadcast %shift_right_arithmetic3A_1491 : i32 to vector<16xi32>
        %shift_right_arithmetic3A_1493 = arith.shrsi %add3A_1490, %shift_right_arithmetic3A_1492 : vector<16xi32>
        %add3A_1494 = arith.constant 0 : i32
        %add3A_1495 = vector.broadcast %add3A_1494 : i32 to vector<16xi32>
        %add3A_1496 = arith.addi %shift_right_arithmetic3A_1493, %add3A_1495 : vector<16xi32>
        %mul3A_1497 = arith.constant 16 : i32
        %mul3A_1498 = arith.muli %scan3A_1166, %mul3A_1497 : i32
        %add3A_1499 = arith.constant 5120 : i32
        %add3A_1500 = arith.addi %add3A_1499, %mul3A_1498 : i32
        %swap3A_1501 = arith.index_cast %add3A_1500 : i32 to index
        %swap3A_1502 = tpu.vector_load %arg15[%swap3A_1501] {strides = array<i32>} : memref<8192xi32, #tpu.memory_space<vmem>>, vector<16xi32>,
        tpu.vector_store %arg15[%swap3A_1501], %add3A_1496 {strides = array<i32>} : memref<8192xi32, #tpu.memory_space<vmem>>, vector<16xi32>,
        %add3A_1503 = arith.constant 1 : i32
        %add3A_1504 = vector.broadcast %add3A_1503 : i32 to vector<16xi32>
        %add3A_1505 = arith.addi %add3A_1466, %add3A_1504 : vector<16xi32>
        %shift_right_arithmetic3A_1506 = arith.constant 3 : i32
        %shift_right_arithmetic3A_1507 = vector.broadcast %shift_right_arithmetic3A_1506 : i32 to vector<16xi32>
        %shift_right_arithmetic3A_1508 = arith.shrsi %add3A_1505, %shift_right_arithmetic3A_1507 : vector<16xi32>
        %add3A_1509 = arith.constant 32 : i32
        %add3A_1510 = vector.broadcast %add3A_1509 : i32 to vector<16xi32>
        %add3A_1511 = arith.addi %shift_right_arithmetic3A_1508, %add3A_1510 : vector<16xi32>
        %mul3A_1512 = arith.constant 16 : i32
        %mul3A_1513 = arith.muli %scan3A_1166, %mul3A_1512 : i32
        %add3A_1514 = arith.constant 4352 : i32
        %add3A_1515 = arith.addi %add3A_1514, %mul3A_1513 : i32
        %swap3A_1516 = arith.index_cast %add3A_1515 : i32 to index
        %swap3A_1517 = tpu.vector_load %arg15[%swap3A_1516] {strides = array<i32>} : memref<8192xi32, #tpu.memory_space<vmem>>, vector<16xi32>,
        tpu.vector_store %arg15[%swap3A_1516], %add3A_1511 {strides = array<i32>} : memref<8192xi32, #tpu.memory_space<vmem>>, vector<16xi32>,
        %add3A_1518 = arith.constant 2 : i32
        %add3A_1519 = vector.broadcast %add3A_1518 : i32 to vector<16xi32>
        %add3A_1520 = arith.addi %add3A_1466, %add3A_1519 : vector<16xi32>
        %shift_right_arithmetic3A_1521 = arith.constant 3 : i32
        %shift_right_arithmetic3A_1522 = vector.broadcast %shift_right_arithmetic3A_1521 : i32 to vector<16xi32>
        %shift_right_arithmetic3A_1523 = arith.shrsi %add3A_1520, %shift_right_arithmetic3A_1522 : vector<16xi32>
        %add3A_1524 = arith.constant 32 : i32
        %add3A_1525 = vector.broadcast %add3A_1524 : i32 to vector<16xi32>
        %add3A_1526 = arith.addi %shift_right_arithmetic3A_1523, %add3A_1525 : vector<16xi32>
        %mul3A_1527 = arith.constant 16 : i32
        %mul3A_1528 = arith.muli %scan3A_1166, %mul3A_1527 : i32
        %add3A_1529 = arith.constant 5376 : i32
        %add3A_1530 = arith.addi %add3A_1529, %mul3A_1528 : i32
        %swap3A_1531 = arith.index_cast %add3A_1530 : i32 to index
        %swap3A_1532 = tpu.vector_load %arg15[%swap3A_1531] {strides = array<i32>} : memref<8192xi32, #tpu.memory_space<vmem>>, vector<16xi32>,
        tpu.vector_store %arg15[%swap3A_1531], %add3A_1526 {strides = array<i32>} : memref<8192xi32, #tpu.memory_space<vmem>>, vector<16xi32>,
        %add3A_1533 = arith.constant 2 : i32
        %add3A_1534 = vector.broadcast %add3A_1533 : i32 to vector<16xi32>
        %add3A_1535 = arith.addi %add3A_1466, %add3A_1534 : vector<16xi32>
        %shift_right_arithmetic3A_1536 = arith.constant 3 : i32
        %shift_right_arithmetic3A_1537 = vector.broadcast %shift_right_arithmetic3A_1536 : i32 to vector<16xi32>
        %shift_right_arithmetic3A_1538 = arith.shrsi %add3A_1535, %shift_right_arithmetic3A_1537 : vector<16xi32>
        %add3A_1539 = arith.constant 64 : i32
        %add3A_1540 = vector.broadcast %add3A_1539 : i32 to vector<16xi32>
        %add3A_1541 = arith.addi %shift_right_arithmetic3A_1538, %add3A_1540 : vector<16xi32>
        %mul3A_1542 = arith.constant 16 : i32
        %mul3A_1543 = arith.muli %scan3A_1166, %mul3A_1542 : i32
        %add3A_1544 = arith.constant 4608 : i32
        %add3A_1545 = arith.addi %add3A_1544, %mul3A_1543 : i32
        %swap3A_1546 = arith.index_cast %add3A_1545 : i32 to index
        %swap3A_1547 = tpu.vector_load %arg15[%swap3A_1546] {strides = array<i32>} : memref<8192xi32, #tpu.memory_space<vmem>>, vector<16xi32>,
        tpu.vector_store %arg15[%swap3A_1546], %add3A_1541 {strides = array<i32>} : memref<8192xi32, #tpu.memory_space<vmem>>, vector<16xi32>,
        %add3A_1548 = arith.constant 3 : i32
        %add3A_1549 = vector.broadcast %add3A_1548 : i32 to vector<16xi32>
        %add3A_1550 = arith.addi %add3A_1466, %add3A_1549 : vector<16xi32>
        %shift_right_arithmetic3A_1551 = arith.constant 3 : i32
        %shift_right_arithmetic3A_1552 = vector.broadcast %shift_right_arithmetic3A_1551 : i32 to vector<16xi32>
        %shift_right_arithmetic3A_1553 = arith.shrsi %add3A_1550, %shift_right_arithmetic3A_1552 : vector<16xi32>
        %add3A_1554 = arith.constant 64 : i32
        %add3A_1555 = vector.broadcast %add3A_1554 : i32 to vector<16xi32>
        %add3A_1556 = arith.addi %shift_right_arithmetic3A_1553, %add3A_1555 : vector<16xi32>
        %mul3A_1557 = arith.constant 16 : i32
        %mul3A_1558 = arith.muli %scan3A_1166, %mul3A_1557 : i32
        %add3A_1559 = arith.constant 5632 : i32
        %add3A_1560 = arith.addi %add3A_1559, %mul3A_1558 : i32
        %swap3A_1561 = arith.index_cast %add3A_1560 : i32 to index
        %swap3A_1562 = tpu.vector_load %arg15[%swap3A_1561] {strides = array<i32>} : memref<8192xi32, #tpu.memory_space<vmem>>, vector<16xi32>,
        tpu.vector_store %arg15[%swap3A_1561], %add3A_1556 {strides = array<i32>} : memref<8192xi32, #tpu.memory_space<vmem>>, vector<16xi32>,
        %add3A_1563 = arith.constant 3 : i32
        %add3A_1564 = vector.broadcast %add3A_1563 : i32 to vector<16xi32>
        %add3A_1565 = arith.addi %add3A_1466, %add3A_1564 : vector<16xi32>
        %shift_right_arithmetic3A_1566 = arith.constant 3 : i32
        %shift_right_arithmetic3A_1567 = vector.broadcast %shift_right_arithmetic3A_1566 : i32 to vector<16xi32>
        %shift_right_arithmetic3A_1568 = arith.shrsi %add3A_1565, %shift_right_arithmetic3A_1567 : vector<16xi32>
        %add3A_1569 = arith.constant 96 : i32
        %add3A_1570 = vector.broadcast %add3A_1569 : i32 to vector<16xi32>
        %add3A_1571 = arith.addi %shift_right_arithmetic3A_1568, %add3A_1570 : vector<16xi32>
        %mul3A_1572 = arith.constant 16 : i32
        %mul3A_1573 = arith.muli %scan3A_1166, %mul3A_1572 : i32
        %add3A_1574 = arith.constant 4864 : i32
        %add3A_1575 = arith.addi %add3A_1574, %mul3A_1573 : i32
        %swap3A_1576 = arith.index_cast %add3A_1575 : i32 to index
        %swap3A_1577 = tpu.vector_load %arg15[%swap3A_1576] {strides = array<i32>} : memref<8192xi32, #tpu.memory_space<vmem>>, vector<16xi32>,
        tpu.vector_store %arg15[%swap3A_1576], %add3A_1571 {strides = array<i32>} : memref<8192xi32, #tpu.memory_space<vmem>>, vector<16xi32>,
        %add3A_1578 = arith.constant 4 : i32
        %add3A_1579 = vector.broadcast %add3A_1578 : i32 to vector<16xi32>
        %add3A_1580 = arith.addi %add3A_1466, %add3A_1579 : vector<16xi32>
        %shift_right_arithmetic3A_1581 = arith.constant 3 : i32
        %shift_right_arithmetic3A_1582 = vector.broadcast %shift_right_arithmetic3A_1581 : i32 to vector<16xi32>
        %shift_right_arithmetic3A_1583 = arith.shrsi %add3A_1580, %shift_right_arithmetic3A_1582 : vector<16xi32>
        %add3A_1584 = arith.constant 96 : i32
        %add3A_1585 = vector.broadcast %add3A_1584 : i32 to vector<16xi32>
        %add3A_1586 = arith.addi %shift_right_arithmetic3A_1583, %add3A_1585 : vector<16xi32>
        %mul3A_1587 = arith.constant 16 : i32
        %mul3A_1588 = arith.muli %scan3A_1166, %mul3A_1587 : i32
        %add3A_1589 = arith.constant 5888 : i32
        %add3A_1590 = arith.addi %add3A_1589, %mul3A_1588 : i32
        %swap3A_1591 = arith.index_cast %add3A_1590 : i32 to index
        %swap3A_1592 = tpu.vector_load %arg15[%swap3A_1591] {strides = array<i32>} : memref<8192xi32, #tpu.memory_space<vmem>>, vector<16xi32>,
        tpu.vector_store %arg15[%swap3A_1591], %add3A_1586 {strides = array<i32>} : memref<8192xi32, #tpu.memory_space<vmem>>, vector<16xi32>,
        %add3A_1593 = arith.constant 258 : i32
        %add3A_1594 = vector.broadcast %add3A_1593 : i32 to vector<16xi32>
        %add3A_1595 = arith.addi %add3A_1193, %add3A_1594 : vector<16xi32>
        %mul3A_1596 = arith.constant 1028 : i32
        %mul3A_1597 = vector.broadcast %mul3A_1596 : i32 to vector<16xi32>
        %mul3A_1598 = arith.muli %add3A_1595, %mul3A_1597 : vector<16xi32>
        %add3A_1599 = arith.addi %mul3A_1598, %convert_element_type3A_1177 : vector<16xi32>
        %mul3A_1600 = arith.constant 16 : i32
        %mul3A_1601 = arith.muli %scan3A_1166, %mul3A_1600 : i32
        %add3A_1602 = arith.constant 768 : i32
        %add3A_1603 = arith.addi %add3A_1602, %mul3A_1601 : i32
        %swap3A_1604 = arith.index_cast %add3A_1603 : i32 to index
        %swap3A_1605 = tpu.vector_load %arg14[%swap3A_1604] {strides = array<i32>} : memref<1024xi32, #tpu.memory_space<vmem>>, vector<16xi32>,
        tpu.vector_store %arg14[%swap3A_1604], %add3A_1599 {strides = array<i32>} : memref<1024xi32, #tpu.memory_space<vmem>>, vector<16xi32>,
        %add3A_1606 = arith.constant 0 : i32
        %add3A_1607 = vector.broadcast %add3A_1606 : i32 to vector<16xi32>
        %add3A_1608 = arith.addi %add3A_1599, %add3A_1607 : vector<16xi32>
        %shift_right_arithmetic3A_1609 = arith.constant 3 : i32
        %shift_right_arithmetic3A_1610 = vector.broadcast %shift_right_arithmetic3A_1609 : i32 to vector<16xi32>
        %shift_right_arithmetic3A_1611 = arith.shrsi %add3A_1608, %shift_right_arithmetic3A_1610 : vector<16xi32>
        %add3A_1612 = arith.constant 0 : i32
        %add3A_1613 = vector.broadcast %add3A_1612 : i32 to vector<16xi32>
        %add3A_1614 = arith.addi %shift_right_arithmetic3A_1611, %add3A_1613 : vector<16xi32>
        %mul3A_1615 = arith.constant 16 : i32
        %mul3A_1616 = arith.muli %scan3A_1166, %mul3A_1615 : i32
        %add3A_1617 = arith.constant 6144 : i32
        %add3A_1618 = arith.addi %add3A_1617, %mul3A_1616 : i32
        %swap3A_1619 = arith.index_cast %add3A_1618 : i32 to index
        %swap3A_1620 = tpu.vector_load %arg15[%swap3A_1619] {strides = array<i32>} : memref<8192xi32, #tpu.memory_space<vmem>>, vector<16xi32>,
        tpu.vector_store %arg15[%swap3A_1619], %add3A_1614 {strides = array<i32>} : memref<8192xi32, #tpu.memory_space<vmem>>, vector<16xi32>,
        %add3A_1621 = arith.constant 1 : i32
        %add3A_1622 = vector.broadcast %add3A_1621 : i32 to vector<16xi32>
        %add3A_1623 = arith.addi %add3A_1599, %add3A_1622 : vector<16xi32>
        %shift_right_arithmetic3A_1624 = arith.constant 3 : i32
        %shift_right_arithmetic3A_1625 = vector.broadcast %shift_right_arithmetic3A_1624 : i32 to vector<16xi32>
        %shift_right_arithmetic3A_1626 = arith.shrsi %add3A_1623, %shift_right_arithmetic3A_1625 : vector<16xi32>
        %add3A_1627 = arith.constant 0 : i32
        %add3A_1628 = vector.broadcast %add3A_1627 : i32 to vector<16xi32>
        %add3A_1629 = arith.addi %shift_right_arithmetic3A_1626, %add3A_1628 : vector<16xi32>
        %mul3A_1630 = arith.constant 16 : i32
        %mul3A_1631 = arith.muli %scan3A_1166, %mul3A_1630 : i32
        %add3A_1632 = arith.constant 7168 : i32
        %add3A_1633 = arith.addi %add3A_1632, %mul3A_1631 : i32
        %swap3A_1634 = arith.index_cast %add3A_1633 : i32 to index
        %swap3A_1635 = tpu.vector_load %arg15[%swap3A_1634] {strides = array<i32>} : memref<8192xi32, #tpu.memory_space<vmem>>, vector<16xi32>,
        tpu.vector_store %arg15[%swap3A_1634], %add3A_1629 {strides = array<i32>} : memref<8192xi32, #tpu.memory_space<vmem>>, vector<16xi32>,
        %add3A_1636 = arith.constant 1 : i32
        %add3A_1637 = vector.broadcast %add3A_1636 : i32 to vector<16xi32>
        %add3A_1638 = arith.addi %add3A_1599, %add3A_1637 : vector<16xi32>
        %shift_right_arithmetic3A_1639 = arith.constant 3 : i32
        %shift_right_arithmetic3A_1640 = vector.broadcast %shift_right_arithmetic3A_1639 : i32 to vector<16xi32>
        %shift_right_arithmetic3A_1641 = arith.shrsi %add3A_1638, %shift_right_arithmetic3A_1640 : vector<16xi32>
        %add3A_1642 = arith.constant 32 : i32
        %add3A_1643 = vector.broadcast %add3A_1642 : i32 to vector<16xi32>
        %add3A_1644 = arith.addi %shift_right_arithmetic3A_1641, %add3A_1643 : vector<16xi32>
        %mul3A_1645 = arith.constant 16 : i32
        %mul3A_1646 = arith.muli %scan3A_1166, %mul3A_1645 : i32
        %add3A_1647 = arith.constant 6400 : i32
        %add3A_1648 = arith.addi %add3A_1647, %mul3A_1646 : i32
        %swap3A_1649 = arith.index_cast %add3A_1648 : i32 to index
        %swap3A_1650 = tpu.vector_load %arg15[%swap3A_1649] {strides = array<i32>} : memref<8192xi32, #tpu.memory_space<vmem>>, vector<16xi32>,
        tpu.vector_store %arg15[%swap3A_1649], %add3A_1644 {strides = array<i32>} : memref<8192xi32, #tpu.memory_space<vmem>>, vector<16xi32>,
        %add3A_1651 = arith.constant 2 : i32
        %add3A_1652 = vector.broadcast %add3A_1651 : i32 to vector<16xi32>
        %add3A_1653 = arith.addi %add3A_1599, %add3A_1652 : vector<16xi32>
        %shift_right_arithmetic3A_1654 = arith.constant 3 : i32
        %shift_right_arithmetic3A_1655 = vector.broadcast %shift_right_arithmetic3A_1654 : i32 to vector<16xi32>
        %shift_right_arithmetic3A_1656 = arith.shrsi %add3A_1653, %shift_right_arithmetic3A_1655 : vector<16xi32>
        %add3A_1657 = arith.constant 32 : i32
        %add3A_1658 = vector.broadcast %add3A_1657 : i32 to vector<16xi32>
        %add3A_1659 = arith.addi %shift_right_arithmetic3A_1656, %add3A_1658 : vector<16xi32>
        %mul3A_1660 = arith.constant 16 : i32
        %mul3A_1661 = arith.muli %scan3A_1166, %mul3A_1660 : i32
        %add3A_1662 = arith.constant 7424 : i32
        %add3A_1663 = arith.addi %add3A_1662, %mul3A_1661 : i32
        %swap3A_1664 = arith.index_cast %add3A_1663 : i32 to index
        %swap3A_1665 = tpu.vector_load %arg15[%swap3A_1664] {strides = array<i32>} : memref<8192xi32, #tpu.memory_space<vmem>>, vector<16xi32>,
        tpu.vector_store %arg15[%swap3A_1664], %add3A_1659 {strides = array<i32>} : memref<8192xi32, #tpu.memory_space<vmem>>, vector<16xi32>,
        %add3A_1666 = arith.constant 2 : i32
        %add3A_1667 = vector.broadcast %add3A_1666 : i32 to vector<16xi32>
        %add3A_1668 = arith.addi %add3A_1599, %add3A_1667 : vector<16xi32>
        %shift_right_arithmetic3A_1669 = arith.constant 3 : i32
        %shift_right_arithmetic3A_1670 = vector.broadcast %shift_right_arithmetic3A_1669 : i32 to vector<16xi32>
        %shift_right_arithmetic3A_1671 = arith.shrsi %add3A_1668, %shift_right_arithmetic3A_1670 : vector<16xi32>
        %add3A_1672 = arith.constant 64 : i32
        %add3A_1673 = vector.broadcast %add3A_1672 : i32 to vector<16xi32>
        %add3A_1674 = arith.addi %shift_right_arithmetic3A_1671, %add3A_1673 : vector<16xi32>
        %mul3A_1675 = arith.constant 16 : i32
        %mul3A_1676 = arith.muli %scan3A_1166, %mul3A_1675 : i32
        %add3A_1677 = arith.constant 6656 : i32
        %add3A_1678 = arith.addi %add3A_1677, %mul3A_1676 : i32
        %swap3A_1679 = arith.index_cast %add3A_1678 : i32 to index
        %swap3A_1680 = tpu.vector_load %arg15[%swap3A_1679] {strides = array<i32>} : memref<8192xi32, #tpu.memory_space<vmem>>, vector<16xi32>,
        tpu.vector_store %arg15[%swap3A_1679], %add3A_1674 {strides = array<i32>} : memref<8192xi32, #tpu.memory_space<vmem>>, vector<16xi32>,
        %add3A_1681 = arith.constant 3 : i32
        %add3A_1682 = vector.broadcast %add3A_1681 : i32 to vector<16xi32>
        %add3A_1683 = arith.addi %add3A_1599, %add3A_1682 : vector<16xi32>
        %shift_right_arithmetic3A_1684 = arith.constant 3 : i32
        %shift_right_arithmetic3A_1685 = vector.broadcast %shift_right_arithmetic3A_1684 : i32 to vector<16xi32>
        %shift_right_arithmetic3A_1686 = arith.shrsi %add3A_1683, %shift_right_arithmetic3A_1685 : vector<16xi32>
        %add3A_1687 = arith.constant 64 : i32
        %add3A_1688 = vector.broadcast %add3A_1687 : i32 to vector<16xi32>
        %add3A_1689 = arith.addi %shift_right_arithmetic3A_1686, %add3A_1688 : vector<16xi32>
        %mul3A_1690 = arith.constant 16 : i32
        %mul3A_1691 = arith.muli %scan3A_1166, %mul3A_1690 : i32
        %add3A_1692 = arith.constant 7680 : i32
        %add3A_1693 = arith.addi %add3A_1692, %mul3A_1691 : i32
        %swap3A_1694 = arith.index_cast %add3A_1693 : i32 to index
        %swap3A_1695 = tpu.vector_load %arg15[%swap3A_1694] {strides = array<i32>} : memref<8192xi32, #tpu.memory_space<vmem>>, vector<16xi32>,
        tpu.vector_store %arg15[%swap3A_1694], %add3A_1689 {strides = array<i32>} : memref<8192xi32, #tpu.memory_space<vmem>>, vector<16xi32>,
        %add3A_1696 = arith.constant 3 : i32
        %add3A_1697 = vector.broadcast %add3A_1696 : i32 to vector<16xi32>
        %add3A_1698 = arith.addi %add3A_1599, %add3A_1697 : vector<16xi32>
        %shift_right_arithmetic3A_1699 = arith.constant 3 : i32
        %shift_right_arithmetic3A_1700 = vector.broadcast %shift_right_arithmetic3A_1699 : i32 to vector<16xi32>
        %shift_right_arithmetic3A_1701 = arith.shrsi %add3A_1698, %shift_right_arithmetic3A_1700 : vector<16xi32>
        %add3A_1702 = arith.constant 96 : i32
        %add3A_1703 = vector.broadcast %add3A_1702 : i32 to vector<16xi32>
        %add3A_1704 = arith.addi %shift_right_arithmetic3A_1701, %add3A_1703 : vector<16xi32>
        %min3A_1705 = arith.constant 8487295 : i32
        %min3A_1706 = vector.broadcast %min3A_1705 : i32 to vector<16xi32>
        %min3A_1707 = arith.minsi %add3A_1704, %min3A_1706 : vector<16xi32>
        %mul3A_1708 = arith.constant 16 : i32
        %mul3A_1709 = arith.muli %scan3A_1166, %mul3A_1708 : i32
        %add3A_1710 = arith.constant 6912 : i32
        %add3A_1711 = arith.addi %add3A_1710, %mul3A_1709 : i32
        %swap3A_1712 = arith.index_cast %add3A_1711 : i32 to index
        %swap3A_1713 = tpu.vector_load %arg15[%swap3A_1712] {strides = array<i32>} : memref<8192xi32, #tpu.memory_space<vmem>>, vector<16xi32>,
        tpu.vector_store %arg15[%swap3A_1712], %min3A_1707 {strides = array<i32>} : memref<8192xi32, #tpu.memory_space<vmem>>, vector<16xi32>,
        %add3A_1714 = arith.constant 4 : i32
        %add3A_1715 = vector.broadcast %add3A_1714 : i32 to vector<16xi32>
        %add3A_1716 = arith.addi %add3A_1599, %add3A_1715 : vector<16xi32>
        %shift_right_arithmetic3A_1717 = arith.constant 3 : i32
        %shift_right_arithmetic3A_1718 = vector.broadcast %shift_right_arithmetic3A_1717 : i32 to vector<16xi32>
        %shift_right_arithmetic3A_1719 = arith.shrsi %add3A_1716, %shift_right_arithmetic3A_1718 : vector<16xi32>
        %add3A_1720 = arith.constant 96 : i32
        %add3A_1721 = vector.broadcast %add3A_1720 : i32 to vector<16xi32>
        %add3A_1722 = arith.addi %shift_right_arithmetic3A_1719, %add3A_1721 : vector<16xi32>
        %min3A_1723 = arith.constant 8487295 : i32
        %min3A_1724 = vector.broadcast %min3A_1723 : i32 to vector<16xi32>
        %min3A_1725 = arith.minsi %add3A_1722, %min3A_1724 : vector<16xi32>
        %mul3A_1726 = arith.constant 16 : i32
        %mul3A_1727 = arith.muli %scan3A_1166, %mul3A_1726 : i32
        %add3A_1728 = arith.constant 7936 : i32
        %add3A_1729 = arith.addi %add3A_1728, %mul3A_1727 : i32
        %swap3A_1730 = arith.index_cast %add3A_1729 : i32 to index
        %swap3A_1731 = tpu.vector_load %arg15[%swap3A_1730] {strides = array<i32>} : memref<8192xi32, #tpu.memory_space<vmem>>, vector<16xi32>,
        tpu.vector_store %arg15[%swap3A_1730], %min3A_1725 {strides = array<i32>} : memref<8192xi32, #tpu.memory_space<vmem>>, vector<16xi32>,
        %scan3A_1732 = arith.constant 0 : i32
        scf.yield %scan3A_1732 : i32
      }
      %scan3A_66 = arith.constant 8 : i32
      %dma_start3A = arith.constant 0 : i32
      %dma_start3A_67 = arith.constant 0 : i32
      %dma_start3A_68 = tpu.memref_slice %arg16[%dma_start3A, %dma_start3A_67] : memref<8192x8xf32, #tpu.memory_space<vmem>> -> memref<128x8xf32, #tpu.memory_space<vmem>>
      %dma_start3A_69 = arith.constant 0 : i32
      %dma_start3A_70 = tpu.memref_slice %arg15[%dma_start3A_69] : memref<8192xi32, #tpu.memory_space<vmem>> -> memref<128xi32, #tpu.memory_space<vmem>>
      %dma_start3A_71 = arith.constant 0 : i32
      %dma_start3A_72 = arith.constant 0 : i32
      %dma_start3A_73 = tpu.memref_slice %arg5[%dma_start3A_71, %dma_start3A_72] : memref<8487296x8xf32, #tpu.memory_space<hbm>> -> memref<8487296x8xf32, #tpu.memory_space<hbm>>
      tpu.enqueue_indirect_dma source(%dma_start3A_73 : memref<8487296x8xf32, #tpu.memory_space<hbm>>) target(%dma_start3A_68 : memref<128x8xf32, #tpu.memory_space<vmem>>) offsets(%dma_start3A_70 : memref<128xi32, #tpu.memory_space<vmem>>) semaphore(%arg19 : memref<!tpu.dma_semaphore, #tpu.memory_space<semaphore_mem>>)
      %dma_start3A_74 = arith.constant 256 : i32
      %dma_start3A_75 = arith.constant 0 : i32
      %dma_start3A_76 = tpu.memref_slice %arg16[%dma_start3A_74, %dma_start3A_75] : memref<8192x8xf32, #tpu.memory_space<vmem>> -> memref<128x8xf32, #tpu.memory_space<vmem>>
      %dma_start3A_77 = arith.constant 256 : i32
      %dma_start3A_78 = tpu.memref_slice %arg15[%dma_start3A_77] : memref<8192xi32, #tpu.memory_space<vmem>> -> memref<128xi32, #tpu.memory_space<vmem>>
      %dma_start3A_79 = arith.constant 0 : i32
      %dma_start3A_80 = arith.constant 0 : i32
      %dma_start3A_81 = tpu.memref_slice %arg5[%dma_start3A_79, %dma_start3A_80] : memref<8487296x8xf32, #tpu.memory_space<hbm>> -> memref<8487296x8xf32, #tpu.memory_space<hbm>>
      tpu.enqueue_indirect_dma source(%dma_start3A_81 : memref<8487296x8xf32, #tpu.memory_space<hbm>>) target(%dma_start3A_76 : memref<128x8xf32, #tpu.memory_space<vmem>>) offsets(%dma_start3A_78 : memref<128xi32, #tpu.memory_space<vmem>>) semaphore(%arg19 : memref<!tpu.dma_semaphore, #tpu.memory_space<semaphore_mem>>)
      %dma_start3A_82 = arith.constant 512 : i32
      %dma_start3A_83 = arith.constant 0 : i32
      %dma_start3A_84 = tpu.memref_slice %arg16[%dma_start3A_82, %dma_start3A_83] : memref<8192x8xf32, #tpu.memory_space<vmem>> -> memref<128x8xf32, #tpu.memory_space<vmem>>
      %dma_start3A_85 = arith.constant 512 : i32
      %dma_start3A_86 = tpu.memref_slice %arg15[%dma_start3A_85] : memref<8192xi32, #tpu.memory_space<vmem>> -> memref<128xi32, #tpu.memory_space<vmem>>
      %dma_start3A_87 = arith.constant 0 : i32
      %dma_start3A_88 = arith.constant 0 : i32
      %dma_start3A_89 = tpu.memref_slice %arg5[%dma_start3A_87, %dma_start3A_88] : memref<8487296x8xf32, #tpu.memory_space<hbm>> -> memref<8487296x8xf32, #tpu.memory_space<hbm>>
      tpu.enqueue_indirect_dma source(%dma_start3A_89 : memref<8487296x8xf32, #tpu.memory_space<hbm>>) target(%dma_start3A_84 : memref<128x8xf32, #tpu.memory_space<vmem>>) offsets(%dma_start3A_86 : memref<128xi32, #tpu.memory_space<vmem>>) semaphore(%arg19 : memref<!tpu.dma_semaphore, #tpu.memory_space<semaphore_mem>>)
      %dma_start3A_90 = arith.constant 768 : i32
      %dma_start3A_91 = arith.constant 0 : i32
      %dma_start3A_92 = tpu.memref_slice %arg16[%dma_start3A_90, %dma_start3A_91] : memref<8192x8xf32, #tpu.memory_space<vmem>> -> memref<128x8xf32, #tpu.memory_space<vmem>>
      %dma_start3A_93 = arith.constant 768 : i32
      %dma_start3A_94 = tpu.memref_slice %arg15[%dma_start3A_93] : memref<8192xi32, #tpu.memory_space<vmem>> -> memref<128xi32, #tpu.memory_space<vmem>>
      %dma_start3A_95 = arith.constant 0 : i32
      %dma_start3A_96 = arith.constant 0 : i32
      %dma_start3A_97 = tpu.memref_slice %arg5[%dma_start3A_95, %dma_start3A_96] : memref<8487296x8xf32, #tpu.memory_space<hbm>> -> memref<8487296x8xf32, #tpu.memory_space<hbm>>
      tpu.enqueue_indirect_dma source(%dma_start3A_97 : memref<8487296x8xf32, #tpu.memory_space<hbm>>) target(%dma_start3A_92 : memref<128x8xf32, #tpu.memory_space<vmem>>) offsets(%dma_start3A_94 : memref<128xi32, #tpu.memory_space<vmem>>) semaphore(%arg19 : memref<!tpu.dma_semaphore, #tpu.memory_space<semaphore_mem>>)
      %dma_start3A_98 = arith.constant 1024 : i32
      %dma_start3A_99 = arith.constant 0 : i32
      %dma_start3A_100 = tpu.memref_slice %arg16[%dma_start3A_98, %dma_start3A_99] : memref<8192x8xf32, #tpu.memory_space<vmem>> -> memref<128x8xf32, #tpu.memory_space<vmem>>
      %dma_start3A_101 = arith.constant 1024 : i32
      %dma_start3A_102 = tpu.memref_slice %arg15[%dma_start3A_101] : memref<8192xi32, #tpu.memory_space<vmem>> -> memref<128xi32, #tpu.memory_space<vmem>>
      %dma_start3A_103 = arith.constant 0 : i32
      %dma_start3A_104 = arith.constant 0 : i32
      %dma_start3A_105 = tpu.memref_slice %arg5[%dma_start3A_103, %dma_start3A_104] : memref<8487296x8xf32, #tpu.memory_space<hbm>> -> memref<8487296x8xf32, #tpu.memory_space<hbm>>
      tpu.enqueue_indirect_dma source(%dma_start3A_105 : memref<8487296x8xf32, #tpu.memory_space<hbm>>) target(%dma_start3A_100 : memref<128x8xf32, #tpu.memory_space<vmem>>) offsets(%dma_start3A_102 : memref<128xi32, #tpu.memory_space<vmem>>) semaphore(%arg19 : memref<!tpu.dma_semaphore, #tpu.memory_space<semaphore_mem>>)
      %dma_start3A_106 = arith.constant 1280 : i32
      %dma_start3A_107 = arith.constant 0 : i32
      %dma_start3A_108 = tpu.memref_slice %arg16[%dma_start3A_106, %dma_start3A_107] : memref<8192x8xf32, #tpu.memory_space<vmem>> -> memref<128x8xf32, #tpu.memory_space<vmem>>
      %dma_start3A_109 = arith.constant 1280 : i32
      %dma_start3A_110 = tpu.memref_slice %arg15[%dma_start3A_109] : memref<8192xi32, #tpu.memory_space<vmem>> -> memref<128xi32, #tpu.memory_space<vmem>>
      %dma_start3A_111 = arith.constant 0 : i32
      %dma_start3A_112 = arith.constant 0 : i32
      %dma_start3A_113 = tpu.memref_slice %arg5[%dma_start3A_111, %dma_start3A_112] : memref<8487296x8xf32, #tpu.memory_space<hbm>> -> memref<8487296x8xf32, #tpu.memory_space<hbm>>
      tpu.enqueue_indirect_dma source(%dma_start3A_113 : memref<8487296x8xf32, #tpu.memory_space<hbm>>) target(%dma_start3A_108 : memref<128x8xf32, #tpu.memory_space<vmem>>) offsets(%dma_start3A_110 : memref<128xi32, #tpu.memory_space<vmem>>) semaphore(%arg19 : memref<!tpu.dma_semaphore, #tpu.memory_space<semaphore_mem>>)
      %dma_start3A_114 = arith.constant 1536 : i32
      %dma_start3A_115 = arith.constant 0 : i32
      %dma_start3A_116 = tpu.memref_slice %arg16[%dma_start3A_114, %dma_start3A_115] : memref<8192x8xf32, #tpu.memory_space<vmem>> -> memref<128x8xf32, #tpu.memory_space<vmem>>
      %dma_start3A_117 = arith.constant 1536 : i32
      %dma_start3A_118 = tpu.memref_slice %arg15[%dma_start3A_117] : memref<8192xi32, #tpu.memory_space<vmem>> -> memref<128xi32, #tpu.memory_space<vmem>>
      %dma_start3A_119 = arith.constant 0 : i32
      %dma_start3A_120 = arith.constant 0 : i32
      %dma_start3A_121 = tpu.memref_slice %arg5[%dma_start3A_119, %dma_start3A_120] : memref<8487296x8xf32, #tpu.memory_space<hbm>> -> memref<8487296x8xf32, #tpu.memory_space<hbm>>
      tpu.enqueue_indirect_dma source(%dma_start3A_121 : memref<8487296x8xf32, #tpu.memory_space<hbm>>) target(%dma_start3A_116 : memref<128x8xf32, #tpu.memory_space<vmem>>) offsets(%dma_start3A_118 : memref<128xi32, #tpu.memory_space<vmem>>) semaphore(%arg19 : memref<!tpu.dma_semaphore, #tpu.memory_space<semaphore_mem>>)
      %dma_start3A_122 = arith.constant 1792 : i32
      %dma_start3A_123 = arith.constant 0 : i32
      %dma_start3A_124 = tpu.memref_slice %arg16[%dma_start3A_122, %dma_start3A_123] : memref<8192x8xf32, #tpu.memory_space<vmem>> -> memref<128x8xf32, #tpu.memory_space<vmem>>
      %dma_start3A_125 = arith.constant 1792 : i32
      %dma_start3A_126 = tpu.memref_slice %arg15[%dma_start3A_125] : memref<8192xi32, #tpu.memory_space<vmem>> -> memref<128xi32, #tpu.memory_space<vmem>>
      %dma_start3A_127 = arith.constant 0 : i32
      %dma_start3A_128 = arith.constant 0 : i32
      %dma_start3A_129 = tpu.memref_slice %arg5[%dma_start3A_127, %dma_start3A_128] : memref<8487296x8xf32, #tpu.memory_space<hbm>> -> memref<8487296x8xf32, #tpu.memory_space<hbm>>
      tpu.enqueue_indirect_dma source(%dma_start3A_129 : memref<8487296x8xf32, #tpu.memory_space<hbm>>) target(%dma_start3A_124 : memref<128x8xf32, #tpu.memory_space<vmem>>) offsets(%dma_start3A_126 : memref<128xi32, #tpu.memory_space<vmem>>) semaphore(%arg19 : memref<!tpu.dma_semaphore, #tpu.memory_space<semaphore_mem>>)
      %dma_start3A_130 = arith.constant 2048 : i32
      %dma_start3A_131 = arith.constant 0 : i32
      %dma_start3A_132 = tpu.memref_slice %arg16[%dma_start3A_130, %dma_start3A_131] : memref<8192x8xf32, #tpu.memory_space<vmem>> -> memref<128x8xf32, #tpu.memory_space<vmem>>
      %dma_start3A_133 = arith.constant 2048 : i32
      %dma_start3A_134 = tpu.memref_slice %arg15[%dma_start3A_133] : memref<8192xi32, #tpu.memory_space<vmem>> -> memref<128xi32, #tpu.memory_space<vmem>>
      %dma_start3A_135 = arith.constant 0 : i32
      %dma_start3A_136 = arith.constant 0 : i32
      %dma_start3A_137 = tpu.memref_slice %arg5[%dma_start3A_135, %dma_start3A_136] : memref<8487296x8xf32, #tpu.memory_space<hbm>> -> memref<8487296x8xf32, #tpu.memory_space<hbm>>
      tpu.enqueue_indirect_dma source(%dma_start3A_137 : memref<8487296x8xf32, #tpu.memory_space<hbm>>) target(%dma_start3A_132 : memref<128x8xf32, #tpu.memory_space<vmem>>) offsets(%dma_start3A_134 : memref<128xi32, #tpu.memory_space<vmem>>) semaphore(%arg19 : memref<!tpu.dma_semaphore, #tpu.memory_space<semaphore_mem>>)
      %dma_start3A_138 = arith.constant 2304 : i32
      %dma_start3A_139 = arith.constant 0 : i32
      %dma_start3A_140 = tpu.memref_slice %arg16[%dma_start3A_138, %dma_start3A_139] : memref<8192x8xf32, #tpu.memory_space<vmem>> -> memref<128x8xf32, #tpu.memory_space<vmem>>
      %dma_start3A_141 = arith.constant 2304 : i32
      %dma_start3A_142 = tpu.memref_slice %arg15[%dma_start3A_141] : memref<8192xi32, #tpu.memory_space<vmem>> -> memref<128xi32, #tpu.memory_space<vmem>>
      %dma_start3A_143 = arith.constant 0 : i32
      %dma_start3A_144 = arith.constant 0 : i32
      %dma_start3A_145 = tpu.memref_slice %arg5[%dma_start3A_143, %dma_start3A_144] : memref<8487296x8xf32, #tpu.memory_space<hbm>> -> memref<8487296x8xf32, #tpu.memory_space<hbm>>
      tpu.enqueue_indirect_dma source(%dma_start3A_145 : memref<8487296x8xf32, #tpu.memory_space<hbm>>) target(%dma_start3A_140 : memref<128x8xf32, #tpu.memory_space<vmem>>) offsets(%dma_start3A_142 : memref<128xi32, #tpu.memory_space<vmem>>) semaphore(%arg19 : memref<!tpu.dma_semaphore, #tpu.memory_space<semaphore_mem>>)
      %dma_start3A_146 = arith.constant 2560 : i32
      %dma_start3A_147 = arith.constant 0 : i32
      %dma_start3A_148 = tpu.memref_slice %arg16[%dma_start3A_146, %dma_start3A_147] : memref<8192x8xf32, #tpu.memory_space<vmem>> -> memref<128x8xf32, #tpu.memory_space<vmem>>
      %dma_start3A_149 = arith.constant 2560 : i32
      %dma_start3A_150 = tpu.memref_slice %arg15[%dma_start3A_149] : memref<8192xi32, #tpu.memory_space<vmem>> -> memref<128xi32, #tpu.memory_space<vmem>>
      %dma_start3A_151 = arith.constant 0 : i32
      %dma_start3A_152 = arith.constant 0 : i32
      %dma_start3A_153 = tpu.memref_slice %arg5[%dma_start3A_151, %dma_start3A_152] : memref<8487296x8xf32, #tpu.memory_space<hbm>> -> memref<8487296x8xf32, #tpu.memory_space<hbm>>
      tpu.enqueue_indirect_dma source(%dma_start3A_153 : memref<8487296x8xf32, #tpu.memory_space<hbm>>) target(%dma_start3A_148 : memref<128x8xf32, #tpu.memory_space<vmem>>) offsets(%dma_start3A_150 : memref<128xi32, #tpu.memory_space<vmem>>) semaphore(%arg19 : memref<!tpu.dma_semaphore, #tpu.memory_space<semaphore_mem>>)
      %dma_start3A_154 = arith.constant 2816 : i32
      %dma_start3A_155 = arith.constant 0 : i32
      %dma_start3A_156 = tpu.memref_slice %arg16[%dma_start3A_154, %dma_start3A_155] : memref<8192x8xf32, #tpu.memory_space<vmem>> -> memref<128x8xf32, #tpu.memory_space<vmem>>
      %dma_start3A_157 = arith.constant 2816 : i32
      %dma_start3A_158 = tpu.memref_slice %arg15[%dma_start3A_157] : memref<8192xi32, #tpu.memory_space<vmem>> -> memref<128xi32, #tpu.memory_space<vmem>>
      %dma_start3A_159 = arith.constant 0 : i32
      %dma_start3A_160 = arith.constant 0 : i32
      %dma_start3A_161 = tpu.memref_slice %arg5[%dma_start3A_159, %dma_start3A_160] : memref<8487296x8xf32, #tpu.memory_space<hbm>> -> memref<8487296x8xf32, #tpu.memory_space<hbm>>
      tpu.enqueue_indirect_dma source(%dma_start3A_161 : memref<8487296x8xf32, #tpu.memory_space<hbm>>) target(%dma_start3A_156 : memref<128x8xf32, #tpu.memory_space<vmem>>) offsets(%dma_start3A_158 : memref<128xi32, #tpu.memory_space<vmem>>) semaphore(%arg19 : memref<!tpu.dma_semaphore, #tpu.memory_space<semaphore_mem>>)
      %dma_start3A_162 = arith.constant 3072 : i32
      %dma_start3A_163 = arith.constant 0 : i32
      %dma_start3A_164 = tpu.memref_slice %arg16[%dma_start3A_162, %dma_start3A_163] : memref<8192x8xf32, #tpu.memory_space<vmem>> -> memref<128x8xf32, #tpu.memory_space<vmem>>
      %dma_start3A_165 = arith.constant 3072 : i32
      %dma_start3A_166 = tpu.memref_slice %arg15[%dma_start3A_165] : memref<8192xi32, #tpu.memory_space<vmem>> -> memref<128xi32, #tpu.memory_space<vmem>>
      %dma_start3A_167 = arith.constant 0 : i32
      %dma_start3A_168 = arith.constant 0 : i32
      %dma_start3A_169 = tpu.memref_slice %arg5[%dma_start3A_167, %dma_start3A_168] : memref<8487296x8xf32, #tpu.memory_space<hbm>> -> memref<8487296x8xf32, #tpu.memory_space<hbm>>
      tpu.enqueue_indirect_dma source(%dma_start3A_169 : memref<8487296x8xf32, #tpu.memory_space<hbm>>) target(%dma_start3A_164 : memref<128x8xf32, #tpu.memory_space<vmem>>) offsets(%dma_start3A_166 : memref<128xi32, #tpu.memory_space<vmem>>) semaphore(%arg19 : memref<!tpu.dma_semaphore, #tpu.memory_space<semaphore_mem>>)
      %dma_start3A_170 = arith.constant 3328 : i32
      %dma_start3A_171 = arith.constant 0 : i32
      %dma_start3A_172 = tpu.memref_slice %arg16[%dma_start3A_170, %dma_start3A_171] : memref<8192x8xf32, #tpu.memory_space<vmem>> -> memref<128x8xf32, #tpu.memory_space<vmem>>
      %dma_start3A_173 = arith.constant 3328 : i32
      %dma_start3A_174 = tpu.memref_slice %arg15[%dma_start3A_173] : memref<8192xi32, #tpu.memory_space<vmem>> -> memref<128xi32, #tpu.memory_space<vmem>>
      %dma_start3A_175 = arith.constant 0 : i32
      %dma_start3A_176 = arith.constant 0 : i32
      %dma_start3A_177 = tpu.memref_slice %arg5[%dma_start3A_175, %dma_start3A_176] : memref<8487296x8xf32, #tpu.memory_space<hbm>> -> memref<8487296x8xf32, #tpu.memory_space<hbm>>
      tpu.enqueue_indirect_dma source(%dma_start3A_177 : memref<8487296x8xf32, #tpu.memory_space<hbm>>) target(%dma_start3A_172 : memref<128x8xf32, #tpu.memory_space<vmem>>) offsets(%dma_start3A_174 : memref<128xi32, #tpu.memory_space<vmem>>) semaphore(%arg19 : memref<!tpu.dma_semaphore, #tpu.memory_space<semaphore_mem>>)
      %dma_start3A_178 = arith.constant 3584 : i32
      %dma_start3A_179 = arith.constant 0 : i32
      %dma_start3A_180 = tpu.memref_slice %arg16[%dma_start3A_178, %dma_start3A_179] : memref<8192x8xf32, #tpu.memory_space<vmem>> -> memref<128x8xf32, #tpu.memory_space<vmem>>
      %dma_start3A_181 = arith.constant 3584 : i32
      %dma_start3A_182 = tpu.memref_slice %arg15[%dma_start3A_181] : memref<8192xi32, #tpu.memory_space<vmem>> -> memref<128xi32, #tpu.memory_space<vmem>>
      %dma_start3A_183 = arith.constant 0 : i32
      %dma_start3A_184 = arith.constant 0 : i32
      %dma_start3A_185 = tpu.memref_slice %arg5[%dma_start3A_183, %dma_start3A_184] : memref<8487296x8xf32, #tpu.memory_space<hbm>> -> memref<8487296x8xf32, #tpu.memory_space<hbm>>
      tpu.enqueue_indirect_dma source(%dma_start3A_185 : memref<8487296x8xf32, #tpu.memory_space<hbm>>) target(%dma_start3A_180 : memref<128x8xf32, #tpu.memory_space<vmem>>) offsets(%dma_start3A_182 : memref<128xi32, #tpu.memory_space<vmem>>) semaphore(%arg19 : memref<!tpu.dma_semaphore, #tpu.memory_space<semaphore_mem>>)
      %dma_start3A_186 = arith.constant 3840 : i32
      %dma_start3A_187 = arith.constant 0 : i32
      %dma_start3A_188 = tpu.memref_slice %arg16[%dma_start3A_186, %dma_start3A_187] : memref<8192x8xf32, #tpu.memory_space<vmem>> -> memref<128x8xf32, #tpu.memory_space<vmem>>
      %dma_start3A_189 = arith.constant 3840 : i32
      %dma_start3A_190 = tpu.memref_slice %arg15[%dma_start3A_189] : memref<8192xi32, #tpu.memory_space<vmem>> -> memref<128xi32, #tpu.memory_space<vmem>>
      %dma_start3A_191 = arith.constant 0 : i32
      %dma_start3A_192 = arith.constant 0 : i32
      %dma_start3A_193 = tpu.memref_slice %arg5[%dma_start3A_191, %dma_start3A_192] : memref<8487296x8xf32, #tpu.memory_space<hbm>> -> memref<8487296x8xf32, #tpu.memory_space<hbm>>
      tpu.enqueue_indirect_dma source(%dma_start3A_193 : memref<8487296x8xf32, #tpu.memory_space<hbm>>) target(%dma_start3A_188 : memref<128x8xf32, #tpu.memory_space<vmem>>) offsets(%dma_start3A_190 : memref<128xi32, #tpu.memory_space<vmem>>) semaphore(%arg19 : memref<!tpu.dma_semaphore, #tpu.memory_space<semaphore_mem>>)
      %dma_start3A_194 = arith.constant 4096 : i32
      %dma_start3A_195 = arith.constant 0 : i32
      %dma_start3A_196 = tpu.memref_slice %arg16[%dma_start3A_194, %dma_start3A_195] : memref<8192x8xf32, #tpu.memory_space<vmem>> -> memref<128x8xf32, #tpu.memory_space<vmem>>
      %dma_start3A_197 = arith.constant 4096 : i32
      %dma_start3A_198 = tpu.memref_slice %arg15[%dma_start3A_197] : memref<8192xi32, #tpu.memory_space<vmem>> -> memref<128xi32, #tpu.memory_space<vmem>>
      %dma_start3A_199 = arith.constant 0 : i32
      %dma_start3A_200 = arith.constant 0 : i32
      %dma_start3A_201 = tpu.memref_slice %arg5[%dma_start3A_199, %dma_start3A_200] : memref<8487296x8xf32, #tpu.memory_space<hbm>> -> memref<8487296x8xf32, #tpu.memory_space<hbm>>
      tpu.enqueue_indirect_dma source(%dma_start3A_201 : memref<8487296x8xf32, #tpu.memory_space<hbm>>) target(%dma_start3A_196 : memref<128x8xf32, #tpu.memory_space<vmem>>) offsets(%dma_start3A_198 : memref<128xi32, #tpu.memory_space<vmem>>) semaphore(%arg19 : memref<!tpu.dma_semaphore, #tpu.memory_space<semaphore_mem>>)
      %dma_start3A_202 = arith.constant 4352 : i32
      %dma_start3A_203 = arith.constant 0 : i32
      %dma_start3A_204 = tpu.memref_slice %arg16[%dma_start3A_202, %dma_start3A_203] : memref<8192x8xf32, #tpu.memory_space<vmem>> -> memref<128x8xf32, #tpu.memory_space<vmem>>
      %dma_start3A_205 = arith.constant 4352 : i32
      %dma_start3A_206 = tpu.memref_slice %arg15[%dma_start3A_205] : memref<8192xi32, #tpu.memory_space<vmem>> -> memref<128xi32, #tpu.memory_space<vmem>>
      %dma_start3A_207 = arith.constant 0 : i32
      %dma_start3A_208 = arith.constant 0 : i32
      %dma_start3A_209 = tpu.memref_slice %arg5[%dma_start3A_207, %dma_start3A_208] : memref<8487296x8xf32, #tpu.memory_space<hbm>> -> memref<8487296x8xf32, #tpu.memory_space<hbm>>
      tpu.enqueue_indirect_dma source(%dma_start3A_209 : memref<8487296x8xf32, #tpu.memory_space<hbm>>) target(%dma_start3A_204 : memref<128x8xf32, #tpu.memory_space<vmem>>) offsets(%dma_start3A_206 : memref<128xi32, #tpu.memory_space<vmem>>) semaphore(%arg19 : memref<!tpu.dma_semaphore, #tpu.memory_space<semaphore_mem>>)
      %dma_start3A_210 = arith.constant 4608 : i32
      %dma_start3A_211 = arith.constant 0 : i32
      %dma_start3A_212 = tpu.memref_slice %arg16[%dma_start3A_210, %dma_start3A_211] : memref<8192x8xf32, #tpu.memory_space<vmem>> -> memref<128x8xf32, #tpu.memory_space<vmem>>
      %dma_start3A_213 = arith.constant 4608 : i32
      %dma_start3A_214 = tpu.memref_slice %arg15[%dma_start3A_213] : memref<8192xi32, #tpu.memory_space<vmem>> -> memref<128xi32, #tpu.memory_space<vmem>>
      %dma_start3A_215 = arith.constant 0 : i32
      %dma_start3A_216 = arith.constant 0 : i32
      %dma_start3A_217 = tpu.memref_slice %arg5[%dma_start3A_215, %dma_start3A_216] : memref<8487296x8xf32, #tpu.memory_space<hbm>> -> memref<8487296x8xf32, #tpu.memory_space<hbm>>
      tpu.enqueue_indirect_dma source(%dma_start3A_217 : memref<8487296x8xf32, #tpu.memory_space<hbm>>) target(%dma_start3A_212 : memref<128x8xf32, #tpu.memory_space<vmem>>) offsets(%dma_start3A_214 : memref<128xi32, #tpu.memory_space<vmem>>) semaphore(%arg19 : memref<!tpu.dma_semaphore, #tpu.memory_space<semaphore_mem>>)
      %dma_start3A_218 = arith.constant 4864 : i32
      %dma_start3A_219 = arith.constant 0 : i32
      %dma_start3A_220 = tpu.memref_slice %arg16[%dma_start3A_218, %dma_start3A_219] : memref<8192x8xf32, #tpu.memory_space<vmem>> -> memref<128x8xf32, #tpu.memory_space<vmem>>
      %dma_start3A_221 = arith.constant 4864 : i32
      %dma_start3A_222 = tpu.memref_slice %arg15[%dma_start3A_221] : memref<8192xi32, #tpu.memory_space<vmem>> -> memref<128xi32, #tpu.memory_space<vmem>>
      %dma_start3A_223 = arith.constant 0 : i32
      %dma_start3A_224 = arith.constant 0 : i32
      %dma_start3A_225 = tpu.memref_slice %arg5[%dma_start3A_223, %dma_start3A_224] : memref<8487296x8xf32, #tpu.memory_space<hbm>> -> memref<8487296x8xf32, #tpu.memory_space<hbm>>
      tpu.enqueue_indirect_dma source(%dma_start3A_225 : memref<8487296x8xf32, #tpu.memory_space<hbm>>) target(%dma_start3A_220 : memref<128x8xf32, #tpu.memory_space<vmem>>) offsets(%dma_start3A_222 : memref<128xi32, #tpu.memory_space<vmem>>) semaphore(%arg19 : memref<!tpu.dma_semaphore, #tpu.memory_space<semaphore_mem>>)
      %dma_start3A_226 = arith.constant 5120 : i32
      %dma_start3A_227 = arith.constant 0 : i32
      %dma_start3A_228 = tpu.memref_slice %arg16[%dma_start3A_226, %dma_start3A_227] : memref<8192x8xf32, #tpu.memory_space<vmem>> -> memref<128x8xf32, #tpu.memory_space<vmem>>
      %dma_start3A_229 = arith.constant 5120 : i32
      %dma_start3A_230 = tpu.memref_slice %arg15[%dma_start3A_229] : memref<8192xi32, #tpu.memory_space<vmem>> -> memref<128xi32, #tpu.memory_space<vmem>>
      %dma_start3A_231 = arith.constant 0 : i32
      %dma_start3A_232 = arith.constant 0 : i32
      %dma_start3A_233 = tpu.memref_slice %arg5[%dma_start3A_231, %dma_start3A_232] : memref<8487296x8xf32, #tpu.memory_space<hbm>> -> memref<8487296x8xf32, #tpu.memory_space<hbm>>
      tpu.enqueue_indirect_dma source(%dma_start3A_233 : memref<8487296x8xf32, #tpu.memory_space<hbm>>) target(%dma_start3A_228 : memref<128x8xf32, #tpu.memory_space<vmem>>) offsets(%dma_start3A_230 : memref<128xi32, #tpu.memory_space<vmem>>) semaphore(%arg19 : memref<!tpu.dma_semaphore, #tpu.memory_space<semaphore_mem>>)
      %dma_start3A_234 = arith.constant 5376 : i32
      %dma_start3A_235 = arith.constant 0 : i32
      %dma_start3A_236 = tpu.memref_slice %arg16[%dma_start3A_234, %dma_start3A_235] : memref<8192x8xf32, #tpu.memory_space<vmem>> -> memref<128x8xf32, #tpu.memory_space<vmem>>
      %dma_start3A_237 = arith.constant 5376 : i32
      %dma_start3A_238 = tpu.memref_slice %arg15[%dma_start3A_237] : memref<8192xi32, #tpu.memory_space<vmem>> -> memref<128xi32, #tpu.memory_space<vmem>>
      %dma_start3A_239 = arith.constant 0 : i32
      %dma_start3A_240 = arith.constant 0 : i32
      %dma_start3A_241 = tpu.memref_slice %arg5[%dma_start3A_239, %dma_start3A_240] : memref<8487296x8xf32, #tpu.memory_space<hbm>> -> memref<8487296x8xf32, #tpu.memory_space<hbm>>
      tpu.enqueue_indirect_dma source(%dma_start3A_241 : memref<8487296x8xf32, #tpu.memory_space<hbm>>) target(%dma_start3A_236 : memref<128x8xf32, #tpu.memory_space<vmem>>) offsets(%dma_start3A_238 : memref<128xi32, #tpu.memory_space<vmem>>) semaphore(%arg19 : memref<!tpu.dma_semaphore, #tpu.memory_space<semaphore_mem>>)
      %dma_start3A_242 = arith.constant 5632 : i32
      %dma_start3A_243 = arith.constant 0 : i32
      %dma_start3A_244 = tpu.memref_slice %arg16[%dma_start3A_242, %dma_start3A_243] : memref<8192x8xf32, #tpu.memory_space<vmem>> -> memref<128x8xf32, #tpu.memory_space<vmem>>
      %dma_start3A_245 = arith.constant 5632 : i32
      %dma_start3A_246 = tpu.memref_slice %arg15[%dma_start3A_245] : memref<8192xi32, #tpu.memory_space<vmem>> -> memref<128xi32, #tpu.memory_space<vmem>>
      %dma_start3A_247 = arith.constant 0 : i32
      %dma_start3A_248 = arith.constant 0 : i32
      %dma_start3A_249 = tpu.memref_slice %arg5[%dma_start3A_247, %dma_start3A_248] : memref<8487296x8xf32, #tpu.memory_space<hbm>> -> memref<8487296x8xf32, #tpu.memory_space<hbm>>
      tpu.enqueue_indirect_dma source(%dma_start3A_249 : memref<8487296x8xf32, #tpu.memory_space<hbm>>) target(%dma_start3A_244 : memref<128x8xf32, #tpu.memory_space<vmem>>) offsets(%dma_start3A_246 : memref<128xi32, #tpu.memory_space<vmem>>) semaphore(%arg19 : memref<!tpu.dma_semaphore, #tpu.memory_space<semaphore_mem>>)
      %dma_start3A_250 = arith.constant 5888 : i32
      %dma_start3A_251 = arith.constant 0 : i32
      %dma_start3A_252 = tpu.memref_slice %arg16[%dma_start3A_250, %dma_start3A_251] : memref<8192x8xf32, #tpu.memory_space<vmem>> -> memref<128x8xf32, #tpu.memory_space<vmem>>
      %dma_start3A_253 = arith.constant 5888 : i32
      %dma_start3A_254 = tpu.memref_slice %arg15[%dma_start3A_253] : memref<8192xi32, #tpu.memory_space<vmem>> -> memref<128xi32, #tpu.memory_space<vmem>>
      %dma_start3A_255 = arith.constant 0 : i32
      %dma_start3A_256 = arith.constant 0 : i32
      %dma_start3A_257 = tpu.memref_slice %arg5[%dma_start3A_255, %dma_start3A_256] : memref<8487296x8xf32, #tpu.memory_space<hbm>> -> memref<8487296x8xf32, #tpu.memory_space<hbm>>
      tpu.enqueue_indirect_dma source(%dma_start3A_257 : memref<8487296x8xf32, #tpu.memory_space<hbm>>) target(%dma_start3A_252 : memref<128x8xf32, #tpu.memory_space<vmem>>) offsets(%dma_start3A_254 : memref<128xi32, #tpu.memory_space<vmem>>) semaphore(%arg19 : memref<!tpu.dma_semaphore, #tpu.memory_space<semaphore_mem>>)
      %dma_start3A_258 = arith.constant 6144 : i32
      %dma_start3A_259 = arith.constant 0 : i32
      %dma_start3A_260 = tpu.memref_slice %arg16[%dma_start3A_258, %dma_start3A_259] : memref<8192x8xf32, #tpu.memory_space<vmem>> -> memref<128x8xf32, #tpu.memory_space<vmem>>
      %dma_start3A_261 = arith.constant 6144 : i32
      %dma_start3A_262 = tpu.memref_slice %arg15[%dma_start3A_261] : memref<8192xi32, #tpu.memory_space<vmem>> -> memref<128xi32, #tpu.memory_space<vmem>>
      %dma_start3A_263 = arith.constant 0 : i32
      %dma_start3A_264 = arith.constant 0 : i32
      %dma_start3A_265 = tpu.memref_slice %arg5[%dma_start3A_263, %dma_start3A_264] : memref<8487296x8xf32, #tpu.memory_space<hbm>> -> memref<8487296x8xf32, #tpu.memory_space<hbm>>
      tpu.enqueue_indirect_dma source(%dma_start3A_265 : memref<8487296x8xf32, #tpu.memory_space<hbm>>) target(%dma_start3A_260 : memref<128x8xf32, #tpu.memory_space<vmem>>) offsets(%dma_start3A_262 : memref<128xi32, #tpu.memory_space<vmem>>) semaphore(%arg19 : memref<!tpu.dma_semaphore, #tpu.memory_space<semaphore_mem>>)
      %dma_start3A_266 = arith.constant 6400 : i32
      %dma_start3A_267 = arith.constant 0 : i32
      %dma_start3A_268 = tpu.memref_slice %arg16[%dma_start3A_266, %dma_start3A_267] : memref<8192x8xf32, #tpu.memory_space<vmem>> -> memref<128x8xf32, #tpu.memory_space<vmem>>
      %dma_start3A_269 = arith.constant 6400 : i32
      %dma_start3A_270 = tpu.memref_slice %arg15[%dma_start3A_269] : memref<8192xi32, #tpu.memory_space<vmem>> -> memref<128xi32, #tpu.memory_space<vmem>>
      %dma_start3A_271 = arith.constant 0 : i32
      %dma_start3A_272 = arith.constant 0 : i32
      %dma_start3A_273 = tpu.memref_slice %arg5[%dma_start3A_271, %dma_start3A_272] : memref<8487296x8xf32, #tpu.memory_space<hbm>> -> memref<8487296x8xf32, #tpu.memory_space<hbm>>
      tpu.enqueue_indirect_dma source(%dma_start3A_273 : memref<8487296x8xf32, #tpu.memory_space<hbm>>) target(%dma_start3A_268 : memref<128x8xf32, #tpu.memory_space<vmem>>) offsets(%dma_start3A_270 : memref<128xi32, #tpu.memory_space<vmem>>) semaphore(%arg19 : memref<!tpu.dma_semaphore, #tpu.memory_space<semaphore_mem>>)
      %dma_start3A_274 = arith.constant 6656 : i32
      %dma_start3A_275 = arith.constant 0 : i32
      %dma_start3A_276 = tpu.memref_slice %arg16[%dma_start3A_274, %dma_start3A_275] : memref<8192x8xf32, #tpu.memory_space<vmem>> -> memref<128x8xf32, #tpu.memory_space<vmem>>
      %dma_start3A_277 = arith.constant 6656 : i32
      %dma_start3A_278 = tpu.memref_slice %arg15[%dma_start3A_277] : memref<8192xi32, #tpu.memory_space<vmem>> -> memref<128xi32, #tpu.memory_space<vmem>>
      %dma_start3A_279 = arith.constant 0 : i32
      %dma_start3A_280 = arith.constant 0 : i32
      %dma_start3A_281 = tpu.memref_slice %arg5[%dma_start3A_279, %dma_start3A_280] : memref<8487296x8xf32, #tpu.memory_space<hbm>> -> memref<8487296x8xf32, #tpu.memory_space<hbm>>
      tpu.enqueue_indirect_dma source(%dma_start3A_281 : memref<8487296x8xf32, #tpu.memory_space<hbm>>) target(%dma_start3A_276 : memref<128x8xf32, #tpu.memory_space<vmem>>) offsets(%dma_start3A_278 : memref<128xi32, #tpu.memory_space<vmem>>) semaphore(%arg19 : memref<!tpu.dma_semaphore, #tpu.memory_space<semaphore_mem>>)
      %dma_start3A_282 = arith.constant 6912 : i32
      %dma_start3A_283 = arith.constant 0 : i32
      %dma_start3A_284 = tpu.memref_slice %arg16[%dma_start3A_282, %dma_start3A_283] : memref<8192x8xf32, #tpu.memory_space<vmem>> -> memref<128x8xf32, #tpu.memory_space<vmem>>
      %dma_start3A_285 = arith.constant 6912 : i32
      %dma_start3A_286 = tpu.memref_slice %arg15[%dma_start3A_285] : memref<8192xi32, #tpu.memory_space<vmem>> -> memref<128xi32, #tpu.memory_space<vmem>>
      %dma_start3A_287 = arith.constant 0 : i32
      %dma_start3A_288 = arith.constant 0 : i32
      %dma_start3A_289 = tpu.memref_slice %arg5[%dma_start3A_287, %dma_start3A_288] : memref<8487296x8xf32, #tpu.memory_space<hbm>> -> memref<8487296x8xf32, #tpu.memory_space<hbm>>
      tpu.enqueue_indirect_dma source(%dma_start3A_289 : memref<8487296x8xf32, #tpu.memory_space<hbm>>) target(%dma_start3A_284 : memref<128x8xf32, #tpu.memory_space<vmem>>) offsets(%dma_start3A_286 : memref<128xi32, #tpu.memory_space<vmem>>) semaphore(%arg19 : memref<!tpu.dma_semaphore, #tpu.memory_space<semaphore_mem>>)
      %dma_start3A_290 = arith.constant 7168 : i32
      %dma_start3A_291 = arith.constant 0 : i32
      %dma_start3A_292 = tpu.memref_slice %arg16[%dma_start3A_290, %dma_start3A_291] : memref<8192x8xf32, #tpu.memory_space<vmem>> -> memref<128x8xf32, #tpu.memory_space<vmem>>
      %dma_start3A_293 = arith.constant 7168 : i32
      %dma_start3A_294 = tpu.memref_slice %arg15[%dma_start3A_293] : memref<8192xi32, #tpu.memory_space<vmem>> -> memref<128xi32, #tpu.memory_space<vmem>>
      %dma_start3A_295 = arith.constant 0 : i32
      %dma_start3A_296 = arith.constant 0 : i32
      %dma_start3A_297 = tpu.memref_slice %arg5[%dma_start3A_295, %dma_start3A_296] : memref<8487296x8xf32, #tpu.memory_space<hbm>> -> memref<8487296x8xf32, #tpu.memory_space<hbm>>
      tpu.enqueue_indirect_dma source(%dma_start3A_297 : memref<8487296x8xf32, #tpu.memory_space<hbm>>) target(%dma_start3A_292 : memref<128x8xf32, #tpu.memory_space<vmem>>) offsets(%dma_start3A_294 : memref<128xi32, #tpu.memory_space<vmem>>) semaphore(%arg19 : memref<!tpu.dma_semaphore, #tpu.memory_space<semaphore_mem>>)
      %dma_start3A_298 = arith.constant 7424 : i32
      %dma_start3A_299 = arith.constant 0 : i32
      %dma_start3A_300 = tpu.memref_slice %arg16[%dma_start3A_298, %dma_start3A_299] : memref<8192x8xf32, #tpu.memory_space<vmem>> -> memref<128x8xf32, #tpu.memory_space<vmem>>
      %dma_start3A_301 = arith.constant 7424 : i32
      %dma_start3A_302 = tpu.memref_slice %arg15[%dma_start3A_301] : memref<8192xi32, #tpu.memory_space<vmem>> -> memref<128xi32, #tpu.memory_space<vmem>>
      %dma_start3A_303 = arith.constant 0 : i32
      %dma_start3A_304 = arith.constant 0 : i32
      %dma_start3A_305 = tpu.memref_slice %arg5[%dma_start3A_303, %dma_start3A_304] : memref<8487296x8xf32, #tpu.memory_space<hbm>> -> memref<8487296x8xf32, #tpu.memory_space<hbm>>
      tpu.enqueue_indirect_dma source(%dma_start3A_305 : memref<8487296x8xf32, #tpu.memory_space<hbm>>) target(%dma_start3A_300 : memref<128x8xf32, #tpu.memory_space<vmem>>) offsets(%dma_start3A_302 : memref<128xi32, #tpu.memory_space<vmem>>) semaphore(%arg19 : memref<!tpu.dma_semaphore, #tpu.memory_space<semaphore_mem>>)
      %dma_start3A_306 = arith.constant 7680 : i32
      %dma_start3A_307 = arith.constant 0 : i32
      %dma_start3A_308 = tpu.memref_slice %arg16[%dma_start3A_306, %dma_start3A_307] : memref<8192x8xf32, #tpu.memory_space<vmem>> -> memref<128x8xf32, #tpu.memory_space<vmem>>
      %dma_start3A_309 = arith.constant 7680 : i32
      %dma_start3A_310 = tpu.memref_slice %arg15[%dma_start3A_309] : memref<8192xi32, #tpu.memory_space<vmem>> -> memref<128xi32, #tpu.memory_space<vmem>>
      %dma_start3A_311 = arith.constant 0 : i32
      %dma_start3A_312 = arith.constant 0 : i32
      %dma_start3A_313 = tpu.memref_slice %arg5[%dma_start3A_311, %dma_start3A_312] : memref<8487296x8xf32, #tpu.memory_space<hbm>> -> memref<8487296x8xf32, #tpu.memory_space<hbm>>
      tpu.enqueue_indirect_dma source(%dma_start3A_313 : memref<8487296x8xf32, #tpu.memory_space<hbm>>) target(%dma_start3A_308 : memref<128x8xf32, #tpu.memory_space<vmem>>) offsets(%dma_start3A_310 : memref<128xi32, #tpu.memory_space<vmem>>) semaphore(%arg19 : memref<!tpu.dma_semaphore, #tpu.memory_space<semaphore_mem>>)
      %dma_start3A_314 = arith.constant 7936 : i32
      %dma_start3A_315 = arith.constant 0 : i32
      %dma_start3A_316 = tpu.memref_slice %arg16[%dma_start3A_314, %dma_start3A_315] : memref<8192x8xf32, #tpu.memory_space<vmem>> -> memref<128x8xf32, #tpu.memory_space<vmem>>
      %dma_start3A_317 = arith.constant 7936 : i32
      %dma_start3A_318 = tpu.memref_slice %arg15[%dma_start3A_317] : memref<8192xi32, #tpu.memory_space<vmem>> -> memref<128xi32, #tpu.memory_space<vmem>>
      %dma_start3A_319 = arith.constant 0 : i32
      %dma_start3A_320 = arith.constant 0 : i32
      %dma_start3A_321 = tpu.memref_slice %arg5[%dma_start3A_319, %dma_start3A_320] : memref<8487296x8xf32, #tpu.memory_space<hbm>> -> memref<8487296x8xf32, #tpu.memory_space<hbm>>
      tpu.enqueue_indirect_dma source(%dma_start3A_321 : memref<8487296x8xf32, #tpu.memory_space<hbm>>) target(%dma_start3A_316 : memref<128x8xf32, #tpu.memory_space<vmem>>) offsets(%dma_start3A_318 : memref<128xi32, #tpu.memory_space<vmem>>) semaphore(%arg19 : memref<!tpu.dma_semaphore, #tpu.memory_space<semaphore_mem>>)
      %scan3A_322 = arith.constant 0 : i32
      %scan3A_323 = arith.constant 8 : i32
      %scan3A_324 = arith.constant 8 : i32
      %scan3A_325 = arith.addi %scan3A_323, %scan3A_324 : i32
      %scan3A_326 = arith.constant 2 : i32
      %scan3A_327 = scf.for %scan3A_602 = %scan3A_323 to %scan3A_325 step %scan3A_326 iter_args(%scan3A_603 = %scan3A_322) -> (i32)  : i32 {
        %mul3A_604 = arith.constant 16 : i32
        %mul3A_605 = arith.muli %scan3A_602, %mul3A_604 : i32
        %get3A = arith.index_cast %mul3A_605 : i32 to index
        %get3A_606 = tpu.vector_load %arg8[%get3A] {strides = array<i32>} : memref<256xf32, #tpu.memory_space<vmem>>, vector<16xf32>,
        %get3A_607 = arith.index_cast %mul3A_605 : i32 to index
        %get3A_608 = tpu.vector_load %arg9[%get3A_607] {strides = array<i32>} : memref<256xf32, #tpu.memory_space<vmem>>, vector<16xf32>,
        %get3A_609 = arith.index_cast %mul3A_605 : i32 to index
        %get3A_610 = tpu.vector_load %arg10[%get3A_609] {strides = array<i32>} : memref<256xf32, #tpu.memory_space<vmem>>, vector<16xf32>,
        %convert_element_type3A = arith.fptosi %get3A_606 : vector<16xf32> to vector<16xi32>
        %convert_element_type3A_611 = arith.fptosi %get3A_608 : vector<16xf32> to vector<16xi32>
        %convert_element_type3A_612 = arith.fptosi %get3A_610 : vector<16xf32> to vector<16xi32>
        %convert_element_type3A_613 = arith.sitofp %convert_element_type3A : vector<16xi32> to vector<16xf32>
        %sub3A_614 = arith.subf %get3A_606, %convert_element_type3A_613 : vector<16xf32>
        %swap3A = arith.index_cast %mul3A_605 : i32 to index
        %swap3A_615 = tpu.vector_load %arg11[%swap3A] {strides = array<i32>} : memref<256xf32, #tpu.memory_space<vmem>>, vector<16xf32>,
        tpu.vector_store %arg11[%swap3A], %sub3A_614 {strides = array<i32>} : memref<256xf32, #tpu.memory_space<vmem>>, vector<16xf32>,
        %convert_element_type3A_616 = arith.sitofp %convert_element_type3A_611 : vector<16xi32> to vector<16xf32>
        %sub3A_617 = arith.subf %get3A_608, %convert_element_type3A_616 : vector<16xf32>
        %swap3A_618 = arith.index_cast %mul3A_605 : i32 to index
        %swap3A_619 = tpu.vector_load %arg12[%swap3A_618] {strides = array<i32>} : memref<256xf32, #tpu.memory_space<vmem>>, vector<16xf32>,
        tpu.vector_store %arg12[%swap3A_618], %sub3A_617 {strides = array<i32>} : memref<256xf32, #tpu.memory_space<vmem>>, vector<16xf32>,
        %convert_element_type3A_620 = arith.sitofp %convert_element_type3A_612 : vector<16xi32> to vector<16xf32>
        %sub3A_621 = arith.subf %get3A_610, %convert_element_type3A_620 : vector<16xf32>
        %swap3A_622 = arith.index_cast %mul3A_605 : i32 to index
        %swap3A_623 = tpu.vector_load %arg13[%swap3A_622] {strides = array<i32>} : memref<256xf32, #tpu.memory_space<vmem>>, vector<16xf32>,
        tpu.vector_store %arg13[%swap3A_622], %sub3A_621 {strides = array<i32>} : memref<256xf32, #tpu.memory_space<vmem>>, vector<16xf32>,
        %mul3A_624 = arith.constant 257 : i32
        %mul3A_625 = vector.broadcast %mul3A_624 : i32 to vector<16xi32>
        %mul3A_626 = arith.muli %convert_element_type3A, %mul3A_625 : vector<16xi32>
        %add3A_627 = arith.addi %mul3A_626, %convert_element_type3A_611 : vector<16xi32>
        %add3A_628 = arith.constant 0 : i32
        %add3A_629 = vector.broadcast %add3A_628 : i32 to vector<16xi32>
        %add3A_630 = arith.addi %add3A_627, %add3A_629 : vector<16xi32>
        %mul3A_631 = arith.constant 1028 : i32
        %mul3A_632 = vector.broadcast %mul3A_631 : i32 to vector<16xi32>
        %mul3A_633 = arith.muli %add3A_630, %mul3A_632 : vector<16xi32>
        %add3A_634 = arith.addi %mul3A_633, %convert_element_type3A_612 : vector<16xi32>
        %mul3A_635 = arith.constant 16 : i32
        %mul3A_636 = arith.muli %scan3A_602, %mul3A_635 : i32
        %add3A_637 = arith.constant 0 : i32
        %add3A_638 = arith.addi %add3A_637, %mul3A_636 : i32
        %swap3A_639 = arith.index_cast %add3A_638 : i32 to index
        %swap3A_640 = tpu.vector_load %arg14[%swap3A_639] {strides = array<i32>} : memref<1024xi32, #tpu.memory_space<vmem>>, vector<16xi32>,
        tpu.vector_store %arg14[%swap3A_639], %add3A_634 {strides = array<i32>} : memref<1024xi32, #tpu.memory_space<vmem>>, vector<16xi32>,
        %add3A_641 = arith.constant 0 : i32
        %add3A_642 = vector.broadcast %add3A_641 : i32 to vector<16xi32>
        %add3A_643 = arith.addi %add3A_634, %add3A_642 : vector<16xi32>
        %shift_right_arithmetic3A = arith.constant 3 : i32
        %shift_right_arithmetic3A_644 = vector.broadcast %shift_right_arithmetic3A : i32 to vector<16xi32>
        %shift_right_arithmetic3A_645 = arith.shrsi %add3A_643, %shift_right_arithmetic3A_644 : vector<16xi32>
        %add3A_646 = arith.constant 0 : i32
        %add3A_647 = vector.broadcast %add3A_646 : i32 to vector<16xi32>
        %add3A_648 = arith.addi %shift_right_arithmetic3A_645, %add3A_647 : vector<16xi32>
        %mul3A_649 = arith.constant 16 : i32
        %mul3A_650 = arith.muli %scan3A_602, %mul3A_649 : i32
        %add3A_651 = arith.constant 0 : i32
        %add3A_652 = arith.addi %add3A_651, %mul3A_650 : i32
        %swap3A_653 = arith.index_cast %add3A_652 : i32 to index
        %swap3A_654 = tpu.vector_load %arg15[%swap3A_653] {strides = array<i32>} : memref<8192xi32, #tpu.memory_space<vmem>>, vector<16xi32>,
        tpu.vector_store %arg15[%swap3A_653], %add3A_648 {strides = array<i32>} : memref<8192xi32, #tpu.memory_space<vmem>>, vector<16xi32>,
        %add3A_655 = arith.constant 1 : i32
        %add3A_656 = vector.broadcast %add3A_655 : i32 to vector<16xi32>
        %add3A_657 = arith.addi %add3A_634, %add3A_656 : vector<16xi32>
        %shift_right_arithmetic3A_658 = arith.constant 3 : i32
        %shift_right_arithmetic3A_659 = vector.broadcast %shift_right_arithmetic3A_658 : i32 to vector<16xi32>
        %shift_right_arithmetic3A_660 = arith.shrsi %add3A_657, %shift_right_arithmetic3A_659 : vector<16xi32>
        %add3A_661 = arith.constant 0 : i32
        %add3A_662 = vector.broadcast %add3A_661 : i32 to vector<16xi32>
        %add3A_663 = arith.addi %shift_right_arithmetic3A_660, %add3A_662 : vector<16xi32>
        %mul3A_664 = arith.constant 16 : i32
        %mul3A_665 = arith.muli %scan3A_602, %mul3A_664 : i32
        %add3A_666 = arith.constant 1024 : i32
        %add3A_667 = arith.addi %add3A_666, %mul3A_665 : i32
        %swap3A_668 = arith.index_cast %add3A_667 : i32 to index
        %swap3A_669 = tpu.vector_load %arg15[%swap3A_668] {strides = array<i32>} : memref<8192xi32, #tpu.memory_space<vmem>>, vector<16xi32>,
        tpu.vector_store %arg15[%swap3A_668], %add3A_663 {strides = array<i32>} : memref<8192xi32, #tpu.memory_space<vmem>>, vector<16xi32>,
        %add3A_670 = arith.constant 1 : i32
        %add3A_671 = vector.broadcast %add3A_670 : i32 to vector<16xi32>
        %add3A_672 = arith.addi %add3A_634, %add3A_671 : vector<16xi32>
        %shift_right_arithmetic3A_673 = arith.constant 3 : i32
        %shift_right_arithmetic3A_674 = vector.broadcast %shift_right_arithmetic3A_673 : i32 to vector<16xi32>
        %shift_right_arithmetic3A_675 = arith.shrsi %add3A_672, %shift_right_arithmetic3A_674 : vector<16xi32>
        %add3A_676 = arith.constant 32 : i32
        %add3A_677 = vector.broadcast %add3A_676 : i32 to vector<16xi32>
        %add3A_678 = arith.addi %shift_right_arithmetic3A_675, %add3A_677 : vector<16xi32>
        %mul3A_679 = arith.constant 16 : i32
        %mul3A_680 = arith.muli %scan3A_602, %mul3A_679 : i32
        %add3A_681 = arith.constant 256 : i32
        %add3A_682 = arith.addi %add3A_681, %mul3A_680 : i32
        %swap3A_683 = arith.index_cast %add3A_682 : i32 to index
        %swap3A_684 = tpu.vector_load %arg15[%swap3A_683] {strides = array<i32>} : memref<8192xi32, #tpu.memory_space<vmem>>, vector<16xi32>,
        tpu.vector_store %arg15[%swap3A_683], %add3A_678 {strides = array<i32>} : memref<8192xi32, #tpu.memory_space<vmem>>, vector<16xi32>,
        %add3A_685 = arith.constant 2 : i32
        %add3A_686 = vector.broadcast %add3A_685 : i32 to vector<16xi32>
        %add3A_687 = arith.addi %add3A_634, %add3A_686 : vector<16xi32>
        %shift_right_arithmetic3A_688 = arith.constant 3 : i32
        %shift_right_arithmetic3A_689 = vector.broadcast %shift_right_arithmetic3A_688 : i32 to vector<16xi32>
        %shift_right_arithmetic3A_690 = arith.shrsi %add3A_687, %shift_right_arithmetic3A_689 : vector<16xi32>
        %add3A_691 = arith.constant 32 : i32
        %add3A_692 = vector.broadcast %add3A_691 : i32 to vector<16xi32>
        %add3A_693 = arith.addi %shift_right_arithmetic3A_690, %add3A_692 : vector<16xi32>
        %mul3A_694 = arith.constant 16 : i32
        %mul3A_695 = arith.muli %scan3A_602, %mul3A_694 : i32
        %add3A_696 = arith.constant 1280 : i32
        %add3A_697 = arith.addi %add3A_696, %mul3A_695 : i32
        %swap3A_698 = arith.index_cast %add3A_697 : i32 to index
        %swap3A_699 = tpu.vector_load %arg15[%swap3A_698] {strides = array<i32>} : memref<8192xi32, #tpu.memory_space<vmem>>, vector<16xi32>,
        tpu.vector_store %arg15[%swap3A_698], %add3A_693 {strides = array<i32>} : memref<8192xi32, #tpu.memory_space<vmem>>, vector<16xi32>,
        %add3A_700 = arith.constant 2 : i32
        %add3A_701 = vector.broadcast %add3A_700 : i32 to vector<16xi32>
        %add3A_702 = arith.addi %add3A_634, %add3A_701 : vector<16xi32>
        %shift_right_arithmetic3A_703 = arith.constant 3 : i32
        %shift_right_arithmetic3A_704 = vector.broadcast %shift_right_arithmetic3A_703 : i32 to vector<16xi32>
        %shift_right_arithmetic3A_705 = arith.shrsi %add3A_702, %shift_right_arithmetic3A_704 : vector<16xi32>
        %add3A_706 = arith.constant 64 : i32
        %add3A_707 = vector.broadcast %add3A_706 : i32 to vector<16xi32>
        %add3A_708 = arith.addi %shift_right_arithmetic3A_705, %add3A_707 : vector<16xi32>
        %mul3A_709 = arith.constant 16 : i32
        %mul3A_710 = arith.muli %scan3A_602, %mul3A_709 : i32
        %add3A_711 = arith.constant 512 : i32
        %add3A_712 = arith.addi %add3A_711, %mul3A_710 : i32
        %swap3A_713 = arith.index_cast %add3A_712 : i32 to index
        %swap3A_714 = tpu.vector_load %arg15[%swap3A_713] {strides = array<i32>} : memref<8192xi32, #tpu.memory_space<vmem>>, vector<16xi32>,
        tpu.vector_store %arg15[%swap3A_713], %add3A_708 {strides = array<i32>} : memref<8192xi32, #tpu.memory_space<vmem>>, vector<16xi32>,
        %add3A_715 = arith.constant 3 : i32
        %add3A_716 = vector.broadcast %add3A_715 : i32 to vector<16xi32>
        %add3A_717 = arith.addi %add3A_634, %add3A_716 : vector<16xi32>
        %shift_right_arithmetic3A_718 = arith.constant 3 : i32
        %shift_right_arithmetic3A_719 = vector.broadcast %shift_right_arithmetic3A_718 : i32 to vector<16xi32>
        %shift_right_arithmetic3A_720 = arith.shrsi %add3A_717, %shift_right_arithmetic3A_719 : vector<16xi32>
        %add3A_721 = arith.constant 64 : i32
        %add3A_722 = vector.broadcast %add3A_721 : i32 to vector<16xi32>
        %add3A_723 = arith.addi %shift_right_arithmetic3A_720, %add3A_722 : vector<16xi32>
        %mul3A_724 = arith.constant 16 : i32
        %mul3A_725 = arith.muli %scan3A_602, %mul3A_724 : i32
        %add3A_726 = arith.constant 1536 : i32
        %add3A_727 = arith.addi %add3A_726, %mul3A_725 : i32
        %swap3A_728 = arith.index_cast %add3A_727 : i32 to index
        %swap3A_729 = tpu.vector_load %arg15[%swap3A_728] {strides = array<i32>} : memref<8192xi32, #tpu.memory_space<vmem>>, vector<16xi32>,
        tpu.vector_store %arg15[%swap3A_728], %add3A_723 {strides = array<i32>} : memref<8192xi32, #tpu.memory_space<vmem>>, vector<16xi32>,
        %add3A_730 = arith.constant 3 : i32
        %add3A_731 = vector.broadcast %add3A_730 : i32 to vector<16xi32>
        %add3A_732 = arith.addi %add3A_634, %add3A_731 : vector<16xi32>
        %shift_right_arithmetic3A_733 = arith.constant 3 : i32
        %shift_right_arithmetic3A_734 = vector.broadcast %shift_right_arithmetic3A_733 : i32 to vector<16xi32>
        %shift_right_arithmetic3A_735 = arith.shrsi %add3A_732, %shift_right_arithmetic3A_734 : vector<16xi32>
        %add3A_736 = arith.constant 96 : i32
        %add3A_737 = vector.broadcast %add3A_736 : i32 to vector<16xi32>
        %add3A_738 = arith.addi %shift_right_arithmetic3A_735, %add3A_737 : vector<16xi32>
        %mul3A_739 = arith.constant 16 : i32
        %mul3A_740 = arith.muli %scan3A_602, %mul3A_739 : i32
        %add3A_741 = arith.constant 768 : i32
        %add3A_742 = arith.addi %add3A_741, %mul3A_740 : i32
        %swap3A_743 = arith.index_cast %add3A_742 : i32 to index
        %swap3A_744 = tpu.vector_load %arg15[%swap3A_743] {strides = array<i32>} : memref<8192xi32, #tpu.memory_space<vmem>>, vector<16xi32>,
        tpu.vector_store %arg15[%swap3A_743], %add3A_738 {strides = array<i32>} : memref<8192xi32, #tpu.memory_space<vmem>>, vector<16xi32>,
        %add3A_745 = arith.constant 4 : i32
        %add3A_746 = vector.broadcast %add3A_745 : i32 to vector<16xi32>
        %add3A_747 = arith.addi %add3A_634, %add3A_746 : vector<16xi32>
        %shift_right_arithmetic3A_748 = arith.constant 3 : i32
        %shift_right_arithmetic3A_749 = vector.broadcast %shift_right_arithmetic3A_748 : i32 to vector<16xi32>
        %shift_right_arithmetic3A_750 = arith.shrsi %add3A_747, %shift_right_arithmetic3A_749 : vector<16xi32>
        %add3A_751 = arith.constant 96 : i32
        %add3A_752 = vector.broadcast %add3A_751 : i32 to vector<16xi32>
        %add3A_753 = arith.addi %shift_right_arithmetic3A_750, %add3A_752 : vector<16xi32>
        %mul3A_754 = arith.constant 16 : i32
        %mul3A_755 = arith.muli %scan3A_602, %mul3A_754 : i32
        %add3A_756 = arith.constant 1792 : i32
        %add3A_757 = arith.addi %add3A_756, %mul3A_755 : i32
        %swap3A_758 = arith.index_cast %add3A_757 : i32 to index
        %swap3A_759 = tpu.vector_load %arg15[%swap3A_758] {strides = array<i32>} : memref<8192xi32, #tpu.memory_space<vmem>>, vector<16xi32>,
        tpu.vector_store %arg15[%swap3A_758], %add3A_753 {strides = array<i32>} : memref<8192xi32, #tpu.memory_space<vmem>>, vector<16xi32>,
        %add3A_760 = arith.constant 1 : i32
        %add3A_761 = vector.broadcast %add3A_760 : i32 to vector<16xi32>
        %add3A_762 = arith.addi %add3A_627, %add3A_761 : vector<16xi32>
        %mul3A_763 = arith.constant 1028 : i32
        %mul3A_764 = vector.broadcast %mul3A_763 : i32 to vector<16xi32>
        %mul3A_765 = arith.muli %add3A_762, %mul3A_764 : vector<16xi32>
        %add3A_766 = arith.addi %mul3A_765, %convert_element_type3A_612 : vector<16xi32>
        %mul3A_767 = arith.constant 16 : i32
        %mul3A_768 = arith.muli %scan3A_602, %mul3A_767 : i32
        %add3A_769 = arith.constant 256 : i32
        %add3A_770 = arith.addi %add3A_769, %mul3A_768 : i32
        %swap3A_771 = arith.index_cast %add3A_770 : i32 to index
        %swap3A_772 = tpu.vector_load %arg14[%swap3A_771] {strides = array<i32>} : memref<1024xi32, #tpu.memory_space<vmem>>, vector<16xi32>,
        tpu.vector_store %arg14[%swap3A_771], %add3A_766 {strides = array<i32>} : memref<1024xi32, #tpu.memory_space<vmem>>, vector<16xi32>,
        %add3A_773 = arith.constant 0 : i32
        %add3A_774 = vector.broadcast %add3A_773 : i32 to vector<16xi32>
        %add3A_775 = arith.addi %add3A_766, %add3A_774 : vector<16xi32>
        %shift_right_arithmetic3A_776 = arith.constant 3 : i32
        %shift_right_arithmetic3A_777 = vector.broadcast %shift_right_arithmetic3A_776 : i32 to vector<16xi32>
        %shift_right_arithmetic3A_778 = arith.shrsi %add3A_775, %shift_right_arithmetic3A_777 : vector<16xi32>
        %add3A_779 = arith.constant 0 : i32
        %add3A_780 = vector.broadcast %add3A_779 : i32 to vector<16xi32>
        %add3A_781 = arith.addi %shift_right_arithmetic3A_778, %add3A_780 : vector<16xi32>
        %mul3A_782 = arith.constant 16 : i32
        %mul3A_783 = arith.muli %scan3A_602, %mul3A_782 : i32
        %add3A_784 = arith.constant 2048 : i32
        %add3A_785 = arith.addi %add3A_784, %mul3A_783 : i32
        %swap3A_786 = arith.index_cast %add3A_785 : i32 to index
        %swap3A_787 = tpu.vector_load %arg15[%swap3A_786] {strides = array<i32>} : memref<8192xi32, #tpu.memory_space<vmem>>, vector<16xi32>,
        tpu.vector_store %arg15[%swap3A_786], %add3A_781 {strides = array<i32>} : memref<8192xi32, #tpu.memory_space<vmem>>, vector<16xi32>,
        %add3A_788 = arith.constant 1 : i32
        %add3A_789 = vector.broadcast %add3A_788 : i32 to vector<16xi32>
        %add3A_790 = arith.addi %add3A_766, %add3A_789 : vector<16xi32>
        %shift_right_arithmetic3A_791 = arith.constant 3 : i32
        %shift_right_arithmetic3A_792 = vector.broadcast %shift_right_arithmetic3A_791 : i32 to vector<16xi32>
        %shift_right_arithmetic3A_793 = arith.shrsi %add3A_790, %shift_right_arithmetic3A_792 : vector<16xi32>
        %add3A_794 = arith.constant 0 : i32
        %add3A_795 = vector.broadcast %add3A_794 : i32 to vector<16xi32>
        %add3A_796 = arith.addi %shift_right_arithmetic3A_793, %add3A_795 : vector<16xi32>
        %mul3A_797 = arith.constant 16 : i32
        %mul3A_798 = arith.muli %scan3A_602, %mul3A_797 : i32
        %add3A_799 = arith.constant 3072 : i32
        %add3A_800 = arith.addi %add3A_799, %mul3A_798 : i32
        %swap3A_801 = arith.index_cast %add3A_800 : i32 to index
        %swap3A_802 = tpu.vector_load %arg15[%swap3A_801] {strides = array<i32>} : memref<8192xi32, #tpu.memory_space<vmem>>, vector<16xi32>,
        tpu.vector_store %arg15[%swap3A_801], %add3A_796 {strides = array<i32>} : memref<8192xi32, #tpu.memory_space<vmem>>, vector<16xi32>,
        %add3A_803 = arith.constant 1 : i32
        %add3A_804 = vector.broadcast %add3A_803 : i32 to vector<16xi32>
        %add3A_805 = arith.addi %add3A_766, %add3A_804 : vector<16xi32>
        %shift_right_arithmetic3A_806 = arith.constant 3 : i32
        %shift_right_arithmetic3A_807 = vector.broadcast %shift_right_arithmetic3A_806 : i32 to vector<16xi32>
        %shift_right_arithmetic3A_808 = arith.shrsi %add3A_805, %shift_right_arithmetic3A_807 : vector<16xi32>
        %add3A_809 = arith.constant 32 : i32
        %add3A_810 = vector.broadcast %add3A_809 : i32 to vector<16xi32>
        %add3A_811 = arith.addi %shift_right_arithmetic3A_808, %add3A_810 : vector<16xi32>
        %mul3A_812 = arith.constant 16 : i32
        %mul3A_813 = arith.muli %scan3A_602, %mul3A_812 : i32
        %add3A_814 = arith.constant 2304 : i32
        %add3A_815 = arith.addi %add3A_814, %mul3A_813 : i32
        %swap3A_816 = arith.index_cast %add3A_815 : i32 to index
        %swap3A_817 = tpu.vector_load %arg15[%swap3A_816] {strides = array<i32>} : memref<8192xi32, #tpu.memory_space<vmem>>, vector<16xi32>,
        tpu.vector_store %arg15[%swap3A_816], %add3A_811 {strides = array<i32>} : memref<8192xi32, #tpu.memory_space<vmem>>, vector<16xi32>,
        %add3A_818 = arith.constant 2 : i32
        %add3A_819 = vector.broadcast %add3A_818 : i32 to vector<16xi32>
        %add3A_820 = arith.addi %add3A_766, %add3A_819 : vector<16xi32>
        %shift_right_arithmetic3A_821 = arith.constant 3 : i32
        %shift_right_arithmetic3A_822 = vector.broadcast %shift_right_arithmetic3A_821 : i32 to vector<16xi32>
        %shift_right_arithmetic3A_823 = arith.shrsi %add3A_820, %shift_right_arithmetic3A_822 : vector<16xi32>
        %add3A_824 = arith.constant 32 : i32
        %add3A_825 = vector.broadcast %add3A_824 : i32 to vector<16xi32>
        %add3A_826 = arith.addi %shift_right_arithmetic3A_823, %add3A_825 : vector<16xi32>
        %mul3A_827 = arith.constant 16 : i32
        %mul3A_828 = arith.muli %scan3A_602, %mul3A_827 : i32
        %add3A_829 = arith.constant 3328 : i32
        %add3A_830 = arith.addi %add3A_829, %mul3A_828 : i32
        %swap3A_831 = arith.index_cast %add3A_830 : i32 to index
        %swap3A_832 = tpu.vector_load %arg15[%swap3A_831] {strides = array<i32>} : memref<8192xi32, #tpu.memory_space<vmem>>, vector<16xi32>,
        tpu.vector_store %arg15[%swap3A_831], %add3A_826 {strides = array<i32>} : memref<8192xi32, #tpu.memory_space<vmem>>, vector<16xi32>,
        %add3A_833 = arith.constant 2 : i32
        %add3A_834 = vector.broadcast %add3A_833 : i32 to vector<16xi32>
        %add3A_835 = arith.addi %add3A_766, %add3A_834 : vector<16xi32>
        %shift_right_arithmetic3A_836 = arith.constant 3 : i32
        %shift_right_arithmetic3A_837 = vector.broadcast %shift_right_arithmetic3A_836 : i32 to vector<16xi32>
        %shift_right_arithmetic3A_838 = arith.shrsi %add3A_835, %shift_right_arithmetic3A_837 : vector<16xi32>
        %add3A_839 = arith.constant 64 : i32
        %add3A_840 = vector.broadcast %add3A_839 : i32 to vector<16xi32>
        %add3A_841 = arith.addi %shift_right_arithmetic3A_838, %add3A_840 : vector<16xi32>
        %mul3A_842 = arith.constant 16 : i32
        %mul3A_843 = arith.muli %scan3A_602, %mul3A_842 : i32
        %add3A_844 = arith.constant 2560 : i32
        %add3A_845 = arith.addi %add3A_844, %mul3A_843 : i32
        %swap3A_846 = arith.index_cast %add3A_845 : i32 to index
        %swap3A_847 = tpu.vector_load %arg15[%swap3A_846] {strides = array<i32>} : memref<8192xi32, #tpu.memory_space<vmem>>, vector<16xi32>,
        tpu.vector_store %arg15[%swap3A_846], %add3A_841 {strides = array<i32>} : memref<8192xi32, #tpu.memory_space<vmem>>, vector<16xi32>,
        %add3A_848 = arith.constant 3 : i32
        %add3A_849 = vector.broadcast %add3A_848 : i32 to vector<16xi32>
        %add3A_850 = arith.addi %add3A_766, %add3A_849 : vector<16xi32>
        %shift_right_arithmetic3A_851 = arith.constant 3 : i32
        %shift_right_arithmetic3A_852 = vector.broadcast %shift_right_arithmetic3A_851 : i32 to vector<16xi32>
        %shift_right_arithmetic3A_853 = arith.shrsi %add3A_850, %shift_right_arithmetic3A_852 : vector<16xi32>
        %add3A_854 = arith.constant 64 : i32
        %add3A_855 = vector.broadcast %add3A_854 : i32 to vector<16xi32>
        %add3A_856 = arith.addi %shift_right_arithmetic3A_853, %add3A_855 : vector<16xi32>
        %mul3A_857 = arith.constant 16 : i32
        %mul3A_858 = arith.muli %scan3A_602, %mul3A_857 : i32
        %add3A_859 = arith.constant 3584 : i32
        %add3A_860 = arith.addi %add3A_859, %mul3A_858 : i32
        %swap3A_861 = arith.index_cast %add3A_860 : i32 to index
        %swap3A_862 = tpu.vector_load %arg15[%swap3A_861] {strides = array<i32>} : memref<8192xi32, #tpu.memory_space<vmem>>, vector<16xi32>,
        tpu.vector_store %arg15[%swap3A_861], %add3A_856 {strides = array<i32>} : memref<8192xi32, #tpu.memory_space<vmem>>, vector<16xi32>,
        %add3A_863 = arith.constant 3 : i32
        %add3A_864 = vector.broadcast %add3A_863 : i32 to vector<16xi32>
        %add3A_865 = arith.addi %add3A_766, %add3A_864 : vector<16xi32>
        %shift_right_arithmetic3A_866 = arith.constant 3 : i32
        %shift_right_arithmetic3A_867 = vector.broadcast %shift_right_arithmetic3A_866 : i32 to vector<16xi32>
        %shift_right_arithmetic3A_868 = arith.shrsi %add3A_865, %shift_right_arithmetic3A_867 : vector<16xi32>
        %add3A_869 = arith.constant 96 : i32
        %add3A_870 = vector.broadcast %add3A_869 : i32 to vector<16xi32>
        %add3A_871 = arith.addi %shift_right_arithmetic3A_868, %add3A_870 : vector<16xi32>
        %mul3A_872 = arith.constant 16 : i32
        %mul3A_873 = arith.muli %scan3A_602, %mul3A_872 : i32
        %add3A_874 = arith.constant 2816 : i32
        %add3A_875 = arith.addi %add3A_874, %mul3A_873 : i32
        %swap3A_876 = arith.index_cast %add3A_875 : i32 to index
        %swap3A_877 = tpu.vector_load %arg15[%swap3A_876] {strides = array<i32>} : memref<8192xi32, #tpu.memory_space<vmem>>, vector<16xi32>,
        tpu.vector_store %arg15[%swap3A_876], %add3A_871 {strides = array<i32>} : memref<8192xi32, #tpu.memory_space<vmem>>, vector<16xi32>,
        %add3A_878 = arith.constant 4 : i32
        %add3A_879 = vector.broadcast %add3A_878 : i32 to vector<16xi32>
        %add3A_880 = arith.addi %add3A_766, %add3A_879 : vector<16xi32>
        %shift_right_arithmetic3A_881 = arith.constant 3 : i32
        %shift_right_arithmetic3A_882 = vector.broadcast %shift_right_arithmetic3A_881 : i32 to vector<16xi32>
        %shift_right_arithmetic3A_883 = arith.shrsi %add3A_880, %shift_right_arithmetic3A_882 : vector<16xi32>
        %add3A_884 = arith.constant 96 : i32
        %add3A_885 = vector.broadcast %add3A_884 : i32 to vector<16xi32>
        %add3A_886 = arith.addi %shift_right_arithmetic3A_883, %add3A_885 : vector<16xi32>
        %mul3A_887 = arith.constant 16 : i32
        %mul3A_888 = arith.muli %scan3A_602, %mul3A_887 : i32
        %add3A_889 = arith.constant 3840 : i32
        %add3A_890 = arith.addi %add3A_889, %mul3A_888 : i32
        %swap3A_891 = arith.index_cast %add3A_890 : i32 to index
        %swap3A_892 = tpu.vector_load %arg15[%swap3A_891] {strides = array<i32>} : memref<8192xi32, #tpu.memory_space<vmem>>, vector<16xi32>,
        tpu.vector_store %arg15[%swap3A_891], %add3A_886 {strides = array<i32>} : memref<8192xi32, #tpu.memory_space<vmem>>, vector<16xi32>,
        %add3A_893 = arith.constant 257 : i32
        %add3A_894 = vector.broadcast %add3A_893 : i32 to vector<16xi32>
        %add3A_895 = arith.addi %add3A_627, %add3A_894 : vector<16xi32>
        %mul3A_896 = arith.constant 1028 : i32
        %mul3A_897 = vector.broadcast %mul3A_896 : i32 to vector<16xi32>
        %mul3A_898 = arith.muli %add3A_895, %mul3A_897 : vector<16xi32>
        %add3A_899 = arith.addi %mul3A_898, %convert_element_type3A_612 : vector<16xi32>
        %mul3A_900 = arith.constant 16 : i32
        %mul3A_901 = arith.muli %scan3A_602, %mul3A_900 : i32
        %add3A_902 = arith.constant 512 : i32
        %add3A_903 = arith.addi %add3A_902, %mul3A_901 : i32
        %swap3A_904 = arith.index_cast %add3A_903 : i32 to index
        %swap3A_905 = tpu.vector_load %arg14[%swap3A_904] {strides = array<i32>} : memref<1024xi32, #tpu.memory_space<vmem>>, vector<16xi32>,
        tpu.vector_store %arg14[%swap3A_904], %add3A_899 {strides = array<i32>} : memref<1024xi32, #tpu.memory_space<vmem>>, vector<16xi32>,
        %add3A_906 = arith.constant 0 : i32
        %add3A_907 = vector.broadcast %add3A_906 : i32 to vector<16xi32>
        %add3A_908 = arith.addi %add3A_899, %add3A_907 : vector<16xi32>
        %shift_right_arithmetic3A_909 = arith.constant 3 : i32
        %shift_right_arithmetic3A_910 = vector.broadcast %shift_right_arithmetic3A_909 : i32 to vector<16xi32>
        %shift_right_arithmetic3A_911 = arith.shrsi %add3A_908, %shift_right_arithmetic3A_910 : vector<16xi32>
        %add3A_912 = arith.constant 0 : i32
        %add3A_913 = vector.broadcast %add3A_912 : i32 to vector<16xi32>
        %add3A_914 = arith.addi %shift_right_arithmetic3A_911, %add3A_913 : vector<16xi32>
        %mul3A_915 = arith.constant 16 : i32
        %mul3A_916 = arith.muli %scan3A_602, %mul3A_915 : i32
        %add3A_917 = arith.constant 4096 : i32
        %add3A_918 = arith.addi %add3A_917, %mul3A_916 : i32
        %swap3A_919 = arith.index_cast %add3A_918 : i32 to index
        %swap3A_920 = tpu.vector_load %arg15[%swap3A_919] {strides = array<i32>} : memref<8192xi32, #tpu.memory_space<vmem>>, vector<16xi32>,
        tpu.vector_store %arg15[%swap3A_919], %add3A_914 {strides = array<i32>} : memref<8192xi32, #tpu.memory_space<vmem>>, vector<16xi32>,
        %add3A_921 = arith.constant 1 : i32
        %add3A_922 = vector.broadcast %add3A_921 : i32 to vector<16xi32>
        %add3A_923 = arith.addi %add3A_899, %add3A_922 : vector<16xi32>
        %shift_right_arithmetic3A_924 = arith.constant 3 : i32
        %shift_right_arithmetic3A_925 = vector.broadcast %shift_right_arithmetic3A_924 : i32 to vector<16xi32>
        %shift_right_arithmetic3A_926 = arith.shrsi %add3A_923, %shift_right_arithmetic3A_925 : vector<16xi32>
        %add3A_927 = arith.constant 0 : i32
        %add3A_928 = vector.broadcast %add3A_927 : i32 to vector<16xi32>
        %add3A_929 = arith.addi %shift_right_arithmetic3A_926, %add3A_928 : vector<16xi32>
        %mul3A_930 = arith.constant 16 : i32
        %mul3A_931 = arith.muli %scan3A_602, %mul3A_930 : i32
        %add3A_932 = arith.constant 5120 : i32
        %add3A_933 = arith.addi %add3A_932, %mul3A_931 : i32
        %swap3A_934 = arith.index_cast %add3A_933 : i32 to index
        %swap3A_935 = tpu.vector_load %arg15[%swap3A_934] {strides = array<i32>} : memref<8192xi32, #tpu.memory_space<vmem>>, vector<16xi32>,
        tpu.vector_store %arg15[%swap3A_934], %add3A_929 {strides = array<i32>} : memref<8192xi32, #tpu.memory_space<vmem>>, vector<16xi32>,
        %add3A_936 = arith.constant 1 : i32
        %add3A_937 = vector.broadcast %add3A_936 : i32 to vector<16xi32>
        %add3A_938 = arith.addi %add3A_899, %add3A_937 : vector<16xi32>
        %shift_right_arithmetic3A_939 = arith.constant 3 : i32
        %shift_right_arithmetic3A_940 = vector.broadcast %shift_right_arithmetic3A_939 : i32 to vector<16xi32>
        %shift_right_arithmetic3A_941 = arith.shrsi %add3A_938, %shift_right_arithmetic3A_940 : vector<16xi32>
        %add3A_942 = arith.constant 32 : i32
        %add3A_943 = vector.broadcast %add3A_942 : i32 to vector<16xi32>
        %add3A_944 = arith.addi %shift_right_arithmetic3A_941, %add3A_943 : vector<16xi32>
        %mul3A_945 = arith.constant 16 : i32
        %mul3A_946 = arith.muli %scan3A_602, %mul3A_945 : i32
        %add3A_947 = arith.constant 4352 : i32
        %add3A_948 = arith.addi %add3A_947, %mul3A_946 : i32
        %swap3A_949 = arith.index_cast %add3A_948 : i32 to index
        %swap3A_950 = tpu.vector_load %arg15[%swap3A_949] {strides = array<i32>} : memref<8192xi32, #tpu.memory_space<vmem>>, vector<16xi32>,
        tpu.vector_store %arg15[%swap3A_949], %add3A_944 {strides = array<i32>} : memref<8192xi32, #tpu.memory_space<vmem>>, vector<16xi32>,
        %add3A_951 = arith.constant 2 : i32
        %add3A_952 = vector.broadcast %add3A_951 : i32 to vector<16xi32>
        %add3A_953 = arith.addi %add3A_899, %add3A_952 : vector<16xi32>
        %shift_right_arithmetic3A_954 = arith.constant 3 : i32
        %shift_right_arithmetic3A_955 = vector.broadcast %shift_right_arithmetic3A_954 : i32 to vector<16xi32>
        %shift_right_arithmetic3A_956 = arith.shrsi %add3A_953, %shift_right_arithmetic3A_955 : vector<16xi32>
        %add3A_957 = arith.constant 32 : i32
        %add3A_958 = vector.broadcast %add3A_957 : i32 to vector<16xi32>
        %add3A_959 = arith.addi %shift_right_arithmetic3A_956, %add3A_958 : vector<16xi32>
        %mul3A_960 = arith.constant 16 : i32
        %mul3A_961 = arith.muli %scan3A_602, %mul3A_960 : i32
        %add3A_962 = arith.constant 5376 : i32
        %add3A_963 = arith.addi %add3A_962, %mul3A_961 : i32
        %swap3A_964 = arith.index_cast %add3A_963 : i32 to index
        %swap3A_965 = tpu.vector_load %arg15[%swap3A_964] {strides = array<i32>} : memref<8192xi32, #tpu.memory_space<vmem>>, vector<16xi32>,
        tpu.vector_store %arg15[%swap3A_964], %add3A_959 {strides = array<i32>} : memref<8192xi32, #tpu.memory_space<vmem>>, vector<16xi32>,
        %add3A_966 = arith.constant 2 : i32
        %add3A_967 = vector.broadcast %add3A_966 : i32 to vector<16xi32>
        %add3A_968 = arith.addi %add3A_899, %add3A_967 : vector<16xi32>
        %shift_right_arithmetic3A_969 = arith.constant 3 : i32
        %shift_right_arithmetic3A_970 = vector.broadcast %shift_right_arithmetic3A_969 : i32 to vector<16xi32>
        %shift_right_arithmetic3A_971 = arith.shrsi %add3A_968, %shift_right_arithmetic3A_970 : vector<16xi32>
        %add3A_972 = arith.constant 64 : i32
        %add3A_973 = vector.broadcast %add3A_972 : i32 to vector<16xi32>
        %add3A_974 = arith.addi %shift_right_arithmetic3A_971, %add3A_973 : vector<16xi32>
        %mul3A_975 = arith.constant 16 : i32
        %mul3A_976 = arith.muli %scan3A_602, %mul3A_975 : i32
        %add3A_977 = arith.constant 4608 : i32
        %add3A_978 = arith.addi %add3A_977, %mul3A_976 : i32
        %swap3A_979 = arith.index_cast %add3A_978 : i32 to index
        %swap3A_980 = tpu.vector_load %arg15[%swap3A_979] {strides = array<i32>} : memref<8192xi32, #tpu.memory_space<vmem>>, vector<16xi32>,
        tpu.vector_store %arg15[%swap3A_979], %add3A_974 {strides = array<i32>} : memref<8192xi32, #tpu.memory_space<vmem>>, vector<16xi32>,
        %add3A_981 = arith.constant 3 : i32
        %add3A_982 = vector.broadcast %add3A_981 : i32 to vector<16xi32>
        %add3A_983 = arith.addi %add3A_899, %add3A_982 : vector<16xi32>
        %shift_right_arithmetic3A_984 = arith.constant 3 : i32
        %shift_right_arithmetic3A_985 = vector.broadcast %shift_right_arithmetic3A_984 : i32 to vector<16xi32>
        %shift_right_arithmetic3A_986 = arith.shrsi %add3A_983, %shift_right_arithmetic3A_985 : vector<16xi32>
        %add3A_987 = arith.constant 64 : i32
        %add3A_988 = vector.broadcast %add3A_987 : i32 to vector<16xi32>
        %add3A_989 = arith.addi %shift_right_arithmetic3A_986, %add3A_988 : vector<16xi32>
        %mul3A_990 = arith.constant 16 : i32
        %mul3A_991 = arith.muli %scan3A_602, %mul3A_990 : i32
        %add3A_992 = arith.constant 5632 : i32
        %add3A_993 = arith.addi %add3A_992, %mul3A_991 : i32
        %swap3A_994 = arith.index_cast %add3A_993 : i32 to index
        %swap3A_995 = tpu.vector_load %arg15[%swap3A_994] {strides = array<i32>} : memref<8192xi32, #tpu.memory_space<vmem>>, vector<16xi32>,
        tpu.vector_store %arg15[%swap3A_994], %add3A_989 {strides = array<i32>} : memref<8192xi32, #tpu.memory_space<vmem>>, vector<16xi32>,
        %add3A_996 = arith.constant 3 : i32
        %add3A_997 = vector.broadcast %add3A_996 : i32 to vector<16xi32>
        %add3A_998 = arith.addi %add3A_899, %add3A_997 : vector<16xi32>
        %shift_right_arithmetic3A_999 = arith.constant 3 : i32
        %shift_right_arithmetic3A_1000 = vector.broadcast %shift_right_arithmetic3A_999 : i32 to vector<16xi32>
        %shift_right_arithmetic3A_1001 = arith.shrsi %add3A_998, %shift_right_arithmetic3A_1000 : vector<16xi32>
        %add3A_1002 = arith.constant 96 : i32
        %add3A_1003 = vector.broadcast %add3A_1002 : i32 to vector<16xi32>
        %add3A_1004 = arith.addi %shift_right_arithmetic3A_1001, %add3A_1003 : vector<16xi32>
        %mul3A_1005 = arith.constant 16 : i32
        %mul3A_1006 = arith.muli %scan3A_602, %mul3A_1005 : i32
        %add3A_1007 = arith.constant 4864 : i32
        %add3A_1008 = arith.addi %add3A_1007, %mul3A_1006 : i32
        %swap3A_1009 = arith.index_cast %add3A_1008 : i32 to index
        %swap3A_1010 = tpu.vector_load %arg15[%swap3A_1009] {strides = array<i32>} : memref<8192xi32, #tpu.memory_space<vmem>>, vector<16xi32>,
        tpu.vector_store %arg15[%swap3A_1009], %add3A_1004 {strides = array<i32>} : memref<8192xi32, #tpu.memory_space<vmem>>, vector<16xi32>,
        %add3A_1011 = arith.constant 4 : i32
        %add3A_1012 = vector.broadcast %add3A_1011 : i32 to vector<16xi32>
        %add3A_1013 = arith.addi %add3A_899, %add3A_1012 : vector<16xi32>
        %shift_right_arithmetic3A_1014 = arith.constant 3 : i32
        %shift_right_arithmetic3A_1015 = vector.broadcast %shift_right_arithmetic3A_1014 : i32 to vector<16xi32>
        %shift_right_arithmetic3A_1016 = arith.shrsi %add3A_1013, %shift_right_arithmetic3A_1015 : vector<16xi32>
        %add3A_1017 = arith.constant 96 : i32
        %add3A_1018 = vector.broadcast %add3A_1017 : i32 to vector<16xi32>
        %add3A_1019 = arith.addi %shift_right_arithmetic3A_1016, %add3A_1018 : vector<16xi32>
        %mul3A_1020 = arith.constant 16 : i32
        %mul3A_1021 = arith.muli %scan3A_602, %mul3A_1020 : i32
        %add3A_1022 = arith.constant 5888 : i32
        %add3A_1023 = arith.addi %add3A_1022, %mul3A_1021 : i32
        %swap3A_1024 = arith.index_cast %add3A_1023 : i32 to index
        %swap3A_1025 = tpu.vector_load %arg15[%swap3A_1024] {strides = array<i32>} : memref<8192xi32, #tpu.memory_space<vmem>>, vector<16xi32>,
        tpu.vector_store %arg15[%swap3A_1024], %add3A_1019 {strides = array<i32>} : memref<8192xi32, #tpu.memory_space<vmem>>, vector<16xi32>,
        %add3A_1026 = arith.constant 258 : i32
        %add3A_1027 = vector.broadcast %add3A_1026 : i32 to vector<16xi32>
        %add3A_1028 = arith.addi %add3A_627, %add3A_1027 : vector<16xi32>
        %mul3A_1029 = arith.constant 1028 : i32
        %mul3A_1030 = vector.broadcast %mul3A_1029 : i32 to vector<16xi32>
        %mul3A_1031 = arith.muli %add3A_1028, %mul3A_1030 : vector<16xi32>
        %add3A_1032 = arith.addi %mul3A_1031, %convert_element_type3A_612 : vector<16xi32>
        %mul3A_1033 = arith.constant 16 : i32
        %mul3A_1034 = arith.muli %scan3A_602, %mul3A_1033 : i32
        %add3A_1035 = arith.constant 768 : i32
        %add3A_1036 = arith.addi %add3A_1035, %mul3A_1034 : i32
        %swap3A_1037 = arith.index_cast %add3A_1036 : i32 to index
        %swap3A_1038 = tpu.vector_load %arg14[%swap3A_1037] {strides = array<i32>} : memref<1024xi32, #tpu.memory_space<vmem>>, vector<16xi32>,
        tpu.vector_store %arg14[%swap3A_1037], %add3A_1032 {strides = array<i32>} : memref<1024xi32, #tpu.memory_space<vmem>>, vector<16xi32>,
        %add3A_1039 = arith.constant 0 : i32
        %add3A_1040 = vector.broadcast %add3A_1039 : i32 to vector<16xi32>
        %add3A_1041 = arith.addi %add3A_1032, %add3A_1040 : vector<16xi32>
        %shift_right_arithmetic3A_1042 = arith.constant 3 : i32
        %shift_right_arithmetic3A_1043 = vector.broadcast %shift_right_arithmetic3A_1042 : i32 to vector<16xi32>
        %shift_right_arithmetic3A_1044 = arith.shrsi %add3A_1041, %shift_right_arithmetic3A_1043 : vector<16xi32>
        %add3A_1045 = arith.constant 0 : i32
        %add3A_1046 = vector.broadcast %add3A_1045 : i32 to vector<16xi32>
        %add3A_1047 = arith.addi %shift_right_arithmetic3A_1044, %add3A_1046 : vector<16xi32>
        %mul3A_1048 = arith.constant 16 : i32
        %mul3A_1049 = arith.muli %scan3A_602, %mul3A_1048 : i32
        %add3A_1050 = arith.constant 6144 : i32
        %add3A_1051 = arith.addi %add3A_1050, %mul3A_1049 : i32
        %swap3A_1052 = arith.index_cast %add3A_1051 : i32 to index
        %swap3A_1053 = tpu.vector_load %arg15[%swap3A_1052] {strides = array<i32>} : memref<8192xi32, #tpu.memory_space<vmem>>, vector<16xi32>,
        tpu.vector_store %arg15[%swap3A_1052], %add3A_1047 {strides = array<i32>} : memref<8192xi32, #tpu.memory_space<vmem>>, vector<16xi32>,
        %add3A_1054 = arith.constant 1 : i32
        %add3A_1055 = vector.broadcast %add3A_1054 : i32 to vector<16xi32>
        %add3A_1056 = arith.addi %add3A_1032, %add3A_1055 : vector<16xi32>
        %shift_right_arithmetic3A_1057 = arith.constant 3 : i32
        %shift_right_arithmetic3A_1058 = vector.broadcast %shift_right_arithmetic3A_1057 : i32 to vector<16xi32>
        %shift_right_arithmetic3A_1059 = arith.shrsi %add3A_1056, %shift_right_arithmetic3A_1058 : vector<16xi32>
        %add3A_1060 = arith.constant 0 : i32
        %add3A_1061 = vector.broadcast %add3A_1060 : i32 to vector<16xi32>
        %add3A_1062 = arith.addi %shift_right_arithmetic3A_1059, %add3A_1061 : vector<16xi32>
        %mul3A_1063 = arith.constant 16 : i32
        %mul3A_1064 = arith.muli %scan3A_602, %mul3A_1063 : i32
        %add3A_1065 = arith.constant 7168 : i32
        %add3A_1066 = arith.addi %add3A_1065, %mul3A_1064 : i32
        %swap3A_1067 = arith.index_cast %add3A_1066 : i32 to index
        %swap3A_1068 = tpu.vector_load %arg15[%swap3A_1067] {strides = array<i32>} : memref<8192xi32, #tpu.memory_space<vmem>>, vector<16xi32>,
        tpu.vector_store %arg15[%swap3A_1067], %add3A_1062 {strides = array<i32>} : memref<8192xi32, #tpu.memory_space<vmem>>, vector<16xi32>,
        %add3A_1069 = arith.constant 1 : i32
        %add3A_1070 = vector.broadcast %add3A_1069 : i32 to vector<16xi32>
        %add3A_1071 = arith.addi %add3A_1032, %add3A_1070 : vector<16xi32>
        %shift_right_arithmetic3A_1072 = arith.constant 3 : i32
        %shift_right_arithmetic3A_1073 = vector.broadcast %shift_right_arithmetic3A_1072 : i32 to vector<16xi32>
        %shift_right_arithmetic3A_1074 = arith.shrsi %add3A_1071, %shift_right_arithmetic3A_1073 : vector<16xi32>
        %add3A_1075 = arith.constant 32 : i32
        %add3A_1076 = vector.broadcast %add3A_1075 : i32 to vector<16xi32>
        %add3A_1077 = arith.addi %shift_right_arithmetic3A_1074, %add3A_1076 : vector<16xi32>
        %mul3A_1078 = arith.constant 16 : i32
        %mul3A_1079 = arith.muli %scan3A_602, %mul3A_1078 : i32
        %add3A_1080 = arith.constant 6400 : i32
        %add3A_1081 = arith.addi %add3A_1080, %mul3A_1079 : i32
        %swap3A_1082 = arith.index_cast %add3A_1081 : i32 to index
        %swap3A_1083 = tpu.vector_load %arg15[%swap3A_1082] {strides = array<i32>} : memref<8192xi32, #tpu.memory_space<vmem>>, vector<16xi32>,
        tpu.vector_store %arg15[%swap3A_1082], %add3A_1077 {strides = array<i32>} : memref<8192xi32, #tpu.memory_space<vmem>>, vector<16xi32>,
        %add3A_1084 = arith.constant 2 : i32
        %add3A_1085 = vector.broadcast %add3A_1084 : i32 to vector<16xi32>
        %add3A_1086 = arith.addi %add3A_1032, %add3A_1085 : vector<16xi32>
        %shift_right_arithmetic3A_1087 = arith.constant 3 : i32
        %shift_right_arithmetic3A_1088 = vector.broadcast %shift_right_arithmetic3A_1087 : i32 to vector<16xi32>
        %shift_right_arithmetic3A_1089 = arith.shrsi %add3A_1086, %shift_right_arithmetic3A_1088 : vector<16xi32>
        %add3A_1090 = arith.constant 32 : i32
        %add3A_1091 = vector.broadcast %add3A_1090 : i32 to vector<16xi32>
        %add3A_1092 = arith.addi %shift_right_arithmetic3A_1089, %add3A_1091 : vector<16xi32>
        %mul3A_1093 = arith.constant 16 : i32
        %mul3A_1094 = arith.muli %scan3A_602, %mul3A_1093 : i32
        %add3A_1095 = arith.constant 7424 : i32
        %add3A_1096 = arith.addi %add3A_1095, %mul3A_1094 : i32
        %swap3A_1097 = arith.index_cast %add3A_1096 : i32 to index
        %swap3A_1098 = tpu.vector_load %arg15[%swap3A_1097] {strides = array<i32>} : memref<8192xi32, #tpu.memory_space<vmem>>, vector<16xi32>,
        tpu.vector_store %arg15[%swap3A_1097], %add3A_1092 {strides = array<i32>} : memref<8192xi32, #tpu.memory_space<vmem>>, vector<16xi32>,
        %add3A_1099 = arith.constant 2 : i32
        %add3A_1100 = vector.broadcast %add3A_1099 : i32 to vector<16xi32>
        %add3A_1101 = arith.addi %add3A_1032, %add3A_1100 : vector<16xi32>
        %shift_right_arithmetic3A_1102 = arith.constant 3 : i32
        %shift_right_arithmetic3A_1103 = vector.broadcast %shift_right_arithmetic3A_1102 : i32 to vector<16xi32>
        %shift_right_arithmetic3A_1104 = arith.shrsi %add3A_1101, %shift_right_arithmetic3A_1103 : vector<16xi32>
        %add3A_1105 = arith.constant 64 : i32
        %add3A_1106 = vector.broadcast %add3A_1105 : i32 to vector<16xi32>
        %add3A_1107 = arith.addi %shift_right_arithmetic3A_1104, %add3A_1106 : vector<16xi32>
        %mul3A_1108 = arith.constant 16 : i32
        %mul3A_1109 = arith.muli %scan3A_602, %mul3A_1108 : i32
        %add3A_1110 = arith.constant 6656 : i32
        %add3A_1111 = arith.addi %add3A_1110, %mul3A_1109 : i32
        %swap3A_1112 = arith.index_cast %add3A_1111 : i32 to index
        %swap3A_1113 = tpu.vector_load %arg15[%swap3A_1112] {strides = array<i32>} : memref<8192xi32, #tpu.memory_space<vmem>>, vector<16xi32>,
        tpu.vector_store %arg15[%swap3A_1112], %add3A_1107 {strides = array<i32>} : memref<8192xi32, #tpu.memory_space<vmem>>, vector<16xi32>,
        %add3A_1114 = arith.constant 3 : i32
        %add3A_1115 = vector.broadcast %add3A_1114 : i32 to vector<16xi32>
        %add3A_1116 = arith.addi %add3A_1032, %add3A_1115 : vector<16xi32>
        %shift_right_arithmetic3A_1117 = arith.constant 3 : i32
        %shift_right_arithmetic3A_1118 = vector.broadcast %shift_right_arithmetic3A_1117 : i32 to vector<16xi32>
        %shift_right_arithmetic3A_1119 = arith.shrsi %add3A_1116, %shift_right_arithmetic3A_1118 : vector<16xi32>
        %add3A_1120 = arith.constant 64 : i32
        %add3A_1121 = vector.broadcast %add3A_1120 : i32 to vector<16xi32>
        %add3A_1122 = arith.addi %shift_right_arithmetic3A_1119, %add3A_1121 : vector<16xi32>
        %mul3A_1123 = arith.constant 16 : i32
        %mul3A_1124 = arith.muli %scan3A_602, %mul3A_1123 : i32
        %add3A_1125 = arith.constant 7680 : i32
        %add3A_1126 = arith.addi %add3A_1125, %mul3A_1124 : i32
        %swap3A_1127 = arith.index_cast %add3A_1126 : i32 to index
        %swap3A_1128 = tpu.vector_load %arg15[%swap3A_1127] {strides = array<i32>} : memref<8192xi32, #tpu.memory_space<vmem>>, vector<16xi32>,
        tpu.vector_store %arg15[%swap3A_1127], %add3A_1122 {strides = array<i32>} : memref<8192xi32, #tpu.memory_space<vmem>>, vector<16xi32>,
        %add3A_1129 = arith.constant 3 : i32
        %add3A_1130 = vector.broadcast %add3A_1129 : i32 to vector<16xi32>
        %add3A_1131 = arith.addi %add3A_1032, %add3A_1130 : vector<16xi32>
        %shift_right_arithmetic3A_1132 = arith.constant 3 : i32
        %shift_right_arithmetic3A_1133 = vector.broadcast %shift_right_arithmetic3A_1132 : i32 to vector<16xi32>
        %shift_right_arithmetic3A_1134 = arith.shrsi %add3A_1131, %shift_right_arithmetic3A_1133 : vector<16xi32>
        %add3A_1135 = arith.constant 96 : i32
        %add3A_1136 = vector.broadcast %add3A_1135 : i32 to vector<16xi32>
        %add3A_1137 = arith.addi %shift_right_arithmetic3A_1134, %add3A_1136 : vector<16xi32>
        %min3A = arith.constant 8487295 : i32
        %min3A_1138 = vector.broadcast %min3A : i32 to vector<16xi32>
        %min3A_1139 = arith.minsi %add3A_1137, %min3A_1138 : vector<16xi32>
        %mul3A_1140 = arith.constant 16 : i32
        %mul3A_1141 = arith.muli %scan3A_602, %mul3A_1140 : i32
        %add3A_1142 = arith.constant 6912 : i32
        %add3A_1143 = arith.addi %add3A_1142, %mul3A_1141 : i32
        %swap3A_1144 = arith.index_cast %add3A_1143 : i32 to index
        %swap3A_1145 = tpu.vector_load %arg15[%swap3A_1144] {strides = array<i32>} : memref<8192xi32, #tpu.memory_space<vmem>>, vector<16xi32>,
        tpu.vector_store %arg15[%swap3A_1144], %min3A_1139 {strides = array<i32>} : memref<8192xi32, #tpu.memory_space<vmem>>, vector<16xi32>,
        %add3A_1146 = arith.constant 4 : i32
        %add3A_1147 = vector.broadcast %add3A_1146 : i32 to vector<16xi32>
        %add3A_1148 = arith.addi %add3A_1032, %add3A_1147 : vector<16xi32>
        %shift_right_arithmetic3A_1149 = arith.constant 3 : i32
        %shift_right_arithmetic3A_1150 = vector.broadcast %shift_right_arithmetic3A_1149 : i32 to vector<16xi32>
        %shift_right_arithmetic3A_1151 = arith.shrsi %add3A_1148, %shift_right_arithmetic3A_1150 : vector<16xi32>
        %add3A_1152 = arith.constant 96 : i32
        %add3A_1153 = vector.broadcast %add3A_1152 : i32 to vector<16xi32>
        %add3A_1154 = arith.addi %shift_right_arithmetic3A_1151, %add3A_1153 : vector<16xi32>
        %min3A_1155 = arith.constant 8487295 : i32
        %min3A_1156 = vector.broadcast %min3A_1155 : i32 to vector<16xi32>
        %min3A_1157 = arith.minsi %add3A_1154, %min3A_1156 : vector<16xi32>
        %mul3A_1158 = arith.constant 16 : i32
        %mul3A_1159 = arith.muli %scan3A_602, %mul3A_1158 : i32
        %add3A_1160 = arith.constant 7936 : i32
        %add3A_1161 = arith.addi %add3A_1160, %mul3A_1159 : i32
        %swap3A_1162 = arith.index_cast %add3A_1161 : i32 to index
        %swap3A_1163 = tpu.vector_load %arg15[%swap3A_1162] {strides = array<i32>} : memref<8192xi32, #tpu.memory_space<vmem>>, vector<16xi32>,
        tpu.vector_store %arg15[%swap3A_1162], %min3A_1157 {strides = array<i32>} : memref<8192xi32, #tpu.memory_space<vmem>>, vector<16xi32>,
        %scan3A_1164 = arith.constant 0 : i32
        %scan3A_1165 = arith.constant 1 : i32
        %scan3A_1166 = arith.addi %scan3A_602, %scan3A_1165 : i32
        %mul3A_1167 = arith.constant 16 : i32
        %mul3A_1168 = arith.muli %scan3A_1166, %mul3A_1167 : i32
        %get3A_1169 = arith.index_cast %mul3A_1168 : i32 to index
        %get3A_1170 = tpu.vector_load %arg8[%get3A_1169] {strides = array<i32>} : memref<256xf32, #tpu.memory_space<vmem>>, vector<16xf32>,
        %get3A_1171 = arith.index_cast %mul3A_1168 : i32 to index
        %get3A_1172 = tpu.vector_load %arg9[%get3A_1171] {strides = array<i32>} : memref<256xf32, #tpu.memory_space<vmem>>, vector<16xf32>,
        %get3A_1173 = arith.index_cast %mul3A_1168 : i32 to index
        %get3A_1174 = tpu.vector_load %arg10[%get3A_1173] {strides = array<i32>} : memref<256xf32, #tpu.memory_space<vmem>>, vector<16xf32>,
        %convert_element_type3A_1175 = arith.fptosi %get3A_1170 : vector<16xf32> to vector<16xi32>
        %convert_element_type3A_1176 = arith.fptosi %get3A_1172 : vector<16xf32> to vector<16xi32>
        %convert_element_type3A_1177 = arith.fptosi %get3A_1174 : vector<16xf32> to vector<16xi32>
        %convert_element_type3A_1178 = arith.sitofp %convert_element_type3A_1175 : vector<16xi32> to vector<16xf32>
        %sub3A_1179 = arith.subf %get3A_1170, %convert_element_type3A_1178 : vector<16xf32>
        %swap3A_1180 = arith.index_cast %mul3A_1168 : i32 to index
        %swap3A_1181 = tpu.vector_load %arg11[%swap3A_1180] {strides = array<i32>} : memref<256xf32, #tpu.memory_space<vmem>>, vector<16xf32>,
        tpu.vector_store %arg11[%swap3A_1180], %sub3A_1179 {strides = array<i32>} : memref<256xf32, #tpu.memory_space<vmem>>, vector<16xf32>,
        %convert_element_type3A_1182 = arith.sitofp %convert_element_type3A_1176 : vector<16xi32> to vector<16xf32>
        %sub3A_1183 = arith.subf %get3A_1172, %convert_element_type3A_1182 : vector<16xf32>
        %swap3A_1184 = arith.index_cast %mul3A_1168 : i32 to index
        %swap3A_1185 = tpu.vector_load %arg12[%swap3A_1184] {strides = array<i32>} : memref<256xf32, #tpu.memory_space<vmem>>, vector<16xf32>,
        tpu.vector_store %arg12[%swap3A_1184], %sub3A_1183 {strides = array<i32>} : memref<256xf32, #tpu.memory_space<vmem>>, vector<16xf32>,
        %convert_element_type3A_1186 = arith.sitofp %convert_element_type3A_1177 : vector<16xi32> to vector<16xf32>
        %sub3A_1187 = arith.subf %get3A_1174, %convert_element_type3A_1186 : vector<16xf32>
        %swap3A_1188 = arith.index_cast %mul3A_1168 : i32 to index
        %swap3A_1189 = tpu.vector_load %arg13[%swap3A_1188] {strides = array<i32>} : memref<256xf32, #tpu.memory_space<vmem>>, vector<16xf32>,
        tpu.vector_store %arg13[%swap3A_1188], %sub3A_1187 {strides = array<i32>} : memref<256xf32, #tpu.memory_space<vmem>>, vector<16xf32>,
        %mul3A_1190 = arith.constant 257 : i32
        %mul3A_1191 = vector.broadcast %mul3A_1190 : i32 to vector<16xi32>
        %mul3A_1192 = arith.muli %convert_element_type3A_1175, %mul3A_1191 : vector<16xi32>
        %add3A_1193 = arith.addi %mul3A_1192, %convert_element_type3A_1176 : vector<16xi32>
        %add3A_1194 = arith.constant 0 : i32
        %add3A_1195 = vector.broadcast %add3A_1194 : i32 to vector<16xi32>
        %add3A_1196 = arith.addi %add3A_1193, %add3A_1195 : vector<16xi32>
        %mul3A_1197 = arith.constant 1028 : i32
        %mul3A_1198 = vector.broadcast %mul3A_1197 : i32 to vector<16xi32>
        %mul3A_1199 = arith.muli %add3A_1196, %mul3A_1198 : vector<16xi32>
        %add3A_1200 = arith.addi %mul3A_1199, %convert_element_type3A_1177 : vector<16xi32>
        %mul3A_1201 = arith.constant 16 : i32
        %mul3A_1202 = arith.muli %scan3A_1166, %mul3A_1201 : i32
        %add3A_1203 = arith.constant 0 : i32
        %add3A_1204 = arith.addi %add3A_1203, %mul3A_1202 : i32
        %swap3A_1205 = arith.index_cast %add3A_1204 : i32 to index
        %swap3A_1206 = tpu.vector_load %arg14[%swap3A_1205] {strides = array<i32>} : memref<1024xi32, #tpu.memory_space<vmem>>, vector<16xi32>,
        tpu.vector_store %arg14[%swap3A_1205], %add3A_1200 {strides = array<i32>} : memref<1024xi32, #tpu.memory_space<vmem>>, vector<16xi32>,
        %add3A_1207 = arith.constant 0 : i32
        %add3A_1208 = vector.broadcast %add3A_1207 : i32 to vector<16xi32>
        %add3A_1209 = arith.addi %add3A_1200, %add3A_1208 : vector<16xi32>
        %shift_right_arithmetic3A_1210 = arith.constant 3 : i32
        %shift_right_arithmetic3A_1211 = vector.broadcast %shift_right_arithmetic3A_1210 : i32 to vector<16xi32>
        %shift_right_arithmetic3A_1212 = arith.shrsi %add3A_1209, %shift_right_arithmetic3A_1211 : vector<16xi32>
        %add3A_1213 = arith.constant 0 : i32
        %add3A_1214 = vector.broadcast %add3A_1213 : i32 to vector<16xi32>
        %add3A_1215 = arith.addi %shift_right_arithmetic3A_1212, %add3A_1214 : vector<16xi32>
        %mul3A_1216 = arith.constant 16 : i32
        %mul3A_1217 = arith.muli %scan3A_1166, %mul3A_1216 : i32
        %add3A_1218 = arith.constant 0 : i32
        %add3A_1219 = arith.addi %add3A_1218, %mul3A_1217 : i32
        %swap3A_1220 = arith.index_cast %add3A_1219 : i32 to index
        %swap3A_1221 = tpu.vector_load %arg15[%swap3A_1220] {strides = array<i32>} : memref<8192xi32, #tpu.memory_space<vmem>>, vector<16xi32>,
        tpu.vector_store %arg15[%swap3A_1220], %add3A_1215 {strides = array<i32>} : memref<8192xi32, #tpu.memory_space<vmem>>, vector<16xi32>,
        %add3A_1222 = arith.constant 1 : i32
        %add3A_1223 = vector.broadcast %add3A_1222 : i32 to vector<16xi32>
        %add3A_1224 = arith.addi %add3A_1200, %add3A_1223 : vector<16xi32>
        %shift_right_arithmetic3A_1225 = arith.constant 3 : i32
        %shift_right_arithmetic3A_1226 = vector.broadcast %shift_right_arithmetic3A_1225 : i32 to vector<16xi32>
        %shift_right_arithmetic3A_1227 = arith.shrsi %add3A_1224, %shift_right_arithmetic3A_1226 : vector<16xi32>
        %add3A_1228 = arith.constant 0 : i32
        %add3A_1229 = vector.broadcast %add3A_1228 : i32 to vector<16xi32>
        %add3A_1230 = arith.addi %shift_right_arithmetic3A_1227, %add3A_1229 : vector<16xi32>
        %mul3A_1231 = arith.constant 16 : i32
        %mul3A_1232 = arith.muli %scan3A_1166, %mul3A_1231 : i32
        %add3A_1233 = arith.constant 1024 : i32
        %add3A_1234 = arith.addi %add3A_1233, %mul3A_1232 : i32
        %swap3A_1235 = arith.index_cast %add3A_1234 : i32 to index
        %swap3A_1236 = tpu.vector_load %arg15[%swap3A_1235] {strides = array<i32>} : memref<8192xi32, #tpu.memory_space<vmem>>, vector<16xi32>,
        tpu.vector_store %arg15[%swap3A_1235], %add3A_1230 {strides = array<i32>} : memref<8192xi32, #tpu.memory_space<vmem>>, vector<16xi32>,
        %add3A_1237 = arith.constant 1 : i32
        %add3A_1238 = vector.broadcast %add3A_1237 : i32 to vector<16xi32>
        %add3A_1239 = arith.addi %add3A_1200, %add3A_1238 : vector<16xi32>
        %shift_right_arithmetic3A_1240 = arith.constant 3 : i32
        %shift_right_arithmetic3A_1241 = vector.broadcast %shift_right_arithmetic3A_1240 : i32 to vector<16xi32>
        %shift_right_arithmetic3A_1242 = arith.shrsi %add3A_1239, %shift_right_arithmetic3A_1241 : vector<16xi32>
        %add3A_1243 = arith.constant 32 : i32
        %add3A_1244 = vector.broadcast %add3A_1243 : i32 to vector<16xi32>
        %add3A_1245 = arith.addi %shift_right_arithmetic3A_1242, %add3A_1244 : vector<16xi32>
        %mul3A_1246 = arith.constant 16 : i32
        %mul3A_1247 = arith.muli %scan3A_1166, %mul3A_1246 : i32
        %add3A_1248 = arith.constant 256 : i32
        %add3A_1249 = arith.addi %add3A_1248, %mul3A_1247 : i32
        %swap3A_1250 = arith.index_cast %add3A_1249 : i32 to index
        %swap3A_1251 = tpu.vector_load %arg15[%swap3A_1250] {strides = array<i32>} : memref<8192xi32, #tpu.memory_space<vmem>>, vector<16xi32>,
        tpu.vector_store %arg15[%swap3A_1250], %add3A_1245 {strides = array<i32>} : memref<8192xi32, #tpu.memory_space<vmem>>, vector<16xi32>,
        %add3A_1252 = arith.constant 2 : i32
        %add3A_1253 = vector.broadcast %add3A_1252 : i32 to vector<16xi32>
        %add3A_1254 = arith.addi %add3A_1200, %add3A_1253 : vector<16xi32>
        %shift_right_arithmetic3A_1255 = arith.constant 3 : i32
        %shift_right_arithmetic3A_1256 = vector.broadcast %shift_right_arithmetic3A_1255 : i32 to vector<16xi32>
        %shift_right_arithmetic3A_1257 = arith.shrsi %add3A_1254, %shift_right_arithmetic3A_1256 : vector<16xi32>
        %add3A_1258 = arith.constant 32 : i32
        %add3A_1259 = vector.broadcast %add3A_1258 : i32 to vector<16xi32>
        %add3A_1260 = arith.addi %shift_right_arithmetic3A_1257, %add3A_1259 : vector<16xi32>
        %mul3A_1261 = arith.constant 16 : i32
        %mul3A_1262 = arith.muli %scan3A_1166, %mul3A_1261 : i32
        %add3A_1263 = arith.constant 1280 : i32
        %add3A_1264 = arith.addi %add3A_1263, %mul3A_1262 : i32
        %swap3A_1265 = arith.index_cast %add3A_1264 : i32 to index
        %swap3A_1266 = tpu.vector_load %arg15[%swap3A_1265] {strides = array<i32>} : memref<8192xi32, #tpu.memory_space<vmem>>, vector<16xi32>,
        tpu.vector_store %arg15[%swap3A_1265], %add3A_1260 {strides = array<i32>} : memref<8192xi32, #tpu.memory_space<vmem>>, vector<16xi32>,
        %add3A_1267 = arith.constant 2 : i32
        %add3A_1268 = vector.broadcast %add3A_1267 : i32 to vector<16xi32>
        %add3A_1269 = arith.addi %add3A_1200, %add3A_1268 : vector<16xi32>
        %shift_right_arithmetic3A_1270 = arith.constant 3 : i32
        %shift_right_arithmetic3A_1271 = vector.broadcast %shift_right_arithmetic3A_1270 : i32 to vector<16xi32>
        %shift_right_arithmetic3A_1272 = arith.shrsi %add3A_1269, %shift_right_arithmetic3A_1271 : vector<16xi32>
        %add3A_1273 = arith.constant 64 : i32
        %add3A_1274 = vector.broadcast %add3A_1273 : i32 to vector<16xi32>
        %add3A_1275 = arith.addi %shift_right_arithmetic3A_1272, %add3A_1274 : vector<16xi32>
        %mul3A_1276 = arith.constant 16 : i32
        %mul3A_1277 = arith.muli %scan3A_1166, %mul3A_1276 : i32
        %add3A_1278 = arith.constant 512 : i32
        %add3A_1279 = arith.addi %add3A_1278, %mul3A_1277 : i32
        %swap3A_1280 = arith.index_cast %add3A_1279 : i32 to index
        %swap3A_1281 = tpu.vector_load %arg15[%swap3A_1280] {strides = array<i32>} : memref<8192xi32, #tpu.memory_space<vmem>>, vector<16xi32>,
        tpu.vector_store %arg15[%swap3A_1280], %add3A_1275 {strides = array<i32>} : memref<8192xi32, #tpu.memory_space<vmem>>, vector<16xi32>,
        %add3A_1282 = arith.constant 3 : i32
        %add3A_1283 = vector.broadcast %add3A_1282 : i32 to vector<16xi32>
        %add3A_1284 = arith.addi %add3A_1200, %add3A_1283 : vector<16xi32>
        %shift_right_arithmetic3A_1285 = arith.constant 3 : i32
        %shift_right_arithmetic3A_1286 = vector.broadcast %shift_right_arithmetic3A_1285 : i32 to vector<16xi32>
        %shift_right_arithmetic3A_1287 = arith.shrsi %add3A_1284, %shift_right_arithmetic3A_1286 : vector<16xi32>
        %add3A_1288 = arith.constant 64 : i32
        %add3A_1289 = vector.broadcast %add3A_1288 : i32 to vector<16xi32>
        %add3A_1290 = arith.addi %shift_right_arithmetic3A_1287, %add3A_1289 : vector<16xi32>
        %mul3A_1291 = arith.constant 16 : i32
        %mul3A_1292 = arith.muli %scan3A_1166, %mul3A_1291 : i32
        %add3A_1293 = arith.constant 1536 : i32
        %add3A_1294 = arith.addi %add3A_1293, %mul3A_1292 : i32
        %swap3A_1295 = arith.index_cast %add3A_1294 : i32 to index
        %swap3A_1296 = tpu.vector_load %arg15[%swap3A_1295] {strides = array<i32>} : memref<8192xi32, #tpu.memory_space<vmem>>, vector<16xi32>,
        tpu.vector_store %arg15[%swap3A_1295], %add3A_1290 {strides = array<i32>} : memref<8192xi32, #tpu.memory_space<vmem>>, vector<16xi32>,
        %add3A_1297 = arith.constant 3 : i32
        %add3A_1298 = vector.broadcast %add3A_1297 : i32 to vector<16xi32>
        %add3A_1299 = arith.addi %add3A_1200, %add3A_1298 : vector<16xi32>
        %shift_right_arithmetic3A_1300 = arith.constant 3 : i32
        %shift_right_arithmetic3A_1301 = vector.broadcast %shift_right_arithmetic3A_1300 : i32 to vector<16xi32>
        %shift_right_arithmetic3A_1302 = arith.shrsi %add3A_1299, %shift_right_arithmetic3A_1301 : vector<16xi32>
        %add3A_1303 = arith.constant 96 : i32
        %add3A_1304 = vector.broadcast %add3A_1303 : i32 to vector<16xi32>
        %add3A_1305 = arith.addi %shift_right_arithmetic3A_1302, %add3A_1304 : vector<16xi32>
        %mul3A_1306 = arith.constant 16 : i32
        %mul3A_1307 = arith.muli %scan3A_1166, %mul3A_1306 : i32
        %add3A_1308 = arith.constant 768 : i32
        %add3A_1309 = arith.addi %add3A_1308, %mul3A_1307 : i32
        %swap3A_1310 = arith.index_cast %add3A_1309 : i32 to index
        %swap3A_1311 = tpu.vector_load %arg15[%swap3A_1310] {strides = array<i32>} : memref<8192xi32, #tpu.memory_space<vmem>>, vector<16xi32>,
        tpu.vector_store %arg15[%swap3A_1310], %add3A_1305 {strides = array<i32>} : memref<8192xi32, #tpu.memory_space<vmem>>, vector<16xi32>,
        %add3A_1312 = arith.constant 4 : i32
        %add3A_1313 = vector.broadcast %add3A_1312 : i32 to vector<16xi32>
        %add3A_1314 = arith.addi %add3A_1200, %add3A_1313 : vector<16xi32>
        %shift_right_arithmetic3A_1315 = arith.constant 3 : i32
        %shift_right_arithmetic3A_1316 = vector.broadcast %shift_right_arithmetic3A_1315 : i32 to vector<16xi32>
        %shift_right_arithmetic3A_1317 = arith.shrsi %add3A_1314, %shift_right_arithmetic3A_1316 : vector<16xi32>
        %add3A_1318 = arith.constant 96 : i32
        %add3A_1319 = vector.broadcast %add3A_1318 : i32 to vector<16xi32>
        %add3A_1320 = arith.addi %shift_right_arithmetic3A_1317, %add3A_1319 : vector<16xi32>
        %mul3A_1321 = arith.constant 16 : i32
        %mul3A_1322 = arith.muli %scan3A_1166, %mul3A_1321 : i32
        %add3A_1323 = arith.constant 1792 : i32
        %add3A_1324 = arith.addi %add3A_1323, %mul3A_1322 : i32
        %swap3A_1325 = arith.index_cast %add3A_1324 : i32 to index
        %swap3A_1326 = tpu.vector_load %arg15[%swap3A_1325] {strides = array<i32>} : memref<8192xi32, #tpu.memory_space<vmem>>, vector<16xi32>,
        tpu.vector_store %arg15[%swap3A_1325], %add3A_1320 {strides = array<i32>} : memref<8192xi32, #tpu.memory_space<vmem>>, vector<16xi32>,
        %add3A_1327 = arith.constant 1 : i32
        %add3A_1328 = vector.broadcast %add3A_1327 : i32 to vector<16xi32>
        %add3A_1329 = arith.addi %add3A_1193, %add3A_1328 : vector<16xi32>
        %mul3A_1330 = arith.constant 1028 : i32
        %mul3A_1331 = vector.broadcast %mul3A_1330 : i32 to vector<16xi32>
        %mul3A_1332 = arith.muli %add3A_1329, %mul3A_1331 : vector<16xi32>
        %add3A_1333 = arith.addi %mul3A_1332, %convert_element_type3A_1177 : vector<16xi32>
        %mul3A_1334 = arith.constant 16 : i32
        %mul3A_1335 = arith.muli %scan3A_1166, %mul3A_1334 : i32
        %add3A_1336 = arith.constant 256 : i32
        %add3A_1337 = arith.addi %add3A_1336, %mul3A_1335 : i32
        %swap3A_1338 = arith.index_cast %add3A_1337 : i32 to index
        %swap3A_1339 = tpu.vector_load %arg14[%swap3A_1338] {strides = array<i32>} : memref<1024xi32, #tpu.memory_space<vmem>>, vector<16xi32>,
        tpu.vector_store %arg14[%swap3A_1338], %add3A_1333 {strides = array<i32>} : memref<1024xi32, #tpu.memory_space<vmem>>, vector<16xi32>,
        %add3A_1340 = arith.constant 0 : i32
        %add3A_1341 = vector.broadcast %add3A_1340 : i32 to vector<16xi32>
        %add3A_1342 = arith.addi %add3A_1333, %add3A_1341 : vector<16xi32>
        %shift_right_arithmetic3A_1343 = arith.constant 3 : i32
        %shift_right_arithmetic3A_1344 = vector.broadcast %shift_right_arithmetic3A_1343 : i32 to vector<16xi32>
        %shift_right_arithmetic3A_1345 = arith.shrsi %add3A_1342, %shift_right_arithmetic3A_1344 : vector<16xi32>
        %add3A_1346 = arith.constant 0 : i32
        %add3A_1347 = vector.broadcast %add3A_1346 : i32 to vector<16xi32>
        %add3A_1348 = arith.addi %shift_right_arithmetic3A_1345, %add3A_1347 : vector<16xi32>
        %mul3A_1349 = arith.constant 16 : i32
        %mul3A_1350 = arith.muli %scan3A_1166, %mul3A_1349 : i32
        %add3A_1351 = arith.constant 2048 : i32
        %add3A_1352 = arith.addi %add3A_1351, %mul3A_1350 : i32
        %swap3A_1353 = arith.index_cast %add3A_1352 : i32 to index
        %swap3A_1354 = tpu.vector_load %arg15[%swap3A_1353] {strides = array<i32>} : memref<8192xi32, #tpu.memory_space<vmem>>, vector<16xi32>,
        tpu.vector_store %arg15[%swap3A_1353], %add3A_1348 {strides = array<i32>} : memref<8192xi32, #tpu.memory_space<vmem>>, vector<16xi32>,
        %add3A_1355 = arith.constant 1 : i32
        %add3A_1356 = vector.broadcast %add3A_1355 : i32 to vector<16xi32>
        %add3A_1357 = arith.addi %add3A_1333, %add3A_1356 : vector<16xi32>
        %shift_right_arithmetic3A_1358 = arith.constant 3 : i32
        %shift_right_arithmetic3A_1359 = vector.broadcast %shift_right_arithmetic3A_1358 : i32 to vector<16xi32>
        %shift_right_arithmetic3A_1360 = arith.shrsi %add3A_1357, %shift_right_arithmetic3A_1359 : vector<16xi32>
        %add3A_1361 = arith.constant 0 : i32
        %add3A_1362 = vector.broadcast %add3A_1361 : i32 to vector<16xi32>
        %add3A_1363 = arith.addi %shift_right_arithmetic3A_1360, %add3A_1362 : vector<16xi32>
        %mul3A_1364 = arith.constant 16 : i32
        %mul3A_1365 = arith.muli %scan3A_1166, %mul3A_1364 : i32
        %add3A_1366 = arith.constant 3072 : i32
        %add3A_1367 = arith.addi %add3A_1366, %mul3A_1365 : i32
        %swap3A_1368 = arith.index_cast %add3A_1367 : i32 to index
        %swap3A_1369 = tpu.vector_load %arg15[%swap3A_1368] {strides = array<i32>} : memref<8192xi32, #tpu.memory_space<vmem>>, vector<16xi32>,
        tpu.vector_store %arg15[%swap3A_1368], %add3A_1363 {strides = array<i32>} : memref<8192xi32, #tpu.memory_space<vmem>>, vector<16xi32>,
        %add3A_1370 = arith.constant 1 : i32
        %add3A_1371 = vector.broadcast %add3A_1370 : i32 to vector<16xi32>
        %add3A_1372 = arith.addi %add3A_1333, %add3A_1371 : vector<16xi32>
        %shift_right_arithmetic3A_1373 = arith.constant 3 : i32
        %shift_right_arithmetic3A_1374 = vector.broadcast %shift_right_arithmetic3A_1373 : i32 to vector<16xi32>
        %shift_right_arithmetic3A_1375 = arith.shrsi %add3A_1372, %shift_right_arithmetic3A_1374 : vector<16xi32>
        %add3A_1376 = arith.constant 32 : i32
        %add3A_1377 = vector.broadcast %add3A_1376 : i32 to vector<16xi32>
        %add3A_1378 = arith.addi %shift_right_arithmetic3A_1375, %add3A_1377 : vector<16xi32>
        %mul3A_1379 = arith.constant 16 : i32
        %mul3A_1380 = arith.muli %scan3A_1166, %mul3A_1379 : i32
        %add3A_1381 = arith.constant 2304 : i32
        %add3A_1382 = arith.addi %add3A_1381, %mul3A_1380 : i32
        %swap3A_1383 = arith.index_cast %add3A_1382 : i32 to index
        %swap3A_1384 = tpu.vector_load %arg15[%swap3A_1383] {strides = array<i32>} : memref<8192xi32, #tpu.memory_space<vmem>>, vector<16xi32>,
        tpu.vector_store %arg15[%swap3A_1383], %add3A_1378 {strides = array<i32>} : memref<8192xi32, #tpu.memory_space<vmem>>, vector<16xi32>,
        %add3A_1385 = arith.constant 2 : i32
        %add3A_1386 = vector.broadcast %add3A_1385 : i32 to vector<16xi32>
        %add3A_1387 = arith.addi %add3A_1333, %add3A_1386 : vector<16xi32>
        %shift_right_arithmetic3A_1388 = arith.constant 3 : i32
        %shift_right_arithmetic3A_1389 = vector.broadcast %shift_right_arithmetic3A_1388 : i32 to vector<16xi32>
        %shift_right_arithmetic3A_1390 = arith.shrsi %add3A_1387, %shift_right_arithmetic3A_1389 : vector<16xi32>
        %add3A_1391 = arith.constant 32 : i32
        %add3A_1392 = vector.broadcast %add3A_1391 : i32 to vector<16xi32>
        %add3A_1393 = arith.addi %shift_right_arithmetic3A_1390, %add3A_1392 : vector<16xi32>
        %mul3A_1394 = arith.constant 16 : i32
        %mul3A_1395 = arith.muli %scan3A_1166, %mul3A_1394 : i32
        %add3A_1396 = arith.constant 3328 : i32
        %add3A_1397 = arith.addi %add3A_1396, %mul3A_1395 : i32
        %swap3A_1398 = arith.index_cast %add3A_1397 : i32 to index
        %swap3A_1399 = tpu.vector_load %arg15[%swap3A_1398] {strides = array<i32>} : memref<8192xi32, #tpu.memory_space<vmem>>, vector<16xi32>,
        tpu.vector_store %arg15[%swap3A_1398], %add3A_1393 {strides = array<i32>} : memref<8192xi32, #tpu.memory_space<vmem>>, vector<16xi32>,
        %add3A_1400 = arith.constant 2 : i32
        %add3A_1401 = vector.broadcast %add3A_1400 : i32 to vector<16xi32>
        %add3A_1402 = arith.addi %add3A_1333, %add3A_1401 : vector<16xi32>
        %shift_right_arithmetic3A_1403 = arith.constant 3 : i32
        %shift_right_arithmetic3A_1404 = vector.broadcast %shift_right_arithmetic3A_1403 : i32 to vector<16xi32>
        %shift_right_arithmetic3A_1405 = arith.shrsi %add3A_1402, %shift_right_arithmetic3A_1404 : vector<16xi32>
        %add3A_1406 = arith.constant 64 : i32
        %add3A_1407 = vector.broadcast %add3A_1406 : i32 to vector<16xi32>
        %add3A_1408 = arith.addi %shift_right_arithmetic3A_1405, %add3A_1407 : vector<16xi32>
        %mul3A_1409 = arith.constant 16 : i32
        %mul3A_1410 = arith.muli %scan3A_1166, %mul3A_1409 : i32
        %add3A_1411 = arith.constant 2560 : i32
        %add3A_1412 = arith.addi %add3A_1411, %mul3A_1410 : i32
        %swap3A_1413 = arith.index_cast %add3A_1412 : i32 to index
        %swap3A_1414 = tpu.vector_load %arg15[%swap3A_1413] {strides = array<i32>} : memref<8192xi32, #tpu.memory_space<vmem>>, vector<16xi32>,
        tpu.vector_store %arg15[%swap3A_1413], %add3A_1408 {strides = array<i32>} : memref<8192xi32, #tpu.memory_space<vmem>>, vector<16xi32>,
        %add3A_1415 = arith.constant 3 : i32
        %add3A_1416 = vector.broadcast %add3A_1415 : i32 to vector<16xi32>
        %add3A_1417 = arith.addi %add3A_1333, %add3A_1416 : vector<16xi32>
        %shift_right_arithmetic3A_1418 = arith.constant 3 : i32
        %shift_right_arithmetic3A_1419 = vector.broadcast %shift_right_arithmetic3A_1418 : i32 to vector<16xi32>
        %shift_right_arithmetic3A_1420 = arith.shrsi %add3A_1417, %shift_right_arithmetic3A_1419 : vector<16xi32>
        %add3A_1421 = arith.constant 64 : i32
        %add3A_1422 = vector.broadcast %add3A_1421 : i32 to vector<16xi32>
        %add3A_1423 = arith.addi %shift_right_arithmetic3A_1420, %add3A_1422 : vector<16xi32>
        %mul3A_1424 = arith.constant 16 : i32
        %mul3A_1425 = arith.muli %scan3A_1166, %mul3A_1424 : i32
        %add3A_1426 = arith.constant 3584 : i32
        %add3A_1427 = arith.addi %add3A_1426, %mul3A_1425 : i32
        %swap3A_1428 = arith.index_cast %add3A_1427 : i32 to index
        %swap3A_1429 = tpu.vector_load %arg15[%swap3A_1428] {strides = array<i32>} : memref<8192xi32, #tpu.memory_space<vmem>>, vector<16xi32>,
        tpu.vector_store %arg15[%swap3A_1428], %add3A_1423 {strides = array<i32>} : memref<8192xi32, #tpu.memory_space<vmem>>, vector<16xi32>,
        %add3A_1430 = arith.constant 3 : i32
        %add3A_1431 = vector.broadcast %add3A_1430 : i32 to vector<16xi32>
        %add3A_1432 = arith.addi %add3A_1333, %add3A_1431 : vector<16xi32>
        %shift_right_arithmetic3A_1433 = arith.constant 3 : i32
        %shift_right_arithmetic3A_1434 = vector.broadcast %shift_right_arithmetic3A_1433 : i32 to vector<16xi32>
        %shift_right_arithmetic3A_1435 = arith.shrsi %add3A_1432, %shift_right_arithmetic3A_1434 : vector<16xi32>
        %add3A_1436 = arith.constant 96 : i32
        %add3A_1437 = vector.broadcast %add3A_1436 : i32 to vector<16xi32>
        %add3A_1438 = arith.addi %shift_right_arithmetic3A_1435, %add3A_1437 : vector<16xi32>
        %mul3A_1439 = arith.constant 16 : i32
        %mul3A_1440 = arith.muli %scan3A_1166, %mul3A_1439 : i32
        %add3A_1441 = arith.constant 2816 : i32
        %add3A_1442 = arith.addi %add3A_1441, %mul3A_1440 : i32
        %swap3A_1443 = arith.index_cast %add3A_1442 : i32 to index
        %swap3A_1444 = tpu.vector_load %arg15[%swap3A_1443] {strides = array<i32>} : memref<8192xi32, #tpu.memory_space<vmem>>, vector<16xi32>,
        tpu.vector_store %arg15[%swap3A_1443], %add3A_1438 {strides = array<i32>} : memref<8192xi32, #tpu.memory_space<vmem>>, vector<16xi32>,
        %add3A_1445 = arith.constant 4 : i32
        %add3A_1446 = vector.broadcast %add3A_1445 : i32 to vector<16xi32>
        %add3A_1447 = arith.addi %add3A_1333, %add3A_1446 : vector<16xi32>
        %shift_right_arithmetic3A_1448 = arith.constant 3 : i32
        %shift_right_arithmetic3A_1449 = vector.broadcast %shift_right_arithmetic3A_1448 : i32 to vector<16xi32>
        %shift_right_arithmetic3A_1450 = arith.shrsi %add3A_1447, %shift_right_arithmetic3A_1449 : vector<16xi32>
        %add3A_1451 = arith.constant 96 : i32
        %add3A_1452 = vector.broadcast %add3A_1451 : i32 to vector<16xi32>
        %add3A_1453 = arith.addi %shift_right_arithmetic3A_1450, %add3A_1452 : vector<16xi32>
        %mul3A_1454 = arith.constant 16 : i32
        %mul3A_1455 = arith.muli %scan3A_1166, %mul3A_1454 : i32
        %add3A_1456 = arith.constant 3840 : i32
        %add3A_1457 = arith.addi %add3A_1456, %mul3A_1455 : i32
        %swap3A_1458 = arith.index_cast %add3A_1457 : i32 to index
        %swap3A_1459 = tpu.vector_load %arg15[%swap3A_1458] {strides = array<i32>} : memref<8192xi32, #tpu.memory_space<vmem>>, vector<16xi32>,
        tpu.vector_store %arg15[%swap3A_1458], %add3A_1453 {strides = array<i32>} : memref<8192xi32, #tpu.memory_space<vmem>>, vector<16xi32>,
        %add3A_1460 = arith.constant 257 : i32
        %add3A_1461 = vector.broadcast %add3A_1460 : i32 to vector<16xi32>
        %add3A_1462 = arith.addi %add3A_1193, %add3A_1461 : vector<16xi32>
        %mul3A_1463 = arith.constant 1028 : i32
        %mul3A_1464 = vector.broadcast %mul3A_1463 : i32 to vector<16xi32>
        %mul3A_1465 = arith.muli %add3A_1462, %mul3A_1464 : vector<16xi32>
        %add3A_1466 = arith.addi %mul3A_1465, %convert_element_type3A_1177 : vector<16xi32>
        %mul3A_1467 = arith.constant 16 : i32
        %mul3A_1468 = arith.muli %scan3A_1166, %mul3A_1467 : i32
        %add3A_1469 = arith.constant 512 : i32
        %add3A_1470 = arith.addi %add3A_1469, %mul3A_1468 : i32
        %swap3A_1471 = arith.index_cast %add3A_1470 : i32 to index
        %swap3A_1472 = tpu.vector_load %arg14[%swap3A_1471] {strides = array<i32>} : memref<1024xi32, #tpu.memory_space<vmem>>, vector<16xi32>,
        tpu.vector_store %arg14[%swap3A_1471], %add3A_1466 {strides = array<i32>} : memref<1024xi32, #tpu.memory_space<vmem>>, vector<16xi32>,
        %add3A_1473 = arith.constant 0 : i32
        %add3A_1474 = vector.broadcast %add3A_1473 : i32 to vector<16xi32>
        %add3A_1475 = arith.addi %add3A_1466, %add3A_1474 : vector<16xi32>
        %shift_right_arithmetic3A_1476 = arith.constant 3 : i32
        %shift_right_arithmetic3A_1477 = vector.broadcast %shift_right_arithmetic3A_1476 : i32 to vector<16xi32>
        %shift_right_arithmetic3A_1478 = arith.shrsi %add3A_1475, %shift_right_arithmetic3A_1477 : vector<16xi32>
        %add3A_1479 = arith.constant 0 : i32
        %add3A_1480 = vector.broadcast %add3A_1479 : i32 to vector<16xi32>
        %add3A_1481 = arith.addi %shift_right_arithmetic3A_1478, %add3A_1480 : vector<16xi32>
        %mul3A_1482 = arith.constant 16 : i32
        %mul3A_1483 = arith.muli %scan3A_1166, %mul3A_1482 : i32
        %add3A_1484 = arith.constant 4096 : i32
        %add3A_1485 = arith.addi %add3A_1484, %mul3A_1483 : i32
        %swap3A_1486 = arith.index_cast %add3A_1485 : i32 to index
        %swap3A_1487 = tpu.vector_load %arg15[%swap3A_1486] {strides = array<i32>} : memref<8192xi32, #tpu.memory_space<vmem>>, vector<16xi32>,
        tpu.vector_store %arg15[%swap3A_1486], %add3A_1481 {strides = array<i32>} : memref<8192xi32, #tpu.memory_space<vmem>>, vector<16xi32>,
        %add3A_1488 = arith.constant 1 : i32
        %add3A_1489 = vector.broadcast %add3A_1488 : i32 to vector<16xi32>
        %add3A_1490 = arith.addi %add3A_1466, %add3A_1489 : vector<16xi32>
        %shift_right_arithmetic3A_1491 = arith.constant 3 : i32
        %shift_right_arithmetic3A_1492 = vector.broadcast %shift_right_arithmetic3A_1491 : i32 to vector<16xi32>
        %shift_right_arithmetic3A_1493 = arith.shrsi %add3A_1490, %shift_right_arithmetic3A_1492 : vector<16xi32>
        %add3A_1494 = arith.constant 0 : i32
        %add3A_1495 = vector.broadcast %add3A_1494 : i32 to vector<16xi32>
        %add3A_1496 = arith.addi %shift_right_arithmetic3A_1493, %add3A_1495 : vector<16xi32>
        %mul3A_1497 = arith.constant 16 : i32
        %mul3A_1498 = arith.muli %scan3A_1166, %mul3A_1497 : i32
        %add3A_1499 = arith.constant 5120 : i32
        %add3A_1500 = arith.addi %add3A_1499, %mul3A_1498 : i32
        %swap3A_1501 = arith.index_cast %add3A_1500 : i32 to index
        %swap3A_1502 = tpu.vector_load %arg15[%swap3A_1501] {strides = array<i32>} : memref<8192xi32, #tpu.memory_space<vmem>>, vector<16xi32>,
        tpu.vector_store %arg15[%swap3A_1501], %add3A_1496 {strides = array<i32>} : memref<8192xi32, #tpu.memory_space<vmem>>, vector<16xi32>,
        %add3A_1503 = arith.constant 1 : i32
        %add3A_1504 = vector.broadcast %add3A_1503 : i32 to vector<16xi32>
        %add3A_1505 = arith.addi %add3A_1466, %add3A_1504 : vector<16xi32>
        %shift_right_arithmetic3A_1506 = arith.constant 3 : i32
        %shift_right_arithmetic3A_1507 = vector.broadcast %shift_right_arithmetic3A_1506 : i32 to vector<16xi32>
        %shift_right_arithmetic3A_1508 = arith.shrsi %add3A_1505, %shift_right_arithmetic3A_1507 : vector<16xi32>
        %add3A_1509 = arith.constant 32 : i32
        %add3A_1510 = vector.broadcast %add3A_1509 : i32 to vector<16xi32>
        %add3A_1511 = arith.addi %shift_right_arithmetic3A_1508, %add3A_1510 : vector<16xi32>
        %mul3A_1512 = arith.constant 16 : i32
        %mul3A_1513 = arith.muli %scan3A_1166, %mul3A_1512 : i32
        %add3A_1514 = arith.constant 4352 : i32
        %add3A_1515 = arith.addi %add3A_1514, %mul3A_1513 : i32
        %swap3A_1516 = arith.index_cast %add3A_1515 : i32 to index
        %swap3A_1517 = tpu.vector_load %arg15[%swap3A_1516] {strides = array<i32>} : memref<8192xi32, #tpu.memory_space<vmem>>, vector<16xi32>,
        tpu.vector_store %arg15[%swap3A_1516], %add3A_1511 {strides = array<i32>} : memref<8192xi32, #tpu.memory_space<vmem>>, vector<16xi32>,
        %add3A_1518 = arith.constant 2 : i32
        %add3A_1519 = vector.broadcast %add3A_1518 : i32 to vector<16xi32>
        %add3A_1520 = arith.addi %add3A_1466, %add3A_1519 : vector<16xi32>
        %shift_right_arithmetic3A_1521 = arith.constant 3 : i32
        %shift_right_arithmetic3A_1522 = vector.broadcast %shift_right_arithmetic3A_1521 : i32 to vector<16xi32>
        %shift_right_arithmetic3A_1523 = arith.shrsi %add3A_1520, %shift_right_arithmetic3A_1522 : vector<16xi32>
        %add3A_1524 = arith.constant 32 : i32
        %add3A_1525 = vector.broadcast %add3A_1524 : i32 to vector<16xi32>
        %add3A_1526 = arith.addi %shift_right_arithmetic3A_1523, %add3A_1525 : vector<16xi32>
        %mul3A_1527 = arith.constant 16 : i32
        %mul3A_1528 = arith.muli %scan3A_1166, %mul3A_1527 : i32
        %add3A_1529 = arith.constant 5376 : i32
        %add3A_1530 = arith.addi %add3A_1529, %mul3A_1528 : i32
        %swap3A_1531 = arith.index_cast %add3A_1530 : i32 to index
        %swap3A_1532 = tpu.vector_load %arg15[%swap3A_1531] {strides = array<i32>} : memref<8192xi32, #tpu.memory_space<vmem>>, vector<16xi32>,
        tpu.vector_store %arg15[%swap3A_1531], %add3A_1526 {strides = array<i32>} : memref<8192xi32, #tpu.memory_space<vmem>>, vector<16xi32>,
        %add3A_1533 = arith.constant 2 : i32
        %add3A_1534 = vector.broadcast %add3A_1533 : i32 to vector<16xi32>
        %add3A_1535 = arith.addi %add3A_1466, %add3A_1534 : vector<16xi32>
        %shift_right_arithmetic3A_1536 = arith.constant 3 : i32
        %shift_right_arithmetic3A_1537 = vector.broadcast %shift_right_arithmetic3A_1536 : i32 to vector<16xi32>
        %shift_right_arithmetic3A_1538 = arith.shrsi %add3A_1535, %shift_right_arithmetic3A_1537 : vector<16xi32>
        %add3A_1539 = arith.constant 64 : i32
        %add3A_1540 = vector.broadcast %add3A_1539 : i32 to vector<16xi32>
        %add3A_1541 = arith.addi %shift_right_arithmetic3A_1538, %add3A_1540 : vector<16xi32>
        %mul3A_1542 = arith.constant 16 : i32
        %mul3A_1543 = arith.muli %scan3A_1166, %mul3A_1542 : i32
        %add3A_1544 = arith.constant 4608 : i32
        %add3A_1545 = arith.addi %add3A_1544, %mul3A_1543 : i32
        %swap3A_1546 = arith.index_cast %add3A_1545 : i32 to index
        %swap3A_1547 = tpu.vector_load %arg15[%swap3A_1546] {strides = array<i32>} : memref<8192xi32, #tpu.memory_space<vmem>>, vector<16xi32>,
        tpu.vector_store %arg15[%swap3A_1546], %add3A_1541 {strides = array<i32>} : memref<8192xi32, #tpu.memory_space<vmem>>, vector<16xi32>,
        %add3A_1548 = arith.constant 3 : i32
        %add3A_1549 = vector.broadcast %add3A_1548 : i32 to vector<16xi32>
        %add3A_1550 = arith.addi %add3A_1466, %add3A_1549 : vector<16xi32>
        %shift_right_arithmetic3A_1551 = arith.constant 3 : i32
        %shift_right_arithmetic3A_1552 = vector.broadcast %shift_right_arithmetic3A_1551 : i32 to vector<16xi32>
        %shift_right_arithmetic3A_1553 = arith.shrsi %add3A_1550, %shift_right_arithmetic3A_1552 : vector<16xi32>
        %add3A_1554 = arith.constant 64 : i32
        %add3A_1555 = vector.broadcast %add3A_1554 : i32 to vector<16xi32>
        %add3A_1556 = arith.addi %shift_right_arithmetic3A_1553, %add3A_1555 : vector<16xi32>
        %mul3A_1557 = arith.constant 16 : i32
        %mul3A_1558 = arith.muli %scan3A_1166, %mul3A_1557 : i32
        %add3A_1559 = arith.constant 5632 : i32
        %add3A_1560 = arith.addi %add3A_1559, %mul3A_1558 : i32
        %swap3A_1561 = arith.index_cast %add3A_1560 : i32 to index
        %swap3A_1562 = tpu.vector_load %arg15[%swap3A_1561] {strides = array<i32>} : memref<8192xi32, #tpu.memory_space<vmem>>, vector<16xi32>,
        tpu.vector_store %arg15[%swap3A_1561], %add3A_1556 {strides = array<i32>} : memref<8192xi32, #tpu.memory_space<vmem>>, vector<16xi32>,
        %add3A_1563 = arith.constant 3 : i32
        %add3A_1564 = vector.broadcast %add3A_1563 : i32 to vector<16xi32>
        %add3A_1565 = arith.addi %add3A_1466, %add3A_1564 : vector<16xi32>
        %shift_right_arithmetic3A_1566 = arith.constant 3 : i32
        %shift_right_arithmetic3A_1567 = vector.broadcast %shift_right_arithmetic3A_1566 : i32 to vector<16xi32>
        %shift_right_arithmetic3A_1568 = arith.shrsi %add3A_1565, %shift_right_arithmetic3A_1567 : vector<16xi32>
        %add3A_1569 = arith.constant 96 : i32
        %add3A_1570 = vector.broadcast %add3A_1569 : i32 to vector<16xi32>
        %add3A_1571 = arith.addi %shift_right_arithmetic3A_1568, %add3A_1570 : vector<16xi32>
        %mul3A_1572 = arith.constant 16 : i32
        %mul3A_1573 = arith.muli %scan3A_1166, %mul3A_1572 : i32
        %add3A_1574 = arith.constant 4864 : i32
        %add3A_1575 = arith.addi %add3A_1574, %mul3A_1573 : i32
        %swap3A_1576 = arith.index_cast %add3A_1575 : i32 to index
        %swap3A_1577 = tpu.vector_load %arg15[%swap3A_1576] {strides = array<i32>} : memref<8192xi32, #tpu.memory_space<vmem>>, vector<16xi32>,
        tpu.vector_store %arg15[%swap3A_1576], %add3A_1571 {strides = array<i32>} : memref<8192xi32, #tpu.memory_space<vmem>>, vector<16xi32>,
        %add3A_1578 = arith.constant 4 : i32
        %add3A_1579 = vector.broadcast %add3A_1578 : i32 to vector<16xi32>
        %add3A_1580 = arith.addi %add3A_1466, %add3A_1579 : vector<16xi32>
        %shift_right_arithmetic3A_1581 = arith.constant 3 : i32
        %shift_right_arithmetic3A_1582 = vector.broadcast %shift_right_arithmetic3A_1581 : i32 to vector<16xi32>
        %shift_right_arithmetic3A_1583 = arith.shrsi %add3A_1580, %shift_right_arithmetic3A_1582 : vector<16xi32>
        %add3A_1584 = arith.constant 96 : i32
        %add3A_1585 = vector.broadcast %add3A_1584 : i32 to vector<16xi32>
        %add3A_1586 = arith.addi %shift_right_arithmetic3A_1583, %add3A_1585 : vector<16xi32>
        %mul3A_1587 = arith.constant 16 : i32
        %mul3A_1588 = arith.muli %scan3A_1166, %mul3A_1587 : i32
        %add3A_1589 = arith.constant 5888 : i32
        %add3A_1590 = arith.addi %add3A_1589, %mul3A_1588 : i32
        %swap3A_1591 = arith.index_cast %add3A_1590 : i32 to index
        %swap3A_1592 = tpu.vector_load %arg15[%swap3A_1591] {strides = array<i32>} : memref<8192xi32, #tpu.memory_space<vmem>>, vector<16xi32>,
        tpu.vector_store %arg15[%swap3A_1591], %add3A_1586 {strides = array<i32>} : memref<8192xi32, #tpu.memory_space<vmem>>, vector<16xi32>,
        %add3A_1593 = arith.constant 258 : i32
        %add3A_1594 = vector.broadcast %add3A_1593 : i32 to vector<16xi32>
        %add3A_1595 = arith.addi %add3A_1193, %add3A_1594 : vector<16xi32>
        %mul3A_1596 = arith.constant 1028 : i32
        %mul3A_1597 = vector.broadcast %mul3A_1596 : i32 to vector<16xi32>
        %mul3A_1598 = arith.muli %add3A_1595, %mul3A_1597 : vector<16xi32>
        %add3A_1599 = arith.addi %mul3A_1598, %convert_element_type3A_1177 : vector<16xi32>
        %mul3A_1600 = arith.constant 16 : i32
        %mul3A_1601 = arith.muli %scan3A_1166, %mul3A_1600 : i32
        %add3A_1602 = arith.constant 768 : i32
        %add3A_1603 = arith.addi %add3A_1602, %mul3A_1601 : i32
        %swap3A_1604 = arith.index_cast %add3A_1603 : i32 to index
        %swap3A_1605 = tpu.vector_load %arg14[%swap3A_1604] {strides = array<i32>} : memref<1024xi32, #tpu.memory_space<vmem>>, vector<16xi32>,
        tpu.vector_store %arg14[%swap3A_1604], %add3A_1599 {strides = array<i32>} : memref<1024xi32, #tpu.memory_space<vmem>>, vector<16xi32>,
        %add3A_1606 = arith.constant 0 : i32
        %add3A_1607 = vector.broadcast %add3A_1606 : i32 to vector<16xi32>
        %add3A_1608 = arith.addi %add3A_1599, %add3A_1607 : vector<16xi32>
        %shift_right_arithmetic3A_1609 = arith.constant 3 : i32
        %shift_right_arithmetic3A_1610 = vector.broadcast %shift_right_arithmetic3A_1609 : i32 to vector<16xi32>
        %shift_right_arithmetic3A_1611 = arith.shrsi %add3A_1608, %shift_right_arithmetic3A_1610 : vector<16xi32>
        %add3A_1612 = arith.constant 0 : i32
        %add3A_1613 = vector.broadcast %add3A_1612 : i32 to vector<16xi32>
        %add3A_1614 = arith.addi %shift_right_arithmetic3A_1611, %add3A_1613 : vector<16xi32>
        %mul3A_1615 = arith.constant 16 : i32
        %mul3A_1616 = arith.muli %scan3A_1166, %mul3A_1615 : i32
        %add3A_1617 = arith.constant 6144 : i32
        %add3A_1618 = arith.addi %add3A_1617, %mul3A_1616 : i32
        %swap3A_1619 = arith.index_cast %add3A_1618 : i32 to index
        %swap3A_1620 = tpu.vector_load %arg15[%swap3A_1619] {strides = array<i32>} : memref<8192xi32, #tpu.memory_space<vmem>>, vector<16xi32>,
        tpu.vector_store %arg15[%swap3A_1619], %add3A_1614 {strides = array<i32>} : memref<8192xi32, #tpu.memory_space<vmem>>, vector<16xi32>,
        %add3A_1621 = arith.constant 1 : i32
        %add3A_1622 = vector.broadcast %add3A_1621 : i32 to vector<16xi32>
        %add3A_1623 = arith.addi %add3A_1599, %add3A_1622 : vector<16xi32>
        %shift_right_arithmetic3A_1624 = arith.constant 3 : i32
        %shift_right_arithmetic3A_1625 = vector.broadcast %shift_right_arithmetic3A_1624 : i32 to vector<16xi32>
        %shift_right_arithmetic3A_1626 = arith.shrsi %add3A_1623, %shift_right_arithmetic3A_1625 : vector<16xi32>
        %add3A_1627 = arith.constant 0 : i32
        %add3A_1628 = vector.broadcast %add3A_1627 : i32 to vector<16xi32>
        %add3A_1629 = arith.addi %shift_right_arithmetic3A_1626, %add3A_1628 : vector<16xi32>
        %mul3A_1630 = arith.constant 16 : i32
        %mul3A_1631 = arith.muli %scan3A_1166, %mul3A_1630 : i32
        %add3A_1632 = arith.constant 7168 : i32
        %add3A_1633 = arith.addi %add3A_1632, %mul3A_1631 : i32
        %swap3A_1634 = arith.index_cast %add3A_1633 : i32 to index
        %swap3A_1635 = tpu.vector_load %arg15[%swap3A_1634] {strides = array<i32>} : memref<8192xi32, #tpu.memory_space<vmem>>, vector<16xi32>,
        tpu.vector_store %arg15[%swap3A_1634], %add3A_1629 {strides = array<i32>} : memref<8192xi32, #tpu.memory_space<vmem>>, vector<16xi32>,
        %add3A_1636 = arith.constant 1 : i32
        %add3A_1637 = vector.broadcast %add3A_1636 : i32 to vector<16xi32>
        %add3A_1638 = arith.addi %add3A_1599, %add3A_1637 : vector<16xi32>
        %shift_right_arithmetic3A_1639 = arith.constant 3 : i32
        %shift_right_arithmetic3A_1640 = vector.broadcast %shift_right_arithmetic3A_1639 : i32 to vector<16xi32>
        %shift_right_arithmetic3A_1641 = arith.shrsi %add3A_1638, %shift_right_arithmetic3A_1640 : vector<16xi32>
        %add3A_1642 = arith.constant 32 : i32
        %add3A_1643 = vector.broadcast %add3A_1642 : i32 to vector<16xi32>
        %add3A_1644 = arith.addi %shift_right_arithmetic3A_1641, %add3A_1643 : vector<16xi32>
        %mul3A_1645 = arith.constant 16 : i32
        %mul3A_1646 = arith.muli %scan3A_1166, %mul3A_1645 : i32
        %add3A_1647 = arith.constant 6400 : i32
        %add3A_1648 = arith.addi %add3A_1647, %mul3A_1646 : i32
        %swap3A_1649 = arith.index_cast %add3A_1648 : i32 to index
        %swap3A_1650 = tpu.vector_load %arg15[%swap3A_1649] {strides = array<i32>} : memref<8192xi32, #tpu.memory_space<vmem>>, vector<16xi32>,
        tpu.vector_store %arg15[%swap3A_1649], %add3A_1644 {strides = array<i32>} : memref<8192xi32, #tpu.memory_space<vmem>>, vector<16xi32>,
        %add3A_1651 = arith.constant 2 : i32
        %add3A_1652 = vector.broadcast %add3A_1651 : i32 to vector<16xi32>
        %add3A_1653 = arith.addi %add3A_1599, %add3A_1652 : vector<16xi32>
        %shift_right_arithmetic3A_1654 = arith.constant 3 : i32
        %shift_right_arithmetic3A_1655 = vector.broadcast %shift_right_arithmetic3A_1654 : i32 to vector<16xi32>
        %shift_right_arithmetic3A_1656 = arith.shrsi %add3A_1653, %shift_right_arithmetic3A_1655 : vector<16xi32>
        %add3A_1657 = arith.constant 32 : i32
        %add3A_1658 = vector.broadcast %add3A_1657 : i32 to vector<16xi32>
        %add3A_1659 = arith.addi %shift_right_arithmetic3A_1656, %add3A_1658 : vector<16xi32>
        %mul3A_1660 = arith.constant 16 : i32
        %mul3A_1661 = arith.muli %scan3A_1166, %mul3A_1660 : i32
        %add3A_1662 = arith.constant 7424 : i32
        %add3A_1663 = arith.addi %add3A_1662, %mul3A_1661 : i32
        %swap3A_1664 = arith.index_cast %add3A_1663 : i32 to index
        %swap3A_1665 = tpu.vector_load %arg15[%swap3A_1664] {strides = array<i32>} : memref<8192xi32, #tpu.memory_space<vmem>>, vector<16xi32>,
        tpu.vector_store %arg15[%swap3A_1664], %add3A_1659 {strides = array<i32>} : memref<8192xi32, #tpu.memory_space<vmem>>, vector<16xi32>,
        %add3A_1666 = arith.constant 2 : i32
        %add3A_1667 = vector.broadcast %add3A_1666 : i32 to vector<16xi32>
        %add3A_1668 = arith.addi %add3A_1599, %add3A_1667 : vector<16xi32>
        %shift_right_arithmetic3A_1669 = arith.constant 3 : i32
        %shift_right_arithmetic3A_1670 = vector.broadcast %shift_right_arithmetic3A_1669 : i32 to vector<16xi32>
        %shift_right_arithmetic3A_1671 = arith.shrsi %add3A_1668, %shift_right_arithmetic3A_1670 : vector<16xi32>
        %add3A_1672 = arith.constant 64 : i32
        %add3A_1673 = vector.broadcast %add3A_1672 : i32 to vector<16xi32>
        %add3A_1674 = arith.addi %shift_right_arithmetic3A_1671, %add3A_1673 : vector<16xi32>
        %mul3A_1675 = arith.constant 16 : i32
        %mul3A_1676 = arith.muli %scan3A_1166, %mul3A_1675 : i32
        %add3A_1677 = arith.constant 6656 : i32
        %add3A_1678 = arith.addi %add3A_1677, %mul3A_1676 : i32
        %swap3A_1679 = arith.index_cast %add3A_1678 : i32 to index
        %swap3A_1680 = tpu.vector_load %arg15[%swap3A_1679] {strides = array<i32>} : memref<8192xi32, #tpu.memory_space<vmem>>, vector<16xi32>,
        tpu.vector_store %arg15[%swap3A_1679], %add3A_1674 {strides = array<i32>} : memref<8192xi32, #tpu.memory_space<vmem>>, vector<16xi32>,
        %add3A_1681 = arith.constant 3 : i32
        %add3A_1682 = vector.broadcast %add3A_1681 : i32 to vector<16xi32>
        %add3A_1683 = arith.addi %add3A_1599, %add3A_1682 : vector<16xi32>
        %shift_right_arithmetic3A_1684 = arith.constant 3 : i32
        %shift_right_arithmetic3A_1685 = vector.broadcast %shift_right_arithmetic3A_1684 : i32 to vector<16xi32>
        %shift_right_arithmetic3A_1686 = arith.shrsi %add3A_1683, %shift_right_arithmetic3A_1685 : vector<16xi32>
        %add3A_1687 = arith.constant 64 : i32
        %add3A_1688 = vector.broadcast %add3A_1687 : i32 to vector<16xi32>
        %add3A_1689 = arith.addi %shift_right_arithmetic3A_1686, %add3A_1688 : vector<16xi32>
        %mul3A_1690 = arith.constant 16 : i32
        %mul3A_1691 = arith.muli %scan3A_1166, %mul3A_1690 : i32
        %add3A_1692 = arith.constant 7680 : i32
        %add3A_1693 = arith.addi %add3A_1692, %mul3A_1691 : i32
        %swap3A_1694 = arith.index_cast %add3A_1693 : i32 to index
        %swap3A_1695 = tpu.vector_load %arg15[%swap3A_1694] {strides = array<i32>} : memref<8192xi32, #tpu.memory_space<vmem>>, vector<16xi32>,
        tpu.vector_store %arg15[%swap3A_1694], %add3A_1689 {strides = array<i32>} : memref<8192xi32, #tpu.memory_space<vmem>>, vector<16xi32>,
        %add3A_1696 = arith.constant 3 : i32
        %add3A_1697 = vector.broadcast %add3A_1696 : i32 to vector<16xi32>
        %add3A_1698 = arith.addi %add3A_1599, %add3A_1697 : vector<16xi32>
        %shift_right_arithmetic3A_1699 = arith.constant 3 : i32
        %shift_right_arithmetic3A_1700 = vector.broadcast %shift_right_arithmetic3A_1699 : i32 to vector<16xi32>
        %shift_right_arithmetic3A_1701 = arith.shrsi %add3A_1698, %shift_right_arithmetic3A_1700 : vector<16xi32>
        %add3A_1702 = arith.constant 96 : i32
        %add3A_1703 = vector.broadcast %add3A_1702 : i32 to vector<16xi32>
        %add3A_1704 = arith.addi %shift_right_arithmetic3A_1701, %add3A_1703 : vector<16xi32>
        %min3A_1705 = arith.constant 8487295 : i32
        %min3A_1706 = vector.broadcast %min3A_1705 : i32 to vector<16xi32>
        %min3A_1707 = arith.minsi %add3A_1704, %min3A_1706 : vector<16xi32>
        %mul3A_1708 = arith.constant 16 : i32
        %mul3A_1709 = arith.muli %scan3A_1166, %mul3A_1708 : i32
        %add3A_1710 = arith.constant 6912 : i32
        %add3A_1711 = arith.addi %add3A_1710, %mul3A_1709 : i32
        %swap3A_1712 = arith.index_cast %add3A_1711 : i32 to index
        %swap3A_1713 = tpu.vector_load %arg15[%swap3A_1712] {strides = array<i32>} : memref<8192xi32, #tpu.memory_space<vmem>>, vector<16xi32>,
        tpu.vector_store %arg15[%swap3A_1712], %min3A_1707 {strides = array<i32>} : memref<8192xi32, #tpu.memory_space<vmem>>, vector<16xi32>,
        %add3A_1714 = arith.constant 4 : i32
        %add3A_1715 = vector.broadcast %add3A_1714 : i32 to vector<16xi32>
        %add3A_1716 = arith.addi %add3A_1599, %add3A_1715 : vector<16xi32>
        %shift_right_arithmetic3A_1717 = arith.constant 3 : i32
        %shift_right_arithmetic3A_1718 = vector.broadcast %shift_right_arithmetic3A_1717 : i32 to vector<16xi32>
        %shift_right_arithmetic3A_1719 = arith.shrsi %add3A_1716, %shift_right_arithmetic3A_1718 : vector<16xi32>
        %add3A_1720 = arith.constant 96 : i32
        %add3A_1721 = vector.broadcast %add3A_1720 : i32 to vector<16xi32>
        %add3A_1722 = arith.addi %shift_right_arithmetic3A_1719, %add3A_1721 : vector<16xi32>
        %min3A_1723 = arith.constant 8487295 : i32
        %min3A_1724 = vector.broadcast %min3A_1723 : i32 to vector<16xi32>
        %min3A_1725 = arith.minsi %add3A_1722, %min3A_1724 : vector<16xi32>
        %mul3A_1726 = arith.constant 16 : i32
        %mul3A_1727 = arith.muli %scan3A_1166, %mul3A_1726 : i32
        %add3A_1728 = arith.constant 7936 : i32
        %add3A_1729 = arith.addi %add3A_1728, %mul3A_1727 : i32
        %swap3A_1730 = arith.index_cast %add3A_1729 : i32 to index
        %swap3A_1731 = tpu.vector_load %arg15[%swap3A_1730] {strides = array<i32>} : memref<8192xi32, #tpu.memory_space<vmem>>, vector<16xi32>,
        tpu.vector_store %arg15[%swap3A_1730], %min3A_1725 {strides = array<i32>} : memref<8192xi32, #tpu.memory_space<vmem>>, vector<16xi32>,
        %scan3A_1732 = arith.constant 0 : i32
        scf.yield %scan3A_1732 : i32
      }
      %scan3A_328 = arith.constant 8 : i32
      %dma_start3A_329 = arith.constant 128 : i32
      %dma_start3A_330 = arith.constant 0 : i32
      %dma_start3A_331 = tpu.memref_slice %arg16[%dma_start3A_329, %dma_start3A_330] : memref<8192x8xf32, #tpu.memory_space<vmem>> -> memref<128x8xf32, #tpu.memory_space<vmem>>
      %dma_start3A_332 = arith.constant 128 : i32
      %dma_start3A_333 = tpu.memref_slice %arg15[%dma_start3A_332] : memref<8192xi32, #tpu.memory_space<vmem>> -> memref<128xi32, #tpu.memory_space<vmem>>
      %dma_start3A_334 = arith.constant 0 : i32
      %dma_start3A_335 = arith.constant 0 : i32
      %dma_start3A_336 = tpu.memref_slice %arg5[%dma_start3A_334, %dma_start3A_335] : memref<8487296x8xf32, #tpu.memory_space<hbm>> -> memref<8487296x8xf32, #tpu.memory_space<hbm>>
      tpu.enqueue_indirect_dma source(%dma_start3A_336 : memref<8487296x8xf32, #tpu.memory_space<hbm>>) target(%dma_start3A_331 : memref<128x8xf32, #tpu.memory_space<vmem>>) offsets(%dma_start3A_333 : memref<128xi32, #tpu.memory_space<vmem>>) semaphore(%arg19 : memref<!tpu.dma_semaphore, #tpu.memory_space<semaphore_mem>>)
      %dma_start3A_337 = arith.constant 384 : i32
      %dma_start3A_338 = arith.constant 0 : i32
      %dma_start3A_339 = tpu.memref_slice %arg16[%dma_start3A_337, %dma_start3A_338] : memref<8192x8xf32, #tpu.memory_space<vmem>> -> memref<128x8xf32, #tpu.memory_space<vmem>>
      %dma_start3A_340 = arith.constant 384 : i32
      %dma_start3A_341 = tpu.memref_slice %arg15[%dma_start3A_340] : memref<8192xi32, #tpu.memory_space<vmem>> -> memref<128xi32, #tpu.memory_space<vmem>>
      %dma_start3A_342 = arith.constant 0 : i32
      %dma_start3A_343 = arith.constant 0 : i32
      %dma_start3A_344 = tpu.memref_slice %arg5[%dma_start3A_342, %dma_start3A_343] : memref<8487296x8xf32, #tpu.memory_space<hbm>> -> memref<8487296x8xf32, #tpu.memory_space<hbm>>
      tpu.enqueue_indirect_dma source(%dma_start3A_344 : memref<8487296x8xf32, #tpu.memory_space<hbm>>) target(%dma_start3A_339 : memref<128x8xf32, #tpu.memory_space<vmem>>) offsets(%dma_start3A_341 : memref<128xi32, #tpu.memory_space<vmem>>) semaphore(%arg19 : memref<!tpu.dma_semaphore, #tpu.memory_space<semaphore_mem>>)
      %dma_start3A_345 = arith.constant 640 : i32
      %dma_start3A_346 = arith.constant 0 : i32
      %dma_start3A_347 = tpu.memref_slice %arg16[%dma_start3A_345, %dma_start3A_346] : memref<8192x8xf32, #tpu.memory_space<vmem>> -> memref<128x8xf32, #tpu.memory_space<vmem>>
      %dma_start3A_348 = arith.constant 640 : i32
      %dma_start3A_349 = tpu.memref_slice %arg15[%dma_start3A_348] : memref<8192xi32, #tpu.memory_space<vmem>> -> memref<128xi32, #tpu.memory_space<vmem>>
      %dma_start3A_350 = arith.constant 0 : i32
      %dma_start3A_351 = arith.constant 0 : i32
      %dma_start3A_352 = tpu.memref_slice %arg5[%dma_start3A_350, %dma_start3A_351] : memref<8487296x8xf32, #tpu.memory_space<hbm>> -> memref<8487296x8xf32, #tpu.memory_space<hbm>>
      tpu.enqueue_indirect_dma source(%dma_start3A_352 : memref<8487296x8xf32, #tpu.memory_space<hbm>>) target(%dma_start3A_347 : memref<128x8xf32, #tpu.memory_space<vmem>>) offsets(%dma_start3A_349 : memref<128xi32, #tpu.memory_space<vmem>>) semaphore(%arg19 : memref<!tpu.dma_semaphore, #tpu.memory_space<semaphore_mem>>)
      %dma_start3A_353 = arith.constant 896 : i32
      %dma_start3A_354 = arith.constant 0 : i32
      %dma_start3A_355 = tpu.memref_slice %arg16[%dma_start3A_353, %dma_start3A_354] : memref<8192x8xf32, #tpu.memory_space<vmem>> -> memref<128x8xf32, #tpu.memory_space<vmem>>
      %dma_start3A_356 = arith.constant 896 : i32
      %dma_start3A_357 = tpu.memref_slice %arg15[%dma_start3A_356] : memref<8192xi32, #tpu.memory_space<vmem>> -> memref<128xi32, #tpu.memory_space<vmem>>
      %dma_start3A_358 = arith.constant 0 : i32
      %dma_start3A_359 = arith.constant 0 : i32
      %dma_start3A_360 = tpu.memref_slice %arg5[%dma_start3A_358, %dma_start3A_359] : memref<8487296x8xf32, #tpu.memory_space<hbm>> -> memref<8487296x8xf32, #tpu.memory_space<hbm>>
      tpu.enqueue_indirect_dma source(%dma_start3A_360 : memref<8487296x8xf32, #tpu.memory_space<hbm>>) target(%dma_start3A_355 : memref<128x8xf32, #tpu.memory_space<vmem>>) offsets(%dma_start3A_357 : memref<128xi32, #tpu.memory_space<vmem>>) semaphore(%arg19 : memref<!tpu.dma_semaphore, #tpu.memory_space<semaphore_mem>>)
      %dma_start3A_361 = arith.constant 1152 : i32
      %dma_start3A_362 = arith.constant 0 : i32
      %dma_start3A_363 = tpu.memref_slice %arg16[%dma_start3A_361, %dma_start3A_362] : memref<8192x8xf32, #tpu.memory_space<vmem>> -> memref<128x8xf32, #tpu.memory_space<vmem>>
      %dma_start3A_364 = arith.constant 1152 : i32
      %dma_start3A_365 = tpu.memref_slice %arg15[%dma_start3A_364] : memref<8192xi32, #tpu.memory_space<vmem>> -> memref<128xi32, #tpu.memory_space<vmem>>
      %dma_start3A_366 = arith.constant 0 : i32
      %dma_start3A_367 = arith.constant 0 : i32
      %dma_start3A_368 = tpu.memref_slice %arg5[%dma_start3A_366, %dma_start3A_367] : memref<8487296x8xf32, #tpu.memory_space<hbm>> -> memref<8487296x8xf32, #tpu.memory_space<hbm>>
      tpu.enqueue_indirect_dma source(%dma_start3A_368 : memref<8487296x8xf32, #tpu.memory_space<hbm>>) target(%dma_start3A_363 : memref<128x8xf32, #tpu.memory_space<vmem>>) offsets(%dma_start3A_365 : memref<128xi32, #tpu.memory_space<vmem>>) semaphore(%arg19 : memref<!tpu.dma_semaphore, #tpu.memory_space<semaphore_mem>>)
      %dma_start3A_369 = arith.constant 1408 : i32
      %dma_start3A_370 = arith.constant 0 : i32
      %dma_start3A_371 = tpu.memref_slice %arg16[%dma_start3A_369, %dma_start3A_370] : memref<8192x8xf32, #tpu.memory_space<vmem>> -> memref<128x8xf32, #tpu.memory_space<vmem>>
      %dma_start3A_372 = arith.constant 1408 : i32
      %dma_start3A_373 = tpu.memref_slice %arg15[%dma_start3A_372] : memref<8192xi32, #tpu.memory_space<vmem>> -> memref<128xi32, #tpu.memory_space<vmem>>
      %dma_start3A_374 = arith.constant 0 : i32
      %dma_start3A_375 = arith.constant 0 : i32
      %dma_start3A_376 = tpu.memref_slice %arg5[%dma_start3A_374, %dma_start3A_375] : memref<8487296x8xf32, #tpu.memory_space<hbm>> -> memref<8487296x8xf32, #tpu.memory_space<hbm>>
      tpu.enqueue_indirect_dma source(%dma_start3A_376 : memref<8487296x8xf32, #tpu.memory_space<hbm>>) target(%dma_start3A_371 : memref<128x8xf32, #tpu.memory_space<vmem>>) offsets(%dma_start3A_373 : memref<128xi32, #tpu.memory_space<vmem>>) semaphore(%arg19 : memref<!tpu.dma_semaphore, #tpu.memory_space<semaphore_mem>>)
      %dma_start3A_377 = arith.constant 1664 : i32
      %dma_start3A_378 = arith.constant 0 : i32
      %dma_start3A_379 = tpu.memref_slice %arg16[%dma_start3A_377, %dma_start3A_378] : memref<8192x8xf32, #tpu.memory_space<vmem>> -> memref<128x8xf32, #tpu.memory_space<vmem>>
      %dma_start3A_380 = arith.constant 1664 : i32
      %dma_start3A_381 = tpu.memref_slice %arg15[%dma_start3A_380] : memref<8192xi32, #tpu.memory_space<vmem>> -> memref<128xi32, #tpu.memory_space<vmem>>
      %dma_start3A_382 = arith.constant 0 : i32
      %dma_start3A_383 = arith.constant 0 : i32
      %dma_start3A_384 = tpu.memref_slice %arg5[%dma_start3A_382, %dma_start3A_383] : memref<8487296x8xf32, #tpu.memory_space<hbm>> -> memref<8487296x8xf32, #tpu.memory_space<hbm>>
      tpu.enqueue_indirect_dma source(%dma_start3A_384 : memref<8487296x8xf32, #tpu.memory_space<hbm>>) target(%dma_start3A_379 : memref<128x8xf32, #tpu.memory_space<vmem>>) offsets(%dma_start3A_381 : memref<128xi32, #tpu.memory_space<vmem>>) semaphore(%arg19 : memref<!tpu.dma_semaphore, #tpu.memory_space<semaphore_mem>>)
      %dma_start3A_385 = arith.constant 1920 : i32
      %dma_start3A_386 = arith.constant 0 : i32
      %dma_start3A_387 = tpu.memref_slice %arg16[%dma_start3A_385, %dma_start3A_386] : memref<8192x8xf32, #tpu.memory_space<vmem>> -> memref<128x8xf32, #tpu.memory_space<vmem>>
      %dma_start3A_388 = arith.constant 1920 : i32
      %dma_start3A_389 = tpu.memref_slice %arg15[%dma_start3A_388] : memref<8192xi32, #tpu.memory_space<vmem>> -> memref<128xi32, #tpu.memory_space<vmem>>
      %dma_start3A_390 = arith.constant 0 : i32
      %dma_start3A_391 = arith.constant 0 : i32
      %dma_start3A_392 = tpu.memref_slice %arg5[%dma_start3A_390, %dma_start3A_391] : memref<8487296x8xf32, #tpu.memory_space<hbm>> -> memref<8487296x8xf32, #tpu.memory_space<hbm>>
      tpu.enqueue_indirect_dma source(%dma_start3A_392 : memref<8487296x8xf32, #tpu.memory_space<hbm>>) target(%dma_start3A_387 : memref<128x8xf32, #tpu.memory_space<vmem>>) offsets(%dma_start3A_389 : memref<128xi32, #tpu.memory_space<vmem>>) semaphore(%arg19 : memref<!tpu.dma_semaphore, #tpu.memory_space<semaphore_mem>>)
      %dma_start3A_393 = arith.constant 2176 : i32
      %dma_start3A_394 = arith.constant 0 : i32
      %dma_start3A_395 = tpu.memref_slice %arg16[%dma_start3A_393, %dma_start3A_394] : memref<8192x8xf32, #tpu.memory_space<vmem>> -> memref<128x8xf32, #tpu.memory_space<vmem>>
      %dma_start3A_396 = arith.constant 2176 : i32
      %dma_start3A_397 = tpu.memref_slice %arg15[%dma_start3A_396] : memref<8192xi32, #tpu.memory_space<vmem>> -> memref<128xi32, #tpu.memory_space<vmem>>
      %dma_start3A_398 = arith.constant 0 : i32
      %dma_start3A_399 = arith.constant 0 : i32
      %dma_start3A_400 = tpu.memref_slice %arg5[%dma_start3A_398, %dma_start3A_399] : memref<8487296x8xf32, #tpu.memory_space<hbm>> -> memref<8487296x8xf32, #tpu.memory_space<hbm>>
      tpu.enqueue_indirect_dma source(%dma_start3A_400 : memref<8487296x8xf32, #tpu.memory_space<hbm>>) target(%dma_start3A_395 : memref<128x8xf32, #tpu.memory_space<vmem>>) offsets(%dma_start3A_397 : memref<128xi32, #tpu.memory_space<vmem>>) semaphore(%arg19 : memref<!tpu.dma_semaphore, #tpu.memory_space<semaphore_mem>>)
      %dma_start3A_401 = arith.constant 2432 : i32
      %dma_start3A_402 = arith.constant 0 : i32
      %dma_start3A_403 = tpu.memref_slice %arg16[%dma_start3A_401, %dma_start3A_402] : memref<8192x8xf32, #tpu.memory_space<vmem>> -> memref<128x8xf32, #tpu.memory_space<vmem>>
      %dma_start3A_404 = arith.constant 2432 : i32
      %dma_start3A_405 = tpu.memref_slice %arg15[%dma_start3A_404] : memref<8192xi32, #tpu.memory_space<vmem>> -> memref<128xi32, #tpu.memory_space<vmem>>
      %dma_start3A_406 = arith.constant 0 : i32
      %dma_start3A_407 = arith.constant 0 : i32
      %dma_start3A_408 = tpu.memref_slice %arg5[%dma_start3A_406, %dma_start3A_407] : memref<8487296x8xf32, #tpu.memory_space<hbm>> -> memref<8487296x8xf32, #tpu.memory_space<hbm>>
      tpu.enqueue_indirect_dma source(%dma_start3A_408 : memref<8487296x8xf32, #tpu.memory_space<hbm>>) target(%dma_start3A_403 : memref<128x8xf32, #tpu.memory_space<vmem>>) offsets(%dma_start3A_405 : memref<128xi32, #tpu.memory_space<vmem>>) semaphore(%arg19 : memref<!tpu.dma_semaphore, #tpu.memory_space<semaphore_mem>>)
      %dma_start3A_409 = arith.constant 2688 : i32
      %dma_start3A_410 = arith.constant 0 : i32
      %dma_start3A_411 = tpu.memref_slice %arg16[%dma_start3A_409, %dma_start3A_410] : memref<8192x8xf32, #tpu.memory_space<vmem>> -> memref<128x8xf32, #tpu.memory_space<vmem>>
      %dma_start3A_412 = arith.constant 2688 : i32
      %dma_start3A_413 = tpu.memref_slice %arg15[%dma_start3A_412] : memref<8192xi32, #tpu.memory_space<vmem>> -> memref<128xi32, #tpu.memory_space<vmem>>
      %dma_start3A_414 = arith.constant 0 : i32
      %dma_start3A_415 = arith.constant 0 : i32
      %dma_start3A_416 = tpu.memref_slice %arg5[%dma_start3A_414, %dma_start3A_415] : memref<8487296x8xf32, #tpu.memory_space<hbm>> -> memref<8487296x8xf32, #tpu.memory_space<hbm>>
      tpu.enqueue_indirect_dma source(%dma_start3A_416 : memref<8487296x8xf32, #tpu.memory_space<hbm>>) target(%dma_start3A_411 : memref<128x8xf32, #tpu.memory_space<vmem>>) offsets(%dma_start3A_413 : memref<128xi32, #tpu.memory_space<vmem>>) semaphore(%arg19 : memref<!tpu.dma_semaphore, #tpu.memory_space<semaphore_mem>>)
      %dma_start3A_417 = arith.constant 2944 : i32
      %dma_start3A_418 = arith.constant 0 : i32
      %dma_start3A_419 = tpu.memref_slice %arg16[%dma_start3A_417, %dma_start3A_418] : memref<8192x8xf32, #tpu.memory_space<vmem>> -> memref<128x8xf32, #tpu.memory_space<vmem>>
      %dma_start3A_420 = arith.constant 2944 : i32
      %dma_start3A_421 = tpu.memref_slice %arg15[%dma_start3A_420] : memref<8192xi32, #tpu.memory_space<vmem>> -> memref<128xi32, #tpu.memory_space<vmem>>
      %dma_start3A_422 = arith.constant 0 : i32
      %dma_start3A_423 = arith.constant 0 : i32
      %dma_start3A_424 = tpu.memref_slice %arg5[%dma_start3A_422, %dma_start3A_423] : memref<8487296x8xf32, #tpu.memory_space<hbm>> -> memref<8487296x8xf32, #tpu.memory_space<hbm>>
      tpu.enqueue_indirect_dma source(%dma_start3A_424 : memref<8487296x8xf32, #tpu.memory_space<hbm>>) target(%dma_start3A_419 : memref<128x8xf32, #tpu.memory_space<vmem>>) offsets(%dma_start3A_421 : memref<128xi32, #tpu.memory_space<vmem>>) semaphore(%arg19 : memref<!tpu.dma_semaphore, #tpu.memory_space<semaphore_mem>>)
      %dma_start3A_425 = arith.constant 3200 : i32
      %dma_start3A_426 = arith.constant 0 : i32
      %dma_start3A_427 = tpu.memref_slice %arg16[%dma_start3A_425, %dma_start3A_426] : memref<8192x8xf32, #tpu.memory_space<vmem>> -> memref<128x8xf32, #tpu.memory_space<vmem>>
      %dma_start3A_428 = arith.constant 3200 : i32
      %dma_start3A_429 = tpu.memref_slice %arg15[%dma_start3A_428] : memref<8192xi32, #tpu.memory_space<vmem>> -> memref<128xi32, #tpu.memory_space<vmem>>
      %dma_start3A_430 = arith.constant 0 : i32
      %dma_start3A_431 = arith.constant 0 : i32
      %dma_start3A_432 = tpu.memref_slice %arg5[%dma_start3A_430, %dma_start3A_431] : memref<8487296x8xf32, #tpu.memory_space<hbm>> -> memref<8487296x8xf32, #tpu.memory_space<hbm>>
      tpu.enqueue_indirect_dma source(%dma_start3A_432 : memref<8487296x8xf32, #tpu.memory_space<hbm>>) target(%dma_start3A_427 : memref<128x8xf32, #tpu.memory_space<vmem>>) offsets(%dma_start3A_429 : memref<128xi32, #tpu.memory_space<vmem>>) semaphore(%arg19 : memref<!tpu.dma_semaphore, #tpu.memory_space<semaphore_mem>>)
      %dma_start3A_433 = arith.constant 3456 : i32
      %dma_start3A_434 = arith.constant 0 : i32
      %dma_start3A_435 = tpu.memref_slice %arg16[%dma_start3A_433, %dma_start3A_434] : memref<8192x8xf32, #tpu.memory_space<vmem>> -> memref<128x8xf32, #tpu.memory_space<vmem>>
      %dma_start3A_436 = arith.constant 3456 : i32
      %dma_start3A_437 = tpu.memref_slice %arg15[%dma_start3A_436] : memref<8192xi32, #tpu.memory_space<vmem>> -> memref<128xi32, #tpu.memory_space<vmem>>
      %dma_start3A_438 = arith.constant 0 : i32
      %dma_start3A_439 = arith.constant 0 : i32
      %dma_start3A_440 = tpu.memref_slice %arg5[%dma_start3A_438, %dma_start3A_439] : memref<8487296x8xf32, #tpu.memory_space<hbm>> -> memref<8487296x8xf32, #tpu.memory_space<hbm>>
      tpu.enqueue_indirect_dma source(%dma_start3A_440 : memref<8487296x8xf32, #tpu.memory_space<hbm>>) target(%dma_start3A_435 : memref<128x8xf32, #tpu.memory_space<vmem>>) offsets(%dma_start3A_437 : memref<128xi32, #tpu.memory_space<vmem>>) semaphore(%arg19 : memref<!tpu.dma_semaphore, #tpu.memory_space<semaphore_mem>>)
      %dma_start3A_441 = arith.constant 3712 : i32
      %dma_start3A_442 = arith.constant 0 : i32
      %dma_start3A_443 = tpu.memref_slice %arg16[%dma_start3A_441, %dma_start3A_442] : memref<8192x8xf32, #tpu.memory_space<vmem>> -> memref<128x8xf32, #tpu.memory_space<vmem>>
      %dma_start3A_444 = arith.constant 3712 : i32
      %dma_start3A_445 = tpu.memref_slice %arg15[%dma_start3A_444] : memref<8192xi32, #tpu.memory_space<vmem>> -> memref<128xi32, #tpu.memory_space<vmem>>
      %dma_start3A_446 = arith.constant 0 : i32
      %dma_start3A_447 = arith.constant 0 : i32
      %dma_start3A_448 = tpu.memref_slice %arg5[%dma_start3A_446, %dma_start3A_447] : memref<8487296x8xf32, #tpu.memory_space<hbm>> -> memref<8487296x8xf32, #tpu.memory_space<hbm>>
      tpu.enqueue_indirect_dma source(%dma_start3A_448 : memref<8487296x8xf32, #tpu.memory_space<hbm>>) target(%dma_start3A_443 : memref<128x8xf32, #tpu.memory_space<vmem>>) offsets(%dma_start3A_445 : memref<128xi32, #tpu.memory_space<vmem>>) semaphore(%arg19 : memref<!tpu.dma_semaphore, #tpu.memory_space<semaphore_mem>>)
      %dma_start3A_449 = arith.constant 3968 : i32
      %dma_start3A_450 = arith.constant 0 : i32
      %dma_start3A_451 = tpu.memref_slice %arg16[%dma_start3A_449, %dma_start3A_450] : memref<8192x8xf32, #tpu.memory_space<vmem>> -> memref<128x8xf32, #tpu.memory_space<vmem>>
      %dma_start3A_452 = arith.constant 3968 : i32
      %dma_start3A_453 = tpu.memref_slice %arg15[%dma_start3A_452] : memref<8192xi32, #tpu.memory_space<vmem>> -> memref<128xi32, #tpu.memory_space<vmem>>
      %dma_start3A_454 = arith.constant 0 : i32
      %dma_start3A_455 = arith.constant 0 : i32
      %dma_start3A_456 = tpu.memref_slice %arg5[%dma_start3A_454, %dma_start3A_455] : memref<8487296x8xf32, #tpu.memory_space<hbm>> -> memref<8487296x8xf32, #tpu.memory_space<hbm>>
      tpu.enqueue_indirect_dma source(%dma_start3A_456 : memref<8487296x8xf32, #tpu.memory_space<hbm>>) target(%dma_start3A_451 : memref<128x8xf32, #tpu.memory_space<vmem>>) offsets(%dma_start3A_453 : memref<128xi32, #tpu.memory_space<vmem>>) semaphore(%arg19 : memref<!tpu.dma_semaphore, #tpu.memory_space<semaphore_mem>>)
      %dma_start3A_457 = arith.constant 4224 : i32
      %dma_start3A_458 = arith.constant 0 : i32
      %dma_start3A_459 = tpu.memref_slice %arg16[%dma_start3A_457, %dma_start3A_458] : memref<8192x8xf32, #tpu.memory_space<vmem>> -> memref<128x8xf32, #tpu.memory_space<vmem>>
      %dma_start3A_460 = arith.constant 4224 : i32
      %dma_start3A_461 = tpu.memref_slice %arg15[%dma_start3A_460] : memref<8192xi32, #tpu.memory_space<vmem>> -> memref<128xi32, #tpu.memory_space<vmem>>
      %dma_start3A_462 = arith.constant 0 : i32
      %dma_start3A_463 = arith.constant 0 : i32
      %dma_start3A_464 = tpu.memref_slice %arg5[%dma_start3A_462, %dma_start3A_463] : memref<8487296x8xf32, #tpu.memory_space<hbm>> -> memref<8487296x8xf32, #tpu.memory_space<hbm>>
      tpu.enqueue_indirect_dma source(%dma_start3A_464 : memref<8487296x8xf32, #tpu.memory_space<hbm>>) target(%dma_start3A_459 : memref<128x8xf32, #tpu.memory_space<vmem>>) offsets(%dma_start3A_461 : memref<128xi32, #tpu.memory_space<vmem>>) semaphore(%arg19 : memref<!tpu.dma_semaphore, #tpu.memory_space<semaphore_mem>>)
      %dma_start3A_465 = arith.constant 4480 : i32
      %dma_start3A_466 = arith.constant 0 : i32
      %dma_start3A_467 = tpu.memref_slice %arg16[%dma_start3A_465, %dma_start3A_466] : memref<8192x8xf32, #tpu.memory_space<vmem>> -> memref<128x8xf32, #tpu.memory_space<vmem>>
      %dma_start3A_468 = arith.constant 4480 : i32
      %dma_start3A_469 = tpu.memref_slice %arg15[%dma_start3A_468] : memref<8192xi32, #tpu.memory_space<vmem>> -> memref<128xi32, #tpu.memory_space<vmem>>
      %dma_start3A_470 = arith.constant 0 : i32
      %dma_start3A_471 = arith.constant 0 : i32
      %dma_start3A_472 = tpu.memref_slice %arg5[%dma_start3A_470, %dma_start3A_471] : memref<8487296x8xf32, #tpu.memory_space<hbm>> -> memref<8487296x8xf32, #tpu.memory_space<hbm>>
      tpu.enqueue_indirect_dma source(%dma_start3A_472 : memref<8487296x8xf32, #tpu.memory_space<hbm>>) target(%dma_start3A_467 : memref<128x8xf32, #tpu.memory_space<vmem>>) offsets(%dma_start3A_469 : memref<128xi32, #tpu.memory_space<vmem>>) semaphore(%arg19 : memref<!tpu.dma_semaphore, #tpu.memory_space<semaphore_mem>>)
      %dma_start3A_473 = arith.constant 4736 : i32
      %dma_start3A_474 = arith.constant 0 : i32
      %dma_start3A_475 = tpu.memref_slice %arg16[%dma_start3A_473, %dma_start3A_474] : memref<8192x8xf32, #tpu.memory_space<vmem>> -> memref<128x8xf32, #tpu.memory_space<vmem>>
      %dma_start3A_476 = arith.constant 4736 : i32
      %dma_start3A_477 = tpu.memref_slice %arg15[%dma_start3A_476] : memref<8192xi32, #tpu.memory_space<vmem>> -> memref<128xi32, #tpu.memory_space<vmem>>
      %dma_start3A_478 = arith.constant 0 : i32
      %dma_start3A_479 = arith.constant 0 : i32
      %dma_start3A_480 = tpu.memref_slice %arg5[%dma_start3A_478, %dma_start3A_479] : memref<8487296x8xf32, #tpu.memory_space<hbm>> -> memref<8487296x8xf32, #tpu.memory_space<hbm>>
      tpu.enqueue_indirect_dma source(%dma_start3A_480 : memref<8487296x8xf32, #tpu.memory_space<hbm>>) target(%dma_start3A_475 : memref<128x8xf32, #tpu.memory_space<vmem>>) offsets(%dma_start3A_477 : memref<128xi32, #tpu.memory_space<vmem>>) semaphore(%arg19 : memref<!tpu.dma_semaphore, #tpu.memory_space<semaphore_mem>>)
      %dma_start3A_481 = arith.constant 4992 : i32
      %dma_start3A_482 = arith.constant 0 : i32
      %dma_start3A_483 = tpu.memref_slice %arg16[%dma_start3A_481, %dma_start3A_482] : memref<8192x8xf32, #tpu.memory_space<vmem>> -> memref<128x8xf32, #tpu.memory_space<vmem>>
      %dma_start3A_484 = arith.constant 4992 : i32
      %dma_start3A_485 = tpu.memref_slice %arg15[%dma_start3A_484] : memref<8192xi32, #tpu.memory_space<vmem>> -> memref<128xi32, #tpu.memory_space<vmem>>
      %dma_start3A_486 = arith.constant 0 : i32
      %dma_start3A_487 = arith.constant 0 : i32
      %dma_start3A_488 = tpu.memref_slice %arg5[%dma_start3A_486, %dma_start3A_487] : memref<8487296x8xf32, #tpu.memory_space<hbm>> -> memref<8487296x8xf32, #tpu.memory_space<hbm>>
      tpu.enqueue_indirect_dma source(%dma_start3A_488 : memref<8487296x8xf32, #tpu.memory_space<hbm>>) target(%dma_start3A_483 : memref<128x8xf32, #tpu.memory_space<vmem>>) offsets(%dma_start3A_485 : memref<128xi32, #tpu.memory_space<vmem>>) semaphore(%arg19 : memref<!tpu.dma_semaphore, #tpu.memory_space<semaphore_mem>>)
      %dma_start3A_489 = arith.constant 5248 : i32
      %dma_start3A_490 = arith.constant 0 : i32
      %dma_start3A_491 = tpu.memref_slice %arg16[%dma_start3A_489, %dma_start3A_490] : memref<8192x8xf32, #tpu.memory_space<vmem>> -> memref<128x8xf32, #tpu.memory_space<vmem>>
      %dma_start3A_492 = arith.constant 5248 : i32
      %dma_start3A_493 = tpu.memref_slice %arg15[%dma_start3A_492] : memref<8192xi32, #tpu.memory_space<vmem>> -> memref<128xi32, #tpu.memory_space<vmem>>
      %dma_start3A_494 = arith.constant 0 : i32
      %dma_start3A_495 = arith.constant 0 : i32
      %dma_start3A_496 = tpu.memref_slice %arg5[%dma_start3A_494, %dma_start3A_495] : memref<8487296x8xf32, #tpu.memory_space<hbm>> -> memref<8487296x8xf32, #tpu.memory_space<hbm>>
      tpu.enqueue_indirect_dma source(%dma_start3A_496 : memref<8487296x8xf32, #tpu.memory_space<hbm>>) target(%dma_start3A_491 : memref<128x8xf32, #tpu.memory_space<vmem>>) offsets(%dma_start3A_493 : memref<128xi32, #tpu.memory_space<vmem>>) semaphore(%arg19 : memref<!tpu.dma_semaphore, #tpu.memory_space<semaphore_mem>>)
      %dma_start3A_497 = arith.constant 5504 : i32
      %dma_start3A_498 = arith.constant 0 : i32
      %dma_start3A_499 = tpu.memref_slice %arg16[%dma_start3A_497, %dma_start3A_498] : memref<8192x8xf32, #tpu.memory_space<vmem>> -> memref<128x8xf32, #tpu.memory_space<vmem>>
      %dma_start3A_500 = arith.constant 5504 : i32
      %dma_start3A_501 = tpu.memref_slice %arg15[%dma_start3A_500] : memref<8192xi32, #tpu.memory_space<vmem>> -> memref<128xi32, #tpu.memory_space<vmem>>
      %dma_start3A_502 = arith.constant 0 : i32
      %dma_start3A_503 = arith.constant 0 : i32
      %dma_start3A_504 = tpu.memref_slice %arg5[%dma_start3A_502, %dma_start3A_503] : memref<8487296x8xf32, #tpu.memory_space<hbm>> -> memref<8487296x8xf32, #tpu.memory_space<hbm>>
      tpu.enqueue_indirect_dma source(%dma_start3A_504 : memref<8487296x8xf32, #tpu.memory_space<hbm>>) target(%dma_start3A_499 : memref<128x8xf32, #tpu.memory_space<vmem>>) offsets(%dma_start3A_501 : memref<128xi32, #tpu.memory_space<vmem>>) semaphore(%arg19 : memref<!tpu.dma_semaphore, #tpu.memory_space<semaphore_mem>>)
      %dma_start3A_505 = arith.constant 5760 : i32
      %dma_start3A_506 = arith.constant 0 : i32
      %dma_start3A_507 = tpu.memref_slice %arg16[%dma_start3A_505, %dma_start3A_506] : memref<8192x8xf32, #tpu.memory_space<vmem>> -> memref<128x8xf32, #tpu.memory_space<vmem>>
      %dma_start3A_508 = arith.constant 5760 : i32
      %dma_start3A_509 = tpu.memref_slice %arg15[%dma_start3A_508] : memref<8192xi32, #tpu.memory_space<vmem>> -> memref<128xi32, #tpu.memory_space<vmem>>
      %dma_start3A_510 = arith.constant 0 : i32
      %dma_start3A_511 = arith.constant 0 : i32
      %dma_start3A_512 = tpu.memref_slice %arg5[%dma_start3A_510, %dma_start3A_511] : memref<8487296x8xf32, #tpu.memory_space<hbm>> -> memref<8487296x8xf32, #tpu.memory_space<hbm>>
      tpu.enqueue_indirect_dma source(%dma_start3A_512 : memref<8487296x8xf32, #tpu.memory_space<hbm>>) target(%dma_start3A_507 : memref<128x8xf32, #tpu.memory_space<vmem>>) offsets(%dma_start3A_509 : memref<128xi32, #tpu.memory_space<vmem>>) semaphore(%arg19 : memref<!tpu.dma_semaphore, #tpu.memory_space<semaphore_mem>>)
      %dma_start3A_513 = arith.constant 6016 : i32
      %dma_start3A_514 = arith.constant 0 : i32
      %dma_start3A_515 = tpu.memref_slice %arg16[%dma_start3A_513, %dma_start3A_514] : memref<8192x8xf32, #tpu.memory_space<vmem>> -> memref<128x8xf32, #tpu.memory_space<vmem>>
      %dma_start3A_516 = arith.constant 6016 : i32
      %dma_start3A_517 = tpu.memref_slice %arg15[%dma_start3A_516] : memref<8192xi32, #tpu.memory_space<vmem>> -> memref<128xi32, #tpu.memory_space<vmem>>
      %dma_start3A_518 = arith.constant 0 : i32
      %dma_start3A_519 = arith.constant 0 : i32
      %dma_start3A_520 = tpu.memref_slice %arg5[%dma_start3A_518, %dma_start3A_519] : memref<8487296x8xf32, #tpu.memory_space<hbm>> -> memref<8487296x8xf32, #tpu.memory_space<hbm>>
      tpu.enqueue_indirect_dma source(%dma_start3A_520 : memref<8487296x8xf32, #tpu.memory_space<hbm>>) target(%dma_start3A_515 : memref<128x8xf32, #tpu.memory_space<vmem>>) offsets(%dma_start3A_517 : memref<128xi32, #tpu.memory_space<vmem>>) semaphore(%arg19 : memref<!tpu.dma_semaphore, #tpu.memory_space<semaphore_mem>>)
      %dma_start3A_521 = arith.constant 6272 : i32
      %dma_start3A_522 = arith.constant 0 : i32
      %dma_start3A_523 = tpu.memref_slice %arg16[%dma_start3A_521, %dma_start3A_522] : memref<8192x8xf32, #tpu.memory_space<vmem>> -> memref<128x8xf32, #tpu.memory_space<vmem>>
      %dma_start3A_524 = arith.constant 6272 : i32
      %dma_start3A_525 = tpu.memref_slice %arg15[%dma_start3A_524] : memref<8192xi32, #tpu.memory_space<vmem>> -> memref<128xi32, #tpu.memory_space<vmem>>
      %dma_start3A_526 = arith.constant 0 : i32
      %dma_start3A_527 = arith.constant 0 : i32
      %dma_start3A_528 = tpu.memref_slice %arg5[%dma_start3A_526, %dma_start3A_527] : memref<8487296x8xf32, #tpu.memory_space<hbm>> -> memref<8487296x8xf32, #tpu.memory_space<hbm>>
      tpu.enqueue_indirect_dma source(%dma_start3A_528 : memref<8487296x8xf32, #tpu.memory_space<hbm>>) target(%dma_start3A_523 : memref<128x8xf32, #tpu.memory_space<vmem>>) offsets(%dma_start3A_525 : memref<128xi32, #tpu.memory_space<vmem>>) semaphore(%arg19 : memref<!tpu.dma_semaphore, #tpu.memory_space<semaphore_mem>>)
      %dma_start3A_529 = arith.constant 6528 : i32
      %dma_start3A_530 = arith.constant 0 : i32
      %dma_start3A_531 = tpu.memref_slice %arg16[%dma_start3A_529, %dma_start3A_530] : memref<8192x8xf32, #tpu.memory_space<vmem>> -> memref<128x8xf32, #tpu.memory_space<vmem>>
      %dma_start3A_532 = arith.constant 6528 : i32
      %dma_start3A_533 = tpu.memref_slice %arg15[%dma_start3A_532] : memref<8192xi32, #tpu.memory_space<vmem>> -> memref<128xi32, #tpu.memory_space<vmem>>
      %dma_start3A_534 = arith.constant 0 : i32
      %dma_start3A_535 = arith.constant 0 : i32
      %dma_start3A_536 = tpu.memref_slice %arg5[%dma_start3A_534, %dma_start3A_535] : memref<8487296x8xf32, #tpu.memory_space<hbm>> -> memref<8487296x8xf32, #tpu.memory_space<hbm>>
      tpu.enqueue_indirect_dma source(%dma_start3A_536 : memref<8487296x8xf32, #tpu.memory_space<hbm>>) target(%dma_start3A_531 : memref<128x8xf32, #tpu.memory_space<vmem>>) offsets(%dma_start3A_533 : memref<128xi32, #tpu.memory_space<vmem>>) semaphore(%arg19 : memref<!tpu.dma_semaphore, #tpu.memory_space<semaphore_mem>>)
      %dma_start3A_537 = arith.constant 6784 : i32
      %dma_start3A_538 = arith.constant 0 : i32
      %dma_start3A_539 = tpu.memref_slice %arg16[%dma_start3A_537, %dma_start3A_538] : memref<8192x8xf32, #tpu.memory_space<vmem>> -> memref<128x8xf32, #tpu.memory_space<vmem>>
      %dma_start3A_540 = arith.constant 6784 : i32
      %dma_start3A_541 = tpu.memref_slice %arg15[%dma_start3A_540] : memref<8192xi32, #tpu.memory_space<vmem>> -> memref<128xi32, #tpu.memory_space<vmem>>
      %dma_start3A_542 = arith.constant 0 : i32
      %dma_start3A_543 = arith.constant 0 : i32
      %dma_start3A_544 = tpu.memref_slice %arg5[%dma_start3A_542, %dma_start3A_543] : memref<8487296x8xf32, #tpu.memory_space<hbm>> -> memref<8487296x8xf32, #tpu.memory_space<hbm>>
      tpu.enqueue_indirect_dma source(%dma_start3A_544 : memref<8487296x8xf32, #tpu.memory_space<hbm>>) target(%dma_start3A_539 : memref<128x8xf32, #tpu.memory_space<vmem>>) offsets(%dma_start3A_541 : memref<128xi32, #tpu.memory_space<vmem>>) semaphore(%arg19 : memref<!tpu.dma_semaphore, #tpu.memory_space<semaphore_mem>>)
      %dma_start3A_545 = arith.constant 7040 : i32
      %dma_start3A_546 = arith.constant 0 : i32
      %dma_start3A_547 = tpu.memref_slice %arg16[%dma_start3A_545, %dma_start3A_546] : memref<8192x8xf32, #tpu.memory_space<vmem>> -> memref<128x8xf32, #tpu.memory_space<vmem>>
      %dma_start3A_548 = arith.constant 7040 : i32
      %dma_start3A_549 = tpu.memref_slice %arg15[%dma_start3A_548] : memref<8192xi32, #tpu.memory_space<vmem>> -> memref<128xi32, #tpu.memory_space<vmem>>
      %dma_start3A_550 = arith.constant 0 : i32
      %dma_start3A_551 = arith.constant 0 : i32
      %dma_start3A_552 = tpu.memref_slice %arg5[%dma_start3A_550, %dma_start3A_551] : memref<8487296x8xf32, #tpu.memory_space<hbm>> -> memref<8487296x8xf32, #tpu.memory_space<hbm>>
      tpu.enqueue_indirect_dma source(%dma_start3A_552 : memref<8487296x8xf32, #tpu.memory_space<hbm>>) target(%dma_start3A_547 : memref<128x8xf32, #tpu.memory_space<vmem>>) offsets(%dma_start3A_549 : memref<128xi32, #tpu.memory_space<vmem>>) semaphore(%arg19 : memref<!tpu.dma_semaphore, #tpu.memory_space<semaphore_mem>>)
      %dma_start3A_553 = arith.constant 7296 : i32
      %dma_start3A_554 = arith.constant 0 : i32
      %dma_start3A_555 = tpu.memref_slice %arg16[%dma_start3A_553, %dma_start3A_554] : memref<8192x8xf32, #tpu.memory_space<vmem>> -> memref<128x8xf32, #tpu.memory_space<vmem>>
      %dma_start3A_556 = arith.constant 7296 : i32
      %dma_start3A_557 = tpu.memref_slice %arg15[%dma_start3A_556] : memref<8192xi32, #tpu.memory_space<vmem>> -> memref<128xi32, #tpu.memory_space<vmem>>
      %dma_start3A_558 = arith.constant 0 : i32
      %dma_start3A_559 = arith.constant 0 : i32
      %dma_start3A_560 = tpu.memref_slice %arg5[%dma_start3A_558, %dma_start3A_559] : memref<8487296x8xf32, #tpu.memory_space<hbm>> -> memref<8487296x8xf32, #tpu.memory_space<hbm>>
      tpu.enqueue_indirect_dma source(%dma_start3A_560 : memref<8487296x8xf32, #tpu.memory_space<hbm>>) target(%dma_start3A_555 : memref<128x8xf32, #tpu.memory_space<vmem>>) offsets(%dma_start3A_557 : memref<128xi32, #tpu.memory_space<vmem>>) semaphore(%arg19 : memref<!tpu.dma_semaphore, #tpu.memory_space<semaphore_mem>>)
      %dma_start3A_561 = arith.constant 7552 : i32
      %dma_start3A_562 = arith.constant 0 : i32
      %dma_start3A_563 = tpu.memref_slice %arg16[%dma_start3A_561, %dma_start3A_562] : memref<8192x8xf32, #tpu.memory_space<vmem>> -> memref<128x8xf32, #tpu.memory_space<vmem>>
      %dma_start3A_564 = arith.constant 7552 : i32
      %dma_start3A_565 = tpu.memref_slice %arg15[%dma_start3A_564] : memref<8192xi32, #tpu.memory_space<vmem>> -> memref<128xi32, #tpu.memory_space<vmem>>
      %dma_start3A_566 = arith.constant 0 : i32
      %dma_start3A_567 = arith.constant 0 : i32
      %dma_start3A_568 = tpu.memref_slice %arg5[%dma_start3A_566, %dma_start3A_567] : memref<8487296x8xf32, #tpu.memory_space<hbm>> -> memref<8487296x8xf32, #tpu.memory_space<hbm>>
      tpu.enqueue_indirect_dma source(%dma_start3A_568 : memref<8487296x8xf32, #tpu.memory_space<hbm>>) target(%dma_start3A_563 : memref<128x8xf32, #tpu.memory_space<vmem>>) offsets(%dma_start3A_565 : memref<128xi32, #tpu.memory_space<vmem>>) semaphore(%arg19 : memref<!tpu.dma_semaphore, #tpu.memory_space<semaphore_mem>>)
      %dma_start3A_569 = arith.constant 7808 : i32
      %dma_start3A_570 = arith.constant 0 : i32
      %dma_start3A_571 = tpu.memref_slice %arg16[%dma_start3A_569, %dma_start3A_570] : memref<8192x8xf32, #tpu.memory_space<vmem>> -> memref<128x8xf32, #tpu.memory_space<vmem>>
      %dma_start3A_572 = arith.constant 7808 : i32
      %dma_start3A_573 = tpu.memref_slice %arg15[%dma_start3A_572] : memref<8192xi32, #tpu.memory_space<vmem>> -> memref<128xi32, #tpu.memory_space<vmem>>
      %dma_start3A_574 = arith.constant 0 : i32
      %dma_start3A_575 = arith.constant 0 : i32
      %dma_start3A_576 = tpu.memref_slice %arg5[%dma_start3A_574, %dma_start3A_575] : memref<8487296x8xf32, #tpu.memory_space<hbm>> -> memref<8487296x8xf32, #tpu.memory_space<hbm>>
      tpu.enqueue_indirect_dma source(%dma_start3A_576 : memref<8487296x8xf32, #tpu.memory_space<hbm>>) target(%dma_start3A_571 : memref<128x8xf32, #tpu.memory_space<vmem>>) offsets(%dma_start3A_573 : memref<128xi32, #tpu.memory_space<vmem>>) semaphore(%arg19 : memref<!tpu.dma_semaphore, #tpu.memory_space<semaphore_mem>>)
      %dma_start3A_577 = arith.constant 8064 : i32
      %dma_start3A_578 = arith.constant 0 : i32
      %dma_start3A_579 = tpu.memref_slice %arg16[%dma_start3A_577, %dma_start3A_578] : memref<8192x8xf32, #tpu.memory_space<vmem>> -> memref<128x8xf32, #tpu.memory_space<vmem>>
      %dma_start3A_580 = arith.constant 8064 : i32
      %dma_start3A_581 = tpu.memref_slice %arg15[%dma_start3A_580] : memref<8192xi32, #tpu.memory_space<vmem>> -> memref<128xi32, #tpu.memory_space<vmem>>
      %dma_start3A_582 = arith.constant 0 : i32
      %dma_start3A_583 = arith.constant 0 : i32
      %dma_start3A_584 = tpu.memref_slice %arg5[%dma_start3A_582, %dma_start3A_583] : memref<8487296x8xf32, #tpu.memory_space<hbm>> -> memref<8487296x8xf32, #tpu.memory_space<hbm>>
      tpu.enqueue_indirect_dma source(%dma_start3A_584 : memref<8487296x8xf32, #tpu.memory_space<hbm>>) target(%dma_start3A_579 : memref<128x8xf32, #tpu.memory_space<vmem>>) offsets(%dma_start3A_581 : memref<128xi32, #tpu.memory_space<vmem>>) semaphore(%arg19 : memref<!tpu.dma_semaphore, #tpu.memory_space<semaphore_mem>>)
      %scan3A_585 = arith.constant 0 : i32
      %scan3A_586 = arith.constant 0 : i32
      %scan3A_587 = arith.constant 64 : i32
      %scan3A_588 = arith.addi %scan3A_586, %scan3A_587 : i32
      %scan3A_589 = arith.constant 1 : i32
      %scan3A_590 = scf.for %scan3A_602 = %scan3A_586 to %scan3A_588 step %scan3A_589 iter_args(%scan3A_603 = %scan3A_585) -> (i32)  : i32 {
        %dma_wait3A = arith.constant 0 : i32
        %dma_wait3A_604 = arith.constant 0 : i32
        %dma_wait3A_605 = tpu.memref_slice %arg16[%dma_wait3A, %dma_wait3A_604] : memref<8192x8xf32, #tpu.memory_space<vmem>> -> memref<128x8xf32, #tpu.memory_space<vmem>>
        %dma_wait3A_606 = arith.constant 0 : i32
        %dma_wait3A_607 = tpu.memref_slice %arg15[%dma_wait3A_606] : memref<8192xi32, #tpu.memory_space<vmem>> -> memref<128xi32, #tpu.memory_space<vmem>>
        %dma_wait3A_608 = arith.constant 0 : i32
        %dma_wait3A_609 = arith.constant 0 : i32
        %dma_wait3A_610 = tpu.memref_slice %arg5[%dma_wait3A_608, %dma_wait3A_609] : memref<8487296x8xf32, #tpu.memory_space<hbm>> -> memref<8487296x8xf32, #tpu.memory_space<hbm>>
        tpu.wait_indirect_dma semaphore(%arg19 : memref<!tpu.dma_semaphore, #tpu.memory_space<semaphore_mem>>) src(%dma_wait3A_610 : memref<8487296x8xf32, #tpu.memory_space<hbm>>) dst(%dma_wait3A_605 : memref<128x8xf32, #tpu.memory_space<vmem>>)
        %scan3A_611 = arith.constant 0 : i32
        scf.yield %scan3A_611 : i32
      }
      %scan3A_591 = arith.constant 64 : i32
      %scan3A_592 = arith.constant 0 : i32
      %scan3A_593 = arith.constant 0 : i32
      %scan3A_594 = arith.constant 64 : i32
      %scan3A_595 = arith.addi %scan3A_593, %scan3A_594 : i32
      %scan3A_596 = arith.constant 2 : i32
      %scan3A_597 = scf.for %scan3A_602 = %scan3A_593 to %scan3A_595 step %scan3A_596 iter_args(%scan3A_603 = %scan3A_592) -> (i32)  : i32 {
        %mul3A_604 = arith.constant 4 : i32
        %mul3A_605 = arith.muli %scan3A_602, %mul3A_604 : i32
        %broadcast_in_dim3A = vector.broadcast %mul3A_605 : i32 to vector<16xi32>
        %add3A_606 = arith.addi %broadcast_in_dim3A, %select_n3A : vector<16xi32>
        %gather3A = tpu.vector_load_idx %arg11[%add3A_606] : memref<256xf32, #tpu.memory_space<vmem>>[vector<16xi32>], vector<16xf32>,
        %gather3A_607 = tpu.vector_load_idx %arg12[%add3A_606] : memref<256xf32, #tpu.memory_space<vmem>>[vector<16xi32>], vector<16xf32>,
        %gather3A_608 = tpu.vector_load_idx %arg13[%add3A_606] : memref<256xf32, #tpu.memory_space<vmem>>[vector<16xi32>], vector<16xf32>,
        %sub3A_609 = arith.constant 1.000000e+00 : f32
        %sub3A_610 = vector.broadcast %sub3A_609 : f32 to vector<16xf32>
        %sub3A_611 = arith.subf %sub3A_610, %gather3A : vector<16xf32>
        %sub3A_612 = arith.constant 1.000000e+00 : f32
        %sub3A_613 = vector.broadcast %sub3A_612 : f32 to vector<16xf32>
        %sub3A_614 = arith.subf %sub3A_613, %gather3A_607 : vector<16xf32>
        %sub3A_615 = arith.constant 1.000000e+00 : f32
        %sub3A_616 = vector.broadcast %sub3A_615 : f32 to vector<16xf32>
        %sub3A_617 = arith.subf %sub3A_616, %gather3A_608 : vector<16xf32>
        %mul3A_618 = arith.mulf %sub3A_611, %sub3A_614 : vector<16xf32>
        %mul3A_619 = arith.mulf %sub3A_611, %gather3A_607 : vector<16xf32>
        %mul3A_620 = arith.mulf %gather3A, %sub3A_614 : vector<16xf32>
        %mul3A_621 = arith.mulf %gather3A, %gather3A_607 : vector<16xf32>
        %add3A_622 = arith.constant 0 : i32
        %add3A_623 = vector.broadcast %add3A_622 : i32 to vector<16xi32>
        %add3A_624 = arith.addi %add3A_606, %add3A_623 : vector<16xi32>
        %gather3A_625 = tpu.vector_load_idx %arg14[%add3A_624] : memref<1024xi32, #tpu.memory_space<vmem>>[vector<16xi32>], vector<16xi32>,
        %add3A_626 = arith.constant 0 : i32
        %add3A_627 = vector.broadcast %add3A_626 : i32 to vector<16xi32>
        %add3A_628 = arith.addi %select_n3A_45, %add3A_627 : vector<16xi32>
        %add3A_629 = arith.addi %gather3A_625, %add3A_628 : vector<16xi32>
        %and3A_630 = arith.constant 7 : i32
        %and3A_631 = vector.broadcast %and3A_630 : i32 to vector<16xi32>
        %and3A_632 = arith.andi %add3A_629, %and3A_631 : vector<16xi32>
        %add3A_633 = arith.constant 0 : i32
        %add3A_634 = vector.broadcast %add3A_633 : i32 to vector<16xi32>
        %add3A_635 = arith.addi %add3A_606, %add3A_634 : vector<16xi32>
        %add3A_636 = arith.addi %add3A_635, %mul3A_48 : vector<16xi32>
        %gather3A_637 = tpu.vector_load_idx %arg16[%add3A_636, %and3A_632] : memref<8192x8xf32, #tpu.memory_space<vmem>>[vector<16xi32>, vector<16xi32>], vector<16xf32>,
        %mul3A_638 = arith.mulf %mul3A_618, %sub3A_617 : vector<16xf32>
        %mul3A_639 = arith.mulf %mul3A_638, %gather3A_637 : vector<16xf32>
        %add3A_640 = arith.constant 1 : i32
        %add3A_641 = vector.broadcast %add3A_640 : i32 to vector<16xi32>
        %add3A_642 = arith.addi %select_n3A_45, %add3A_641 : vector<16xi32>
        %add3A_643 = arith.addi %gather3A_625, %add3A_642 : vector<16xi32>
        %and3A_644 = arith.constant 7 : i32
        %and3A_645 = vector.broadcast %and3A_644 : i32 to vector<16xi32>
        %and3A_646 = arith.andi %add3A_643, %and3A_645 : vector<16xi32>
        %add3A_647 = arith.constant 1024 : i32
        %add3A_648 = vector.broadcast %add3A_647 : i32 to vector<16xi32>
        %add3A_649 = arith.addi %add3A_606, %add3A_648 : vector<16xi32>
        %add3A_650 = arith.addi %add3A_649, %mul3A_48 : vector<16xi32>
        %gather3A_651 = tpu.vector_load_idx %arg16[%add3A_650, %and3A_646] : memref<8192x8xf32, #tpu.memory_space<vmem>>[vector<16xi32>, vector<16xi32>], vector<16xf32>,
        %mul3A_652 = arith.mulf %mul3A_618, %gather3A_608 : vector<16xf32>
        %mul3A_653 = arith.mulf %mul3A_652, %gather3A_651 : vector<16xf32>
        %add3A_654 = arith.addf %mul3A_639, %mul3A_653 : vector<16xf32>
        %add3A_655 = arith.constant 256 : i32
        %add3A_656 = vector.broadcast %add3A_655 : i32 to vector<16xi32>
        %add3A_657 = arith.addi %add3A_606, %add3A_656 : vector<16xi32>
        %gather3A_658 = tpu.vector_load_idx %arg14[%add3A_657] : memref<1024xi32, #tpu.memory_space<vmem>>[vector<16xi32>], vector<16xi32>,
        %add3A_659 = arith.constant 0 : i32
        %add3A_660 = vector.broadcast %add3A_659 : i32 to vector<16xi32>
        %add3A_661 = arith.addi %select_n3A_45, %add3A_660 : vector<16xi32>
        %add3A_662 = arith.addi %gather3A_658, %add3A_661 : vector<16xi32>
        %and3A_663 = arith.constant 7 : i32
        %and3A_664 = vector.broadcast %and3A_663 : i32 to vector<16xi32>
        %and3A_665 = arith.andi %add3A_662, %and3A_664 : vector<16xi32>
        %add3A_666 = arith.constant 2048 : i32
        %add3A_667 = vector.broadcast %add3A_666 : i32 to vector<16xi32>
        %add3A_668 = arith.addi %add3A_606, %add3A_667 : vector<16xi32>
        %add3A_669 = arith.addi %add3A_668, %mul3A_48 : vector<16xi32>
        %gather3A_670 = tpu.vector_load_idx %arg16[%add3A_669, %and3A_665] : memref<8192x8xf32, #tpu.memory_space<vmem>>[vector<16xi32>, vector<16xi32>], vector<16xf32>,
        %mul3A_671 = arith.mulf %mul3A_619, %sub3A_617 : vector<16xf32>
        %mul3A_672 = arith.mulf %mul3A_671, %gather3A_670 : vector<16xf32>
        %add3A_673 = arith.addf %add3A_654, %mul3A_672 : vector<16xf32>
        %add3A_674 = arith.constant 1 : i32
        %add3A_675 = vector.broadcast %add3A_674 : i32 to vector<16xi32>
        %add3A_676 = arith.addi %select_n3A_45, %add3A_675 : vector<16xi32>
        %add3A_677 = arith.addi %gather3A_658, %add3A_676 : vector<16xi32>
        %and3A_678 = arith.constant 7 : i32
        %and3A_679 = vector.broadcast %and3A_678 : i32 to vector<16xi32>
        %and3A_680 = arith.andi %add3A_677, %and3A_679 : vector<16xi32>
        %add3A_681 = arith.constant 3072 : i32
        %add3A_682 = vector.broadcast %add3A_681 : i32 to vector<16xi32>
        %add3A_683 = arith.addi %add3A_606, %add3A_682 : vector<16xi32>
        %add3A_684 = arith.addi %add3A_683, %mul3A_48 : vector<16xi32>
        %gather3A_685 = tpu.vector_load_idx %arg16[%add3A_684, %and3A_680] : memref<8192x8xf32, #tpu.memory_space<vmem>>[vector<16xi32>, vector<16xi32>], vector<16xf32>,
        %mul3A_686 = arith.mulf %mul3A_619, %gather3A_608 : vector<16xf32>
        %mul3A_687 = arith.mulf %mul3A_686, %gather3A_685 : vector<16xf32>
        %add3A_688 = arith.addf %add3A_673, %mul3A_687 : vector<16xf32>
        %add3A_689 = arith.constant 512 : i32
        %add3A_690 = vector.broadcast %add3A_689 : i32 to vector<16xi32>
        %add3A_691 = arith.addi %add3A_606, %add3A_690 : vector<16xi32>
        %gather3A_692 = tpu.vector_load_idx %arg14[%add3A_691] : memref<1024xi32, #tpu.memory_space<vmem>>[vector<16xi32>], vector<16xi32>,
        %add3A_693 = arith.constant 0 : i32
        %add3A_694 = vector.broadcast %add3A_693 : i32 to vector<16xi32>
        %add3A_695 = arith.addi %select_n3A_45, %add3A_694 : vector<16xi32>
        %add3A_696 = arith.addi %gather3A_692, %add3A_695 : vector<16xi32>
        %and3A_697 = arith.constant 7 : i32
        %and3A_698 = vector.broadcast %and3A_697 : i32 to vector<16xi32>
        %and3A_699 = arith.andi %add3A_696, %and3A_698 : vector<16xi32>
        %add3A_700 = arith.constant 4096 : i32
        %add3A_701 = vector.broadcast %add3A_700 : i32 to vector<16xi32>
        %add3A_702 = arith.addi %add3A_606, %add3A_701 : vector<16xi32>
        %add3A_703 = arith.addi %add3A_702, %mul3A_48 : vector<16xi32>
        %gather3A_704 = tpu.vector_load_idx %arg16[%add3A_703, %and3A_699] : memref<8192x8xf32, #tpu.memory_space<vmem>>[vector<16xi32>, vector<16xi32>], vector<16xf32>,
        %mul3A_705 = arith.mulf %mul3A_620, %sub3A_617 : vector<16xf32>
        %mul3A_706 = arith.mulf %mul3A_705, %gather3A_704 : vector<16xf32>
        %add3A_707 = arith.addf %add3A_688, %mul3A_706 : vector<16xf32>
        %add3A_708 = arith.constant 1 : i32
        %add3A_709 = vector.broadcast %add3A_708 : i32 to vector<16xi32>
        %add3A_710 = arith.addi %select_n3A_45, %add3A_709 : vector<16xi32>
        %add3A_711 = arith.addi %gather3A_692, %add3A_710 : vector<16xi32>
        %and3A_712 = arith.constant 7 : i32
        %and3A_713 = vector.broadcast %and3A_712 : i32 to vector<16xi32>
        %and3A_714 = arith.andi %add3A_711, %and3A_713 : vector<16xi32>
        %add3A_715 = arith.constant 5120 : i32
        %add3A_716 = vector.broadcast %add3A_715 : i32 to vector<16xi32>
        %add3A_717 = arith.addi %add3A_606, %add3A_716 : vector<16xi32>
        %add3A_718 = arith.addi %add3A_717, %mul3A_48 : vector<16xi32>
        %gather3A_719 = tpu.vector_load_idx %arg16[%add3A_718, %and3A_714] : memref<8192x8xf32, #tpu.memory_space<vmem>>[vector<16xi32>, vector<16xi32>], vector<16xf32>,
        %mul3A_720 = arith.mulf %mul3A_620, %gather3A_608 : vector<16xf32>
        %mul3A_721 = arith.mulf %mul3A_720, %gather3A_719 : vector<16xf32>
        %add3A_722 = arith.addf %add3A_707, %mul3A_721 : vector<16xf32>
        %add3A_723 = arith.constant 768 : i32
        %add3A_724 = vector.broadcast %add3A_723 : i32 to vector<16xi32>
        %add3A_725 = arith.addi %add3A_606, %add3A_724 : vector<16xi32>
        %gather3A_726 = tpu.vector_load_idx %arg14[%add3A_725] : memref<1024xi32, #tpu.memory_space<vmem>>[vector<16xi32>], vector<16xi32>,
        %add3A_727 = arith.constant 0 : i32
        %add3A_728 = vector.broadcast %add3A_727 : i32 to vector<16xi32>
        %add3A_729 = arith.addi %select_n3A_45, %add3A_728 : vector<16xi32>
        %add3A_730 = arith.addi %gather3A_726, %add3A_729 : vector<16xi32>
        %and3A_731 = arith.constant 7 : i32
        %and3A_732 = vector.broadcast %and3A_731 : i32 to vector<16xi32>
        %and3A_733 = arith.andi %add3A_730, %and3A_732 : vector<16xi32>
        %add3A_734 = arith.constant 6144 : i32
        %add3A_735 = vector.broadcast %add3A_734 : i32 to vector<16xi32>
        %add3A_736 = arith.addi %add3A_606, %add3A_735 : vector<16xi32>
        %add3A_737 = arith.addi %add3A_736, %mul3A_48 : vector<16xi32>
        %gather3A_738 = tpu.vector_load_idx %arg16[%add3A_737, %and3A_733] : memref<8192x8xf32, #tpu.memory_space<vmem>>[vector<16xi32>, vector<16xi32>], vector<16xf32>,
        %mul3A_739 = arith.constant 256 : i32
        %mul3A_740 = vector.broadcast %mul3A_739 : i32 to vector<16xi32>
        %mul3A_741 = arith.muli %select_n3A_45, %mul3A_740 : vector<16xi32>
        %add3A_742 = arith.addi %add3A_730, %mul3A_741 : vector<16xi32>
        %add3A_743 = arith.constant 4 : i32
        %add3A_744 = vector.broadcast %add3A_743 : i32 to vector<16xi32>
        %add3A_745 = arith.addi %and3A_733, %add3A_744 : vector<16xi32>
        %gather3A_746 = tpu.vector_load_idx %arg17[%add3A_745] : memref<16xf32, #tpu.memory_space<vmem>>[vector<16xi32>], vector<16xf32>,
        %ge3A = arith.constant 67898368 : i32
        %ge3A_747 = vector.broadcast %ge3A : i32 to vector<16xi32>
        %ge3A_748 = arith.cmpi sge, %add3A_742, %ge3A_747 : vector<16xi32>
        %select_n3A_749 = arith.select %ge3A_748, %gather3A_746, %gather3A_738 : vector<16xi1>, vector<16xf32>
        %mul3A_750 = arith.mulf %mul3A_621, %sub3A_617 : vector<16xf32>
        %mul3A_751 = arith.mulf %mul3A_750, %select_n3A_749 : vector<16xf32>
        %add3A_752 = arith.addf %add3A_722, %mul3A_751 : vector<16xf32>
        %add3A_753 = arith.constant 1 : i32
        %add3A_754 = vector.broadcast %add3A_753 : i32 to vector<16xi32>
        %add3A_755 = arith.addi %select_n3A_45, %add3A_754 : vector<16xi32>
        %add3A_756 = arith.addi %gather3A_726, %add3A_755 : vector<16xi32>
        %and3A_757 = arith.constant 7 : i32
        %and3A_758 = vector.broadcast %and3A_757 : i32 to vector<16xi32>
        %and3A_759 = arith.andi %add3A_756, %and3A_758 : vector<16xi32>
        %add3A_760 = arith.constant 7168 : i32
        %add3A_761 = vector.broadcast %add3A_760 : i32 to vector<16xi32>
        %add3A_762 = arith.addi %add3A_606, %add3A_761 : vector<16xi32>
        %add3A_763 = arith.addi %add3A_762, %mul3A_48 : vector<16xi32>
        %gather3A_764 = tpu.vector_load_idx %arg16[%add3A_763, %and3A_759] : memref<8192x8xf32, #tpu.memory_space<vmem>>[vector<16xi32>, vector<16xi32>], vector<16xf32>,
        %mul3A_765 = arith.constant 256 : i32
        %mul3A_766 = vector.broadcast %mul3A_765 : i32 to vector<16xi32>
        %mul3A_767 = arith.muli %select_n3A_45, %mul3A_766 : vector<16xi32>
        %add3A_768 = arith.addi %add3A_756, %mul3A_767 : vector<16xi32>
        %add3A_769 = arith.constant 4 : i32
        %add3A_770 = vector.broadcast %add3A_769 : i32 to vector<16xi32>
        %add3A_771 = arith.addi %and3A_759, %add3A_770 : vector<16xi32>
        %gather3A_772 = tpu.vector_load_idx %arg17[%add3A_771] : memref<16xf32, #tpu.memory_space<vmem>>[vector<16xi32>], vector<16xf32>,
        %ge3A_773 = arith.constant 67898368 : i32
        %ge3A_774 = vector.broadcast %ge3A_773 : i32 to vector<16xi32>
        %ge3A_775 = arith.cmpi sge, %add3A_768, %ge3A_774 : vector<16xi32>
        %select_n3A_776 = arith.select %ge3A_775, %gather3A_772, %gather3A_764 : vector<16xi1>, vector<16xf32>
        %mul3A_777 = arith.mulf %mul3A_621, %gather3A_608 : vector<16xf32>
        %mul3A_778 = arith.mulf %mul3A_777, %select_n3A_776 : vector<16xf32>
        %add3A_779 = arith.addf %add3A_752, %mul3A_778 : vector<16xf32>
        %mul3A_780 = arith.constant 16 : i32
        %mul3A_781 = arith.muli %scan3A_602, %mul3A_780 : i32
        %swap3A = arith.index_cast %mul3A_781 : i32 to index
        %swap3A_782 = tpu.vector_load %arg18[%swap3A] {strides = array<i32>} : memref<1024xf32, #tpu.memory_space<vmem>>, vector<16xf32>,
        tpu.vector_store %arg18[%swap3A], %add3A_779 {strides = array<i32>} : memref<1024xf32, #tpu.memory_space<vmem>>, vector<16xf32>,
        %scan3A_783 = arith.constant 0 : i32
        %scan3A_784 = arith.constant 1 : i32
        %scan3A_785 = arith.addi %scan3A_602, %scan3A_784 : i32
        %mul3A_786 = arith.constant 4 : i32
        %mul3A_787 = arith.muli %scan3A_785, %mul3A_786 : i32
        %broadcast_in_dim3A_788 = vector.broadcast %mul3A_787 : i32 to vector<16xi32>
        %add3A_789 = arith.addi %broadcast_in_dim3A_788, %select_n3A : vector<16xi32>
        %gather3A_790 = tpu.vector_load_idx %arg11[%add3A_789] : memref<256xf32, #tpu.memory_space<vmem>>[vector<16xi32>], vector<16xf32>,
        %gather3A_791 = tpu.vector_load_idx %arg12[%add3A_789] : memref<256xf32, #tpu.memory_space<vmem>>[vector<16xi32>], vector<16xf32>,
        %gather3A_792 = tpu.vector_load_idx %arg13[%add3A_789] : memref<256xf32, #tpu.memory_space<vmem>>[vector<16xi32>], vector<16xf32>,
        %sub3A_793 = arith.constant 1.000000e+00 : f32
        %sub3A_794 = vector.broadcast %sub3A_793 : f32 to vector<16xf32>
        %sub3A_795 = arith.subf %sub3A_794, %gather3A_790 : vector<16xf32>
        %sub3A_796 = arith.constant 1.000000e+00 : f32
        %sub3A_797 = vector.broadcast %sub3A_796 : f32 to vector<16xf32>
        %sub3A_798 = arith.subf %sub3A_797, %gather3A_791 : vector<16xf32>
        %sub3A_799 = arith.constant 1.000000e+00 : f32
        %sub3A_800 = vector.broadcast %sub3A_799 : f32 to vector<16xf32>
        %sub3A_801 = arith.subf %sub3A_800, %gather3A_792 : vector<16xf32>
        %mul3A_802 = arith.mulf %sub3A_795, %sub3A_798 : vector<16xf32>
        %mul3A_803 = arith.mulf %sub3A_795, %gather3A_791 : vector<16xf32>
        %mul3A_804 = arith.mulf %gather3A_790, %sub3A_798 : vector<16xf32>
        %mul3A_805 = arith.mulf %gather3A_790, %gather3A_791 : vector<16xf32>
        %add3A_806 = arith.constant 0 : i32
        %add3A_807 = vector.broadcast %add3A_806 : i32 to vector<16xi32>
        %add3A_808 = arith.addi %add3A_789, %add3A_807 : vector<16xi32>
        %gather3A_809 = tpu.vector_load_idx %arg14[%add3A_808] : memref<1024xi32, #tpu.memory_space<vmem>>[vector<16xi32>], vector<16xi32>,
        %add3A_810 = arith.constant 0 : i32
        %add3A_811 = vector.broadcast %add3A_810 : i32 to vector<16xi32>
        %add3A_812 = arith.addi %select_n3A_45, %add3A_811 : vector<16xi32>
        %add3A_813 = arith.addi %gather3A_809, %add3A_812 : vector<16xi32>
        %and3A_814 = arith.constant 7 : i32
        %and3A_815 = vector.broadcast %and3A_814 : i32 to vector<16xi32>
        %and3A_816 = arith.andi %add3A_813, %and3A_815 : vector<16xi32>
        %add3A_817 = arith.constant 0 : i32
        %add3A_818 = vector.broadcast %add3A_817 : i32 to vector<16xi32>
        %add3A_819 = arith.addi %add3A_789, %add3A_818 : vector<16xi32>
        %add3A_820 = arith.addi %add3A_819, %mul3A_48 : vector<16xi32>
        %gather3A_821 = tpu.vector_load_idx %arg16[%add3A_820, %and3A_816] : memref<8192x8xf32, #tpu.memory_space<vmem>>[vector<16xi32>, vector<16xi32>], vector<16xf32>,
        %mul3A_822 = arith.mulf %mul3A_802, %sub3A_801 : vector<16xf32>
        %mul3A_823 = arith.mulf %mul3A_822, %gather3A_821 : vector<16xf32>
        %add3A_824 = arith.constant 1 : i32
        %add3A_825 = vector.broadcast %add3A_824 : i32 to vector<16xi32>
        %add3A_826 = arith.addi %select_n3A_45, %add3A_825 : vector<16xi32>
        %add3A_827 = arith.addi %gather3A_809, %add3A_826 : vector<16xi32>
        %and3A_828 = arith.constant 7 : i32
        %and3A_829 = vector.broadcast %and3A_828 : i32 to vector<16xi32>
        %and3A_830 = arith.andi %add3A_827, %and3A_829 : vector<16xi32>
        %add3A_831 = arith.constant 1024 : i32
        %add3A_832 = vector.broadcast %add3A_831 : i32 to vector<16xi32>
        %add3A_833 = arith.addi %add3A_789, %add3A_832 : vector<16xi32>
        %add3A_834 = arith.addi %add3A_833, %mul3A_48 : vector<16xi32>
        %gather3A_835 = tpu.vector_load_idx %arg16[%add3A_834, %and3A_830] : memref<8192x8xf32, #tpu.memory_space<vmem>>[vector<16xi32>, vector<16xi32>], vector<16xf32>,
        %mul3A_836 = arith.mulf %mul3A_802, %gather3A_792 : vector<16xf32>
        %mul3A_837 = arith.mulf %mul3A_836, %gather3A_835 : vector<16xf32>
        %add3A_838 = arith.addf %mul3A_823, %mul3A_837 : vector<16xf32>
        %add3A_839 = arith.constant 256 : i32
        %add3A_840 = vector.broadcast %add3A_839 : i32 to vector<16xi32>
        %add3A_841 = arith.addi %add3A_789, %add3A_840 : vector<16xi32>
        %gather3A_842 = tpu.vector_load_idx %arg14[%add3A_841] : memref<1024xi32, #tpu.memory_space<vmem>>[vector<16xi32>], vector<16xi32>,
        %add3A_843 = arith.constant 0 : i32
        %add3A_844 = vector.broadcast %add3A_843 : i32 to vector<16xi32>
        %add3A_845 = arith.addi %select_n3A_45, %add3A_844 : vector<16xi32>
        %add3A_846 = arith.addi %gather3A_842, %add3A_845 : vector<16xi32>
        %and3A_847 = arith.constant 7 : i32
        %and3A_848 = vector.broadcast %and3A_847 : i32 to vector<16xi32>
        %and3A_849 = arith.andi %add3A_846, %and3A_848 : vector<16xi32>
        %add3A_850 = arith.constant 2048 : i32
        %add3A_851 = vector.broadcast %add3A_850 : i32 to vector<16xi32>
        %add3A_852 = arith.addi %add3A_789, %add3A_851 : vector<16xi32>
        %add3A_853 = arith.addi %add3A_852, %mul3A_48 : vector<16xi32>
        %gather3A_854 = tpu.vector_load_idx %arg16[%add3A_853, %and3A_849] : memref<8192x8xf32, #tpu.memory_space<vmem>>[vector<16xi32>, vector<16xi32>], vector<16xf32>,
        %mul3A_855 = arith.mulf %mul3A_803, %sub3A_801 : vector<16xf32>
        %mul3A_856 = arith.mulf %mul3A_855, %gather3A_854 : vector<16xf32>
        %add3A_857 = arith.addf %add3A_838, %mul3A_856 : vector<16xf32>
        %add3A_858 = arith.constant 1 : i32
        %add3A_859 = vector.broadcast %add3A_858 : i32 to vector<16xi32>
        %add3A_860 = arith.addi %select_n3A_45, %add3A_859 : vector<16xi32>
        %add3A_861 = arith.addi %gather3A_842, %add3A_860 : vector<16xi32>
        %and3A_862 = arith.constant 7 : i32
        %and3A_863 = vector.broadcast %and3A_862 : i32 to vector<16xi32>
        %and3A_864 = arith.andi %add3A_861, %and3A_863 : vector<16xi32>
        %add3A_865 = arith.constant 3072 : i32
        %add3A_866 = vector.broadcast %add3A_865 : i32 to vector<16xi32>
        %add3A_867 = arith.addi %add3A_789, %add3A_866 : vector<16xi32>
        %add3A_868 = arith.addi %add3A_867, %mul3A_48 : vector<16xi32>
        %gather3A_869 = tpu.vector_load_idx %arg16[%add3A_868, %and3A_864] : memref<8192x8xf32, #tpu.memory_space<vmem>>[vector<16xi32>, vector<16xi32>], vector<16xf32>,
        %mul3A_870 = arith.mulf %mul3A_803, %gather3A_792 : vector<16xf32>
        %mul3A_871 = arith.mulf %mul3A_870, %gather3A_869 : vector<16xf32>
        %add3A_872 = arith.addf %add3A_857, %mul3A_871 : vector<16xf32>
        %add3A_873 = arith.constant 512 : i32
        %add3A_874 = vector.broadcast %add3A_873 : i32 to vector<16xi32>
        %add3A_875 = arith.addi %add3A_789, %add3A_874 : vector<16xi32>
        %gather3A_876 = tpu.vector_load_idx %arg14[%add3A_875] : memref<1024xi32, #tpu.memory_space<vmem>>[vector<16xi32>], vector<16xi32>,
        %add3A_877 = arith.constant 0 : i32
        %add3A_878 = vector.broadcast %add3A_877 : i32 to vector<16xi32>
        %add3A_879 = arith.addi %select_n3A_45, %add3A_878 : vector<16xi32>
        %add3A_880 = arith.addi %gather3A_876, %add3A_879 : vector<16xi32>
        %and3A_881 = arith.constant 7 : i32
        %and3A_882 = vector.broadcast %and3A_881 : i32 to vector<16xi32>
        %and3A_883 = arith.andi %add3A_880, %and3A_882 : vector<16xi32>
        %add3A_884 = arith.constant 4096 : i32
        %add3A_885 = vector.broadcast %add3A_884 : i32 to vector<16xi32>
        %add3A_886 = arith.addi %add3A_789, %add3A_885 : vector<16xi32>
        %add3A_887 = arith.addi %add3A_886, %mul3A_48 : vector<16xi32>
        %gather3A_888 = tpu.vector_load_idx %arg16[%add3A_887, %and3A_883] : memref<8192x8xf32, #tpu.memory_space<vmem>>[vector<16xi32>, vector<16xi32>], vector<16xf32>,
        %mul3A_889 = arith.mulf %mul3A_804, %sub3A_801 : vector<16xf32>
        %mul3A_890 = arith.mulf %mul3A_889, %gather3A_888 : vector<16xf32>
        %add3A_891 = arith.addf %add3A_872, %mul3A_890 : vector<16xf32>
        %add3A_892 = arith.constant 1 : i32
        %add3A_893 = vector.broadcast %add3A_892 : i32 to vector<16xi32>
        %add3A_894 = arith.addi %select_n3A_45, %add3A_893 : vector<16xi32>
        %add3A_895 = arith.addi %gather3A_876, %add3A_894 : vector<16xi32>
        %and3A_896 = arith.constant 7 : i32
        %and3A_897 = vector.broadcast %and3A_896 : i32 to vector<16xi32>
        %and3A_898 = arith.andi %add3A_895, %and3A_897 : vector<16xi32>
        %add3A_899 = arith.constant 5120 : i32
        %add3A_900 = vector.broadcast %add3A_899 : i32 to vector<16xi32>
        %add3A_901 = arith.addi %add3A_789, %add3A_900 : vector<16xi32>
        %add3A_902 = arith.addi %add3A_901, %mul3A_48 : vector<16xi32>
        %gather3A_903 = tpu.vector_load_idx %arg16[%add3A_902, %and3A_898] : memref<8192x8xf32, #tpu.memory_space<vmem>>[vector<16xi32>, vector<16xi32>], vector<16xf32>,
        %mul3A_904 = arith.mulf %mul3A_804, %gather3A_792 : vector<16xf32>
        %mul3A_905 = arith.mulf %mul3A_904, %gather3A_903 : vector<16xf32>
        %add3A_906 = arith.addf %add3A_891, %mul3A_905 : vector<16xf32>
        %add3A_907 = arith.constant 768 : i32
        %add3A_908 = vector.broadcast %add3A_907 : i32 to vector<16xi32>
        %add3A_909 = arith.addi %add3A_789, %add3A_908 : vector<16xi32>
        %gather3A_910 = tpu.vector_load_idx %arg14[%add3A_909] : memref<1024xi32, #tpu.memory_space<vmem>>[vector<16xi32>], vector<16xi32>,
        %add3A_911 = arith.constant 0 : i32
        %add3A_912 = vector.broadcast %add3A_911 : i32 to vector<16xi32>
        %add3A_913 = arith.addi %select_n3A_45, %add3A_912 : vector<16xi32>
        %add3A_914 = arith.addi %gather3A_910, %add3A_913 : vector<16xi32>
        %and3A_915 = arith.constant 7 : i32
        %and3A_916 = vector.broadcast %and3A_915 : i32 to vector<16xi32>
        %and3A_917 = arith.andi %add3A_914, %and3A_916 : vector<16xi32>
        %add3A_918 = arith.constant 6144 : i32
        %add3A_919 = vector.broadcast %add3A_918 : i32 to vector<16xi32>
        %add3A_920 = arith.addi %add3A_789, %add3A_919 : vector<16xi32>
        %add3A_921 = arith.addi %add3A_920, %mul3A_48 : vector<16xi32>
        %gather3A_922 = tpu.vector_load_idx %arg16[%add3A_921, %and3A_917] : memref<8192x8xf32, #tpu.memory_space<vmem>>[vector<16xi32>, vector<16xi32>], vector<16xf32>,
        %mul3A_923 = arith.constant 256 : i32
        %mul3A_924 = vector.broadcast %mul3A_923 : i32 to vector<16xi32>
        %mul3A_925 = arith.muli %select_n3A_45, %mul3A_924 : vector<16xi32>
        %add3A_926 = arith.addi %add3A_914, %mul3A_925 : vector<16xi32>
        %add3A_927 = arith.constant 4 : i32
        %add3A_928 = vector.broadcast %add3A_927 : i32 to vector<16xi32>
        %add3A_929 = arith.addi %and3A_917, %add3A_928 : vector<16xi32>
        %gather3A_930 = tpu.vector_load_idx %arg17[%add3A_929] : memref<16xf32, #tpu.memory_space<vmem>>[vector<16xi32>], vector<16xf32>,
        %ge3A_931 = arith.constant 67898368 : i32
        %ge3A_932 = vector.broadcast %ge3A_931 : i32 to vector<16xi32>
        %ge3A_933 = arith.cmpi sge, %add3A_926, %ge3A_932 : vector<16xi32>
        %select_n3A_934 = arith.select %ge3A_933, %gather3A_930, %gather3A_922 : vector<16xi1>, vector<16xf32>
        %mul3A_935 = arith.mulf %mul3A_805, %sub3A_801 : vector<16xf32>
        %mul3A_936 = arith.mulf %mul3A_935, %select_n3A_934 : vector<16xf32>
        %add3A_937 = arith.addf %add3A_906, %mul3A_936 : vector<16xf32>
        %add3A_938 = arith.constant 1 : i32
        %add3A_939 = vector.broadcast %add3A_938 : i32 to vector<16xi32>
        %add3A_940 = arith.addi %select_n3A_45, %add3A_939 : vector<16xi32>
        %add3A_941 = arith.addi %gather3A_910, %add3A_940 : vector<16xi32>
        %and3A_942 = arith.constant 7 : i32
        %and3A_943 = vector.broadcast %and3A_942 : i32 to vector<16xi32>
        %and3A_944 = arith.andi %add3A_941, %and3A_943 : vector<16xi32>
        %add3A_945 = arith.constant 7168 : i32
        %add3A_946 = vector.broadcast %add3A_945 : i32 to vector<16xi32>
        %add3A_947 = arith.addi %add3A_789, %add3A_946 : vector<16xi32>
        %add3A_948 = arith.addi %add3A_947, %mul3A_48 : vector<16xi32>
        %gather3A_949 = tpu.vector_load_idx %arg16[%add3A_948, %and3A_944] : memref<8192x8xf32, #tpu.memory_space<vmem>>[vector<16xi32>, vector<16xi32>], vector<16xf32>,
        %mul3A_950 = arith.constant 256 : i32
        %mul3A_951 = vector.broadcast %mul3A_950 : i32 to vector<16xi32>
        %mul3A_952 = arith.muli %select_n3A_45, %mul3A_951 : vector<16xi32>
        %add3A_953 = arith.addi %add3A_941, %mul3A_952 : vector<16xi32>
        %add3A_954 = arith.constant 4 : i32
        %add3A_955 = vector.broadcast %add3A_954 : i32 to vector<16xi32>
        %add3A_956 = arith.addi %and3A_944, %add3A_955 : vector<16xi32>
        %gather3A_957 = tpu.vector_load_idx %arg17[%add3A_956] : memref<16xf32, #tpu.memory_space<vmem>>[vector<16xi32>], vector<16xf32>,
        %ge3A_958 = arith.constant 67898368 : i32
        %ge3A_959 = vector.broadcast %ge3A_958 : i32 to vector<16xi32>
        %ge3A_960 = arith.cmpi sge, %add3A_953, %ge3A_959 : vector<16xi32>
        %select_n3A_961 = arith.select %ge3A_960, %gather3A_957, %gather3A_949 : vector<16xi1>, vector<16xf32>
        %mul3A_962 = arith.mulf %mul3A_805, %gather3A_792 : vector<16xf32>
        %mul3A_963 = arith.mulf %mul3A_962, %select_n3A_961 : vector<16xf32>
        %add3A_964 = arith.addf %add3A_937, %mul3A_963 : vector<16xf32>
        %mul3A_965 = arith.constant 16 : i32
        %mul3A_966 = arith.muli %scan3A_785, %mul3A_965 : i32
        %swap3A_967 = arith.index_cast %mul3A_966 : i32 to index
        %swap3A_968 = tpu.vector_load %arg18[%swap3A_967] {strides = array<i32>} : memref<1024xf32, #tpu.memory_space<vmem>>, vector<16xf32>,
        tpu.vector_store %arg18[%swap3A_967], %add3A_964 {strides = array<i32>} : memref<1024xf32, #tpu.memory_space<vmem>>, vector<16xf32>,
        %scan3A_969 = arith.constant 0 : i32
        scf.yield %scan3A_969 : i32
      }
      %scan3A_598 = arith.constant 64 : i32
      %mul3A_599 = arith.constant 4 : i32
      %mul3A_600 = arith.muli %add3A_59, %mul3A_599 : i32
      "tpu.region"() ({
        %run_scoped3A = tpu.sem_alloc : memref<!tpu.dma_semaphore, #tpu.memory_space<semaphore_mem>>
        %dma_start3A_602 = tpu.memref_slice %arg7[%mul3A_600] : memref<1048576xf32, #tpu.memory_space<hbm>> -> memref<1024xf32, #tpu.memory_space<hbm>>
        %dma_start3A_603 = tpu.memref_slice %arg7[%mul3A_600] : memref<1048576xf32, #tpu.memory_space<hbm>> -> memref<1024xf32, #tpu.memory_space<hbm>>
        tpu.enqueue_dma source(%arg18 : memref<1024xf32, #tpu.memory_space<vmem>>) target(%dma_start3A_603 : memref<1024xf32, #tpu.memory_space<hbm>>) target_semaphore(%run_scoped3A : memref<!tpu.dma_semaphore, #tpu.memory_space<semaphore_mem>>)
        %dma_wait3A = tpu.memref_slice %arg7[%mul3A_600] : memref<1048576xf32, #tpu.memory_space<hbm>> -> memref<1024xf32, #tpu.memory_space<hbm>>
        %dma_wait3A_604 = tpu.memref_slice %arg7[%mul3A_600] : memref<1048576xf32, #tpu.memory_space<hbm>> -> memref<1024xf32, #tpu.memory_space<hbm>>
        tpu.wait_dma2 semaphore(%run_scoped3A : memref<!tpu.dma_semaphore, #tpu.memory_space<semaphore_mem>>) src(%arg18 : memref<1024xf32, #tpu.memory_space<vmem>>) dst(%dma_wait3A_604 : memref<1024xf32, #tpu.memory_space<hbm>>)
        tpu.yield
      }) : () -> ()
      %scan3A_601 = arith.constant 0 : i32
      scf.yield %scan3A_601 : i32
    }
    %scan3A_54 = arith.constant 32 : i32
    return
  }
}

</mosaic_0001>

<sc_bundles>
// kernel: kernel.3.cloned.1.call-start
scs
__scs_entry_jumppad:
0x0: {  	(pc) =	sbr.rel $0x88, $3  }
0x1: {  	(tag) =	ssettag $0x0;
	lr =	simm.s32 $0x1  }
0x2: {  	[smem:$0x3F9F] =	sst lr;
	_ =	strace $0xD0000000  }
0x3: {  	_ = 	snop  }
0x4: {  	_ = 	snop  }
0x5: {  	_ = 	snop  }
0x6: {  	_ = 	snop  }
0x7: {  	_ = 	snop  }
__scs_overlays_trampoline_lowered:
0x8: {  	[smem:$0x3FAE] =	sst s0  }
0x9: {  	[smem:$0x3FAF] =	sst s1  }
0xa: {  	[smem:$0x3FB0] =	sst s2  }
0xb: {  	[smem:$0x3FB1] =	sst s3  }
0xc: {  	[smem:$0x3FB2] =	sst s4  }
0xd: {  	[smem:$0x3FB3] =	sst s5  }
0xe: {  	[smem:$0x3FB4] =	sst s6  }
0xf: {  	[smem:$0x3FB5] =	sst s7  }
0x10: {  	[smem:$0x3FB6] =	sst s8  }
0x11: {  	[smem:$0x3FB7] =	sst s9;
	s0 =	simm.s32 @!p0 $0x0  }
0x12: {  	s1 =	sld [smem:$0x3F9D];
	s0 =	simm.s32 @p0 $0x1  }
0x13: {  	[smem:$0x3FB8] =	sst s0;
	s0 =	simm.s32 @!p1 $0x0  }
0x14: {  	s2 =	sld [smem:$0x3F9C];
	s0 =	simm.s32 @p1 $0x1  }
0x15: {  	[smem:$0x3FB9] =	sst s0;
	s0 =	simm.s32 @!p2 $0x0  }
0x16: {  	s3 =	sld [smem:$0x3FDB];
	s0 =	simm.s32 @p2 $0x1  }
0x17: {  	s4 =	simm.s32 $0x1BF5;
	[smem:$0x3FBB] =	sst s0  }
0x18: {  	s0 =	sld [smem:$0x3F9E];
	_ =	swait.ge [sflag:s4], $0x0  }
0x19: {  	s7 =	sld [smem:$0x3F9F]  }
0x1a: {  	s8 =	sadd.s32 $0xFFFFE003, lr  }
0x1b: {  	s9 =	sadd.s32 $0xFFFFFEF7, lr;
	s5 =	simm.s32 $0xFFFFFFFF;
	p2 =	slt.u32 s8, $0xFFFFF086  }
0x1c: {  	p1 =	slt.u32 s9, $0xF7A;
	s5 =	simm.s32 @!p2 $0x0  }
0x1d: {  	s5 =	simm.s32 @p1 $0x1;
	p0 =	seq.s32 s7, s2  }
0x1e: {  	s7 =	smul.u32 @!p0 $0xF7A, s2;
	p2 =	seq.s32 @!p0 s5, $0x0  }
0x1f: {  	s9 =	smul.u32 $0xF7A, s1;
	s8 =	simm.s32 @!p0 $0x1BF5;
	p2 =	por !p2, p0  }
0x20: {  	[sflag:s8] =	ssyncset.s32 @!p0 $0xFFFFF086;
	s6 =	sadd.s32 @!p0 s3, s7;
	s7 =	simm.s32 @!p0 $0x108  }
0x21: {  	s3 =	sadd.s32 s3, s9;
	s6 =	sadd.s32 @!p0 $0x88, s6;
	s7 =	simm.s32 @p2 $0x1082  }
0x22: {  	[simem:s7], [sflag:s8] =	dma.local @!p0 [hbm:s6], $0xF7A  }
0x23: {  	s9 =	sor.u32 $0xD0000000, s2;
	s6 =	simm.s32 $0x108;
	_ =	swait.ge @!p0 [sflag:s8], $0x0  }
0x24: {  	s3 =	sadd.s32 $0x88, s3;
	s6 =	simm.s32 @!p1 $0x1082;
	[sflag:s4] =	ssyncset.s32 $0xFFFFF086  }
0x25: {  	[simem:s6], [sflag:s4] =	dma.local [hbm:s3], $0xF7A  }
0x26: {  	[smem:$0x3F9F] =	sst s1;
	(tag) =	ssettag s2;
	_ =	strace s9  }
0x27: {  	s1 =	sld [smem:$0x3FAF]  }
0x28: {  	s2 =	sld [smem:$0x3FB0]  }
0x29: {  	s4 =	sld [smem:$0x3FB2]  }
0x2a: {  	p0 =	seq.s32 s5, $0x0;
	s5 =	sld [smem:$0x3FB3]  }
0x2b: {  	s6 =	sld [smem:$0x3FB4]  }
0x2c: {  	s7 =	sld [smem:$0x3FB5]  }
0x2d: {  	s3 =	simm.s32 $0x108;
	s8 =	sld [smem:$0x3FB6]  }
0x2e: {  	s3 =	simm.s32 @!p0 $0x1082;
	s9 =	sld [smem:$0x3FB7]  }
0x2f: {  	lr =	sadd.s32 s0, s3;
	s0 =	sld [smem:$0x3FAE]  }
0x30: {  	s3 =	sld [smem:$0x3FB1]  }
0x31: {  	[smem:$0x3FBA] =	sst s10  }
0x32: {  	s10 =	sld [smem:$0x3FB8];
	_ =	sdelay $0x3  }
0x33: {  	p0 =	seq.s32 s10, $0x1;
	s10 =	sld [smem:$0x3FBA];
	_ =	sdelay $0x3  }
0x34: {  	[smem:$0x3FBA] =	sst s10  }
0x35: {  	s10 =	sld [smem:$0x3FB9];
	_ =	sdelay $0x3  }
0x36: {  	p1 =	seq.s32 s10, $0x1;
	s10 =	sld [smem:$0x3FBA];
	_ =	sdelay $0x3  }
0x37: {  	[smem:$0x3FBA] =	sst s10  }
0x38: {  	s10 =	sld [smem:$0x3FBB]  }
0x39: {  	_ = 	snop;
	(pc) =	sbr.ind lr, $3  }
0x3a: {  	_ = 	snop  }
0x3b: {  	_ = 	snop  }
0x3c: {  	p2 =	seq.s32 s10, $0x1;
	s10 =	sld [smem:$0x3FBA]  }
0x3d: {  	_ =	shalt  }
0x3e: {  	_ =	shalt  }
0x3f: {  	_ =	shalt  }
0x40: {  	_ =	shalt  }
0x41: {  	_ =	shalt  }
0x42: {  	_ =	shalt  }
0x43: {  	_ =	shalt  }
0x44: {  	_ =	shalt  }
0x45: {  	_ =	shalt  }
0x46: {  	_ =	shalt  }
0x47: {  	_ =	shalt  }
0x48: {  	_ =	shalt  }
0x49: {  	_ =	shalt  }
0x4a: {  	_ =	shalt  }
0x4b: {  	_ =	shalt  }
0x4c: {  	_ =	shalt  }
0x4d: {  	_ =	shalt  }
0x4e: {  	_ =	shalt  }
0x4f: {  	_ =	shalt  }
0x50: {  	_ =	shalt  }
0x51: {  	_ =	shalt  }
0x52: {  	_ =	shalt  }
0x53: {  	_ =	shalt  }
0x54: {  	_ =	shalt  }
0x55: {  	_ =	shalt  }
0x56: {  	_ =	shalt  }
0x57: {  	_ =	shalt  }
0x58: {  	_ =	shalt  }
0x59: {  	_ =	shalt  }
0x5a: {  	_ =	shalt  }
0x5b: {  	_ =	shalt  }
0x5c: {  	_ =	shalt  }
0x5d: {  	_ =	shalt  }
0x5e: {  	_ =	shalt  }
0x5f: {  	_ =	shalt  }
0x60: {  	_ =	shalt  }
0x61: {  	_ =	shalt  }
0x62: {  	_ =	shalt  }
0x63: {  	_ =	shalt  }
0x64: {  	_ =	shalt  }
0x65: {  	_ =	shalt  }
0x66: {  	_ =	shalt  }
0x67: {  	_ =	shalt  }
0x68: {  	_ =	shalt  }
0x69: {  	_ =	shalt  }
0x6a: {  	_ =	shalt  }
0x6b: {  	_ =	shalt  }
0x6c: {  	_ =	shalt  }
0x6d: {  	_ =	shalt  }
0x6e: {  	_ =	shalt  }
0x6f: {  	_ =	shalt  }
0x70: {  	_ =	shalt  }
0x71: {  	_ =	shalt  }
0x72: {  	_ =	shalt  }
0x73: {  	_ =	shalt  }
0x74: {  	_ =	shalt  }
0x75: {  	_ =	shalt  }
0x76: {  	_ =	shalt  }
0x77: {  	_ =	shalt  }
0x78: {  	_ =	shalt  }
0x79: {  	_ =	shalt  }
0x7a: {  	_ =	shalt  }
0x7b: {  	_ =	shalt  }
0x7c: {  	_ =	shalt  }
0x7d: {  	_ =	shalt  }
0x7e: {  	_ =	shalt  }
0x7f: {  	_ =	shalt  }
0x80: {  	_ =	shalt  }
0x81: {  	_ =	shalt  }
0x82: {  	_ =	shalt  }
0x83: {  	_ =	shalt  }
0x84: {  	_ =	shalt  }
0x85: {  	_ =	shalt  }
0x86: {  	_ =	shalt  }
0x87: {  	_ =	shalt  }
.Lfunc_end0:
.L_simem_size_0:
called_computation_lowered:
.L_overlay_start_0:
0x88: {  	s2 =	sld [smem:$0x3FD9]  }
0x89: {  	s3 =	sld [smem:$0x3FFE];
	_ =	sdelay $0x1  }
0x8a: {  	s1 =	srdreg.scid  }
0x8b: {  	s0 =	sand.u32 $0x1, s1  }
0x8c: {  	s17 =	sshll.u32 s0, $0xA;
	s2 =	sadd.s32 s3, s2  }
0x8d: {  	s2 =	sadd.s32 s2, s17  }
0x8e: {  	[smem:$0x3FC6] =	sst s2  }
0x8f: {  	_ = 	snop  }
0x90: {  	s2 =	sld [smem:$0x3FD0];
	(tm) =	ssettm $0x1  }
0x91: {  	s18 =	sld [smem:$0x3FFB];
	_ =	sdelay $0x3  }
0x92: {  	_ =	strace s18  }
0x93: {  	s3 =	sld [smem:$0x3FFC];
	_ =	sdelay $0x3  }
0x94: {  	_ =	strace s3  }
0x95: {  	s3 =	sld [smem:$0x3FFD];
	_ =	sdelay $0x3  }
0x96: {  	_ =	strace s3  }
0x97: {  	_ =	strace $0x8FFFFFFF  }
0x98: {  	s19 =	sld [smem:$0x3FDB];
	_ =	sdelay $0x1  }
0x99: {  	s4 =	simm.s32 $_scs_section_size  }
0x9a: {  	s5 =	simm.s32 $_size__tile_overlayer_lowered;
	s6 =	simm.s32 $_tile_overlayer_lowered  }
0x9b: {  	s22 =	simm.s32 $0x1BFF;
	s21 =	sshll.u32 s6, $0x1;
	s3 =	sadd.s32 s4, s19  }
0x9c: {  	s7 =	simm.s32 $0x0;
	s20 =	sshll.u32 s5, $0x1;
	s5 =	sadd.s32 s21, s3  }
0x9d: {  	[timem:s7], [sflag:s22] =	dma.local [hbm:s5], s20  }
0x9e: {  	_ =	swait.ge [sflag:s22], s20  }
0x9f: {  	s4 =	ssub.s32 $0x0, s20;
	[sflag:s22] =	ssyncset.done $0x0  }
0xa0: {  	[sflag:s22] =	ssyncadd.s32 s4;
	_ =	sdelay $0x1  }
0xa1: {  	s23 =	simm.s32 $0x1B8B  }
0xa2: {  	_ =	swait.ge [sflag:s23], $0x1  }
0xa3: {  	[sflag:s23] =	ssyncset.done $0x0  }
0xa4: {  	s25 =	simm.s32 $0x1B8E;
	s24 =	sld [smem:$0x3FFE];
	[sflag:s23] =	ssyncadd.s32 $0xFFFFFFFF  }
0xa5: {  	s26 =	simm.s32 $execute0_lowered;
	[smem:$0x3FD2] =	sst s25  }
0xa6: {  	s5 =	sshll.u32 s26, $0x1;
	_ =	strace $0x80000046;
	[dreg:$0x1] =	wrdreg $0xFFFFFFFF  }
0xa7: {  	s28 =	simm.s32 $_size_execute0_lowered;
	s3 =	sadd.s32 s3, s5;
	[dreg:$0x0] =	wrdreg $0x0  }
0xa8: {  	s5 =	sshll.u32 s28, $0x1;
	[dreg:$0x2] =	wrdreg s3  }
0xa9: {  	[dreg:$0x3] =	wrdreg s5  }
0xaa: {  	[dreg:$0x4] =	wrdreg $0xC0  }
0xab: {  	_ =	task [dreg:s7], $0x5FFFF  }
0xac: {  	[dreg:$0x1] =	wrdreg $0xFFFFFFFF  }
0xad: {  	[dreg:$0x0] =	wrdreg $0x60  }
0xae: {  	[dreg:$0x2] =	wrdreg s24  }
0xaf: {  	[dreg:$0x3] =	wrdreg s2  }
0xb0: {  	[dreg:$0x4] =	wrdreg $0x9  }
0xb1: {  	_ =	task.clear_ibuf [dreg:s7], $0x5FFFF;
	_ =	strace $0x90000046  }
0xb2: {  	s29 =	simm.s32 $0x9;
	_ =	strace $0x80000048  }
0xb3: {  	_ =	swait.ge [sflag:s29], $0x1  }
0xb4: {  	[sflag:s29] =	ssyncadd.s32 $0xFFFFFFFF  }
0xb5: {  	_ =	strace $0x90000048  }
0xb6: {  	_ =	sfence  }
0xb7: {  	s30 =	sld [smem:$0x0];
	_ =	sdelay $0x2  }
0xb8: {  	s31 =	sshll.u32 s1, $0xD;
	s1 =	sshrl.u32 s1, $0x2  }
0xb9: {  	s3 =	sand.u32 $0x4000, s31;
	s1 =	sadd.s32 s1, s30  }
0xba: {  	s0 =	sor.u32 s3, s0;
	s1 =	sshll.u32 s1, $0x11  }
0xbb: {  	s0 =	sor.u32 s1, s0  }
0xbc: {  	s0 =	sadd.s32 $0x8F2B, s0  }
0xbd: {  	[sflag:s0] =	ssyncadd.remote.s32 $0x1  }
0xbe: {  	_ =	sfence.sel $0xFFFF  }
0xbf: {  	[dreg:$0x0] =	wrdreg $0xFFFFFFFF;
	(pc) =	sbr.abs _section_cstart, $3  }
0xc0: {  	[dreg:$0x1] =	wrdreg $0xFFFFFFFF  }
0xc1: {  	_ =	task.clear_ibuf [dreg:s7], $0x2FFFF;
	_ =	strace $0x9FFFFFFF  }
0xc2: {  	(tm) =	ssettm $0x7FFFFFFF  }
0xc3: {  	_ =	shalt  }
tec
execute0_lowered:
.L_overlay_start_1:
0x0: {  	(tag) =	ssettag $0x1  }
0x1: {  	v0 =	vimm.s32 $0xF818;
	vm9 =	vcmask $0x300  }
0x2: {  	v1 =	vimm.s32 $0xD818;
	vm10 =	vcmask $0x704;
	vm11 =	vcmask $0xB08  }
0x3: {  	vm12 =	vcmask $0xF0C;
	vm13 =	vcmask $0x1310;
	vm14 =	vcmask $0x1714  }
0x4: {  	vm8 =	vcmask $0x1B18;
	vm0 =	vcmask $0x1F1C;
	vm1 =	vcmask $0x2320  }
0x5: {  	vm2 =	vcmask $0x2724;
	vm3 =	vcmask $0x2B28;
	vm4 =	vcmask $0x2F2C  }
0x6: {  	vm5 =	vcmask $0x3330;
	vm6 =	vcmask $0x3734;
	vm7 =	vcmask $0x3B38  }
0x7: {  	v63 =	vimm.s32 $0xB818;
	v4 =	vimm.s32 $0x9818;
	v5 =	vimm.s32 $0x7818  }
0x8: {  	v6 =	vimm.s32 $0x5818;
	v7 =	vimm.s32 $0x3818;
	v8 =	vimm.s32 $0x1818  }
0x9: {  	v0 =	vsel vm9, $0xE000, v0;
	v1 =	vsel vm9, $0xC000, v1;
	v4 =	vsel vm9, $0x8000, v4  }
0xa: {  	v5 =	vsel vm9, $0x6000, v5;
	v6 =	vsel vm9, $0x4000, v6;
	v7 =	vsel vm9, $0x2000, v7  }
0xb: {  	v8 =	vsel vm9, $0x0, v8;
	v0 =	vsel vm10, $0xE800, v0;
	v1 =	vsel vm10, $0xC800, v1  }
0xc: {  	v4 =	vsel vm10, $0x8800, v4;
	v5 =	vsel vm10, $0x6800, v5;
	v6 =	vsel vm10, $0x4800, v6  }
0xd: {  	v7 =	vsel vm10, $0x2800, v7;
	v8 =	vsel vm10, $0x800, v8;
	v0 =	vsel vm11, $0xF000, v0  }
0xe: {  	v1 =	vsel vm11, $0xD000, v1;
	v4 =	vsel vm11, $0x9000, v4;
	v5 =	vsel vm11, $0x7000, v5  }
0xf: {  	v6 =	vsel vm11, $0x5000, v6;
	v7 =	vsel vm11, $0x3000, v7;
	v8 =	vsel vm11, $0x1000, v8  }
0x10: {  	v0 =	vsel vm12, $0xF800, v0;
	v1 =	vsel vm12, $0xD800, v1;
	v4 =	vsel vm12, $0x9800, v4  }
0x11: {  	v5 =	vsel vm12, $0x7800, v5;
	v6 =	vsel vm12, $0x5800, v6;
	v7 =	vsel vm12, $0x3800, v7  }
0x12: {  	v8 =	vsel vm12, $0x1800, v8;
	v0 =	vsel vm13, $0xE008, v0;
	v1 =	vsel vm13, $0xC008, v1  }
0x13: {  	v4 =	vsel vm13, $0x8008, v4;
	v5 =	vsel vm13, $0x6008, v5;
	v6 =	vsel vm13, $0x4008, v6  }
0x14: {  	v7 =	vsel vm13, $0x2008, v7;
	v8 =	vsel vm13, $0x8, v8;
	v0 =	vsel vm14, $0xE808, v0  }
0x15: {  	v1 =	vsel vm14, $0xC808, v1;
	v4 =	vsel vm14, $0x8808, v4;
	v5 =	vsel vm14, $0x6808, v5  }
0x16: {  	v6 =	vsel vm14, $0x4808, v6;
	v7 =	vsel vm14, $0x2808, v7;
	v8 =	vsel vm14, $0x808, v8  }
0x17: {  	v0 =	vsel vm8, $0xF008, v0;
	v1 =	vsel vm8, $0xD008, v1;
	v4 =	vsel vm8, $0x9008, v4  }
0x18: {  	v5 =	vsel vm8, $0x7008, v5;
	v6 =	vsel vm8, $0x5008, v6;
	v7 =	vsel vm8, $0x3008, v7  }
0x19: {  	v8 =	vsel vm8, $0x1008, v8;
	v0 =	vsel vm0, $0xF808, v0;
	v1 =	vsel vm0, $0xD808, v1  }
0x1a: {  	v4 =	vsel vm0, $0x9808, v4;
	v5 =	vsel vm0, $0x7808, v5;
	v6 =	vsel vm0, $0x5808, v6  }
0x1b: {  	v7 =	vsel vm0, $0x3808, v7;
	v8 =	vsel vm0, $0x1808, v8;
	v0 =	vsel vm1, $0xE010, v0  }
0x1c: {  	v1 =	vsel vm1, $0xC010, v1;
	v4 =	vsel vm1, $0x8010, v4;
	v5 =	vsel vm1, $0x6010, v5  }
0x1d: {  	v6 =	vsel vm1, $0x4010, v6;
	v7 =	vsel vm1, $0x2010, v7;
	v8 =	vsel vm1, $0x10, v8  }
0x1e: {  	v0 =	vsel vm2, $0xE810, v0;
	v1 =	vsel vm2, $0xC810, v1;
	v4 =	vsel vm2, $0x8810, v4  }
0x1f: {  	v5 =	vsel vm2, $0x6810, v5;
	v6 =	vsel vm2, $0x4810, v6;
	v1 =	vsel vm3, $0xD010, v1  }
0x20: {  	v7 =	vsel vm2, $0x2810, v7;
	v8 =	vsel vm2, $0x810, v8;
	v1 =	vsel vm4, $0xD810, v1  }
0x21: {  	v0 =	vsel vm3, $0xF010, v0;
	v4 =	vsel vm3, $0x9010, v4;
	v1 =	vsel vm5, $0xC018, v1  }
0x22: {  	v5 =	vsel vm3, $0x7010, v5;
	v6 =	vsel vm3, $0x5010, v6;
	v3 =	vsel vm6, $0xC818, v1  }
0x23: {  	v7 =	vsel vm3, $0x3010, v7;
	v34 =	vsel vm7, $0xD018, v3;
	v3 =	vsel vm9, $0xA000, v63  }
0x24: {  	v8 =	vsel vm3, $0x1010, v8;
	v0 =	vsel vm4, $0xF810, v0;
	v3 =	vsel vm10, $0xA800, v3  }
0x25: {  	s0 =	rddreg [dreg:$0x0];
	s1 =	simm.s32 $0x0;
	v4 =	vsel vm4, $0x9810, v4;
	v5 =	vsel vm4, $0x7810, v5;
	v3 =	vsel vm11, $0xB000, v3  }
0x26: {  	s25 =	srdreg.scid;
	s11 =	simm.s32 $0x12A00;
	s17 =	simm.s32 $0x2A00;
	v6 =	vsel vm4, $0x5810, v6;
	v7 =	vsel vm4, $0x3810, v7;
	v3 =	vsel vm12, $0xB800, v3  }
0x27: {  	s28 =	simm.s32 $0x2680;
	s29 =	simm.s32 $0x10E00;
	s30 =	simm.s32 $0x2780;
	v8 =	vsel vm4, $0x1810, v8;
	v0 =	vsel vm5, $0xE018, v0;
	v3 =	vsel vm13, $0xA008, v3  }
0x28: {  	s31 =	simm.s32 $0x11600;
	s10 =	simm.s32 $0x12600;
	s13 =	simm.s32 $0x400;
	v4 =	vsel vm5, $0x8018, v4;
	v5 =	vsel vm5, $0x6018, v5;
	v3 =	vsel vm14, $0xA808, v3  }
0x29: {  	s14 =	simm.s32 $0x500;
	s16 =	simm.s32 $0x600;
	s18 =	simm.s32 $0x12A10;
	v6 =	vsel vm5, $0x4018, v6;
	v2 =	vsel vm6, $0xE818, v0;
	v3 =	vsel vm8, $0xB008, v3  }
0x2a: {  	[smem:$0x7FF] =	sst s1;
	s3 =	sadd.s32 $0x10800, s0;
	s5 =	sadd.s32 $0x8800, s0;
	v7 =	vsel vm5, $0x2018, v7;
	v33 =	vsel vm7, $0xF018, v2;
	v3 =	vsel vm0, $0xB808, v3  }
0x2b: {  	s8 =	stileid.u32;
	s12 =	simm.s32 $0x2;
	_ =	strace $0x80000047;
	v8 =	vsel vm5, $0x18, v8;
	v4 =	vsel vm6, $0x8818, v4;
	[tilespmem:$0x1FF80] =	vst v33;
	v3 =	vsel vm1, $0xA010, v3  }
0x2c: {  	s15 =	simm.s32 $0x80;
	s20 =	simm.s32 $0x0;
	s7 =	sadd.s32 $0x830A00, s0;
	v5 =	vsel vm6, $0x6818, v5;
	v36 =	vsel vm7, $0x9018, v4;
	[tilespmem:$0x1FF90] =	vst v34;
	v3 =	vsel vm2, $0xA810, v3  }
0x2d: {  	s6 =	sadd.s32 $0x800, s0;
	s1 =	sand.u32 $0x1, s25;
	s8 =	sshll.u32 s8, $0xE;
	v6 =	vsel vm6, $0x4818, v6;
	v37 =	vsel vm7, $0x7018, v5;
	[tilespmem:$0x1FFB0] =	vst v36;
	v3 =	vsel vm3, $0xB010, v3  }
0x2e: {  	s0 =	sadd.s32 $0x18800, s0;
	s2 =	ssub.s32 $0x2, s1;
	s1 =	sshll.u32 s1, $0xD;
	v7 =	vsel vm6, $0x2818, v7;
	v38 =	vsel vm7, $0x5018, v6;
	[tilespmem:$0x1FFC0] =	vst v37;
	v3 =	vsel vm4, $0xB810, v3  }
0x2f: {  	[dreg:$0x3] =	wrdreg s0;
	s4 =	sshrl.u32 s2, $0x1;
	s9 =	sor.u32 s1, s8;
	v8 =	vsel vm6, $0x818, v8;
	v39 =	vsel vm7, $0x3018, v7;
	[tilespmem:$0x1FFD0] =	vst v38;
	v3 =	vsel vm5, $0xA018, v3  }
0x30: {  	s8 =	simm.s32 $0x2980;
	s1 =	simm.s32 $0x300;
	s26 =	ssub.s32 s2, s4;
	v40 =	vsel vm7, $0x1018, v8;
	[tilespmem:$0x1FFE0] =	vst v39;
	v3 =	vsel vm6, $0xA818, v3  }
0x31: {  	s4 =	simm.s32 $0x11E00;
	s2 =	simm.s32 $0x1;
	s0 =	smax.u32 s26, $0x1;
	[tilespmem:$0x1FFF0] =	vst v40;
	v35 =	vsel vm7, $0xB018, v3  }
0x32: {  	s26 =	simm.s32 $0x10600;
	[dreg:$0x4] =	wrdreg s0;
	s0 =	simm.s32 $0x2880;
	[tilespmem:$0x1FFA0] =	vst v35  }
.LBB2_1:
0x33: {  	[dreg:$0x5] =	wrdreg s20  }
0x34: {  	s19 =	simm.s32 $0x0;
	s25 =	rddreg [dreg:$0x3]  }
0x35: {  	[tilespmem:s11], [sflag:$0x2] =	stream.linear.gather [hbm4b:s25+s19], $0x10, $0x38;
	[tilespmem:$0x12E10] =	vst v63  }
0x36: {  	_ =	swait.ge [sflag:s12], $0x10  }
0x37: {  	[sflag:s12] =	ssyncset.done $0x0  }
0x38: {  	s19 =	simm.s32 $0x0;
	[sflag:s12] =	ssyncadd.s32 $0xFFFFFFF0  }
.LBB2_2:
0x39: {  	s20 =	sshll.u32 s19, $0x8  }
0x3a: {  	s20 =	sadd.s32 s9, s20  }
0x3b: {  	s21 =	sshrl.u32 s20, $0x3  }
0x3c: {  	s23 =	simm.s32 $0x0;
	s22 =	sadd.s32 s3, s21  }
0x3d: {  	[tilespmem:s23], [sflag:$0x2] =	stream.linear.gather [hbm4b:s22+s23], $0x100, $0x38;
	[tilespmem:$0x12E10] =	vst v63  }
0x3e: {  	_ =	swait.ge [sflag:s12], $0x100  }
0x3f: {  	[sflag:s12] =	ssyncset.done $0x0  }
0x40: {  	s24 =	simm.s32 $0x100;
	s25 =	sadd.s32 s5, s21;
	[sflag:s12] =	ssyncadd.s32 $0xFFFFFF00  }
0x41: {  	[tilespmem:s24], [sflag:$0x2] =	stream.linear.gather [hbm4b:s25+s23], $0x100, $0x38;
	[tilespmem:$0x12E10] =	vst v63  }
0x42: {  	_ =	swait.ge [sflag:s12], $0x100  }
0x43: {  	[sflag:s12] =	ssyncset.done $0x0  }
0x44: {  	s21 =	sadd.s32 s6, s21;
	s25 =	simm.s32 $0x200;
	[sflag:s12] =	ssyncadd.s32 $0xFFFFFF00  }
0x45: {  	[tilespmem:s25], [sflag:$0x2] =	stream.linear.gather [hbm4b:s21+s23], $0x100, $0x38;
	[tilespmem:$0x12E10] =	vst v63  }
0x46: {  	_ =	swait.ge [sflag:s12], $0x100  }
0x47: {  	[sflag:s12] =	ssyncset.done $0x0  }
0x48: {  	s21 =	simm.s32 $0x0;
	[sflag:s12] =	ssyncadd.s32 $0xFFFFFF00  }
0x49: {  	v11 =	vld [tilespmem:s21+$0x10];
	_ =	sdelay $0x1  }
0x4a: {  	v9 =	vld [tilespmem:s21+$0x110];
	_ =	sdelay $0x1  }
0x4b: {  	v20 =	vld [tilespmem:s21+$0x210]  }
0x4c: {  	v10 =	vld [tilespmem:s21+$0x0];
	v12 =	vtrunc.f32 v11  }
0x4d: {  	v14 =	vld [tilespmem:s21+$0x200];
	v15 =	vcvt.f32.s32 v12  }
0x4e: {  	v13 =	vtrunc.f32 v9  }
0x4f: {  	v12 =	vld [tilespmem:s21+$0x100];
	v16 =	vcvt.f32.s32 v13;
	v13 =	vmul.u32 $0x101, v15;
	_ =	sdelay $0x1  }
0x50: {  	v17 =	vtrunc.f32 v20;
	v18 =	vtrunc.f32 v10;
	v13 =	vadd.s32 v16, v13  }
0x51: {  	v23 =	vtrunc.f32 v14;
	v22 =	vcvt.f32.s32 v17;
	v13 =	vmul.u32 $0x404, v13  }
0x52: {  	v17 =	vcvt.f32.s32 v18;
	v23 =	vcvt.f32.s32 v23  }
0x53: {  	v27 =	vcvt.s32.f32 v15;
	v19 =	vtrunc.f32 v12;
	v18 =	vadd.s32 v22, v13  }
0x54: {  	v21 =	vcvt.f32.s32 v19;
	v13 =	vmul.u32 $0x101, v17;
	v19 =	vadd.s32 $0x40C0C, v18  }
0x55: {  	v26 =	vadd.s32 $0x1, v18;
	v28 =	vadd.s32 $0x405, v18;
	v19 =	vshra.s32 v19, $0x3  }
0x56: {  	[tilespmem:s21+$0x610] =	vst v18;
	v13 =	vadd.s32 v21, v13;
	v33 =	vshra.s32 v26, $0x3;
	vm0 =	vlt.s32 v19, $0x81811F  }
0x57: {  	v29 =	vshra.s32 v28, $0x3;
	v13 =	vmul.u32 $0x404, v13;
	[tilespmem:s21+$0xE10] =	vst v33;
	v19 =	vnsel vm0, $0x81811F, v19  }
0x58: {  	v36 =	vcvt.s32.f32 v16;
	v37 =	vcvt.s32.f32 v22;
	[tilespmem:s21+$0x1610] =	vst v29;
	v24 =	vadd.s32 $0x60, v19  }
0x59: {  	v11 =	vsub.f32 v11, v27;
	v45 =	vadd.s32 $0x2, v18;
	v19 =	vadd.s32 v23, v13;
	[tilespmem:s21+$0x2910] =	vst v24  }
0x5a: {  	v47 =	vadd.s32 $0x406, v18;
	v13 =	vcvt.s32.f32 v17;
	[tilespmem:s21+$0x600] =	vst v19;
	v22 =	vadd.s32 $0x404, v19  }
0x5b: {  	v17 =	vcvt.s32.f32 v21;
	v21 =	vadd.s32 $0x1, v19;
	v26 =	vadd.s32 $0x40C08, v19;
	[tilespmem:s21+$0x700] =	vst v22  }
0x5c: {  	v24 =	vcvt.s32.f32 v23;
	v23 =	vadd.s32 $0x405, v19;
	v30 =	vshra.s32 v21, $0x3;
	[tilespmem:s21+$0x900] =	vst v26  }
0x5d: {  	v54 =	vshra.s32 v47, $0x3;
	v15 =	vadd.s32 $0x40805, v19;
	v31 =	vshra.s32 v23, $0x3;
	[tilespmem:s21+$0xE00] =	vst v30  }
0x5e: {  	v25 =	vadd.s32 $0x40C0B, v19;
	v61 =	vadd.s32 $0x408, v19;
	v15 =	vshra.s32 v15, $0x3;
	[tilespmem:s21+$0x1600] =	vst v31  }
0x5f: {  	v63 =	vadd.s32 $0x40C0A, v19;
	v4 =	vshra.s32 v61, $0x3;
	v61 =	vadd.s32 $0x20, v29;
	[tilespmem:s21+$0x1E00] =	vst v15  }
0x60: {  	v23 =	vadd.s32 $0x40C09, v19;
	v7 =	vshra.s32 v63, $0x3;
	v63 =	vadd.s32 $0x40, v54;
	[tilespmem:s21+$0x1310] =	vst v61  }
0x61: {  	v34 =	vshra.s32 v25, $0x3;
	v25 =	vadd.s32 $0x40805, v18;
	v32 =	vshra.s32 v23, $0x3;
	[tilespmem:s21+$0x1410] =	vst v63  }
0x62: {  	v0 =	vadd.s32 $0x4, v18;
	v1 =	vadd.s32 $0x407, v18;
	v28 =	vshra.s32 v25, $0x3;
	[tilespmem:s21+$0x2600] =	vst v32  }
0x63: {  	v2 =	vadd.s32 $0x408, v18;
	v16 =	vadd.s32 $0x2, v19;
	v25 =	vadd.s32 $0x40804, v19;
	[tilespmem:s21+$0x1E10] =	vst v28  }
0x64: {  	v48 =	vadd.s32 $0x40806, v18;
	v16 =	vshra.s32 v16, $0x3;
	v30 =	vadd.s32 $0x20, v30;
	[tilespmem:s21+$0x800] =	vst v25  }
0x65: {  	v3 =	vadd.s32 $0x40808, v18;
	v39 =	vadd.s32 $0x3, v19;
	v44 =	vadd.s32 $0x20, v16;
	[tilespmem:s21+$0xB00] =	vst v30  }
0x66: {  	v50 =	vadd.s32 $0x40C0A, v18;
	v39 =	vshra.s32 v39, $0x3;
	v16 =	vadd.s32 $0x40, v16;
	[tilespmem:s21+$0xF00] =	vst v44  }
0x67: {  	v53 =	vshra.s32 v0, $0x3;
	v40 =	vadd.s32 $0x4, v19;
	v46 =	vadd.s32 $0x40, v39;
	[tilespmem:s21+$0xC00] =	vst v16  }
0x68: {  	v55 =	vshra.s32 v2, $0x3;
	v40 =	vshra.s32 v40, $0x3;
	v39 =	vadd.s32 $0x60, v39;
	[tilespmem:s21+$0x1000] =	vst v46  }
0x69: {  	v56 =	vshra.s32 v48, $0x3;
	v42 =	vadd.s32 $0x407, v19;
	v40 =	vadd.s32 $0x60, v40;
	[tilespmem:s21+$0xD00] =	vst v39  }
0x6a: {  	v57 =	vshra.s32 v3, $0x3;
	v42 =	vshra.s32 v42, $0x3;
	v31 =	vadd.s32 $0x20, v31;
	[tilespmem:s21+$0x1100] =	vst v40  }
0x6b: {  	v58 =	vshra.s32 v50, $0x3;
	v59 =	vadd.s32 $0x406, v19;
	v51 =	vadd.s32 $0x40, v42;
	[tilespmem:s21+$0x1300] =	vst v31  }
0x6c: {  	v62 =	vadd.s32 $0x40806, v19;
	v43 =	vadd.s32 $0x40807, v19;
	v5 =	vadd.s32 $0x60, v42;
	[tilespmem:s21+$0x1800] =	vst v51  }
0x6d: {  	v21 =	vadd.s32 $0x40C0B, v18;
	v6 =	vshra.s32 v43, $0x3;
	v15 =	vadd.s32 $0x20, v15;
	[tilespmem:s21+$0x1500] =	vst v5  }
0x6e: {  	v13 =	vsub.f32 v10, v13;
	v10 =	vsub.f32 v12, v17;
	v12 =	vadd.s32 $0x20, v7;
	[tilespmem:s21+$0x1B00] =	vst v15  }
0x6f: {  	v17 =	vadd.s32 $0x40C08, v18;
	v14 =	vsub.f32 v14, v24;
	v24 =	vadd.s32 $0x40, v7;
	[tilespmem:s21+$0x2700] =	vst v12  }
0x70: {  	v23 =	vadd.s32 $0x40C0C, v19;
	vm15 =	vlt.s32 v34, $0x81811F;
	v32 =	vadd.s32 $0x20, v32;
	[tilespmem:s21+$0x2400] =	vst v24  }
0x71: {  	v12 =	vsub.f32 v9, v36;
	v9 =	vsub.f32 v20, v37;
	v20 =	vadd.s32 $0x40, v34;
	[tilespmem:s21+$0x2300] =	vst v32  }
0x72: {  	v35 =	vshra.s32 v23, $0x3;
	v23 =	vadd.s32 $0x40C09, v18;
	v24 =	vadd.s32 $0x20, v33;
	[tilespmem:s21+$0x2800] =	vst v20  }
0x73: {  	v21 =	vshra.s32 v21, $0x3;
	v38 =	vnsel vm15, $0x81811F, v34;
	v23 =	vshra.s32 v23, $0x3;
	[tilespmem:s21+$0xB10] =	vst v24  }
0x74: {  	vm2 =	vlt.s32 v21, $0x81811F;
	v51 =	vshra.s32 v45, $0x3;
	v38 =	vadd.s32 $0x60, v38;
	[tilespmem:s21+$0x2610] =	vst v23  }
0x75: {  	v30 =	vadd.s32 $0x40808, v19;
	v41 =	vnsel vm2, $0x81811F, v21;
	v27 =	vadd.s32 $0x20, v51;
	[tilespmem:s21+$0x2500] =	vst v38  }
0x76: {  	v16 =	vadd.s32 $0x3, v18;
	v30 =	vshra.s32 v30, $0x3;
	v60 =	vadd.s32 $0x60, v41;
	[tilespmem:s21+$0xF10] =	vst v27  }
0x77: {  	v43 =	vadd.s32 $0x20, v56;
	v52 =	vshra.s32 v16, $0x3;
	v30 =	vadd.s32 $0x60, v30;
	[tilespmem:s21+$0x2510] =	vst v60  }
0x78: {  	v29 =	vshra.s32 v22, $0x3;
	vm1 =	vlt.s32 v35, $0x81811F;
	v20 =	vadd.s32 $0x40, v52;
	[tilespmem:s21+$0x2100] =	vst v30  }
0x79: {  	v35 =	vnsel vm1, $0x81811F, v35;
	v38 =	vshra.s32 v59, $0x3;
	v59 =	vadd.s32 $0x60, v52;
	[tilespmem:s21+$0x1010] =	vst v20  }
0x7a: {  	v31 =	vadd.s32 $0x40807, v18;
	v39 =	vshra.s32 v1, $0x3;
	v35 =	vadd.s32 $0x60, v35;
	[tilespmem:s21+$0xD10] =	vst v59  }
0x7b: {  	v44 =	vadd.s32 $0x60, v55;
	v42 =	vadd.s32 $0x20, v28;
	v49 =	vadd.s32 $0x20, v38;
	[tilespmem:s21+$0x2900] =	vst v35  }
0x7c: {  	v33 =	vadd.s32 $0x20, v58;
	v36 =	vshra.s32 v25, $0x3;
	v38 =	vadd.s32 $0x40, v38;
	[tilespmem:s21+$0x1700] =	vst v49  }
0x7d: {  	v34 =	vshra.s32 v17, $0x3;
	v28 =	vshra.s32 v18, $0x3;
	v30 =	vadd.s32 $0x40, v51;
	[tilespmem:s21+$0x1400] =	vst v38  }
0x7e: {  	v31 =	vshra.s32 v31, $0x3;
	v45 =	vadd.s32 $0x40, v39;
	v60 =	vadd.s32 $0x60, v53;
	[tilespmem:s21+$0xC10] =	vst v30  }
0x7f: {  	v24 =	vadd.s32 $0x60, v39;
	v35 =	vshra.s32 v62, $0x3;
	v38 =	vadd.s32 $0x60, v4;
	[tilespmem:s21+$0x1110] =	vst v60  }
0x80: {  	v32 =	vadd.s32 $0x40, v58;
	v41 =	vadd.s32 $0x40, v56;
	[tilespmem:s21+$0x1900] =	vst v38;
	v16 =	vadd.s32 $0x20, v35  }
0x81: {  	v40 =	vadd.s32 $0x40, v31;
	v39 =	vadd.s32 $0x60, v31;
	v15 =	vadd.s32 $0x40, v35;
	[tilespmem:s21+$0x1F00] =	vst v16  }
0x82: {  	v37 =	vadd.s32 $0x20, v23;
	v31 =	vadd.s32 $0x40, v21;
	v16 =	vadd.s32 $0x40, v6;
	[tilespmem:s21+$0x1C00] =	vst v15  }
0x83: {  	v62 =	vadd.s32 $0x20, v54;
	v30 =	vshra.s32 v19, $0x3;
	v15 =	vadd.s32 $0x60, v6;
	[tilespmem:s21+$0x2000] =	vst v16  }
0x84: {  	v38 =	vadd.s32 $0x60, v57;
	v16 =	vadd.s32 $0x404, v18;
	[tilespmem:s21+$0x1D00] =	vst v15;
	v15 =	vadd.s32 $0x40804, v18  }
0x85: {  	s22 =	simm.s32 $0x0;
	s23 =	simm.s32 $0x80;
	v35 =	vshra.s32 v26, $0x3;
	[tilespmem:s21+$0x1710] =	vst v62;
	v27 =	vshra.s32 v16, $0x3;
	v20 =	vshra.s32 v15, $0x3  }
.LBB2_3:
0x86: {  	s24 =	sshra.s32 s23, $0x2;
	s22 =	sadd.s32 $0x2, s22;
	[tilespmem:s21+$0x1810] =	vst v45  }
0x87: {  	v21 =	vld [tilespmem:s24+$0x10];
	p0 =	slt.u32 s22, $0x6;
	[tilespmem:s21+$0x1510] =	vst v24  }
0x88: {  	v24 =	vld [tilespmem:s24+$0x0];
	[tilespmem:s21+$0x1910] =	vst v44  }
0x89: {  	v22 =	vld [tilespmem:s24+$0x110];
	[tilespmem:s21+$0x1B10] =	vst v42  }
0x8a: {  	v26 =	vld [tilespmem:s24+$0x100];
	[tilespmem:s21+$0x1F10] =	vst v43  }
0x8b: {  	v25 =	vld [tilespmem:s24+$0x200];
	[tilespmem:s21+$0x1C10] =	vst v41  }
0x8c: {  	v23 =	vld [tilespmem:s24+$0x210];
	v18 =	vtrunc.f32 v21;
	[tilespmem:s21+$0x2010] =	vst v40  }
0x8d: {  	v19 =	vtrunc.f32 v24;
	v18 =	vcvt.f32.s32 v18;
	[tilespmem:s21+$0x1D10] =	vst v39  }
0x8e: {  	v19 =	vcvt.f32.s32 v19;
	v39 =	vtrunc.f32 v22;
	[tilespmem:s21+$0x2110] =	vst v38  }
0x8f: {  	v38 =	vtrunc.f32 v26;
	v39 =	vcvt.f32.s32 v39;
	v40 =	vmul.u32 $0x101, v18;
	[tilespmem:s21+$0x2310] =	vst v37  }
0x90: {  	v37 =	vcvt.f32.s32 v38;
	v38 =	vtrunc.f32 v25;
	v41 =	vmul.u32 $0x101, v19;
	[tilespmem:s21+$0x2710] =	vst v33  }
0x91: {  	v38 =	vcvt.f32.s32 v38;
	v33 =	vtrunc.f32 v23;
	v40 =	vadd.s32 v39, v40;
	[tilespmem:s21+$0x2410] =	vst v32  }
0x92: {  	v41 =	vadd.s32 v37, v41;
	v42 =	vcvt.f32.s32 v33;
	v40 =	vmul.u32 $0x404, v40;
	[tilespmem:s21+$0x2810] =	vst v31  }
0x93: {  	v31 =	vcvt.s32.f32 v19;
	v32 =	vcvt.s32.f32 v37;
	v19 =	vmul.u32 $0x404, v41;
	[tilespmem:s21+$0x1200] =	vst v29  }
0x94: {  	v33 =	vcvt.s32.f32 v38;
	v29 =	vcvt.s32.f32 v18;
	v18 =	vadd.s32 v42, v40;
	[tilespmem:s21+$0x1A00] =	vst v36  }
0x95: {  	v19 =	vadd.s32 v38, v19;
	v36 =	vadd.s32 $0x40C0B, v18;
	v37 =	vadd.s32 $0x40C0C, v18;
	[tilespmem:s21+$0x2200] =	vst v35  }
0x96: {  	v35 =	vadd.s32 $0x40C0B, v19;
	v38 =	vadd.s32 $0x40C0C, v19;
	v37 =	vshra.s32 v37, $0x3;
	[tilespmem:s21+$0x1210] =	vst v27  }
0x97: {  	v27 =	vshra.s32 v35, $0x3;
	v38 =	vshra.s32 v38, $0x3;
	vm0 =	vlt.s32 v37, $0x81811F;
	[tilespmem:s21+$0x1A10] =	vst v20  }
0x98: {  	v35 =	vcvt.s32.f32 v39;
	v20 =	vshra.s32 v36, $0x3;
	v36 =	vnsel vm0, $0x81811F, v37;
	[tilespmem:s21+$0x2210] =	vst v34  }
0x99: {  	vm0 =	vlt.s32 v27, $0x81811F;
	v34 =	vcvt.s32.f32 v42;
	v36 =	vadd.s32 $0x60, v36;
	[tilespmem:s21+$0xA00] =	vst v30  }
0x9a: {  	vm1 =	vlt.s32 v38, $0x81811F;
	vm2 =	vlt.s32 v20, $0x81811F;
	v30 =	vadd.s32 $0x1, v19;
	[tilespmem:s24+$0x2910] =	vst v36  }
0x9b: {  	v39 =	vadd.s32 $0x4, v19;
	v37 =	vadd.s32 $0x3, v19;
	v36 =	vadd.s32 $0x2, v19;
	[tilespmem:s21+$0xA10] =	vst v28  }
0x9c: {  	v40 =	vadd.s32 $0x406, v19;
	v41 =	vadd.s32 $0x407, v19;
	v28 =	vadd.s32 $0x405, v19;
	[tilespmem:s21+$0x710] =	vst v16  }
0x9d: {  	v43 =	vadd.s32 $0x40806, v19;
	v42 =	vadd.s32 $0x40805, v19;
	v16 =	vadd.s32 $0x408, v19;
	[tilespmem:s21+$0x810] =	vst v15  }
0x9e: {  	v44 =	vadd.s32 $0x40808, v19;
	v45 =	vadd.s32 $0x40C09, v19;
	v15 =	vadd.s32 $0x40807, v19;
	[tilespmem:s21+$0x910] =	vst v17  }
0x9f: {  	v46 =	vadd.s32 $0x1, v18;
	v47 =	vadd.s32 $0x2, v18;
	v17 =	vadd.s32 $0x40C0A, v19;
	[tilespmem:s24+$0x600] =	vst v19  }
0xa0: {  	v48 =	vadd.s32 $0x3, v18;
	v49 =	vadd.s32 $0x4, v18;
	v50 =	vadd.s32 $0x405, v18;
	[tilespmem:s24+$0x610] =	vst v18  }
0xa1: {  	v51 =	vadd.s32 $0x406, v18;
	v52 =	vadd.s32 $0x407, v18;
	v53 =	vadd.s32 $0x408, v18;
	[tilespmem:s21+$0x300] =	vst v13  }
0xa2: {  	v54 =	vadd.s32 $0x40806, v18;
	v55 =	vadd.s32 $0x40807, v18;
	v13 =	vadd.s32 $0x40805, v18;
	[tilespmem:s21+$0x400] =	vst v10  }
0xa3: {  	v56 =	vadd.s32 $0x40C09, v18;
	v57 =	vadd.s32 $0x40C0A, v18;
	v10 =	vadd.s32 $0x40808, v18;
	[tilespmem:s21+$0x500] =	vst v14  }
0xa4: {  	v58 =	vnsel vm0, $0x81811F, v27;
	v38 =	vnsel vm1, $0x81811F, v38;
	v59 =	vnsel vm2, $0x81811F, v20;
	[tilespmem:s21+$0x310] =	vst v11  }
0xa5: {  	v37 =	vshra.s32 v37, $0x3;
	v30 =	vshra.s32 v30, $0x3;
	v36 =	vshra.s32 v36, $0x3;
	[tilespmem:s21+$0x410] =	vst v12  }
0xa6: {  	v40 =	vshra.s32 v40, $0x3;
	v39 =	vshra.s32 v39, $0x3;
	v28 =	vshra.s32 v28, $0x3;
	[tilespmem:s24+$0xE00] =	vst v30  }
0xa7: {  	v41 =	vshra.s32 v41, $0x3;
	v42 =	vshra.s32 v42, $0x3;
	v60 =	vshra.s32 v16, $0x3;
	[tilespmem:s24+$0x1600] =	vst v28  }
0xa8: {  	v43 =	vshra.s32 v43, $0x3;
	v44 =	vshra.s32 v44, $0x3;
	v61 =	vshra.s32 v15, $0x3;
	[tilespmem:s24+$0x1E00] =	vst v42  }
0xa9: {  	v46 =	vshra.s32 v46, $0x3;
	v45 =	vshra.s32 v45, $0x3;
	v62 =	vshra.s32 v17, $0x3;
	[tilespmem:s21+$0x510] =	vst v9;
	s21 =	smov.u32 s24  }
0xaa: {  	v47 =	vshra.s32 v47, $0x3;
	v48 =	vshra.s32 v48, $0x3;
	v49 =	vshra.s32 v49, $0x3;
	[tilespmem:s21+$0x2600] =	vst v45  }
0xab: {  	v50 =	vshra.s32 v50, $0x3;
	v51 =	vshra.s32 v51, $0x3;
	v52 =	vshra.s32 v52, $0x3;
	[tilespmem:s21+$0xE10] =	vst v46  }
0xac: {  	v53 =	vshra.s32 v53, $0x3;
	v54 =	vshra.s32 v54, $0x3;
	v63 =	vshra.s32 v13, $0x3;
	[tilespmem:s21+$0x1610] =	vst v50  }
0xad: {  	v55 =	vshra.s32 v55, $0x3;
	v56 =	vshra.s32 v56, $0x3;
	v0 =	vshra.s32 v10, $0x3;
	[tilespmem:s21+$0x1E10] =	vst v63  }
0xae: {  	v1 =	vadd.s32 $0x404, v19;
	v2 =	vadd.s32 $0x40804, v19;
	v57 =	vshra.s32 v57, $0x3;
	[tilespmem:s21+$0x2610] =	vst v56  }
0xaf: {  	v3 =	vadd.s32 $0x40C08, v19;
	v16 =	vadd.s32 $0x404, v18;
	v15 =	vadd.s32 $0x40804, v18;
	[tilespmem:s21+$0x700] =	vst v1  }
0xb0: {  	v17 =	vadd.s32 $0x40C08, v18;
	v13 =	vsub.f32 v24, v31;
	v10 =	vsub.f32 v26, v32;
	[tilespmem:s21+$0x800] =	vst v2  }
0xb1: {  	v14 =	vsub.f32 v25, v33;
	v11 =	vsub.f32 v21, v29;
	v9 =	vadd.s32 $0x60, v58;
	[tilespmem:s21+$0x900] =	vst v3  }
0xb2: {  	v21 =	vadd.s32 $0x60, v38;
	v12 =	vsub.f32 v22, v35;
	[tilespmem:s21+$0x2500] =	vst v9;
	v9 =	vsub.f32 v23, v34  }
0xb3: {  	v22 =	vadd.s32 $0x20, v30;
	v23 =	vadd.s32 $0x20, v36;
	[tilespmem:s21+$0x2900] =	vst v21;
	v21 =	vadd.s32 $0x60, v59  }
0xb4: {  	v24 =	vadd.s32 $0x40, v36;
	v25 =	vadd.s32 $0x40, v37;
	v26 =	vadd.s32 $0x60, v37;
	[tilespmem:s21+$0x2510] =	vst v21  }
0xb5: {  	v21 =	vadd.s32 $0x60, v39;
	[tilespmem:s21+$0xB00] =	vst v22;
	v22 =	vadd.s32 $0x20, v28;
	v28 =	vadd.s32 $0x20, v40  }
0xb6: {  	v29 =	vadd.s32 $0x40, v41;
	v30 =	vadd.s32 $0x60, v41;
	[tilespmem:s21+$0xF00] =	vst v23;
	v23 =	vadd.s32 $0x40, v40  }
0xb7: {  	v31 =	vadd.s32 $0x60, v60;
	v32 =	vadd.s32 $0x20, v42;
	v34 =	vadd.s32 $0x20, v43;
	[tilespmem:s21+$0xC00] =	vst v24  }
0xb8: {  	v58 =	vadd.s32 $0x40, v61;
	v59 =	vadd.s32 $0x60, v61;
	[tilespmem:s21+$0x1000] =	vst v25;
	v25 =	vadd.s32 $0x40, v43  }
0xb9: {  	v60 =	vadd.s32 $0x20, v45;
	v61 =	vadd.s32 $0x20, v62;
	[tilespmem:s21+$0xD00] =	vst v26;
	v26 =	vadd.s32 $0x60, v44  }
0xba: {  	v46 =	vadd.s32 $0x20, v46;
	[tilespmem:s21+$0x1100] =	vst v21;
	v21 =	vadd.s32 $0x40, v62;
	v62 =	vadd.s32 $0x40, v27  }
0xbb: {  	v4 =	vadd.s32 $0x40, v48;
	[tilespmem:s21+$0x1300] =	vst v22;
	v22 =	vadd.s32 $0x20, v47;
	v47 =	vadd.s32 $0x40, v47  }
0xbc: {  	v48 =	vadd.s32 $0x60, v48;
	v49 =	vadd.s32 $0x60, v49;
	v50 =	vadd.s32 $0x20, v50;
	[tilespmem:s21+$0x1700] =	vst v28  }
0xbd: {  	v45 =	vadd.s32 $0x40, v52;
	[tilespmem:s21+$0x1400] =	vst v23;
	v23 =	vadd.s32 $0x20, v51;
	v51 =	vadd.s32 $0x40, v51  }
0xbe: {  	v42 =	vadd.s32 $0x20, v63;
	v24 =	vadd.s32 $0x60, v52;
	v44 =	vadd.s32 $0x60, v53;
	[tilespmem:s21+$0x1800] =	vst v29  }
0xbf: {  	v41 =	vadd.s32 $0x40, v54;
	v40 =	vadd.s32 $0x40, v55;
	v43 =	vadd.s32 $0x20, v54;
	[tilespmem:s21+$0x1500] =	vst v30  }
0xc0: {  	v37 =	vadd.s32 $0x20, v56;
	v38 =	vadd.s32 $0x60, v0;
	v39 =	vadd.s32 $0x60, v55;
	[tilespmem:s21+$0x1900] =	vst v31  }
0xc1: {  	v33 =	vadd.s32 $0x20, v57;
	v31 =	vadd.s32 $0x40, v20;
	[tilespmem:s21+$0x1B00] =	vst v32;
	v32 =	vadd.s32 $0x40, v57  }
0xc2: {  	v35 =	vshra.s32 v3, $0x3;
	v36 =	vshra.s32 v2, $0x3;
	v29 =	vshra.s32 v1, $0x3;
	[tilespmem:s21+$0x1F00] =	vst v34  }
0xc3: {  	v27 =	vshra.s32 v16, $0x3;
	v20 =	vshra.s32 v15, $0x3;
	v34 =	vshra.s32 v17, $0x3;
	[tilespmem:s21+$0x1C00] =	vst v25  }
0xc4: {  	v28 =	vshra.s32 v18, $0x3;
	v30 =	vshra.s32 v19, $0x3;
	[tilespmem:s21+$0x2000] =	vst v58  }
0xc5: {  	[tilespmem:s21+$0x1D00] =	vst v59  }
0xc6: {  	[tilespmem:s21+$0x2100] =	vst v26  }
0xc7: {  	[tilespmem:s21+$0x2300] =	vst v60  }
0xc8: {  	[tilespmem:s21+$0x2700] =	vst v61  }
0xc9: {  	[tilespmem:s21+$0x2400] =	vst v21  }
0xca: {  	[tilespmem:s21+$0x2800] =	vst v62  }
0xcb: {  	[tilespmem:s21+$0xB10] =	vst v46  }
0xcc: {  	[tilespmem:s21+$0xF10] =	vst v22  }
0xcd: {  	[tilespmem:s21+$0xC10] =	vst v47  }
0xce: {  	[tilespmem:s21+$0x1010] =	vst v4  }
.Ltmp0:
0xcf: {  	[tilespmem:s21+$0xD10] =	vst v48;
	(pc) =	sbr.rel @p0 .LBB2_3-.Ltmp0, $4  }
0xd0: {  	[tilespmem:s21+$0x1110] =	vst v49  }
0xd1: {  	[tilespmem:s21+$0x1310] =	vst v50  }
0xd2: {  	[tilespmem:s21+$0x1710] =	vst v23  }
0xd3: {  	s23 =	sadd.s32 $0x80, s23;
	[tilespmem:s21+$0x1410] =	vst v51  }
0xd4: {  	[tilespmem:s21+$0x1810] =	vst v45  }
0xd5: {  	[tilespmem:s21+$0x1510] =	vst v24  }
0xd6: {  	[tilespmem:s21+$0x1910] =	vst v44  }
0xd7: {  	[tilespmem:s21+$0x1B10] =	vst v42  }
0xd8: {  	[tilespmem:s21+$0x1F10] =	vst v43  }
0xd9: {  	[tilespmem:s21+$0x1C10] =	vst v41  }
0xda: {  	[tilespmem:s21+$0x2010] =	vst v40  }
0xdb: {  	[tilespmem:s21+$0x1D10] =	vst v39  }
0xdc: {  	[tilespmem:s21+$0x2110] =	vst v38  }
0xdd: {  	[tilespmem:s21+$0x2310] =	vst v37  }
0xde: {  	[tilespmem:s21+$0x2710] =	vst v33  }
0xdf: {  	[tilespmem:s21+$0x2410] =	vst v32  }
0xe0: {  	[tilespmem:s21+$0x2810] =	vst v31  }
0xe1: {  	[tilespmem:s21+$0x1200] =	vst v29  }
0xe2: {  	[tilespmem:s21+$0x1A00] =	vst v36  }
0xe3: {  	[tilespmem:s21+$0x2200] =	vst v35  }
0xe4: {  	[tilespmem:s21+$0x1210] =	vst v27  }
0xe5: {  	[tilespmem:s21+$0x1A10] =	vst v20  }
0xe6: {  	[tilespmem:s21+$0x2210] =	vst v34  }
0xe7: {  	[tilespmem:s21+$0xA00] =	vst v30  }
0xe8: {  	[tilespmem:s21+$0xA10] =	vst v28  }
0xe9: {  	[tilespmem:s21+$0x710] =	vst v16  }
0xea: {  	[tilespmem:s21+$0x810] =	vst v15  }
0xeb: {  	[tilespmem:s21+$0x910] =	vst v17  }
0xec: {  	[tilespmem:s21+$0x300] =	vst v13  }
0xed: {  	[tilespmem:s21+$0x400] =	vst v10  }
0xee: {  	[tilespmem:s21+$0x500] =	vst v14  }
0xef: {  	[tilespmem:s21+$0x310] =	vst v11  }
0xf0: {  	[tilespmem:s21+$0x410] =	vst v12  }
0xf1: {  	[tilespmem:s21+$0x510] =	vst v9;
	s24 =	simm.s32 $0xA00  }
0xf2: {  	[tilespmem:s17], [sflag:$0x1] =	stream.indirect.gather [hbm4b:s7+s15], $0x8, s24, s15, $0xb8;
	[tilespmem:$0x12E10] =	vst v63  }
0xf3: {  	s25 =	simm.s32 $0xB00;
	s22 =	simm.s32 $0x3200  }
0xf4: {  	[tilespmem:s22], [sflag:$0x1] =	stream.indirect.gather [hbm4b:s7+s15], $0x8, s25, s15, $0xb8;
	[tilespmem:$0x12E10] =	vst v63  }
0xf5: {  	s23 =	simm.s32 $0x3A00;
	s22 =	simm.s32 $0xC00  }
0xf6: {  	[tilespmem:s23], [sflag:$0x1] =	stream.indirect.gather [hbm4b:s7+s15], $0x8, s22, s15, $0xb8;
	[tilespmem:$0x12E10] =	vst v63  }
0xf7: {  	s24 =	simm.s32 $0xD00;
	s25 =	simm.s32 $0x4200  }
0xf8: {  	[tilespmem:s25], [sflag:$0x1] =	stream.indirect.gather [hbm4b:s7+s15], $0x8, s24, s15, $0xb8;
	[tilespmem:$0x12E10] =	vst v63  }
0xf9: {  	s22 =	simm.s32 $0xE00;
	s23 =	simm.s32 $0x4A00  }
0xfa: {  	[tilespmem:s23], [sflag:$0x1] =	stream.indirect.gather [hbm4b:s7+s15], $0x8, s22, s15, $0xb8;
	[tilespmem:$0x12E10] =	vst v63  }
0xfb: {  	s24 =	simm.s32 $0xF00;
	s25 =	simm.s32 $0x5200  }
0xfc: {  	[tilespmem:s25], [sflag:$0x1] =	stream.indirect.gather [hbm4b:s7+s15], $0x8, s24, s15, $0xb8;
	[tilespmem:$0x12E10] =	vst v63  }
0xfd: {  	s22 =	simm.s32 $0x1000;
	s23 =	simm.s32 $0x5A00  }
0xfe: {  	[tilespmem:s23], [sflag:$0x1] =	stream.indirect.gather [hbm4b:s7+s15], $0x8, s22, s15, $0xb8;
	[tilespmem:$0x12E10] =	vst v63  }
0xff: {  	s24 =	simm.s32 $0x1100;
	s25 =	simm.s32 $0x6200  }
0x100: {  	[tilespmem:s25], [sflag:$0x1] =	stream.indirect.gather [hbm4b:s7+s15], $0x8, s24, s15, $0xb8;
	[tilespmem:$0x12E10] =	vst v63  }
0x101: {  	s22 =	simm.s32 $0x1200;
	s23 =	simm.s32 $0x6A00  }
0x102: {  	[tilespmem:s23], [sflag:$0x1] =	stream.indirect.gather [hbm4b:s7+s15], $0x8, s22, s15, $0xb8;
	[tilespmem:$0x12E10] =	vst v63  }
0x103: {  	s24 =	simm.s32 $0x1300;
	s25 =	simm.s32 $0x7200  }
0x104: {  	[tilespmem:s25], [sflag:$0x1] =	stream.indirect.gather [hbm4b:s7+s15], $0x8, s24, s15, $0xb8;
	[tilespmem:$0x12E10] =	vst v63  }
0x105: {  	s22 =	simm.s32 $0x1400;
	s23 =	simm.s32 $0x7A00  }
0x106: {  	[tilespmem:s23], [sflag:$0x1] =	stream.indirect.gather [hbm4b:s7+s15], $0x8, s22, s15, $0xb8;
	[tilespmem:$0x12E10] =	vst v63  }
0x107: {  	s24 =	simm.s32 $0x1500;
	s25 =	simm.s32 $0x8200  }
0x108: {  	[tilespmem:s25], [sflag:$0x1] =	stream.indirect.gather [hbm4b:s7+s15], $0x8, s24, s15, $0xb8;
	[tilespmem:$0x12E10] =	vst v63  }
0x109: {  	s22 =	simm.s32 $0x1600;
	s23 =	simm.s32 $0x8A00  }
0x10a: {  	[tilespmem:s23], [sflag:$0x1] =	stream.indirect.gather [hbm4b:s7+s15], $0x8, s22, s15, $0xb8;
	[tilespmem:$0x12E10] =	vst v63  }
0x10b: {  	s24 =	simm.s32 $0x1700;
	s25 =	simm.s32 $0x9200  }
0x10c: {  	[tilespmem:s25], [sflag:$0x1] =	stream.indirect.gather [hbm4b:s7+s15], $0x8, s24, s15, $0xb8;
	[tilespmem:$0x12E10] =	vst v63  }
0x10d: {  	s22 =	simm.s32 $0x1800;
	s23 =	simm.s32 $0x9A00  }
0x10e: {  	[tilespmem:s23], [sflag:$0x1] =	stream.indirect.gather [hbm4b:s7+s15], $0x8, s22, s15, $0xb8;
	[tilespmem:$0x12E10] =	vst v63  }
0x10f: {  	s24 =	simm.s32 $0x1900;
	s25 =	simm.s32 $0xA200  }
0x110: {  	[tilespmem:s25], [sflag:$0x1] =	stream.indirect.gather [hbm4b:s7+s15], $0x8, s24, s15, $0xb8;
	[tilespmem:$0x12E10] =	vst v63  }
0x111: {  	s22 =	simm.s32 $0x1A00;
	s23 =	simm.s32 $0xAA00  }
0x112: {  	[tilespmem:s23], [sflag:$0x1] =	stream.indirect.gather [hbm4b:s7+s15], $0x8, s22, s15, $0xb8;
	[tilespmem:$0x12E10] =	vst v63  }
0x113: {  	s24 =	simm.s32 $0x1B00;
	s25 =	simm.s32 $0xB200  }
0x114: {  	[tilespmem:s25], [sflag:$0x1] =	stream.indirect.gather [hbm4b:s7+s15], $0x8, s24, s15, $0xb8;
	[tilespmem:$0x12E10] =	vst v63  }
0x115: {  	s22 =	simm.s32 $0x1C00;
	s23 =	simm.s32 $0xBA00  }
0x116: {  	[tilespmem:s23], [sflag:$0x1] =	stream.indirect.gather [hbm4b:s7+s15], $0x8, s22, s15, $0xb8;
	[tilespmem:$0x12E10] =	vst v63  }
0x117: {  	s24 =	simm.s32 $0x1D00;
	s25 =	simm.s32 $0xC200  }
0x118: {  	[tilespmem:s25], [sflag:$0x1] =	stream.indirect.gather [hbm4b:s7+s15], $0x8, s24, s15, $0xb8;
	[tilespmem:$0x12E10] =	vst v63  }
0x119: {  	s22 =	simm.s32 $0x1E00;
	s23 =	simm.s32 $0xCA00  }
0x11a: {  	[tilespmem:s23], [sflag:$0x1] =	stream.indirect.gather [hbm4b:s7+s15], $0x8, s22, s15, $0xb8;
	[tilespmem:$0x12E10] =	vst v63  }
0x11b: {  	s24 =	simm.s32 $0x1F00;
	s25 =	simm.s32 $0xD200  }
0x11c: {  	[tilespmem:s25], [sflag:$0x1] =	stream.indirect.gather [hbm4b:s7+s15], $0x8, s24, s15, $0xb8;
	[tilespmem:$0x12E10] =	vst v63  }
0x11d: {  	s22 =	simm.s32 $0x2000;
	s23 =	simm.s32 $0xDA00  }
0x11e: {  	[tilespmem:s23], [sflag:$0x1] =	stream.indirect.gather [hbm4b:s7+s15], $0x8, s22, s15, $0xb8;
	[tilespmem:$0x12E10] =	vst v63  }
0x11f: {  	s24 =	simm.s32 $0x2100;
	s25 =	simm.s32 $0xE200  }
0x120: {  	[tilespmem:s25], [sflag:$0x1] =	stream.indirect.gather [hbm4b:s7+s15], $0x8, s24, s15, $0xb8;
	[tilespmem:$0x12E10] =	vst v63  }
0x121: {  	s22 =	simm.s32 $0x2200;
	s23 =	simm.s32 $0xEA00  }
0x122: {  	[tilespmem:s23], [sflag:$0x1] =	stream.indirect.gather [hbm4b:s7+s15], $0x8, s22, s15, $0xb8;
	[tilespmem:$0x12E10] =	vst v63  }
0x123: {  	s24 =	simm.s32 $0x2300;
	s25 =	simm.s32 $0xF200  }
0x124: {  	[tilespmem:s25], [sflag:$0x1] =	stream.indirect.gather [hbm4b:s7+s15], $0x8, s24, s15, $0xb8;
	[tilespmem:$0x12E10] =	vst v63  }
0x125: {  	s22 =	simm.s32 $0x2400;
	s23 =	simm.s32 $0xFA00  }
0x126: {  	[tilespmem:s23], [sflag:$0x1] =	stream.indirect.gather [hbm4b:s7+s15], $0x8, s22, s15, $0xb8;
	[tilespmem:$0x12E10] =	vst v63  }
0x127: {  	s24 =	simm.s32 $0x2500;
	s25 =	simm.s32 $0x10200  }
0x128: {  	[tilespmem:s25], [sflag:$0x1] =	stream.indirect.gather [hbm4b:s7+s15], $0x8, s24, s15, $0xb8;
	[tilespmem:$0x12E10] =	vst v63  }
0x129: {  	s22 =	simm.s32 $0x2600;
	s23 =	simm.s32 $0x10A00  }
0x12a: {  	[tilespmem:s23], [sflag:$0x1] =	stream.indirect.gather [hbm4b:s7+s15], $0x8, s22, s15, $0xb8;
	[tilespmem:$0x12E10] =	vst v63  }
0x12b: {  	s24 =	simm.s32 $0x2700;
	s25 =	simm.s32 $0x11200  }
0x12c: {  	[tilespmem:s25], [sflag:$0x1] =	stream.indirect.gather [hbm4b:s7+s15], $0x8, s24, s15, $0xb8;
	[tilespmem:$0x12E10] =	vst v63  }
0x12d: {  	s22 =	simm.s32 $0x2800;
	s23 =	simm.s32 $0x11A00  }
0x12e: {  	[tilespmem:s23], [sflag:$0x1] =	stream.indirect.gather [hbm4b:s7+s15], $0x8, s22, s15, $0xb8;
	[tilespmem:$0x12E10] =	vst v63  }
0x12f: {  	s21 =	simm.s32 $0x0;
	s24 =	simm.s32 $0x2900;
	s25 =	simm.s32 $0x12200  }
0x130: {  	[tilespmem:s25], [sflag:$0x1] =	stream.indirect.gather [hbm4b:s7+s15], $0x8, s24, s15, $0xb8;
	[tilespmem:$0x12E10] =	vst v63  }
0x131: {  	v10 =	vld [tilespmem:s21+$0x80]  }
0x132: {  	v11 =	vld [tilespmem:s21+$0x90]  }
0x133: {  	v12 =	vld [tilespmem:s21+$0x180]  }
0x134: {  	v9 =	vld [tilespmem:s21+$0x190]  }
0x135: {  	v14 =	vld [tilespmem:s21+$0x280]  }
0x136: {  	v4 =	vtrunc.f32 v10  }
0x137: {  	v20 =	vld [tilespmem:s21+$0x290];
	v0 =	vtrunc.f32 v11;
	v4 =	vcvt.f32.s32 v4  }
0x138: {  	v13 =	vtrunc.f32 v12;
	v0 =	vcvt.f32.s32 v0  }
0x139: {  	v1 =	vtrunc.f32 v9;
	v39 =	vcvt.f32.s32 v13;
	v13 =	vmul.u32 $0x101, v4  }
0x13a: {  	v16 =	vtrunc.f32 v14;
	v1 =	vcvt.f32.s32 v1;
	v2 =	vmul.u32 $0x101, v0  }
0x13b: {  	v16 =	vcvt.f32.s32 v16;
	v13 =	vadd.s32 v39, v13  }
0x13c: {  	v3 =	vtrunc.f32 v20;
	v2 =	vadd.s32 v1, v2;
	v13 =	vmul.u32 $0x404, v13  }
0x13d: {  	v3 =	vcvt.f32.s32 v3;
	v24 =	vcvt.s32.f32 v16;
	v2 =	vmul.u32 $0x404, v2  }
0x13e: {  	v17 =	vcvt.s32.f32 v39;
	v27 =	vcvt.s32.f32 v0;
	v19 =	vadd.s32 v16, v13  }
0x13f: {  	v1 =	vcvt.s32.f32 v1;
	v14 =	vsub.f32 v14, v24;
	v18 =	vadd.s32 v3, v2;
	[tilespmem:s21+$0x680] =	vst v19  }
0x140: {  	v11 =	vsub.f32 v11, v27;
	v13 =	vcvt.s32.f32 v4;
	[tilespmem:s21+$0x690] =	vst v18;
	v25 =	vadd.s32 $0x40804, v19  }
0x141: {  	v3 =	vcvt.s32.f32 v3;
	v40 =	vadd.s32 $0x1, v19;
	v26 =	vadd.s32 $0x40C08, v19;
	[tilespmem:s21+$0x880] =	vst v25  }
0x142: {  	v15 =	vadd.s32 $0x40C0C, v18;
	v41 =	vadd.s32 $0x405, v19;
	v2 =	vshra.s32 v40, $0x3;
	[tilespmem:s21+$0x980] =	vst v26  }
0x143: {  	v42 =	vadd.s32 $0x40805, v19;
	v16 =	vadd.s32 $0x40C09, v19;
	v4 =	vshra.s32 v41, $0x3;
	[tilespmem:s21+$0xE80] =	vst v2  }
0x144: {  	v21 =	vadd.s32 $0x40C0B, v19;
	v22 =	vadd.s32 $0x1, v18;
	v0 =	vshra.s32 v42, $0x3;
	[tilespmem:s21+$0x1680] =	vst v4  }
0x145: {  	v23 =	vadd.s32 $0x405, v18;
	v44 =	vadd.s32 $0x3, v19;
	v30 =	vshra.s32 v16, $0x3;
	[tilespmem:s21+$0x1E80] =	vst v0  }
0x146: {  	v45 =	vadd.s32 $0x4, v19;
	v47 =	vadd.s32 $0x406, v19;
	v31 =	vshra.s32 v22, $0x3;
	[tilespmem:s21+$0x2680] =	vst v30  }
0x147: {  	v32 =	vshra.s32 v21, $0x3;
	v21 =	vadd.s32 $0x40805, v18;
	v29 =	vshra.s32 v23, $0x3;
	[tilespmem:s21+$0xE90] =	vst v31  }
0x148: {  	v48 =	vadd.s32 $0x407, v19;
	v22 =	vadd.s32 $0x40C09, v18;
	[tilespmem:s21+$0x1690] =	vst v29;
	v28 =	vshra.s32 v21, $0x3  }
0x149: {  	v49 =	vadd.s32 $0x408, v19;
	v38 =	vadd.s32 $0x40807, v19;
	v23 =	vshra.s32 v22, $0x3;
	[tilespmem:s21+$0x1E90] =	vst v28  }
0x14a: {  	v51 =	vadd.s32 $0x40808, v19;
	v52 =	vadd.s32 $0x40C0A, v19;
	v22 =	vadd.s32 $0x404, v19;
	[tilespmem:s21+$0x2690] =	vst v23  }
0x14b: {  	v53 =	vadd.s32 $0x2, v18;
	v34 =	vshra.s32 v44, $0x3;
	v2 =	vadd.s32 $0x20, v2;
	[tilespmem:s21+$0x780] =	vst v22  }
0x14c: {  	v55 =	vadd.s32 $0x4, v18;
	v56 =	vadd.s32 $0x406, v18;
	v54 =	vadd.s32 $0x40, v34;
	[tilespmem:s21+$0xB80] =	vst v2  }
0x14d: {  	v57 =	vadd.s32 $0x407, v18;
	v35 =	vshra.s32 v45, $0x3;
	v34 =	vadd.s32 $0x60, v34;
	[tilespmem:s21+$0x1080] =	vst v54  }
0x14e: {  	v58 =	vadd.s32 $0x408, v18;
	v59 =	vadd.s32 $0x40806, v18;
	v35 =	vadd.s32 $0x60, v35;
	[tilespmem:s21+$0xD80] =	vst v34  }
0x14f: {  	v61 =	vadd.s32 $0x40807, v18;
	v37 =	vshra.s32 v48, $0x3;
	v4 =	vadd.s32 $0x20, v4;
	[tilespmem:s21+$0x1180] =	vst v35  }
0x150: {  	v15 =	vshra.s32 v15, $0x3;
	v48 =	vshra.s32 v49, $0x3;
	v49 =	vadd.s32 $0x60, v37;
	[tilespmem:s21+$0x1380] =	vst v4  }
0x151: {  	vm0 =	vlt.s32 v15, $0x81811F;
	vm15 =	vlt.s32 v32, $0x81811F;
	v0 =	vadd.s32 $0x20, v0;
	[tilespmem:s21+$0x1580] =	vst v49  }
0x152: {  	v30 =	vadd.s32 $0x20, v30;
	v15 =	vnsel vm0, $0x81811F, v15;
	v54 =	vshra.s32 v55, $0x3;
	[tilespmem:s21+$0x1B80] =	vst v0  }
0x153: {  	v55 =	vshra.s32 v56, $0x3;
	v56 =	vshra.s32 v59, $0x3;
	[tilespmem:s21+$0x2380] =	vst v30;
	v59 =	vadd.s32 $0x40, v32  }
0x154: {  	v62 =	vadd.s32 $0x40808, v18;
	v43 =	vnsel vm15, $0x81811F, v32;
	v15 =	vadd.s32 $0x60, v15;
	[tilespmem:s21+$0x2880] =	vst v59  }
0x155: {  	v63 =	vadd.s32 $0x40C0A, v18;
	v2 =	vshra.s32 v51, $0x3;
	v33 =	vadd.s32 $0x60, v43;
	[tilespmem:s21+$0x2990] =	vst v15  }
0x156: {  	v16 =	vadd.s32 $0x40C0C, v19;
	v51 =	vshra.s32 v52, $0x3;
	v2 =	vadd.s32 $0x60, v2;
	[tilespmem:s21+$0x2580] =	vst v33  }
0x157: {  	v13 =	vsub.f32 v10, v13;
	v35 =	vshra.s32 v58, $0x3;
	v58 =	vadd.s32 $0x20, v51;
	[tilespmem:s21+$0x2180] =	vst v2  }
0x158: {  	v10 =	vsub.f32 v12, v17;
	v52 =	vshra.s32 v53, $0x3;
	v24 =	vadd.s32 $0x40, v51;
	[tilespmem:s21+$0x2780] =	vst v58  }
0x159: {  	v12 =	vsub.f32 v9, v1;
	v4 =	vshra.s32 v61, $0x3;
	v61 =	vadd.s32 $0x20, v52;
	[tilespmem:s21+$0x2480] =	vst v24  }
0x15a: {  	v9 =	vsub.f32 v20, v3;
	v16 =	vshra.s32 v16, $0x3;
	v20 =	vadd.s32 $0x40, v52;
	[tilespmem:s21+$0xF90] =	vst v61  }
0x15b: {  	v17 =	vadd.s32 $0x40C08, v18;
	vm1 =	vlt.s32 v16, $0x81811F;
	v30 =	vadd.s32 $0x60, v54;
	[tilespmem:s21+$0xC90] =	vst v20  }
0x15c: {  	v36 =	vshra.s32 v25, $0x3;
	v16 =	vnsel vm1, $0x81811F, v16;
	v0 =	vadd.s32 $0x40, v55;
	[tilespmem:s21+$0x1190] =	vst v30  }
0x15d: {  	v34 =	vshra.s32 v57, $0x3;
	v57 =	vshra.s32 v62, $0x3;
	v16 =	vadd.s32 $0x60, v16;
	[tilespmem:s21+$0x1490] =	vst v0  }
0x15e: {  	v33 =	vshra.s32 v47, $0x3;
	v47 =	vshra.s32 v63, $0x3;
	v63 =	vadd.s32 $0x20, v29;
	[tilespmem:s21+$0x2980] =	vst v16  }
0x15f: {  	v42 =	vadd.s32 $0x20, v28;
	v28 =	vshra.s32 v18, $0x3;
	v60 =	vadd.s32 $0x20, v33;
	[tilespmem:s21+$0x1390] =	vst v63  }
0x160: {  	v45 =	vadd.s32 $0x40, v34;
	v44 =	vadd.s32 $0x60, v35;
	v33 =	vadd.s32 $0x40, v33;
	[tilespmem:s21+$0x1780] =	vst v60  }
0x161: {  	v43 =	vadd.s32 $0x20, v56;
	v15 =	vadd.s32 $0x40C0B, v18;
	[tilespmem:s21+$0x1480] =	vst v33;
	v33 =	vadd.s32 $0x60, v48  }
0x162: {  	v21 =	vshra.s32 v15, $0x3;
	v15 =	vadd.s32 $0x2, v19;
	v60 =	vadd.s32 $0x20, v31;
	[tilespmem:s21+$0x1980] =	vst v33  }
0x163: {  	v41 =	vadd.s32 $0x40, v56;
	v15 =	vshra.s32 v15, $0x3;
	v48 =	vadd.s32 $0x20, v55;
	[tilespmem:s21+$0xB90] =	vst v60  }
0x164: {  	v40 =	vadd.s32 $0x40, v4;
	vm2 =	vlt.s32 v21, $0x81811F;
	v50 =	vadd.s32 $0x20, v15;
	[tilespmem:s21+$0x1790] =	vst v48  }
0x165: {  	v39 =	vadd.s32 $0x60, v4;
	v46 =	vnsel vm2, $0x81811F, v21;
	v15 =	vadd.s32 $0x40, v15;
	[tilespmem:s21+$0xF80] =	vst v50  }
0x166: {  	v35 =	vshra.s32 v26, $0x3;
	v24 =	vadd.s32 $0x60, v34;
	v16 =	vadd.s32 $0x60, v46;
	[tilespmem:s21+$0xC80] =	vst v15  }
0x167: {  	v15 =	vadd.s32 $0x3, v18;
	v46 =	vadd.s32 $0x40, v37;
	v50 =	vshra.s32 v38, $0x3;
	[tilespmem:s21+$0x2590] =	vst v16  }
0x168: {  	v16 =	vadd.s32 $0x40806, v19;
	[tilespmem:s21+$0x1880] =	vst v46;
	v53 =	vshra.s32 v15, $0x3;
	v37 =	vadd.s32 $0x60, v50  }
0x169: {  	v29 =	vshra.s32 v22, $0x3;
	v16 =	vshra.s32 v16, $0x3;
	[tilespmem:s21+$0x1D80] =	vst v37;
	v62 =	vadd.s32 $0x40, v53  }
0x16a: {  	v34 =	vshra.s32 v17, $0x3;
	v30 =	vshra.s32 v19, $0x3;
	v15 =	vadd.s32 $0x20, v16;
	[tilespmem:s21+$0x1090] =	vst v62  }
0x16b: {  	v32 =	vadd.s32 $0x40, v47;
	v31 =	vadd.s32 $0x40, v21;
	v16 =	vadd.s32 $0x40, v16;
	[tilespmem:s21+$0x1F80] =	vst v15  }
0x16c: {  	v33 =	vadd.s32 $0x20, v47;
	v38 =	vadd.s32 $0x60, v57;
	v15 =	vadd.s32 $0x40, v50;
	[tilespmem:s21+$0x1C80] =	vst v16  }
0x16d: {  	v27 =	vadd.s32 $0x60, v53;
	v16 =	vadd.s32 $0x404, v18;
	[tilespmem:s21+$0x2080] =	vst v15;
	v15 =	vadd.s32 $0x40804, v18  }
0x16e: {  	s22 =	simm.s32 $0x8;
	s23 =	simm.s32 $0x80;
	v37 =	vadd.s32 $0x20, v23;
	[tilespmem:s21+$0xD90] =	vst v27;
	v27 =	vshra.s32 v16, $0x3;
	v20 =	vshra.s32 v15, $0x3  }
.LBB2_5:
0x16f: {  	s24 =	sshra.s32 s23, $0x2;
	s22 =	sadd.s32 $0x2, s22;
	[tilespmem:s21+$0x1890] =	vst v45  }
0x170: {  	v21 =	vld [tilespmem:s24+$0x90];
	p0 =	slt.u32 s22, $0xE;
	[tilespmem:s21+$0x1590] =	vst v24  }
0x171: {  	v24 =	vld [tilespmem:s24+$0x80];
	[tilespmem:s21+$0x1990] =	vst v44  }
0x172: {  	v22 =	vld [tilespmem:s24+$0x190];
	[tilespmem:s21+$0x1B90] =	vst v42  }
0x173: {  	v26 =	vld [tilespmem:s24+$0x180];
	[tilespmem:s21+$0x1F90] =	vst v43  }
0x174: {  	v25 =	vld [tilespmem:s24+$0x280];
	[tilespmem:s21+$0x1C90] =	vst v41  }
0x175: {  	v23 =	vld [tilespmem:s24+$0x290];
	v0 =	vtrunc.f32 v21;
	[tilespmem:s21+$0x2090] =	vst v40  }
0x176: {  	v1 =	vtrunc.f32 v24;
	v0 =	vcvt.f32.s32 v0;
	[tilespmem:s21+$0x1D90] =	vst v39  }
0x177: {  	v1 =	vcvt.f32.s32 v1;
	v2 =	vtrunc.f32 v22;
	[tilespmem:s21+$0x2190] =	vst v38  }
0x178: {  	v3 =	vtrunc.f32 v26;
	v2 =	vcvt.f32.s32 v2;
	v4 =	vmul.u32 $0x101, v0;
	[tilespmem:s21+$0x2390] =	vst v37  }
0x179: {  	v3 =	vcvt.f32.s32 v3;
	v18 =	vtrunc.f32 v25;
	v19 =	vmul.u32 $0x101, v1;
	[tilespmem:s21+$0x2790] =	vst v33  }
0x17a: {  	v37 =	vcvt.f32.s32 v18;
	v18 =	vtrunc.f32 v23;
	v4 =	vadd.s32 v2, v4;
	[tilespmem:s21+$0x2490] =	vst v32  }
0x17b: {  	v19 =	vadd.s32 v3, v19;
	v38 =	vcvt.f32.s32 v18;
	v4 =	vmul.u32 $0x404, v4;
	[tilespmem:s21+$0x2890] =	vst v31  }
0x17c: {  	v31 =	vcvt.s32.f32 v1;
	v32 =	vcvt.s32.f32 v3;
	v1 =	vmul.u32 $0x404, v19;
	[tilespmem:s21+$0x1280] =	vst v29  }
0x17d: {  	v33 =	vcvt.s32.f32 v37;
	v29 =	vcvt.s32.f32 v0;
	v18 =	vadd.s32 v38, v4;
	[tilespmem:s21+$0x1A80] =	vst v36  }
0x17e: {  	v19 =	vadd.s32 v37, v1;
	v0 =	vadd.s32 $0x40C0B, v18;
	v1 =	vadd.s32 $0x40C0C, v18;
	[tilespmem:s21+$0x2280] =	vst v35  }
0x17f: {  	v3 =	vadd.s32 $0x40C0B, v19;
	v4 =	vadd.s32 $0x40C0C, v19;
	v1 =	vshra.s32 v1, $0x3;
	[tilespmem:s21+$0x1290] =	vst v27  }
0x180: {  	v27 =	vshra.s32 v3, $0x3;
	v3 =	vshra.s32 v4, $0x3;
	vm0 =	vlt.s32 v1, $0x81811F;
	[tilespmem:s21+$0x1A90] =	vst v20  }
0x181: {  	v35 =	vcvt.s32.f32 v2;
	v20 =	vshra.s32 v0, $0x3;
	v0 =	vnsel vm0, $0x81811F, v1;
	[tilespmem:s21+$0x2290] =	vst v34  }
0x182: {  	vm0 =	vlt.s32 v27, $0x81811F;
	v1 =	vcvt.s32.f32 v38;
	v0 =	vadd.s32 $0x60, v0;
	[tilespmem:s21+$0xA80] =	vst v30  }
0x183: {  	v2 =	vadd.s32 $0x1, v19;
	vm1 =	vlt.s32 v3, $0x81811F;
	vm2 =	vlt.s32 v20, $0x81811F;
	[tilespmem:s24+$0x2990] =	vst v0  }
0x184: {  	v4 =	vadd.s32 $0x3, v19;
	v30 =	vadd.s32 $0x4, v19;
	v0 =	vadd.s32 $0x2, v19;
	[tilespmem:s21+$0xA90] =	vst v28  }
0x185: {  	v36 =	vadd.s32 $0x407, v19;
	v34 =	vadd.s32 $0x406, v19;
	v28 =	vadd.s32 $0x405, v19;
	[tilespmem:s21+$0x790] =	vst v16  }
0x186: {  	v37 =	vadd.s32 $0x40805, v19;
	v38 =	vadd.s32 $0x40806, v19;
	v16 =	vadd.s32 $0x408, v19;
	[tilespmem:s21+$0x890] =	vst v15  }
0x187: {  	v39 =	vadd.s32 $0x40808, v19;
	v40 =	vadd.s32 $0x40C09, v19;
	v15 =	vadd.s32 $0x40807, v19;
	[tilespmem:s21+$0x990] =	vst v17  }
0x188: {  	v41 =	vadd.s32 $0x1, v18;
	v42 =	vadd.s32 $0x2, v18;
	v17 =	vadd.s32 $0x40C0A, v19;
	[tilespmem:s24+$0x680] =	vst v19  }
0x189: {  	v43 =	vadd.s32 $0x3, v18;
	v44 =	vadd.s32 $0x4, v18;
	v45 =	vadd.s32 $0x405, v18;
	[tilespmem:s24+$0x690] =	vst v18  }
0x18a: {  	v46 =	vadd.s32 $0x406, v18;
	v47 =	vadd.s32 $0x407, v18;
	v48 =	vadd.s32 $0x408, v18;
	[tilespmem:s21+$0x380] =	vst v13  }
0x18b: {  	v49 =	vadd.s32 $0x40806, v18;
	v50 =	vadd.s32 $0x40807, v18;
	v13 =	vadd.s32 $0x40805, v18;
	[tilespmem:s21+$0x480] =	vst v10  }
0x18c: {  	v51 =	vadd.s32 $0x40C09, v18;
	v52 =	vadd.s32 $0x40C0A, v18;
	v10 =	vadd.s32 $0x40808, v18;
	[tilespmem:s21+$0x580] =	vst v14  }
0x18d: {  	v53 =	vnsel vm0, $0x81811F, v27;
	v3 =	vnsel vm1, $0x81811F, v3;
	v54 =	vnsel vm2, $0x81811F, v20;
	[tilespmem:s21+$0x390] =	vst v11  }
0x18e: {  	v2 =	vshra.s32 v2, $0x3;
	v4 =	vshra.s32 v4, $0x3;
	v0 =	vshra.s32 v0, $0x3;
	[tilespmem:s21+$0x490] =	vst v12  }
0x18f: {  	v34 =	vshra.s32 v34, $0x3;
	v30 =	vshra.s32 v30, $0x3;
	v28 =	vshra.s32 v28, $0x3;
	[tilespmem:s24+$0xE80] =	vst v2  }
0x190: {  	v36 =	vshra.s32 v36, $0x3;
	v37 =	vshra.s32 v37, $0x3;
	v55 =	vshra.s32 v16, $0x3;
	[tilespmem:s24+$0x1680] =	vst v28  }
0x191: {  	v39 =	vshra.s32 v39, $0x3;
	v38 =	vshra.s32 v38, $0x3;
	v56 =	vshra.s32 v15, $0x3;
	[tilespmem:s24+$0x1E80] =	vst v37  }
0x192: {  	v41 =	vshra.s32 v41, $0x3;
	v40 =	vshra.s32 v40, $0x3;
	v57 =	vshra.s32 v17, $0x3;
	[tilespmem:s21+$0x590] =	vst v9;
	s21 =	smov.u32 s24  }
0x193: {  	v42 =	vshra.s32 v42, $0x3;
	v43 =	vshra.s32 v43, $0x3;
	v44 =	vshra.s32 v44, $0x3;
	[tilespmem:s21+$0x2680] =	vst v40  }
0x194: {  	v45 =	vshra.s32 v45, $0x3;
	v46 =	vshra.s32 v46, $0x3;
	v47 =	vshra.s32 v47, $0x3;
	[tilespmem:s21+$0xE90] =	vst v41  }
0x195: {  	v48 =	vshra.s32 v48, $0x3;
	v49 =	vshra.s32 v49, $0x3;
	v58 =	vshra.s32 v13, $0x3;
	[tilespmem:s21+$0x1690] =	vst v45  }
0x196: {  	v50 =	vshra.s32 v50, $0x3;
	v51 =	vshra.s32 v51, $0x3;
	v59 =	vshra.s32 v10, $0x3;
	[tilespmem:s21+$0x1E90] =	vst v58  }
0x197: {  	v60 =	vadd.s32 $0x404, v19;
	v61 =	vadd.s32 $0x40804, v19;
	v52 =	vshra.s32 v52, $0x3;
	[tilespmem:s21+$0x2690] =	vst v51  }
0x198: {  	v62 =	vadd.s32 $0x40C08, v19;
	v16 =	vadd.s32 $0x404, v18;
	v15 =	vadd.s32 $0x40804, v18;
	[tilespmem:s21+$0x780] =	vst v60  }
0x199: {  	v17 =	vadd.s32 $0x40C08, v18;
	v13 =	vsub.f32 v24, v31;
	v10 =	vsub.f32 v26, v32;
	[tilespmem:s21+$0x880] =	vst v61  }
0x19a: {  	v14 =	vsub.f32 v25, v33;
	v11 =	vsub.f32 v21, v29;
	v9 =	vadd.s32 $0x60, v53;
	[tilespmem:s21+$0x980] =	vst v62  }
0x19b: {  	v3 =	vadd.s32 $0x60, v3;
	v12 =	vsub.f32 v22, v35;
	[tilespmem:s21+$0x2580] =	vst v9;
	v9 =	vsub.f32 v23, v1  }
0x19c: {  	v1 =	vadd.s32 $0x20, v2;
	v2 =	vadd.s32 $0x20, v0;
	[tilespmem:s21+$0x2980] =	vst v3;
	v3 =	vadd.s32 $0x60, v54  }
0x19d: {  	v21 =	vadd.s32 $0x40, v4;
	v4 =	vadd.s32 $0x60, v4;
	v0 =	vadd.s32 $0x40, v0;
	[tilespmem:s21+$0x2590] =	vst v3  }
0x19e: {  	v22 =	vadd.s32 $0x20, v34;
	v3 =	vadd.s32 $0x20, v28;
	[tilespmem:s21+$0xB80] =	vst v1;
	v1 =	vadd.s32 $0x60, v30  }
0x19f: {  	v25 =	vadd.s32 $0x60, v36;
	v23 =	vadd.s32 $0x40, v36;
	[tilespmem:s21+$0xF80] =	vst v2;
	v2 =	vadd.s32 $0x40, v34  }
0x1a0: {  	v26 =	vadd.s32 $0x20, v37;
	v28 =	vadd.s32 $0x20, v38;
	[tilespmem:s21+$0xC80] =	vst v0;
	v0 =	vadd.s32 $0x60, v55  }
0x1a1: {  	v53 =	vadd.s32 $0x40, v56;
	v54 =	vadd.s32 $0x60, v56;
	[tilespmem:s21+$0x1080] =	vst v21;
	v21 =	vadd.s32 $0x40, v38  }
0x1a2: {  	v56 =	vadd.s32 $0x20, v57;
	v55 =	vadd.s32 $0x20, v40;
	[tilespmem:s21+$0xD80] =	vst v4;
	v4 =	vadd.s32 $0x60, v39  }
0x1a3: {  	v63 =	vadd.s32 $0x20, v41;
	[tilespmem:s21+$0x1180] =	vst v1;
	v1 =	vadd.s32 $0x40, v57;
	v57 =	vadd.s32 $0x40, v27  }
0x1a4: {  	v5 =	vadd.s32 $0x40, v42;
	v6 =	vadd.s32 $0x40, v43;
	[tilespmem:s21+$0x1380] =	vst v3;
	v3 =	vadd.s32 $0x20, v42  }
0x1a5: {  	v7 =	vadd.s32 $0x60, v44;
	v8 =	vadd.s32 $0x20, v45;
	[tilespmem:s21+$0x1780] =	vst v22;
	v22 =	vadd.s32 $0x60, v43  }
0x1a6: {  	v45 =	vadd.s32 $0x40, v47;
	[tilespmem:s21+$0x1480] =	vst v2;
	v2 =	vadd.s32 $0x20, v46;
	v46 =	vadd.s32 $0x40, v46  }
0x1a7: {  	v44 =	vadd.s32 $0x60, v48;
	v24 =	vadd.s32 $0x60, v47;
	v42 =	vadd.s32 $0x20, v58;
	[tilespmem:s21+$0x1880] =	vst v23  }
0x1a8: {  	v41 =	vadd.s32 $0x40, v49;
	v40 =	vadd.s32 $0x40, v50;
	v43 =	vadd.s32 $0x20, v49;
	[tilespmem:s21+$0x1580] =	vst v25  }
0x1a9: {  	v37 =	vadd.s32 $0x20, v51;
	v38 =	vadd.s32 $0x60, v59;
	v39 =	vadd.s32 $0x60, v50;
	[tilespmem:s21+$0x1980] =	vst v0  }
0x1aa: {  	v31 =	vadd.s32 $0x40, v20;
	v33 =	vadd.s32 $0x20, v52;
	v32 =	vadd.s32 $0x40, v52;
	[tilespmem:s21+$0x1B80] =	vst v26  }
0x1ab: {  	v29 =	vshra.s32 v60, $0x3;
	v35 =	vshra.s32 v62, $0x3;
	v36 =	vshra.s32 v61, $0x3;
	[tilespmem:s21+$0x1F80] =	vst v28  }
0x1ac: {  	v20 =	vshra.s32 v15, $0x3;
	v34 =	vshra.s32 v17, $0x3;
	v27 =	vshra.s32 v16, $0x3;
	[tilespmem:s21+$0x1C80] =	vst v21  }
0x1ad: {  	v30 =	vshra.s32 v19, $0x3;
	v28 =	vshra.s32 v18, $0x3;
	[tilespmem:s21+$0x2080] =	vst v53  }
0x1ae: {  	[tilespmem:s21+$0x1D80] =	vst v54  }
0x1af: {  	[tilespmem:s21+$0x2180] =	vst v4  }
0x1b0: {  	[tilespmem:s21+$0x2380] =	vst v55  }
0x1b1: {  	[tilespmem:s21+$0x2780] =	vst v56  }
0x1b2: {  	[tilespmem:s21+$0x2480] =	vst v1  }
0x1b3: {  	[tilespmem:s21+$0x2880] =	vst v57  }
0x1b4: {  	[tilespmem:s21+$0xB90] =	vst v63  }
0x1b5: {  	[tilespmem:s21+$0xF90] =	vst v3  }
0x1b6: {  	[tilespmem:s21+$0xC90] =	vst v5  }
0x1b7: {  	[tilespmem:s21+$0x1090] =	vst v6  }
.Ltmp1:
0x1b8: {  	[tilespmem:s21+$0xD90] =	vst v22;
	(pc) =	sbr.rel @p0 .LBB2_5-.Ltmp1, $4  }
0x1b9: {  	[tilespmem:s21+$0x1190] =	vst v7  }
0x1ba: {  	[tilespmem:s21+$0x1390] =	vst v8  }
0x1bb: {  	[tilespmem:s21+$0x1790] =	vst v2  }
0x1bc: {  	s23 =	sadd.s32 $0x80, s23;
	[tilespmem:s21+$0x1490] =	vst v46  }
0x1bd: {  	[tilespmem:s21+$0x1890] =	vst v45  }
0x1be: {  	[tilespmem:s21+$0x1590] =	vst v24  }
0x1bf: {  	[tilespmem:s21+$0x1990] =	vst v44  }
0x1c0: {  	[tilespmem:s21+$0x1B90] =	vst v42  }
0x1c1: {  	[tilespmem:s21+$0x1F90] =	vst v43  }
0x1c2: {  	[tilespmem:s21+$0x1C90] =	vst v41  }
0x1c3: {  	[tilespmem:s21+$0x2090] =	vst v40  }
0x1c4: {  	[tilespmem:s21+$0x1D90] =	vst v39  }
0x1c5: {  	[tilespmem:s21+$0x2190] =	vst v38  }
0x1c6: {  	[tilespmem:s21+$0x2390] =	vst v37  }
0x1c7: {  	[tilespmem:s21+$0x2790] =	vst v33  }
0x1c8: {  	[tilespmem:s21+$0x2490] =	vst v32  }
0x1c9: {  	[tilespmem:s21+$0x2890] =	vst v31  }
0x1ca: {  	[tilespmem:s21+$0x1280] =	vst v29  }
0x1cb: {  	[tilespmem:s21+$0x1A80] =	vst v36  }
0x1cc: {  	[tilespmem:s21+$0x2280] =	vst v35  }
0x1cd: {  	[tilespmem:s21+$0x1290] =	vst v27  }
0x1ce: {  	[tilespmem:s21+$0x1A90] =	vst v20  }
0x1cf: {  	[tilespmem:s21+$0x2290] =	vst v34  }
0x1d0: {  	[tilespmem:s21+$0xA80] =	vst v30  }
0x1d1: {  	[tilespmem:s21+$0xA90] =	vst v28  }
0x1d2: {  	[tilespmem:s21+$0x790] =	vst v16  }
0x1d3: {  	[tilespmem:s21+$0x890] =	vst v15  }
0x1d4: {  	[tilespmem:s21+$0x990] =	vst v17  }
0x1d5: {  	[tilespmem:s21+$0x380] =	vst v13  }
0x1d6: {  	[tilespmem:s21+$0x480] =	vst v10  }
0x1d7: {  	[tilespmem:s21+$0x580] =	vst v14  }
0x1d8: {  	[tilespmem:s21+$0x390] =	vst v11  }
0x1d9: {  	[tilespmem:s21+$0x490] =	vst v12  }
0x1da: {  	[tilespmem:s21+$0x590] =	vst v9;
	s23 =	simm.s32 $0xA80;
	s22 =	simm.s32 $0x2E00  }
0x1db: {  	[tilespmem:s22], [sflag:$0x1] =	stream.indirect.gather [hbm4b:s7+s15], $0x8, s23, s15, $0xb8;
	[tilespmem:$0x12E10] =	vst v63  }
0x1dc: {  	s24 =	simm.s32 $0xB80;
	s25 =	simm.s32 $0x3600  }
0x1dd: {  	[tilespmem:s25], [sflag:$0x1] =	stream.indirect.gather [hbm4b:s7+s15], $0x8, s24, s15, $0xb8;
	[tilespmem:$0x12E10] =	vst v63  }
0x1de: {  	s22 =	simm.s32 $0xC80;
	s23 =	simm.s32 $0x3E00  }
0x1df: {  	[tilespmem:s23], [sflag:$0x1] =	stream.indirect.gather [hbm4b:s7+s15], $0x8, s22, s15, $0xb8;
	[tilespmem:$0x12E10] =	vst v63  }
0x1e0: {  	s24 =	simm.s32 $0xD80;
	s25 =	simm.s32 $0x4600  }
0x1e1: {  	[tilespmem:s25], [sflag:$0x1] =	stream.indirect.gather [hbm4b:s7+s15], $0x8, s24, s15, $0xb8;
	[tilespmem:$0x12E10] =	vst v63  }
0x1e2: {  	s22 =	simm.s32 $0xE80;
	s23 =	simm.s32 $0x4E00  }
0x1e3: {  	[tilespmem:s23], [sflag:$0x1] =	stream.indirect.gather [hbm4b:s7+s15], $0x8, s22, s15, $0xb8;
	[tilespmem:$0x12E10] =	vst v63  }
0x1e4: {  	s24 =	simm.s32 $0xF80;
	s25 =	simm.s32 $0x5600  }
0x1e5: {  	[tilespmem:s25], [sflag:$0x1] =	stream.indirect.gather [hbm4b:s7+s15], $0x8, s24, s15, $0xb8;
	[tilespmem:$0x12E10] =	vst v63  }
0x1e6: {  	s22 =	simm.s32 $0x1080;
	s23 =	simm.s32 $0x5E00  }
0x1e7: {  	[tilespmem:s23], [sflag:$0x1] =	stream.indirect.gather [hbm4b:s7+s15], $0x8, s22, s15, $0xb8;
	[tilespmem:$0x12E10] =	vst v63  }
0x1e8: {  	s24 =	simm.s32 $0x1180;
	s25 =	simm.s32 $0x6600  }
0x1e9: {  	[tilespmem:s25], [sflag:$0x1] =	stream.indirect.gather [hbm4b:s7+s15], $0x8, s24, s15, $0xb8;
	[tilespmem:$0x12E10] =	vst v63  }
0x1ea: {  	s22 =	simm.s32 $0x1280;
	s23 =	simm.s32 $0x6E00  }
0x1eb: {  	[tilespmem:s23], [sflag:$0x1] =	stream.indirect.gather [hbm4b:s7+s15], $0x8, s22, s15, $0xb8;
	[tilespmem:$0x12E10] =	vst v63  }
0x1ec: {  	s24 =	simm.s32 $0x1380;
	s25 =	simm.s32 $0x7600  }
0x1ed: {  	[tilespmem:s25], [sflag:$0x1] =	stream.indirect.gather [hbm4b:s7+s15], $0x8, s24, s15, $0xb8;
	[tilespmem:$0x12E10] =	vst v63  }
0x1ee: {  	s22 =	simm.s32 $0x1480;
	s23 =	simm.s32 $0x7E00  }
0x1ef: {  	[tilespmem:s23], [sflag:$0x1] =	stream.indirect.gather [hbm4b:s7+s15], $0x8, s22, s15, $0xb8;
	[tilespmem:$0x12E10] =	vst v63  }
0x1f0: {  	s24 =	simm.s32 $0x1580;
	s25 =	simm.s32 $0x8600  }
0x1f1: {  	[tilespmem:s25], [sflag:$0x1] =	stream.indirect.gather [hbm4b:s7+s15], $0x8, s24, s15, $0xb8;
	[tilespmem:$0x12E10] =	vst v63  }
0x1f2: {  	s22 =	simm.s32 $0x1680;
	s23 =	simm.s32 $0x8E00  }
0x1f3: {  	[tilespmem:s23], [sflag:$0x1] =	stream.indirect.gather [hbm4b:s7+s15], $0x8, s22, s15, $0xb8;
	[tilespmem:$0x12E10] =	vst v63  }
0x1f4: {  	s24 =	simm.s32 $0x1780;
	s25 =	simm.s32 $0x9600  }
0x1f5: {  	[tilespmem:s25], [sflag:$0x1] =	stream.indirect.gather [hbm4b:s7+s15], $0x8, s24, s15, $0xb8;
	[tilespmem:$0x12E10] =	vst v63  }
0x1f6: {  	s22 =	simm.s32 $0x1880;
	s23 =	simm.s32 $0x9E00  }
0x1f7: {  	[tilespmem:s23], [sflag:$0x1] =	stream.indirect.gather [hbm4b:s7+s15], $0x8, s22, s15, $0xb8;
	[tilespmem:$0x12E10] =	vst v63  }
0x1f8: {  	s24 =	simm.s32 $0x1980;
	s25 =	simm.s32 $0xA600  }
0x1f9: {  	[tilespmem:s25], [sflag:$0x1] =	stream.indirect.gather [hbm4b:s7+s15], $0x8, s24, s15, $0xb8;
	[tilespmem:$0x12E10] =	vst v63  }
0x1fa: {  	s22 =	simm.s32 $0x1A80;
	s23 =	simm.s32 $0xAE00  }
0x1fb: {  	[tilespmem:s23], [sflag:$0x1] =	stream.indirect.gather [hbm4b:s7+s15], $0x8, s22, s15, $0xb8;
	[tilespmem:$0x12E10] =	vst v63  }
0x1fc: {  	s24 =	simm.s32 $0x1B80;
	s25 =	simm.s32 $0xB600  }
0x1fd: {  	[tilespmem:s25], [sflag:$0x1] =	stream.indirect.gather [hbm4b:s7+s15], $0x8, s24, s15, $0xb8;
	[tilespmem:$0x12E10] =	vst v63  }
0x1fe: {  	s22 =	simm.s32 $0x1C80;
	s23 =	simm.s32 $0xBE00  }
0x1ff: {  	[tilespmem:s23], [sflag:$0x1] =	stream.indirect.gather [hbm4b:s7+s15], $0x8, s22, s15, $0xb8;
	[tilespmem:$0x12E10] =	vst v63  }
0x200: {  	s24 =	simm.s32 $0x1D80;
	s25 =	simm.s32 $0xC600  }
0x201: {  	[tilespmem:s25], [sflag:$0x1] =	stream.indirect.gather [hbm4b:s7+s15], $0x8, s24, s15, $0xb8;
	[tilespmem:$0x12E10] =	vst v63  }
0x202: {  	s22 =	simm.s32 $0x1E80;
	s23 =	simm.s32 $0xCE00  }
0x203: {  	[tilespmem:s23], [sflag:$0x1] =	stream.indirect.gather [hbm4b:s7+s15], $0x8, s22, s15, $0xb8;
	[tilespmem:$0x12E10] =	vst v63  }
0x204: {  	s24 =	simm.s32 $0x1F80;
	s25 =	simm.s32 $0xD600  }
0x205: {  	[tilespmem:s25], [sflag:$0x1] =	stream.indirect.gather [hbm4b:s7+s15], $0x8, s24, s15, $0xb8;
	[tilespmem:$0x12E10] =	vst v63  }
0x206: {  	s22 =	simm.s32 $0x2080;
	s23 =	simm.s32 $0xDE00  }
0x207: {  	[tilespmem:s23], [sflag:$0x1] =	stream.indirect.gather [hbm4b:s7+s15], $0x8, s22, s15, $0xb8;
	[tilespmem:$0x12E10] =	vst v63  }
0x208: {  	s24 =	simm.s32 $0x2180;
	s25 =	simm.s32 $0xE600  }
0x209: {  	[tilespmem:s25], [sflag:$0x1] =	stream.indirect.gather [hbm4b:s7+s15], $0x8, s24, s15, $0xb8;
	[tilespmem:$0x12E10] =	vst v63  }
0x20a: {  	s22 =	simm.s32 $0x2280;
	s23 =	simm.s32 $0xEE00  }
0x20b: {  	[tilespmem:s23], [sflag:$0x1] =	stream.indirect.gather [hbm4b:s7+s15], $0x8, s22, s15, $0xb8;
	[tilespmem:$0x12E10] =	vst v63  }
0x20c: {  	s24 =	simm.s32 $0x2380;
	s25 =	simm.s32 $0xF600  }
0x20d: {  	[tilespmem:s25], [sflag:$0x1] =	stream.indirect.gather [hbm4b:s7+s15], $0x8, s24, s15, $0xb8;
	[tilespmem:$0x12E10] =	vst v63  }
0x20e: {  	s23 =	simm.s32 $0x2480;
	s24 =	simm.s32 $0xFE00  }
0x20f: {  	[tilespmem:s24], [sflag:$0x1] =	stream.indirect.gather [hbm4b:s7+s15], $0x8, s23, s15, $0xb8;
	[tilespmem:$0x12E10] =	vst v63  }
0x210: {  	s25 =	simm.s32 $0x2580  }
0x211: {  	[tilespmem:s26], [sflag:$0x1] =	stream.indirect.gather [hbm4b:s7+s15], $0x8, s25, s15, $0xb8;
	[tilespmem:$0x12E10] =	vst v63  }
0x212: {  	_ = 	snop  }
0x213: {  	[tilespmem:s29], [sflag:$0x1] =	stream.indirect.gather [hbm4b:s7+s15], $0x8, s28, s15, $0xb8;
	[tilespmem:$0x12E10] =	vst v63  }
0x214: {  	_ = 	snop  }
0x215: {  	[tilespmem:s31], [sflag:$0x1] =	stream.indirect.gather [hbm4b:s7+s15], $0x8, s30, s15, $0xb8;
	[tilespmem:$0x12E10] =	vst v63  }
0x216: {  	_ = 	snop  }
0x217: {  	[tilespmem:s4], [sflag:$0x1] =	stream.indirect.gather [hbm4b:s7+s15], $0x8, s0, s15, $0xb8;
	[tilespmem:$0x12E10] =	vst v63  }
0x218: {  	s21 =	simm.s32 $0x40  }
0x219: {  	[tilespmem:s10], [sflag:$0x1] =	stream.indirect.gather [hbm4b:s7+s15], $0x8, s8, s15, $0xb8;
	[tilespmem:$0x12E10] =	vst v63  }
.LBB2_7:
0x21a: {  	p0 =	sne.s32 s21, $0x1  }
.Ltmp2:
0x21b: {  	_ = 	snop;
	(pc) =	sbr.rel @p0 .LBB2_7-.Ltmp2, $4  }
0x21c: {  	_ = 	snop  }
0x21d: {  	_ =	swait.ge [sflag:s2], $0x400  }
0x21e: {  	[sflag:s2] =	ssyncset.done $0x0  }
0x21f: {  	s21 =	sadd.s32 $0xFFFFFFFF, s21;
	[sflag:s2] =	ssyncadd.s32 $0xFFFFFC00  }
0x220: {  	v8 =	vlaneseq.u32  }
0x221: {  	s21 =	simm.s32 $0x0;
	v35 =	vld [tilespmem:$0x1FFA0];
	v16 =	vshrl.u32 v8, $0x2  }
0x222: {  	v34 =	vld [tilespmem:$0x1FF90];
	v0 =	vor.u32 s21, v16  }
0x223: {  	v33 =	vld [tilespmem:$0x1FF80]  }
0x224: {  	v40 =	vld [tilespmem:$0x1FFF0];
	v13 =	vor.u32 $0x100, v16  }
0x225: {  	v39 =	vld [tilespmem:$0x1FFE0];
	v1 =	vor.u32 s21, v13  }
0x226: {  	v38 =	vld [tilespmem:$0x1FFD0];
	v11 =	vor.u32 $0x300, v16  }
0x227: {  	v2 =	vor.u32 s21, v11;
	v3 =	vld.idx.msk [tilespmem:v0+s16+$0x0], $0xffff  }
0x228: {  	v14 =	vor.u32 $0x200, v16;
	v12 =	vld.idx.msk [tilespmem:v0+s13+$0x0], $0xffff  }
0x229: {  	v5 =	vmov s21;
	v4 =	vor.u32 s21, v14;
	v19 =	vld.idx.msk [tilespmem:v0+s1+$0x0], $0xffff  }
0x22a: {  	v10 =	vand.u32 $0x3, v8;
	v5 =	vshll.u32 v5, $0x3;
	v1 =	vld.idx.msk [tilespmem:v1+s16+$0x0], $0xffff  }
0x22b: {  	v9 =	vadd.s32 $0x1, v10;
	v6 =	vadd.s32 v35, v5;
	v0 =	vld.idx.msk [tilespmem:v0+s14+$0x0], $0xffff  }
0x22c: {  	v7 =	vadd.s32 v34, v5;
	v8 =	vadd.s32 v33, v5;
	v2 =	vld.idx.msk [tilespmem:v2+s16+$0x0], $0xffff;
	v15 =	vadd.s32 v10, v3  }
0x22d: {  	v37 =	vld [tilespmem:$0x1FFC0];
	v17 =	vadd.s32 v40, v5;
	v3 =	vadd.s32 v9, v3;
	v15 =	vand.u32 $0x7, v15  }
0x22e: {  	v18 =	vadd.s32 v39, v5;
	v4 =	vld.idx.msk [tilespmem:v4+s16+$0x0], $0xffff;
	v3 =	vand.u32 $0x7, v3;
	v15 =	vor.u32 v17, v15  }
0x22f: {  	v36 =	vld [tilespmem:$0x1FFB0];
	v20 =	vadd.s32 v38, v5;
	v3 =	vor.u32 v18, v3;
	v18 =	vadd.s32 v10, v1  }
0x230: {  	v22 =	vsub.f32 $1.000000000e+00, v19;
	v23 =	vsub.f32 $1.000000000e+00, v0;
	v18 =	vand.u32 $0x7, v18  }
0x231: {  	v21 =	vadd.s32 v10, v2;
	v1 =	vadd.s32 v9, v1;
	v18 =	vor.u32 v20, v18  }
0x232: {  	v17 =	vadd.s32 v37, v5;
	v1 =	vand.u32 $0x7, v1;
	v20 =	vand.u32 $0x7, v21  }
0x233: {  	v1 =	vor.u32 v17, v1;
	v17 =	vsub.f32 $1.000000000e+00, v12;
	v21 =	vadd.s32 v10, v4;
	v15 =	vld.idx.msk [tilespmem:v15+s17+$0x0], $0xffff  }
0x234: {  	v25 =	vadd.s32 v9, v2;
	v5 =	vadd.s32 v36, v5;
	v21 =	vand.u32 $0x7, v21;
	v3 =	vld.idx.msk [tilespmem:v3+s17+$0x0], $0xffff  }
0x235: {  	v4 =	vadd.s32 v9, v4;
	v5 =	vor.u32 v5, v21;
	v21 =	vmul.f32 v17, v22  }
0x236: {  	v4 =	vand.u32 $0x7, v4;
	v7 =	vor.u32 v7, v20;
	v22 =	vmul.f32 v12, v22;
	v18 =	vld.idx.msk [tilespmem:v18+s17+$0x0], $0xffff  }
0x237: {  	v4 =	vor.u32 v6, v4;
	v47 =	vmul.f32 v23, v21;
	v21 =	vmul.f32 v21, v0  }
0x238: {  	v24 =	vadd.s32 $0x4, v20;
	v20 =	vand.u32 $0x7, v25;
	v25 =	vmul.f32 v23, v22;
	v1 =	vld.idx.msk [tilespmem:v1+s17+$0x0], $0xffff  }
0x239: {  	v8 =	vor.u32 v8, v20;
	v6 =	vmul.f32 v15, v47;
	v3 =	vmul.f32 v3, v21  }
0x23a: {  	v17 =	vmul.f32 v17, v19;
	v20 =	vadd.s32 $0x4, v20;
	v5 =	vld.idx.msk [tilespmem:v5+s17+$0x0], $0xffff  }
0x23b: {  	v7 =	vld.idx.msk [tilespmem:v7+s17+$0x0], $0xffff;
	v15 =	vmul.f32 v0, v22;
	v3 =	vadd.f32 v3, v6;
	v48 =	vmul.f32 v18, v25  }
0x23c: {  	v4 =	vld.idx.msk [tilespmem:v4+s17+$0x0], $0xffff  }
0x23d: {  	v21 =	vld.idx.msk [tilespmem:v24+s11+$0x0], $0xffff;
	v18 =	vmul.f32 v23, v17;
	v1 =	vmul.f32 v1, v15;
	v3 =	vadd.f32 v48, v3  }
0x23e: {  	v49 =	vmul.f32 v12, v19;
	v8 =	vld.idx.msk [tilespmem:v8+s17+$0x0], $0xffff;
	v15 =	vmul.u32 $0x101, v10  }
0x23f: {  	v19 =	vld.idx.msk [tilespmem:v20+s11+$0x0], $0xffff;
	v17 =	vmul.f32 v17, v0;
	v50 =	vmul.f32 v5, v18;
	v1 =	vadd.f32 v1, v3  }
0x240: {  	v12 =	vadd.s32 $0x1, v15;
	v51 =	vadd.s32 v15, v2;
	v18 =	vmul.f32 v23, v49  }
0x241: {  	v52 =	vmul.f32 v4, v17;
	vm0 =	vgt.s32 v51, $0x40C0BFF;
	v1 =	vadd.f32 v50, v1  }
0x242: {  	v0 =	vmul.f32 v0, v49;
	v2 =	vadd.s32 v12, v2;
	v53 =	vsel vm0, v21, v7  }
0x243: {  	vm0 =	vgt.s32 v2, $0x40C0BFF;
	v54 =	vmul.f32 v53, v18;
	v1 =	vadd.f32 v52, v1  }
0x244: {  	s22 =	simm.s32 $0x4;
	v2 =	vsel vm0, v19, v8  }
0x245: {  	v55 =	vor.u32 s22, v16;
	v0 =	vmul.f32 v2, v0;
	v1 =	vadd.f32 v54, v1  }
0x246: {  	v56 =	vor.u32 s22, v13  }
0x247: {  	v0 =	vadd.f32 v0, v1  }
0x248: {  	s21 =	simm.s32 $0x12A20  }
0x249: {  	v57 =	vor.u32 s22, v14;
	[tilespmem:s21+$0xFFFFFFF0] =	vst v0  }
0x24a: {  	v0 =	vld.idx.msk [tilespmem:v55+s16+$0x0], $0xffff  }
0x24b: {  	v59 =	vmov s22;
	v58 =	vor.u32 s22, v11;
	v2 =	vld.idx.msk [tilespmem:v56+s16+$0x0], $0xffff  }
0x24c: {  	v5 =	vshll.u32 v59, $0x3  }
0x24d: {  	v60 =	vadd.s32 v38, v5;
	v61 =	vadd.s32 v40, v5;
	v17 =	vadd.s32 v36, v5;
	v20 =	vld.idx.msk [tilespmem:v55+s1+$0x0], $0xffff  }
0x24e: {  	v21 =	vadd.s32 v34, v5;
	v8 =	vadd.s32 v39, v5;
	v18 =	vadd.s32 v33, v5;
	v1 =	vld.idx.msk [tilespmem:v57+s16+$0x0], $0xffff  }
0x24f: {  	v19 =	vadd.s32 v35, v5;
	v5 =	vadd.s32 v37, v5;
	v23 =	vld.idx.msk [tilespmem:v55+s13+$0x0], $0xffff;
	v22 =	vadd.s32 v10, v0  }
0x250: {  	v3 =	vld.idx.msk [tilespmem:v58+s16+$0x0], $0xffff;
	v0 =	vadd.s32 v9, v0;
	v24 =	vadd.s32 v10, v2;
	v22 =	vand.u32 $0x7, v22  }
0x251: {  	v2 =	vadd.s32 v9, v2;
	v0 =	vand.u32 $0x7, v0;
	v7 =	vor.u32 v61, v22  }
0x252: {  	v62 =	vsub.f32 $1.000000000e+00, v20;
	v2 =	vand.u32 $0x7, v2;
	v0 =	vor.u32 v8, v0  }
0x253: {  	v4 =	vld.idx.msk [tilespmem:v55+s14+$0x0], $0xffff;
	v22 =	vand.u32 $0x7, v24;
	v8 =	vadd.s32 v10, v1;
	v1 =	vadd.s32 v9, v1  }
0x254: {  	v2 =	vor.u32 v5, v2;
	v24 =	vsub.f32 $1.000000000e+00, v23;
	v6 =	vor.u32 v60, v22  }
0x255: {  	v8 =	vand.u32 $0x7, v8;
	v1 =	vand.u32 $0x7, v1;
	v22 =	vadd.s32 v10, v3  }
0x256: {  	v8 =	vor.u32 v17, v8;
	v1 =	vor.u32 v19, v1;
	v19 =	vand.u32 $0x7, v22;
	v7 =	vld.idx.msk [tilespmem:v7+s17+$0x0], $0xffff  }
0x257: {  	v25 =	vadd.s32 v9, v3;
	v5 =	vmul.f32 v23, v62;
	v26 =	vadd.s32 $0x4, v19;
	v0 =	vld.idx.msk [tilespmem:v0+s17+$0x0], $0xffff  }
0x258: {  	v17 =	vsub.f32 $1.000000000e+00, v4;
	v22 =	vmul.f32 v24, v62;
	v21 =	vor.u32 v21, v19  }
0x259: {  	v25 =	vand.u32 $0x7, v25;
	v27 =	vmul.f32 v24, v20;
	v19 =	vmul.f32 v23, v20;
	v6 =	vld.idx.msk [tilespmem:v6+s17+$0x0], $0xffff  }
0x25a: {  	v29 =	vadd.s32 $0x4, v25;
	v24 =	vmul.f32 v17, v22;
	v20 =	vmul.f32 v22, v4;
	v2 =	vld.idx.msk [tilespmem:v2+s17+$0x0], $0xffff  }
0x25b: {  	v31 =	vmul.f32 v4, v5;
	v5 =	vmul.f32 v17, v5;
	v22 =	vld.idx.msk [tilespmem:v8+s17+$0x0], $0xffff;
	v8 =	vor.u32 v18, v25  }
0x25c: {  	v26 =	vld.idx.msk [tilespmem:v26+s11+$0x0], $0xffff;
	v7 =	vmul.f32 v7, v24;
	v0 =	vmul.f32 v0, v20  }
0x25d: {  	v23 =	vmul.f32 v27, v4;
	v30 =	vmul.f32 v17, v27;
	v18 =	vadd.s32 v15, v3;
	v24 =	vld.idx.msk [tilespmem:v21+s17+$0x0], $0xffff  }
0x25e: {  	s25 =	simm.s32 $0x8;
	v28 =	vld.idx.msk [tilespmem:v1+s17+$0x0], $0xffff;
	v25 =	vadd.s32 v12, v3;
	v63 =	vmul.f32 v6, v5;
	v0 =	vadd.f32 v0, v7  }
0x25f: {  	v27 =	vld.idx.msk [tilespmem:v29+s11+$0x0], $0xffff;
	vm0 =	vgt.s32 v18, $0x40C0BFF;
	v18 =	vor.u32 s25, v16;
	v20 =	vmul.f32 v4, v19  }
0x260: {  	s24 =	simm.s32 $0x2;
	s23 =	simm.s32 $0x12A20;
	s22 =	simm.s32 $0xC;
	v31 =	vmul.f32 v2, v31;
	v21 =	vor.u32 s25, v13;
	v29 =	vld.idx.msk [tilespmem:v8+s17+$0x0], $0xffff;
	v32 =	vadd.f32 v63, v0  }
.LBB2_9:
0x261: {  	s24 =	sadd.s32 $0x2, s24;
	v0 =	vmov s25;
	v1 =	vmul.f32 v22, v30;
	s21 =	sadd.s32 $0x20, s21  }
0x262: {  	v3 =	vsel vm0, v26, v24;
	p0 =	slt.u32 s24, $0x3E;
	v0 =	vshll.u32 v0, $0x3;
	v2 =	vadd.f32 v31, v32  }
0x263: {  	v5 =	vmul.f32 v17, v19;
	v4 =	vmul.f32 v28, v23  }
0x264: {  	v1 =	vadd.f32 v1, v2  }
0x265: {  	v17 =	vor.u32 $0x200, v16;
	vm0 =	vgt.s32 v25, $0x40C0BFF;
	v2 =	vmul.f32 v3, v5  }
0x266: {  	v3 =	vor.u32 s25, v17;
	v1 =	vadd.f32 v4, v1;
	v4 =	vsel vm0, v27, v29  }
0x267: {  	v4 =	vmul.f32 v4, v20  }
0x268: {  	v1 =	vadd.f32 v2, v1  }
0x269: {  	v2 =	vor.u32 s25, v11  }
0x26a: {  	v1 =	vadd.f32 v4, v1  }
0x26b: {  	v6 =	vadd.s32 v33, v0;
	v5 =	vadd.s32 v34, v0;
	v4 =	vadd.s32 v35, v0  }
0x26c: {  	v7 =	vadd.s32 v37, v0;
	v8 =	vadd.s32 v36, v0;
	[tilespmem:s23+$0x0] =	vst v1;
	s23 =	smov.u32 s21  }
0x26d: {  	v19 =	vadd.s32 v39, v0;
	v20 =	vadd.s32 v38, v0;
	v1 =	vld.idx.msk [tilespmem:v18+s16+$0x0], $0xffff  }
0x26e: {  	v0 =	vadd.s32 v40, v0;
	v2 =	vld.idx.msk [tilespmem:v2+s16+$0x0], $0xffff;
	_ =	sdelay $0x1  }
0x26f: {  	v21 =	vld.idx.msk [tilespmem:v21+s16+$0x0], $0xffff;
	_ =	sdelay $0x1  }
0x270: {  	v22 =	vld.idx.msk [tilespmem:v18+s14+$0x0], $0xffff  }
0x271: {  	v24 =	vadd.s32 v10, v1;
	v1 =	vadd.s32 v9, v1;
	v23 =	vld.idx.msk [tilespmem:v18+s13+$0x0], $0xffff  }
0x272: {  	v24 =	vand.u32 $0x7, v24;
	v1 =	vand.u32 $0x7, v1;
	v25 =	vadd.s32 v10, v2;
	v3 =	vld.idx.msk [tilespmem:v3+s16+$0x0], $0xffff  }
0x273: {  	v0 =	vor.u32 v0, v24;
	v1 =	vor.u32 v19, v1;
	v19 =	vand.u32 $0x7, v25;
	v18 =	vld.idx.msk [tilespmem:v18+s1+$0x0], $0xffff  }
0x274: {  	v24 =	vadd.s32 v10, v21;
	v21 =	vadd.s32 v9, v21  }
0x275: {  	v5 =	vor.u32 v5, v19;
	v24 =	vand.u32 $0x7, v24;
	v21 =	vand.u32 $0x7, v21  }
0x276: {  	v25 =	vsub.f32 $1.000000000e+00, v22;
	v20 =	vor.u32 v20, v24;
	v7 =	vor.u32 v7, v21  }
0x277: {  	v19 =	vadd.s32 $0x4, v19;
	v21 =	vadd.s32 v9, v2;
	v24 =	vadd.s32 v12, v2  }
0x278: {  	v26 =	vsub.f32 $1.000000000e+00, v23;
	v27 =	vadd.s32 v10, v3;
	v3 =	vadd.s32 v9, v3;
	v0 =	vld.idx.msk [tilespmem:v0+s17+$0x0], $0xffff  }
0x279: {  	v28 =	vsub.f32 $1.000000000e+00, v18;
	v27 =	vand.u32 $0x7, v27;
	v3 =	vand.u32 $0x7, v3;
	v1 =	vld.idx.msk [tilespmem:v1+s17+$0x0], $0xffff  }
0x27a: {  	v29 =	vmul.f32 v26, v18;
	v8 =	vor.u32 v8, v27;
	v3 =	vor.u32 v4, v3  }
0x27b: {  	v21 =	vand.u32 $0x7, v21;
	v18 =	vmul.f32 v23, v18;
	v4 =	vmul.f32 v26, v28;
	v20 =	vld.idx.msk [tilespmem:v20+s17+$0x0], $0xffff  }
0x27c: {  	v6 =	vor.u32 v6, v21;
	v23 =	vmul.f32 v23, v28;
	v26 =	vmul.f32 v29, v22  }
0x27d: {  	v21 =	vadd.s32 $0x4, v21;
	v27 =	vmul.f32 v25, v4;
	v4 =	vmul.f32 v4, v22;
	v7 =	vld.idx.msk [tilespmem:v7+s17+$0x0], $0xffff  }
0x27e: {  	v2 =	vadd.s32 v15, v2;
	v29 =	vmul.f32 v25, v29;
	v28 =	vmul.f32 v25, v23  }
0x27f: {  	v0 =	vmul.f32 v0, v27;
	v1 =	vmul.f32 v1, v4;
	v4 =	vld.idx.msk [tilespmem:v8+s17+$0x0], $0xffff  }
0x280: {  	v8 =	vld.idx.msk [tilespmem:v19+s11+$0x0], $0xffff;
	v19 =	vmul.f32 v25, v18;
	v18 =	vmul.f32 v22, v18  }
0x281: {  	v0 =	vadd.f32 v1, v0;
	v1 =	vmul.f32 v20, v28;
	v20 =	vmul.f32 v22, v23;
	v3 =	vld.idx.msk [tilespmem:v3+s17+$0x0], $0xffff  }
0x282: {  	v5 =	vld.idx.msk [tilespmem:v5+s17+$0x0], $0xffff  }
0x283: {  	v0 =	vadd.f32 v1, v0;
	v1 =	vmul.f32 v7, v20;
	v6 =	vld.idx.msk [tilespmem:v6+s17+$0x0], $0xffff  }
0x284: {  	v7 =	vld.idx.msk [tilespmem:v21+s11+$0x0], $0xffff  }
0x285: {  	v0 =	vadd.f32 v1, v0;
	v1 =	vmul.f32 v4, v29  }
0x286: {  	v4 =	vor.u32 s22, v16  }
0x287: {  	vm0 =	vgt.s32 v2, $0x40C0BFF;
	v0 =	vadd.f32 v1, v0;
	v1 =	vmul.f32 v3, v26  }
0x288: {  	v3 =	vor.u32 s22, v13;
	v2 =	vsel vm0, v8, v5  }
0x289: {  	vm0 =	vgt.s32 v24, $0x40C0BFF;
	v0 =	vadd.f32 v1, v0;
	v1 =	vmul.f32 v2, v19  }
0x28a: {  	v2 =	vsel vm0, v7, v6  }
0x28b: {  	v0 =	vadd.f32 v1, v0;
	v1 =	vmul.f32 v2, v18  }
0x28c: {  	v2 =	vor.u32 s22, v17  }
0x28d: {  	v0 =	vadd.f32 v1, v0  }
0x28e: {  	v1 =	vor.u32 s22, v11  }
0x28f: {  	[tilespmem:s21+$0xFFFFFFF0] =	vst v0  }
0x290: {  	v0 =	vmov s22;
	v5 =	vld.idx.msk [tilespmem:v4+s16+$0x0], $0xffff  }
0x291: {  	v0 =	vshll.u32 v0, $0x3;
	v3 =	vld.idx.msk [tilespmem:v3+s16+$0x0], $0xffff  }
0x292: {  	v6 =	vadd.s32 v38, v0;
	v2 =	vld.idx.msk [tilespmem:v2+s16+$0x0], $0xffff  }
0x293: {  	v7 =	vadd.s32 v40, v0;
	v8 =	vadd.s32 v39, v0;
	v1 =	vld.idx.msk [tilespmem:v1+s16+$0x0], $0xffff  }
0x294: {  	v21 =	vadd.s32 v33, v0;
	v18 =	vld.idx.msk [tilespmem:v4+s1+$0x0], $0xffff  }
0x295: {  	v17 =	vadd.s32 v36, v0;
	v20 =	vadd.s32 v35, v0;
	v22 =	vadd.s32 v34, v0;
	v19 =	vld.idx.msk [tilespmem:v4+s13+$0x0], $0xffff  }
0x296: {  	v0 =	vadd.s32 v37, v0;
	v23 =	vadd.s32 v10, v5;
	v5 =	vadd.s32 v9, v5  }
0x297: {  	v23 =	vand.u32 $0x7, v23;
	v5 =	vand.u32 $0x7, v5;
	v24 =	vadd.s32 v10, v3  }
0x298: {  	v7 =	vor.u32 v7, v23;
	v5 =	vor.u32 v8, v5;
	v8 =	vand.u32 $0x7, v24  }
0x299: {  	v3 =	vadd.s32 v9, v3;
	v6 =	vor.u32 v6, v8;
	v8 =	vadd.s32 v10, v2;
	v4 =	vld.idx.msk [tilespmem:v4+s14+$0x0], $0xffff  }
0x29a: {  	v3 =	vand.u32 $0x7, v3;
	v2 =	vadd.s32 v9, v2;
	v8 =	vand.u32 $0x7, v8  }
0x29b: {  	v0 =	vor.u32 v0, v3;
	v2 =	vand.u32 $0x7, v2;
	v3 =	vor.u32 v17, v8  }
0x29c: {  	v8 =	vsub.f32 $1.000000000e+00, v18;
	v2 =	vor.u32 v20, v2;
	v17 =	vadd.s32 v10, v1  }
0x29d: {  	v23 =	vadd.s32 v9, v1;
	v20 =	vsub.f32 $1.000000000e+00, v19;
	v17 =	vand.u32 $0x7, v17;
	v7 =	vld.idx.msk [tilespmem:v7+s17+$0x0], $0xffff  }
0x29e: {  	v24 =	vmul.f32 v19, v8;
	v25 =	vor.u32 v22, v17;
	v26 =	vadd.s32 $0x4, v17;
	v5 =	vld.idx.msk [tilespmem:v5+s17+$0x0], $0xffff  }
0x29f: {  	v8 =	vmul.f32 v20, v8;
	v27 =	vmul.f32 v20, v18;
	v17 =	vsub.f32 $1.000000000e+00, v4;
	v6 =	vld.idx.msk [tilespmem:v6+s17+$0x0], $0xffff  }
0x2a0: {  	v19 =	vmul.f32 v19, v18;
	v18 =	vadd.s32 v15, v1;
	v29 =	vmul.f32 v4, v24;
	v0 =	vld.idx.msk [tilespmem:v0+s17+$0x0], $0xffff  }
0x2a1: {  	v28 =	vmul.f32 v17, v8;
	v8 =	vmul.f32 v8, v4;
	v22 =	vld.idx.msk [tilespmem:v3+s17+$0x0], $0xffff;
	v3 =	vand.u32 $0x7, v23  }
0x2a2: {  	v20 =	vmul.f32 v4, v19;
	v23 =	vmul.f32 v27, v4;
	v32 =	vadd.s32 $0x4, v3  }
0x2a3: {  	v4 =	vmul.f32 v7, v28;
	v7 =	vmul.f32 v17, v24;
	v3 =	vor.u32 v21, v3;
	v24 =	vld.idx.msk [tilespmem:v25+s17+$0x0], $0xffff  }
.Ltmp3:
0x2a4: {  	vm0 =	vgt.s32 v18, $0x40C0BFF;
	v5 =	vmul.f32 v5, v8;
	v25 =	vadd.s32 v12, v1;
	v26 =	vld.idx.msk [tilespmem:v26+s11+$0x0], $0xffff;
	(pc) =	sbr.rel @p0 .LBB2_9-.Ltmp3, $4  }
0x2a5: {  	s22 =	sadd.s32 $0x8, s22;
	v1 =	vmul.f32 v6, v7;
	v28 =	vld.idx.msk [tilespmem:v2+s17+$0x0], $0xffff  }
0x2a6: {  	s25 =	sadd.s32 $0xFFFFFFFC, s22;
	v30 =	vmul.f32 v17, v27;
	v2 =	vadd.f32 v5, v4  }
0x2a7: {  	v18 =	vor.u32 s25, v16;
	v31 =	vmul.f32 v0, v29;
	v27 =	vld.idx.msk [tilespmem:v32+s11+$0x0], $0xffff  }
0x2a8: {  	v21 =	vor.u32 s25, v13;
	v32 =	vadd.f32 v1, v2;
	v29 =	vld.idx.msk [tilespmem:v3+s17+$0x0], $0xffff  }
0x2a9: {  	_ = 	snop  }
0x2aa: {  	v0 =	vmul.f32 v22, v30;
	v1 =	vadd.f32 v31, v32;
	_ =	sdelay $0x1  }
0x2ab: {  	v3 =	vmul.f32 v17, v19;
	v2 =	vmul.f32 v28, v23;
	v0 =	vadd.f32 v0, v1  }
0x2ac: {  	v55 =	vsel vm0, v26, v24  }
0x2ad: {  	vm11 =	vgt.s32 v25, $0x40C0BFF;
	v1 =	vmul.f32 v55, v3;
	v0 =	vadd.f32 v2, v0  }
0x2ae: {  	v56 =	vsel vm11, v27, v29  }
0x2af: {  	v2 =	vmul.f32 v56, v20;
	v0 =	vadd.f32 v1, v0;
	_ =	sdelay $0x1  }
0x2b0: {  	v0 =	vadd.f32 v2, v0  }
0x2b1: {  	v57 =	vor.u32 s25, v11  }
0x2b2: {  	[tilespmem:s23+$0x0] =	vst v0  }
0x2b3: {  	v58 =	vor.u32 s25, v14;
	v0 =	vld.idx.msk [tilespmem:v18+s16+$0x0], $0xffff;
	_ =	sdelay $0x1  }
0x2b4: {  	v59 =	vmov s25;
	v4 =	vld.idx.msk [tilespmem:v21+s16+$0x0], $0xffff  }
0x2b5: {  	v3 =	vshll.u32 v59, $0x3;
	v1 =	vld.idx.msk [tilespmem:v57+s16+$0x0], $0xffff  }
0x2b6: {  	v5 =	vadd.s32 v35, v3;
	v8 =	vld.idx.msk [tilespmem:v18+s13+$0x0], $0xffff  }
0x2b7: {  	v6 =	vadd.s32 v34, v3;
	v7 =	vadd.s32 v33, v3;
	v2 =	vld.idx.msk [tilespmem:v58+s16+$0x0], $0xffff;
	v60 =	vadd.s32 v10, v0  }
0x2b8: {  	v61 =	vadd.s32 v40, v3;
	v63 =	vld.idx.msk [tilespmem:v18+s1+$0x0], $0xffff;
	v0 =	vadd.s32 v9, v0;
	v17 =	vand.u32 $0x7, v60  }
0x2b9: {  	v62 =	vadd.s32 v39, v3;
	v30 =	vld.idx.msk [tilespmem:v18+s14+$0x0], $0xffff;
	v0 =	vand.u32 $0x7, v0;
	v17 =	vor.u32 v61, v17  }
0x2ba: {  	v29 =	vadd.s32 v37, v3;
	v31 =	vadd.s32 v10, v4;
	v0 =	vor.u32 v62, v0  }
0x2bb: {  	v32 =	vadd.s32 v38, v3;
	v3 =	vadd.s32 v36, v3;
	v20 =	vand.u32 $0x7, v31  }
0x2bc: {  	v4 =	vadd.s32 v9, v4;
	v41 =	vadd.s32 v10, v1;
	v20 =	vor.u32 v32, v20  }
0x2bd: {  	v43 =	vsub.f32 $1.000000000e+00, v8;
	v44 =	vadd.s32 v10, v2;
	v4 =	vand.u32 $0x7, v4  }
0x2be: {  	v45 =	vsub.f32 $1.000000000e+00, v63;
	v46 =	vsub.f32 $1.000000000e+00, v30;
	v4 =	vor.u32 v29, v4;
	v17 =	vld.idx.msk [tilespmem:v17+s17+$0x0], $0xffff  }
0x2bf: {  	v2 =	vadd.s32 v9, v2;
	v49 =	vadd.s32 v9, v1;
	v23 =	vand.u32 $0x7, v44;
	v0 =	vld.idx.msk [tilespmem:v0+s17+$0x0], $0xffff  }
0x2c0: {  	v42 =	vand.u32 $0x7, v41;
	v3 =	vor.u32 v3, v23;
	v48 =	vmul.f32 v43, v45  }
0x2c1: {  	v2 =	vand.u32 $0x7, v2;
	v47 =	vadd.s32 $0x4, v42;
	v24 =	vmul.f32 v8, v45;
	v20 =	vld.idx.msk [tilespmem:v20+s17+$0x0], $0xffff  }
0x2c2: {  	v2 =	vor.u32 v5, v2;
	v50 =	vmul.f32 v46, v48;
	v23 =	vmul.f32 v48, v30  }
0x2c3: {  	v51 =	vand.u32 $0x7, v49;
	v6 =	vor.u32 v6, v42;
	v52 =	vmul.f32 v46, v24;
	v4 =	vld.idx.msk [tilespmem:v4+s17+$0x0], $0xffff  }
0x2c4: {  	v7 =	vor.u32 v7, v51;
	v5 =	vmul.f32 v17, v50;
	v0 =	vmul.f32 v0, v23  }
0x2c5: {  	v53 =	vmul.f32 v43, v63;
	v54 =	vadd.s32 $0x4, v51;
	v3 =	vld.idx.msk [tilespmem:v3+s17+$0x0], $0xffff  }
0x2c6: {  	v57 =	vmul.f32 v30, v24;
	v55 =	vld.idx.msk [tilespmem:v47+s11+$0x0], $0xffff;
	v56 =	vmul.f32 v20, v52;
	v0 =	vadd.f32 v0, v5  }
0x2c7: {  	v2 =	vld.idx.msk [tilespmem:v2+s17+$0x0], $0xffff  }
0x2c8: {  	v58 =	vmul.f32 v46, v53;
	v6 =	vld.idx.msk [tilespmem:v6+s17+$0x0], $0xffff;
	v4 =	vmul.f32 v4, v57;
	v0 =	vadd.f32 v56, v0  }
0x2c9: {  	v59 =	vmul.f32 v8, v63;
	v7 =	vld.idx.msk [tilespmem:v7+s17+$0x0], $0xffff  }
0x2ca: {  	v60 =	vmul.f32 v53, v30;
	v61 =	vld.idx.msk [tilespmem:v54+s11+$0x0], $0xffff;
	v3 =	vmul.f32 v3, v58;
	v0 =	vadd.f32 v4, v0  }
0x2cb: {  	v62 =	vadd.s32 v15, v1;
	v63 =	vmul.f32 v46, v59  }
0x2cc: {  	vm12 =	vgt.s32 v62, $0x40C0BFF;
	v2 =	vmul.f32 v2, v60;
	v0 =	vadd.f32 v3, v0  }
0x2cd: {  	v1 =	vadd.s32 v12, v1;
	v21 =	vmul.f32 v30, v59;
	v4 =	vsel vm12, v55, v6  }
0x2ce: {  	vm13 =	vgt.s32 v1, $0x40C0BFF;
	v22 =	vmul.f32 v4, v63;
	v0 =	vadd.f32 v2, v0  }
0x2cf: {  	v1 =	vsel vm13, v61, v7  }
0x2d0: {  	v23 =	vor.u32 s22, v16;
	v1 =	vmul.f32 v1, v21;
	v0 =	vadd.f32 v22, v0;
	_ =	sdelay $0x1  }
0x2d1: {  	v0 =	vadd.f32 v1, v0  }
0x2d2: {  	s21 =	sadd.s32 $0x20, s21;
	v24 =	vor.u32 s22, v13  }
0x2d3: {  	v25 =	vor.u32 s22, v14;
	[tilespmem:s21+$0xFFFFFFF0] =	vst v0  }
0x2d4: {  	v0 =	vld.idx.msk [tilespmem:v23+s16+$0x0], $0xffff;
	_ =	sdelay $0x1  }
0x2d5: {  	v26 =	vor.u32 s22, v11;
	v27 =	vmov s22  }
0x2d6: {  	v5 =	vshll.u32 v27, $0x3;
	v1 =	vld.idx.msk [tilespmem:v24+s16+$0x0], $0xffff  }
0x2d7: {  	v28 =	vadd.s32 v38, v5;
	v2 =	vld.idx.msk [tilespmem:v25+s16+$0x0], $0xffff  }
0x2d8: {  	v29 =	vadd.s32 v40, v5;
	v30 =	vadd.s32 v39, v5;
	v31 =	vld.idx.msk [tilespmem:v23+s1+$0x0], $0xffff;
	v32 =	vadd.s32 v10, v0  }
0x2d9: {  	v33 =	vadd.s32 v33, v5;
	v16 =	vld.idx.msk [tilespmem:v23+s13+$0x0], $0xffff;
	v0 =	vadd.s32 v9, v0;
	v13 =	vand.u32 $0x7, v32  }
0x2da: {  	v36 =	vadd.s32 v36, v5;
	v3 =	vld.idx.msk [tilespmem:v26+s16+$0x0], $0xffff;
	v0 =	vand.u32 $0x7, v0;
	v7 =	vor.u32 v29, v13  }
0x2db: {  	v38 =	vadd.s32 v35, v5;
	v4 =	vld.idx.msk [tilespmem:v23+s14+$0x0], $0xffff;
	v39 =	vadd.s32 v10, v1;
	v0 =	vor.u32 v30, v0  }
0x2dc: {  	v40 =	vadd.s32 v34, v5;
	v5 =	vadd.s32 v37, v5;
	v18 =	vand.u32 $0x7, v39  }
0x2dd: {  	v1 =	vadd.s32 v9, v1;
	v41 =	vadd.s32 v10, v2;
	v6 =	vor.u32 v28, v18  }
0x2de: {  	v42 =	vsub.f32 $1.000000000e+00, v31;
	v43 =	vsub.f32 $1.000000000e+00, v16;
	v1 =	vand.u32 $0x7, v1  }
0x2df: {  	v2 =	vadd.s32 v9, v2;
	v45 =	vadd.s32 v10, v3;
	v1 =	vor.u32 v5, v1;
	v44 =	vld.idx.msk [tilespmem:v7+s17+$0x0], $0xffff  }
0x2e0: {  	v46 =	vsub.f32 $1.000000000e+00, v4;
	v49 =	vadd.s32 v9, v3;
	v18 =	vand.u32 $0x7, v41;
	v0 =	vld.idx.msk [tilespmem:v0+s17+$0x0], $0xffff  }
0x2e1: {  	v2 =	vand.u32 $0x7, v2;
	v47 =	vmul.f32 v43, v42;
	v17 =	vor.u32 v36, v18  }
0x2e2: {  	v2 =	vor.u32 v38, v2;
	v50 =	vmul.f32 v16, v42;
	v7 =	vand.u32 $0x7, v45;
	v6 =	vld.idx.msk [tilespmem:v6+s17+$0x0], $0xffff  }
0x2e3: {  	v48 =	vmul.f32 v46, v47;
	v51 =	vmul.f32 v47, v4;
	v8 =	vor.u32 v40, v7  }
0x2e4: {  	v9 =	vand.u32 $0x7, v49;
	v53 =	vmul.f32 v46, v50;
	v1 =	vld.idx.msk [tilespmem:v1+s17+$0x0], $0xffff;
	v7 =	vadd.s32 $0x4, v7  }
0x2e5: {  	v52 =	vadd.s32 $0x4, v9;
	v5 =	vmul.f32 v44, v48;
	v0 =	vmul.f32 v0, v51  }
0x2e6: {  	v54 =	vmul.f32 v43, v31;
	v9 =	vor.u32 v33, v9;
	v17 =	vld.idx.msk [tilespmem:v17+s17+$0x0], $0xffff  }
0x2e7: {  	v55 =	vmul.f32 v4, v50;
	v2 =	vld.idx.msk [tilespmem:v2+s17+$0x0], $0xffff;
	v6 =	vmul.f32 v6, v53;
	v0 =	vadd.f32 v0, v5  }
0x2e8: {  	v8 =	vld.idx.msk [tilespmem:v8+s17+$0x0], $0xffff  }
0x2e9: {  	v57 =	vmul.f32 v46, v54;
	v1 =	vmul.f32 v1, v55;
	v56 =	vld.idx.msk [tilespmem:v7+s11+$0x0], $0xffff;
	v0 =	vadd.f32 v6, v0  }
0x2ea: {  	v58 =	vmul.f32 v16, v31;
	v59 =	vadd.s32 v15, v3;
	v13 =	vld.idx.msk [tilespmem:v52+s11+$0x0], $0xffff  }
0x2eb: {  	v60 =	vmul.f32 v54, v4;
	v9 =	vld.idx.msk [tilespmem:v9+s17+$0x0], $0xffff;
	v7 =	vmul.f32 v17, v57;
	v0 =	vadd.f32 v1, v0  }
0x2ec: {  	v3 =	vadd.s32 v12, v3;
	vm14 =	vgt.s32 v59, $0x40C0BFF  }
0x2ed: {  	v62 =	vmul.f32 v46, v58;
	v61 =	vmul.f32 v2, v60;
	v0 =	vadd.f32 v7, v0  }
0x2ee: {  	vm15 =	vgt.s32 v3, $0x40C0BFF;
	v5 =	vsel vm14, v56, v8  }
0x2ef: {  	v4 =	vmul.f32 v4, v58;
	v2 =	vmul.f32 v5, v62;
	v0 =	vadd.f32 v61, v0  }
0x2f0: {  	v63 =	vsel vm15, v13, v9  }
0x2f1: {  	v1 =	vmul.f32 v63, v4;
	v0 =	vadd.f32 v2, v0;
	_ =	sdelay $0x1  }
0x2f2: {  	s19 =	sadd.s32 $0x1, s19;
	v0 =	vadd.f32 v1, v0  }
0x2f3: {  	s20 =	sshrl.u32 s20, $0x1;
	s24 =	rddreg [dreg:$0x1];
	p0 =	sne.s32 s19, $0x20  }
.Ltmp4:
0x2f4: {  	s25 =	simm.s32 $0x0;
	s20 =	sadd.s32 s24, s20;
	[tilespmem:s21+$0x0] =	vst v0;
	(pc) =	sbr.rel @p0 .LBB2_2-.Ltmp4, $4  }
0x2f5: {  	[hbm4b:s20+s25] =	stream.linear.scatter [tilespmem:s18], [sflag:$0x2], $0x400, $0x38;
	[tilespmem:$0x12E10] =	vst v63  }
0x2f6: {  	_ =	swait.ge [sflag:s12], $0x400  }
0x2f7: {  	[sflag:s12] =	ssyncset.done $0x0  }
0x2f8: {  	[sflag:s12] =	ssyncadd.s32 $0xFFFFFC00  }
0x2f9: {  	s20 =	rddreg [dreg:$0x5]  }
0x2fa: {  	s19 =	rddreg [dreg:$0x4];
	s20 =	sadd.s32 $0x1, s20  }
0x2fb: {  	p0 =	sne.s32 s20, s19  }
.Ltmp5:
0x2fc: {  	_ = 	snop;
	(pc) =	sbr.rel @p0 .LBB2_1-.Ltmp5, $1  }
0x2fd: {  	_ =	sdelay $0x3  }
0x2fe: {  	_ =	sfence.sel $0x180000  }
0x2ff: {  	[bflag:$0x0] =	sbarrier.arrive $0xFFFF  }
0x300: {  	_ =	strace $0x90000047  }
0x301: {  	s0 =	stileid.u32;
	[bflag:$0x2] =	sbarrier.arrive $0xFFFF  }
0x302: {  	p0 =	sne.s32 s0, $0x0;
	s0 =	rddreg [dreg:$0x2]  }
0x303: {  	s0 =	sadd.s32 @!p0 $0x100000, s0  }
0x304: {  	[sflag:s0] =	ssyncadd.tile.s32 @!p0 $0x1;
	_ =	shalt  }
.Lfunc_end2:
_tile_overlayer_lowered:
.L_overlay_start_2:
0x305: {  	(tag) =	ssettag $0x2  }
0x306: {  	s0 =	rddreg [dreg:$0x0];
	s2 =	stileid.u32  }
0x307: {  	s1 =	rddreg [dreg:$0x1];
	p0 =	sne.s32 s2, $0x0  }
0x308: {  	s3 =	rddreg [dreg:$0x2];
	[bflag:$0x3] =	sbarrier.arrive $0xFFFF;
	s2 =	simm.s32 @!p0 $0x1C02  }
0x309: {  	[timem:s3], [sflag:s2] =	dma.local @!p0 [hbm:s0], s1  }
0x30a: {  	s0 =	simm.s32 @!p0 $0x2  }
0x30b: {  	_ =	swait.ge @!p0 [sflag:s0], s1  }
0x30c: {  	s1 =	ssub.s32 @!p0 $0x0, s1;
	[sflag:s0] =	ssyncset.done @!p0 $0x0  }
0x30d: {  	[sflag:s0] =	ssyncadd.s32 @!p0 s1  }
0x30e: {  	[bflag:$0x3] =	sbarrier.arrive $0xFFFF  }
0x30f: {  	_ =	shalt  }

</sc_bundles>
